<compile_context>
chip_gen: v7x
topology: tpu7x:2x2x1
jax: 0.10.2.dev20260603
libtpu: 0.0.44.dev20260713+nightly
codegen_flags: <defaults>
</compile_context>

<pallas_src>
import functools

import jax
import jax.numpy as jnp
from jax import lax
from jax.experimental import pallas as pl
from jax.experimental.pallas import tpu as pltpu
from jax.experimental.pallas import tpu_sc as plsc

D_MODEL = 2048
MAX_LEN = 4096
BATCH = 4
SEQ = 4096
LANES = 16

NUM_CORES = 2
NUM_SUBCORES = 16
NW = NUM_CORES * NUM_SUBCORES
TOKENS = BATCH * SEQ
S_PER_W = SEQ // NW
K = 8
SC_CHUNKS = S_PER_W // K
GROUPS = D_MODEL // LANES


def _positional_encoding(max_len, d_model):
    pos = jnp.arange(0, max_len, dtype=jnp.float32)[:, None]
    _2i = jnp.arange(0, d_model, 2, dtype=jnp.float32)
    angle = pos / jnp.power(10000.0, _2i / d_model)
    enc = jnp.zeros((max_len, d_model), dtype=jnp.float32)
    enc = enc.at[:, 0::2].set(jnp.sin(angle))
    enc = enc.at[:, 1::2].set(jnp.cos(angle))
    return enc


@functools.partial(
    pl.kernel,
    mesh=plsc.VectorSubcoreMesh(core_axis_name="c", subcore_axis_name="s"),
    out_type=jax.ShapeDtypeStruct((TOKENS, D_MODEL), jnp.float32),
    scratch_types=[
        pltpu.VMEM((BATCH * S_PER_W,), jnp.int32),
        pltpu.VMEM((K, D_MODEL), jnp.float32),
        pltpu.VMEM((K, D_MODEL), jnp.float32),
        pltpu.VMEM((K, D_MODEL), jnp.float32),
        pltpu.VMEM((K, D_MODEL), jnp.float32),
        pltpu.VMEM((K, D_MODEL), jnp.float32),
        pltpu.VMEM((K, D_MODEL), jnp.float32),
        pltpu.SemaphoreType.DMA,
        pltpu.SemaphoreType.DMA,
        pltpu.SemaphoreType.DMA,
        pltpu.SemaphoreType.DMA,
        pltpu.SemaphoreType.DMA,
        pltpu.SemaphoreType.DMA,
    ],
)
def _emb_sc(x_hbm, table_hbm, pos_hbm, out_hbm,
            idx_v, rows0, rows1, pr0, pr1, ob0, ob1,
            sr0, sr1, sp0, sp1, so0, so1):
    rows = (rows0, rows1)
    pring = (pr0, pr1)
    ob = (ob0, ob1)
    sr = (sr0, sr1)
    sp = (sp0, sp1)
    so = (so0, so1)

    wid = lax.axis_index("s") * NUM_CORES + lax.axis_index("c")
    s0 = wid * S_PER_W
    for b4 in range(BATCH):
        pltpu.sync_copy(x_hbm.at[pl.ds(b4 * SEQ + s0, S_PER_W)],
                        idx_v.at[pl.ds(b4 * S_PER_W, S_PER_W)])

    def issue_rows(sc, b4, slot):
        off = b4 * S_PER_W + sc * K
        pltpu.async_copy(table_hbm.at[idx_v.at[pl.ds(off, K)]],
                         rows[slot], sr[slot])

    def wait_rows(slot):
        pltpu.make_async_copy(table_hbm.at[idx_v.at[pl.ds(0, K)]],
                              rows[slot], sr[slot]).wait()

    def issue_pos(sc, slot):
        pltpu.async_copy(pos_hbm.at[pl.ds(s0 + sc * K, K), :],
                         pring[slot], sp[slot])

    def wait_pos(slot):
        pltpu.make_async_copy(pos_hbm.at[pl.ds(s0, K), :],
                              pring[slot], sp[slot]).wait()

    def wait_out(slot):
        pltpu.make_async_copy(ob[slot], out_hbm.at[pl.ds(0, K), :],
                              so[slot]).wait()

    issue_pos(0, 0)
    issue_pos(1, 1)
    issue_rows(0, 0, 0)
    issue_rows(0, 1, 1)

    def pair_body(sc2, carry):
        for sphase in range(2):
            sc = sc2 * 2 + sphase
            for b4 in range(BATCH):
                slot = b4 % 2
                wait_rows(slot)
                if b4 == 0:
                    wait_pos(sphase)
                if b4 >= 2:
                    wait_out(slot)
                else:
                    @pl.when(sc > 0)
                    def _():
                        wait_out(slot)

                pr_b, rows_b, ob_b = pring[sphase], rows[slot], ob[slot]

                @plsc.parallel_loop(0, GROUPS, unroll=2)
                def _(g):
                    sl = pl.ds(g * LANES, LANES)
                    for r in range(K):
                        ob_b[r, sl] = rows_b[r, sl] + pr_b[r, sl]

                pltpu.async_copy(
                    ob[slot],
                    out_hbm.at[pl.ds(b4 * SEQ + s0 + sc * K, K), :],
                    so[slot])

                if b4 < 2:
                    issue_rows(sc, b4 + 2, slot)
                else:
                    @pl.when(sc + 1 < SC_CHUNKS)
                    def _():
                        issue_rows(sc + 1, b4 - 2, slot)
                if b4 == 3:
                    @pl.when(sc + 2 < SC_CHUNKS)
                    def _():
                        issue_pos(sc + 2, sphase)
        return carry

    lax.fori_loop(0, SC_CHUNKS // 2, pair_body, 0)
    wait_out(0)
    wait_out(1)


def kernel(x, emb_weight):
    pos = _positional_encoding(MAX_LEN, D_MODEL)[:SEQ, :]
    x_flat = jnp.reshape(x, (TOKENS,))
    out = _emb_sc(x_flat, emb_weight, pos)
    return jnp.reshape(out, (BATCH, SEQ, D_MODEL))

# --- scband reference (transcript-rebuilt; emitter-appended) ---
"""Pipeline reference for scband-transformer-embedding-21861383537216 (READ-ONLY COPY).

The authoritative reference and input builder live on the scoring server;
editing this copy changes nothing except your own understanding.
"""

import jax, jax.numpy as jnp
import numpy as np

D_MODEL = 2048
VOCAB_SIZE = 2048
MAX_LEN = 4096
BATCH = 4
SEQ = 4096


def _positional_encoding(max_len, d_model):
    pos = jnp.arange(0, max_len, dtype=jnp.float32)[:, None]
    _2i = jnp.arange(0, d_model, 2, dtype=jnp.float32)
    angle = pos / jnp.power(10000.0, _2i / d_model)
    enc = jnp.zeros((max_len, d_model), dtype=jnp.float32)
    enc = enc.at[:, 0::2].set(jnp.sin(angle))
    enc = enc.at[:, 1::2].set(jnp.cos(angle))
    return enc


def setup_inputs(seed: int = 0) -> dict:
    key = jax.random.key(seed)
    k1, k2 = jax.random.split(key)
    # NOTE: TokenEmbedding calls nn.Embedding.__init__(d_model, vocab_size),
    # so the actual lookup table has shape [d_model, vocab_size] and indices
    # must be < d_model. padding_idx=1 means row 1 is zero at torch init.
    x = jax.random.randint(k1, (BATCH, SEQ), 0, D_MODEL, dtype=jnp.int32)
    emb_weight = jax.random.normal(k2, (D_MODEL, VOCAB_SIZE), dtype=jnp.float32)
    emb_weight = emb_weight.at[1].set(0.0)  # padding_idx=1 row zeroed at init
    return {"x": x, "emb_weight": emb_weight}


def reference(x, emb_weight):
    # token embedding lookup (inherited nn.Embedding.forward of TokenEmbedding)
    token_emb = jnp.take(emb_weight, x, axis=0)  # [B, S, vocab_size]
    # positional embedding: fixed sin/cos buffer, sliced to seq_len
    seq_len = x.shape[1]
    pos_emb = _positional_encoding(MAX_LEN, D_MODEL)[:seq_len, :]  # [S, d_model]
    # broadcast add (requires vocab_size == d_model, as configured)
    out = token_emb + pos_emb[None, :, :]
    # dropout with drop_prob=0.0 is identity
    return out

if __name__ == "__main__":
    import jax
    _d = setup_inputs()
    print(jax.jit(kernel)(*tuple(_d.values())))

</pallas_src>

<mosaic_0001>
#map = affine_map<(d0, d1) -> (0)>
#map1 = affine_map<(d0, d1) -> (0, 0)>
module attributes {stable_mosaic.version = 14 : i64} {
  func.func @_emb_sc(%arg0: i32, %arg1: i32, %arg2: memref<16384xi32, #tpu.memory_space<hbm>>, %arg3: memref<2048x2048xf32, #tpu.memory_space<hbm>>, %arg4: memref<4096x2048xf32, #tpu.memory_space<hbm>>, %arg5: memref<16384x2048xf32, #tpu.memory_space<hbm>>, %arg6: memref<512xi32, #tpu.memory_space<vmem>>, %arg7: memref<8x2048xf32, #tpu.memory_space<vmem>>, %arg8: memref<8x2048xf32, #tpu.memory_space<vmem>>, %arg9: memref<8x2048xf32, #tpu.memory_space<vmem>>, %arg10: memref<8x2048xf32, #tpu.memory_space<vmem>>, %arg11: memref<8x2048xf32, #tpu.memory_space<vmem>>, %arg12: memref<8x2048xf32, #tpu.memory_space<vmem>>, %arg13: memref<!tpu.dma_semaphore, #tpu.memory_space<semaphore_mem>>, %arg14: memref<!tpu.dma_semaphore, #tpu.memory_space<semaphore_mem>>, %arg15: memref<!tpu.dma_semaphore, #tpu.memory_space<semaphore_mem>>, %arg16: memref<!tpu.dma_semaphore, #tpu.memory_space<semaphore_mem>>, %arg17: memref<!tpu.dma_semaphore, #tpu.memory_space<semaphore_mem>>, %arg18: memref<!tpu.dma_semaphore, #tpu.memory_space<semaphore_mem>>) attributes {dimension_semantics = [#tpu.dimension_semantics<core_parallel>, #tpu.dimension_semantics<subcore_parallel>], iteration_bounds = array<i64: 2, 16>, scalar_prefetch = 0 : i64, scratch_operands = 13 : i64, tpu.core_type = #tpu.core_type<sc_vector_subcore>, window_params = [{transform_indices = #map}, {transform_indices = #map1}, {transform_indices = #map1}, {transform_indices = #map1}]} {
    %mul3A = arith.constant 2 : i32
    %mul3A_0 = arith.muli %arg1, %mul3A : i32
    %add3A = arith.addi %mul3A_0, %arg0 : i32
    %mul3A_1 = arith.constant 128 : i32
    %mul3A_2 = arith.muli %add3A, %mul3A_1 : i32
    %add3A_3 = arith.constant 0 : i32
    %add3A_4 = arith.addi %add3A_3, %mul3A_2 : i32
    "tpu.region"() ({
      %run_scoped3A = tpu.sem_alloc : memref<!tpu.dma_semaphore, #tpu.memory_space<semaphore_mem>>
      %dma_start3A_48 = arith.constant 0 : i32
      %dma_start3A_49 = tpu.memref_slice %arg6[%dma_start3A_48] : memref<512xi32, #tpu.memory_space<vmem>> -> memref<128xi32, #tpu.memory_space<vmem>>
      %dma_start3A_50 = tpu.memref_slice %arg2[%add3A_4] : memref<16384xi32, #tpu.memory_space<hbm>> -> memref<128xi32, #tpu.memory_space<hbm>>
      %dma_start3A_51 = arith.constant 0 : i32
      %dma_start3A_52 = tpu.memref_slice %arg6[%dma_start3A_51] : memref<512xi32, #tpu.memory_space<vmem>> -> memref<128xi32, #tpu.memory_space<vmem>>
      %dma_start3A_53 = tpu.memref_slice %arg2[%add3A_4] : memref<16384xi32, #tpu.memory_space<hbm>> -> memref<128xi32, #tpu.memory_space<hbm>>
      tpu.enqueue_dma source(%dma_start3A_53 : memref<128xi32, #tpu.memory_space<hbm>>) target(%dma_start3A_52 : memref<128xi32, #tpu.memory_space<vmem>>) target_semaphore(%run_scoped3A : memref<!tpu.dma_semaphore, #tpu.memory_space<semaphore_mem>>)
      %dma_wait3A_54 = arith.constant 0 : i32
      %dma_wait3A_55 = tpu.memref_slice %arg6[%dma_wait3A_54] : memref<512xi32, #tpu.memory_space<vmem>> -> memref<128xi32, #tpu.memory_space<vmem>>
      %dma_wait3A_56 = tpu.memref_slice %arg2[%add3A_4] : memref<16384xi32, #tpu.memory_space<hbm>> -> memref<128xi32, #tpu.memory_space<hbm>>
      %dma_wait3A_57 = arith.constant 0 : i32
      %dma_wait3A_58 = tpu.memref_slice %arg6[%dma_wait3A_57] : memref<512xi32, #tpu.memory_space<vmem>> -> memref<128xi32, #tpu.memory_space<vmem>>
      %dma_wait3A_59 = tpu.memref_slice %arg2[%add3A_4] : memref<16384xi32, #tpu.memory_space<hbm>> -> memref<128xi32, #tpu.memory_space<hbm>>
      tpu.wait_dma2 semaphore(%run_scoped3A : memref<!tpu.dma_semaphore, #tpu.memory_space<semaphore_mem>>) src(%dma_wait3A_59 : memref<128xi32, #tpu.memory_space<hbm>>) dst(%dma_wait3A_58 : memref<128xi32, #tpu.memory_space<vmem>>)
      tpu.yield
    }) : () -> ()
    %add3A_5 = arith.constant 4096 : i32
    %add3A_6 = arith.addi %add3A_5, %mul3A_2 : i32
    "tpu.region"() ({
      %run_scoped3A = tpu.sem_alloc : memref<!tpu.dma_semaphore, #tpu.memory_space<semaphore_mem>>
      %dma_start3A_48 = arith.constant 128 : i32
      %dma_start3A_49 = tpu.memref_slice %arg6[%dma_start3A_48] : memref<512xi32, #tpu.memory_space<vmem>> -> memref<128xi32, #tpu.memory_space<vmem>>
      %dma_start3A_50 = tpu.memref_slice %arg2[%add3A_6] : memref<16384xi32, #tpu.memory_space<hbm>> -> memref<128xi32, #tpu.memory_space<hbm>>
      %dma_start3A_51 = arith.constant 128 : i32
      %dma_start3A_52 = tpu.memref_slice %arg6[%dma_start3A_51] : memref<512xi32, #tpu.memory_space<vmem>> -> memref<128xi32, #tpu.memory_space<vmem>>
      %dma_start3A_53 = tpu.memref_slice %arg2[%add3A_6] : memref<16384xi32, #tpu.memory_space<hbm>> -> memref<128xi32, #tpu.memory_space<hbm>>
      tpu.enqueue_dma source(%dma_start3A_53 : memref<128xi32, #tpu.memory_space<hbm>>) target(%dma_start3A_52 : memref<128xi32, #tpu.memory_space<vmem>>) target_semaphore(%run_scoped3A : memref<!tpu.dma_semaphore, #tpu.memory_space<semaphore_mem>>)
      %dma_wait3A_54 = arith.constant 128 : i32
      %dma_wait3A_55 = tpu.memref_slice %arg6[%dma_wait3A_54] : memref<512xi32, #tpu.memory_space<vmem>> -> memref<128xi32, #tpu.memory_space<vmem>>
      %dma_wait3A_56 = tpu.memref_slice %arg2[%add3A_6] : memref<16384xi32, #tpu.memory_space<hbm>> -> memref<128xi32, #tpu.memory_space<hbm>>
      %dma_wait3A_57 = arith.constant 128 : i32
      %dma_wait3A_58 = tpu.memref_slice %arg6[%dma_wait3A_57] : memref<512xi32, #tpu.memory_space<vmem>> -> memref<128xi32, #tpu.memory_space<vmem>>
      %dma_wait3A_59 = tpu.memref_slice %arg2[%add3A_6] : memref<16384xi32, #tpu.memory_space<hbm>> -> memref<128xi32, #tpu.memory_space<hbm>>
      tpu.wait_dma2 semaphore(%run_scoped3A : memref<!tpu.dma_semaphore, #tpu.memory_space<semaphore_mem>>) src(%dma_wait3A_59 : memref<128xi32, #tpu.memory_space<hbm>>) dst(%dma_wait3A_58 : memref<128xi32, #tpu.memory_space<vmem>>)
      tpu.yield
    }) : () -> ()
    %add3A_7 = arith.constant 8192 : i32
    %add3A_8 = arith.addi %add3A_7, %mul3A_2 : i32
    "tpu.region"() ({
      %run_scoped3A = tpu.sem_alloc : memref<!tpu.dma_semaphore, #tpu.memory_space<semaphore_mem>>
      %dma_start3A_48 = arith.constant 256 : i32
      %dma_start3A_49 = tpu.memref_slice %arg6[%dma_start3A_48] : memref<512xi32, #tpu.memory_space<vmem>> -> memref<128xi32, #tpu.memory_space<vmem>>
      %dma_start3A_50 = tpu.memref_slice %arg2[%add3A_8] : memref<16384xi32, #tpu.memory_space<hbm>> -> memref<128xi32, #tpu.memory_space<hbm>>
      %dma_start3A_51 = arith.constant 256 : i32
      %dma_start3A_52 = tpu.memref_slice %arg6[%dma_start3A_51] : memref<512xi32, #tpu.memory_space<vmem>> -> memref<128xi32, #tpu.memory_space<vmem>>
      %dma_start3A_53 = tpu.memref_slice %arg2[%add3A_8] : memref<16384xi32, #tpu.memory_space<hbm>> -> memref<128xi32, #tpu.memory_space<hbm>>
      tpu.enqueue_dma source(%dma_start3A_53 : memref<128xi32, #tpu.memory_space<hbm>>) target(%dma_start3A_52 : memref<128xi32, #tpu.memory_space<vmem>>) target_semaphore(%run_scoped3A : memref<!tpu.dma_semaphore, #tpu.memory_space<semaphore_mem>>)
      %dma_wait3A_54 = arith.constant 256 : i32
      %dma_wait3A_55 = tpu.memref_slice %arg6[%dma_wait3A_54] : memref<512xi32, #tpu.memory_space<vmem>> -> memref<128xi32, #tpu.memory_space<vmem>>
      %dma_wait3A_56 = tpu.memref_slice %arg2[%add3A_8] : memref<16384xi32, #tpu.memory_space<hbm>> -> memref<128xi32, #tpu.memory_space<hbm>>
      %dma_wait3A_57 = arith.constant 256 : i32
      %dma_wait3A_58 = tpu.memref_slice %arg6[%dma_wait3A_57] : memref<512xi32, #tpu.memory_space<vmem>> -> memref<128xi32, #tpu.memory_space<vmem>>
      %dma_wait3A_59 = tpu.memref_slice %arg2[%add3A_8] : memref<16384xi32, #tpu.memory_space<hbm>> -> memref<128xi32, #tpu.memory_space<hbm>>
      tpu.wait_dma2 semaphore(%run_scoped3A : memref<!tpu.dma_semaphore, #tpu.memory_space<semaphore_mem>>) src(%dma_wait3A_59 : memref<128xi32, #tpu.memory_space<hbm>>) dst(%dma_wait3A_58 : memref<128xi32, #tpu.memory_space<vmem>>)
      tpu.yield
    }) : () -> ()
    %add3A_9 = arith.constant 12288 : i32
    %add3A_10 = arith.addi %add3A_9, %mul3A_2 : i32
    "tpu.region"() ({
      %run_scoped3A = tpu.sem_alloc : memref<!tpu.dma_semaphore, #tpu.memory_space<semaphore_mem>>
      %dma_start3A_48 = arith.constant 384 : i32
      %dma_start3A_49 = tpu.memref_slice %arg6[%dma_start3A_48] : memref<512xi32, #tpu.memory_space<vmem>> -> memref<128xi32, #tpu.memory_space<vmem>>
      %dma_start3A_50 = tpu.memref_slice %arg2[%add3A_10] : memref<16384xi32, #tpu.memory_space<hbm>> -> memref<128xi32, #tpu.memory_space<hbm>>
      %dma_start3A_51 = arith.constant 384 : i32
      %dma_start3A_52 = tpu.memref_slice %arg6[%dma_start3A_51] : memref<512xi32, #tpu.memory_space<vmem>> -> memref<128xi32, #tpu.memory_space<vmem>>
      %dma_start3A_53 = tpu.memref_slice %arg2[%add3A_10] : memref<16384xi32, #tpu.memory_space<hbm>> -> memref<128xi32, #tpu.memory_space<hbm>>
      tpu.enqueue_dma source(%dma_start3A_53 : memref<128xi32, #tpu.memory_space<hbm>>) target(%dma_start3A_52 : memref<128xi32, #tpu.memory_space<vmem>>) target_semaphore(%run_scoped3A : memref<!tpu.dma_semaphore, #tpu.memory_space<semaphore_mem>>)
      %dma_wait3A_54 = arith.constant 384 : i32
      %dma_wait3A_55 = tpu.memref_slice %arg6[%dma_wait3A_54] : memref<512xi32, #tpu.memory_space<vmem>> -> memref<128xi32, #tpu.memory_space<vmem>>
      %dma_wait3A_56 = tpu.memref_slice %arg2[%add3A_10] : memref<16384xi32, #tpu.memory_space<hbm>> -> memref<128xi32, #tpu.memory_space<hbm>>
      %dma_wait3A_57 = arith.constant 384 : i32
      %dma_wait3A_58 = tpu.memref_slice %arg6[%dma_wait3A_57] : memref<512xi32, #tpu.memory_space<vmem>> -> memref<128xi32, #tpu.memory_space<vmem>>
      %dma_wait3A_59 = tpu.memref_slice %arg2[%add3A_10] : memref<16384xi32, #tpu.memory_space<hbm>> -> memref<128xi32, #tpu.memory_space<hbm>>
      tpu.wait_dma2 semaphore(%run_scoped3A : memref<!tpu.dma_semaphore, #tpu.memory_space<semaphore_mem>>) src(%dma_wait3A_59 : memref<128xi32, #tpu.memory_space<hbm>>) dst(%dma_wait3A_58 : memref<128xi32, #tpu.memory_space<vmem>>)
      tpu.yield
    }) : () -> ()
    %add3A_11 = arith.constant 0 : i32
    %add3A_12 = arith.addi %mul3A_2, %add3A_11 : i32
    %dma_start3A = arith.constant 0 : i32
    %dma_start3A_13 = tpu.memref_slice %arg4[%add3A_12, %dma_start3A] : memref<4096x2048xf32, #tpu.memory_space<hbm>> -> memref<8x2048xf32, #tpu.memory_space<hbm>>
    %dma_start3A_14 = arith.constant 0 : i32
    %dma_start3A_15 = tpu.memref_slice %arg4[%add3A_12, %dma_start3A_14] : memref<4096x2048xf32, #tpu.memory_space<hbm>> -> memref<8x2048xf32, #tpu.memory_space<hbm>>
    tpu.enqueue_dma source(%dma_start3A_15 : memref<8x2048xf32, #tpu.memory_space<hbm>>) target(%arg9 : memref<8x2048xf32, #tpu.memory_space<vmem>>) target_semaphore(%arg15 : memref<!tpu.dma_semaphore, #tpu.memory_space<semaphore_mem>>)
    %add3A_16 = arith.constant 8 : i32
    %add3A_17 = arith.addi %mul3A_2, %add3A_16 : i32
    %dma_start3A_18 = arith.constant 0 : i32
    %dma_start3A_19 = tpu.memref_slice %arg4[%add3A_17, %dma_start3A_18] : memref<4096x2048xf32, #tpu.memory_space<hbm>> -> memref<8x2048xf32, #tpu.memory_space<hbm>>
    %dma_start3A_20 = arith.constant 0 : i32
    %dma_start3A_21 = tpu.memref_slice %arg4[%add3A_17, %dma_start3A_20] : memref<4096x2048xf32, #tpu.memory_space<hbm>> -> memref<8x2048xf32, #tpu.memory_space<hbm>>
    tpu.enqueue_dma source(%dma_start3A_21 : memref<8x2048xf32, #tpu.memory_space<hbm>>) target(%arg10 : memref<8x2048xf32, #tpu.memory_space<vmem>>) target_semaphore(%arg16 : memref<!tpu.dma_semaphore, #tpu.memory_space<semaphore_mem>>)
    %dma_start3A_22 = arith.constant 0 : i32
    %dma_start3A_23 = tpu.memref_slice %arg6[%dma_start3A_22] : memref<512xi32, #tpu.memory_space<vmem>> -> memref<8xi32, #tpu.memory_space<vmem>>
    %dma_start3A_24 = arith.constant 0 : i32
    %dma_start3A_25 = arith.constant 0 : i32
    %dma_start3A_26 = tpu.memref_slice %arg3[%dma_start3A_24, %dma_start3A_25] : memref<2048x2048xf32, #tpu.memory_space<hbm>> -> memref<2048x2048xf32, #tpu.memory_space<hbm>>
    tpu.enqueue_indirect_dma source(%dma_start3A_26 : memref<2048x2048xf32, #tpu.memory_space<hbm>>) target(%arg7 : memref<8x2048xf32, #tpu.memory_space<vmem>>) offsets(%dma_start3A_23 : memref<8xi32, #tpu.memory_space<vmem>>) semaphore(%arg13 : memref<!tpu.dma_semaphore, #tpu.memory_space<semaphore_mem>>)
    %dma_start3A_27 = arith.constant 128 : i32
    %dma_start3A_28 = tpu.memref_slice %arg6[%dma_start3A_27] : memref<512xi32, #tpu.memory_space<vmem>> -> memref<8xi32, #tpu.memory_space<vmem>>
    %dma_start3A_29 = arith.constant 0 : i32
    %dma_start3A_30 = arith.constant 0 : i32
    %dma_start3A_31 = tpu.memref_slice %arg3[%dma_start3A_29, %dma_start3A_30] : memref<2048x2048xf32, #tpu.memory_space<hbm>> -> memref<2048x2048xf32, #tpu.memory_space<hbm>>
    tpu.enqueue_indirect_dma source(%dma_start3A_31 : memref<2048x2048xf32, #tpu.memory_space<hbm>>) target(%arg8 : memref<8x2048xf32, #tpu.memory_space<vmem>>) offsets(%dma_start3A_28 : memref<8xi32, #tpu.memory_space<vmem>>) semaphore(%arg14 : memref<!tpu.dma_semaphore, #tpu.memory_space<semaphore_mem>>)
    %scan3A = arith.constant 0 : i32
    %scan3A_32 = arith.constant 0 : i32
    %scan3A_33 = arith.constant 8 : i32
    %scan3A_34 = arith.addi %scan3A_32, %scan3A_33 : i32
    %scan3A_35 = arith.constant 1 : i32
    scf.for %scan3A_48 = %scan3A_32 to %scan3A_34 step %scan3A_35  : i32 {
      %mul3A_49 = arith.constant 2 : i32
      %mul3A_50 = arith.muli %scan3A_48, %mul3A_49 : i32
      %add3A_51 = arith.constant 0 : i32
      %add3A_52 = arith.addi %mul3A_50, %add3A_51 : i32
      %dma_wait3A_53 = arith.constant 0 : i32
      %dma_wait3A_54 = tpu.memref_slice %arg6[%dma_wait3A_53] : memref<512xi32, #tpu.memory_space<vmem>> -> memref<8xi32, #tpu.memory_space<vmem>>
      %dma_wait3A_55 = arith.constant 0 : i32
      %dma_wait3A_56 = arith.constant 0 : i32
      %dma_wait3A_57 = tpu.memref_slice %arg3[%dma_wait3A_55, %dma_wait3A_56] : memref<2048x2048xf32, #tpu.memory_space<hbm>> -> memref<2048x2048xf32, #tpu.memory_space<hbm>>
      tpu.wait_indirect_dma semaphore(%arg13 : memref<!tpu.dma_semaphore, #tpu.memory_space<semaphore_mem>>) src(%dma_wait3A_57 : memref<2048x2048xf32, #tpu.memory_space<hbm>>) dst(%arg7 : memref<8x2048xf32, #tpu.memory_space<vmem>>)
      %dma_wait3A_58 = arith.constant 0 : i32
      %dma_wait3A_59 = tpu.memref_slice %arg4[%mul3A_2, %dma_wait3A_58] : memref<4096x2048xf32, #tpu.memory_space<hbm>> -> memref<8x2048xf32, #tpu.memory_space<hbm>>
      %dma_wait3A_60 = arith.constant 0 : i32
      %dma_wait3A_61 = tpu.memref_slice %arg4[%mul3A_2, %dma_wait3A_60] : memref<4096x2048xf32, #tpu.memory_space<hbm>> -> memref<8x2048xf32, #tpu.memory_space<hbm>>
      tpu.wait_dma2 semaphore(%arg15 : memref<!tpu.dma_semaphore, #tpu.memory_space<semaphore_mem>>) src(%dma_wait3A_61 : memref<8x2048xf32, #tpu.memory_space<hbm>>) dst(%arg9 : memref<8x2048xf32, #tpu.memory_space<vmem>>)
      %gt3A = arith.constant 0 : i32
      %gt3A_62 = arith.cmpi sgt, %add3A_52, %gt3A : i32
      %convert_element_type3A = arith.extui %gt3A_62 : i1 to i32
      %cond3A = arith.constant 0 : i32
      %cond3A_63 = arith.cmpi ne, %convert_element_type3A, %cond3A : i32
      scf.if %cond3A_63 {
        %dma_wait3A_314 = arith.constant 0 : i32
        %dma_wait3A_315 = arith.constant 0 : i32
        %dma_wait3A_316 = tpu.memref_slice %arg5[%dma_wait3A_314, %dma_wait3A_315] : memref<16384x2048xf32, #tpu.memory_space<hbm>> -> memref<8x2048xf32, #tpu.memory_space<hbm>>
        %dma_wait3A_317 = arith.constant 0 : i32
        %dma_wait3A_318 = arith.constant 0 : i32
        %dma_wait3A_319 = tpu.memref_slice %arg5[%dma_wait3A_317, %dma_wait3A_318] : memref<16384x2048xf32, #tpu.memory_space<hbm>> -> memref<8x2048xf32, #tpu.memory_space<hbm>>
        tpu.wait_dma2 semaphore(%arg17 : memref<!tpu.dma_semaphore, #tpu.memory_space<semaphore_mem>>) src(%arg11 : memref<8x2048xf32, #tpu.memory_space<vmem>>) dst(%dma_wait3A_319 : memref<8x2048xf32, #tpu.memory_space<hbm>>)
      } else {
      }
      %parallel_loop3A = arith.constant 0 : i32
      %parallel_loop3A_64 = arith.constant 128 : i32
      %parallel_loop3A_65 = arith.constant 1 : i32
      scf.for %parallel_loop3A_314 = %parallel_loop3A to %parallel_loop3A_64 step %parallel_loop3A_65  : i32 {
        %parallel_loop3A_315 = arith.constant 16 : i32
        %parallel_loop3A_316 = arith.muli %parallel_loop3A_314, %parallel_loop3A_315 : i32
        %parallel_loop3A_317 = arith.constant 0 : i32
        %parallel_loop3A_318 = arith.index_cast %parallel_loop3A_317 : i32 to index
        %parallel_loop3A_319 = arith.index_cast %parallel_loop3A_316 : i32 to index
        %parallel_loop3A_320 = tpu.vector_load %arg7[%parallel_loop3A_318, %parallel_loop3A_319] {strides = array<i32>} : memref<8x2048xf32, #tpu.memory_space<vmem>>, vector<1x16xf32>,
        %parallel_loop3A_321 = vector.shape_cast %parallel_loop3A_320 : vector<1x16xf32> to vector<16xf32>
        %parallel_loop3A_322 = arith.constant 0 : i32
        %parallel_loop3A_323 = arith.index_cast %parallel_loop3A_322 : i32 to index
        %parallel_loop3A_324 = arith.index_cast %parallel_loop3A_316 : i32 to index
        %parallel_loop3A_325 = tpu.vector_load %arg9[%parallel_loop3A_323, %parallel_loop3A_324] {strides = array<i32>} : memref<8x2048xf32, #tpu.memory_space<vmem>>, vector<1x16xf32>,
        %parallel_loop3A_326 = vector.shape_cast %parallel_loop3A_325 : vector<1x16xf32> to vector<16xf32>
        %parallel_loop3A_327 = arith.addf %parallel_loop3A_321, %parallel_loop3A_326 : vector<16xf32>
        %parallel_loop3A_328 = arith.constant 0 : i32
        %parallel_loop3A_329 = arith.index_cast %parallel_loop3A_328 : i32 to index
        %parallel_loop3A_330 = arith.index_cast %parallel_loop3A_316 : i32 to index
        %parallel_loop3A_331 = tpu.vector_load %arg11[%parallel_loop3A_329, %parallel_loop3A_330] {strides = array<i32>} : memref<8x2048xf32, #tpu.memory_space<vmem>>, vector<1x16xf32>,
        %parallel_loop3A_332 = vector.shape_cast %parallel_loop3A_331 : vector<1x16xf32> to vector<16xf32>
        %parallel_loop3A_333 = vector.shape_cast %parallel_loop3A_327 : vector<16xf32> to vector<1x16xf32>
        tpu.vector_store %arg11[%parallel_loop3A_329, %parallel_loop3A_330], %parallel_loop3A_333 {strides = array<i32>} : memref<8x2048xf32, #tpu.memory_space<vmem>>, vector<1x16xf32>,
        %parallel_loop3A_334 = arith.constant 1 : i32
        %parallel_loop3A_335 = arith.index_cast %parallel_loop3A_334 : i32 to index
        %parallel_loop3A_336 = arith.index_cast %parallel_loop3A_316 : i32 to index
        %parallel_loop3A_337 = tpu.vector_load %arg7[%parallel_loop3A_335, %parallel_loop3A_336] {strides = array<i32>} : memref<8x2048xf32, #tpu.memory_space<vmem>>, vector<1x16xf32>,
        %parallel_loop3A_338 = vector.shape_cast %parallel_loop3A_337 : vector<1x16xf32> to vector<16xf32>
        %parallel_loop3A_339 = arith.constant 1 : i32
        %parallel_loop3A_340 = arith.index_cast %parallel_loop3A_339 : i32 to index
        %parallel_loop3A_341 = arith.index_cast %parallel_loop3A_316 : i32 to index
        %parallel_loop3A_342 = tpu.vector_load %arg9[%parallel_loop3A_340, %parallel_loop3A_341] {strides = array<i32>} : memref<8x2048xf32, #tpu.memory_space<vmem>>, vector<1x16xf32>,
        %parallel_loop3A_343 = vector.shape_cast %parallel_loop3A_342 : vector<1x16xf32> to vector<16xf32>
        %parallel_loop3A_344 = arith.addf %parallel_loop3A_338, %parallel_loop3A_343 : vector<16xf32>
        %parallel_loop3A_345 = arith.constant 1 : i32
        %parallel_loop3A_346 = arith.index_cast %parallel_loop3A_345 : i32 to index
        %parallel_loop3A_347 = arith.index_cast %parallel_loop3A_316 : i32 to index
        %parallel_loop3A_348 = tpu.vector_load %arg11[%parallel_loop3A_346, %parallel_loop3A_347] {strides = array<i32>} : memref<8x2048xf32, #tpu.memory_space<vmem>>, vector<1x16xf32>,
        %parallel_loop3A_349 = vector.shape_cast %parallel_loop3A_348 : vector<1x16xf32> to vector<16xf32>
        %parallel_loop3A_350 = vector.shape_cast %parallel_loop3A_344 : vector<16xf32> to vector<1x16xf32>
        tpu.vector_store %arg11[%parallel_loop3A_346, %parallel_loop3A_347], %parallel_loop3A_350 {strides = array<i32>} : memref<8x2048xf32, #tpu.memory_space<vmem>>, vector<1x16xf32>,
        %parallel_loop3A_351 = arith.constant 2 : i32
        %parallel_loop3A_352 = arith.index_cast %parallel_loop3A_351 : i32 to index
        %parallel_loop3A_353 = arith.index_cast %parallel_loop3A_316 : i32 to index
        %parallel_loop3A_354 = tpu.vector_load %arg7[%parallel_loop3A_352, %parallel_loop3A_353] {strides = array<i32>} : memref<8x2048xf32, #tpu.memory_space<vmem>>, vector<1x16xf32>,
        %parallel_loop3A_355 = vector.shape_cast %parallel_loop3A_354 : vector<1x16xf32> to vector<16xf32>
        %parallel_loop3A_356 = arith.constant 2 : i32
        %parallel_loop3A_357 = arith.index_cast %parallel_loop3A_356 : i32 to index
        %parallel_loop3A_358 = arith.index_cast %parallel_loop3A_316 : i32 to index
        %parallel_loop3A_359 = tpu.vector_load %arg9[%parallel_loop3A_357, %parallel_loop3A_358] {strides = array<i32>} : memref<8x2048xf32, #tpu.memory_space<vmem>>, vector<1x16xf32>,
        %parallel_loop3A_360 = vector.shape_cast %parallel_loop3A_359 : vector<1x16xf32> to vector<16xf32>
        %parallel_loop3A_361 = arith.addf %parallel_loop3A_355, %parallel_loop3A_360 : vector<16xf32>
        %parallel_loop3A_362 = arith.constant 2 : i32
        %parallel_loop3A_363 = arith.index_cast %parallel_loop3A_362 : i32 to index
        %parallel_loop3A_364 = arith.index_cast %parallel_loop3A_316 : i32 to index
        %parallel_loop3A_365 = tpu.vector_load %arg11[%parallel_loop3A_363, %parallel_loop3A_364] {strides = array<i32>} : memref<8x2048xf32, #tpu.memory_space<vmem>>, vector<1x16xf32>,
        %parallel_loop3A_366 = vector.shape_cast %parallel_loop3A_365 : vector<1x16xf32> to vector<16xf32>
        %parallel_loop3A_367 = vector.shape_cast %parallel_loop3A_361 : vector<16xf32> to vector<1x16xf32>
        tpu.vector_store %arg11[%parallel_loop3A_363, %parallel_loop3A_364], %parallel_loop3A_367 {strides = array<i32>} : memref<8x2048xf32, #tpu.memory_space<vmem>>, vector<1x16xf32>,
        %parallel_loop3A_368 = arith.constant 3 : i32
        %parallel_loop3A_369 = arith.index_cast %parallel_loop3A_368 : i32 to index
        %parallel_loop3A_370 = arith.index_cast %parallel_loop3A_316 : i32 to index
        %parallel_loop3A_371 = tpu.vector_load %arg7[%parallel_loop3A_369, %parallel_loop3A_370] {strides = array<i32>} : memref<8x2048xf32, #tpu.memory_space<vmem>>, vector<1x16xf32>,
        %parallel_loop3A_372 = vector.shape_cast %parallel_loop3A_371 : vector<1x16xf32> to vector<16xf32>
        %parallel_loop3A_373 = arith.constant 3 : i32
        %parallel_loop3A_374 = arith.index_cast %parallel_loop3A_373 : i32 to index
        %parallel_loop3A_375 = arith.index_cast %parallel_loop3A_316 : i32 to index
        %parallel_loop3A_376 = tpu.vector_load %arg9[%parallel_loop3A_374, %parallel_loop3A_375] {strides = array<i32>} : memref<8x2048xf32, #tpu.memory_space<vmem>>, vector<1x16xf32>,
        %parallel_loop3A_377 = vector.shape_cast %parallel_loop3A_376 : vector<1x16xf32> to vector<16xf32>
        %parallel_loop3A_378 = arith.addf %parallel_loop3A_372, %parallel_loop3A_377 : vector<16xf32>
        %parallel_loop3A_379 = arith.constant 3 : i32
        %parallel_loop3A_380 = arith.index_cast %parallel_loop3A_379 : i32 to index
        %parallel_loop3A_381 = arith.index_cast %parallel_loop3A_316 : i32 to index
        %parallel_loop3A_382 = tpu.vector_load %arg11[%parallel_loop3A_380, %parallel_loop3A_381] {strides = array<i32>} : memref<8x2048xf32, #tpu.memory_space<vmem>>, vector<1x16xf32>,
        %parallel_loop3A_383 = vector.shape_cast %parallel_loop3A_382 : vector<1x16xf32> to vector<16xf32>
        %parallel_loop3A_384 = vector.shape_cast %parallel_loop3A_378 : vector<16xf32> to vector<1x16xf32>
        tpu.vector_store %arg11[%parallel_loop3A_380, %parallel_loop3A_381], %parallel_loop3A_384 {strides = array<i32>} : memref<8x2048xf32, #tpu.memory_space<vmem>>, vector<1x16xf32>,
        %parallel_loop3A_385 = arith.constant 4 : i32
        %parallel_loop3A_386 = arith.index_cast %parallel_loop3A_385 : i32 to index
        %parallel_loop3A_387 = arith.index_cast %parallel_loop3A_316 : i32 to index
        %parallel_loop3A_388 = tpu.vector_load %arg7[%parallel_loop3A_386, %parallel_loop3A_387] {strides = array<i32>} : memref<8x2048xf32, #tpu.memory_space<vmem>>, vector<1x16xf32>,
        %parallel_loop3A_389 = vector.shape_cast %parallel_loop3A_388 : vector<1x16xf32> to vector<16xf32>
        %parallel_loop3A_390 = arith.constant 4 : i32
        %parallel_loop3A_391 = arith.index_cast %parallel_loop3A_390 : i32 to index
        %parallel_loop3A_392 = arith.index_cast %parallel_loop3A_316 : i32 to index
        %parallel_loop3A_393 = tpu.vector_load %arg9[%parallel_loop3A_391, %parallel_loop3A_392] {strides = array<i32>} : memref<8x2048xf32, #tpu.memory_space<vmem>>, vector<1x16xf32>,
        %parallel_loop3A_394 = vector.shape_cast %parallel_loop3A_393 : vector<1x16xf32> to vector<16xf32>
        %parallel_loop3A_395 = arith.addf %parallel_loop3A_389, %parallel_loop3A_394 : vector<16xf32>
        %parallel_loop3A_396 = arith.constant 4 : i32
        %parallel_loop3A_397 = arith.index_cast %parallel_loop3A_396 : i32 to index
        %parallel_loop3A_398 = arith.index_cast %parallel_loop3A_316 : i32 to index
        %parallel_loop3A_399 = tpu.vector_load %arg11[%parallel_loop3A_397, %parallel_loop3A_398] {strides = array<i32>} : memref<8x2048xf32, #tpu.memory_space<vmem>>, vector<1x16xf32>,
        %parallel_loop3A_400 = vector.shape_cast %parallel_loop3A_399 : vector<1x16xf32> to vector<16xf32>
        %parallel_loop3A_401 = vector.shape_cast %parallel_loop3A_395 : vector<16xf32> to vector<1x16xf32>
        tpu.vector_store %arg11[%parallel_loop3A_397, %parallel_loop3A_398], %parallel_loop3A_401 {strides = array<i32>} : memref<8x2048xf32, #tpu.memory_space<vmem>>, vector<1x16xf32>,
        %parallel_loop3A_402 = arith.constant 5 : i32
        %parallel_loop3A_403 = arith.index_cast %parallel_loop3A_402 : i32 to index
        %parallel_loop3A_404 = arith.index_cast %parallel_loop3A_316 : i32 to index
        %parallel_loop3A_405 = tpu.vector_load %arg7[%parallel_loop3A_403, %parallel_loop3A_404] {strides = array<i32>} : memref<8x2048xf32, #tpu.memory_space<vmem>>, vector<1x16xf32>,
        %parallel_loop3A_406 = vector.shape_cast %parallel_loop3A_405 : vector<1x16xf32> to vector<16xf32>
        %parallel_loop3A_407 = arith.constant 5 : i32
        %parallel_loop3A_408 = arith.index_cast %parallel_loop3A_407 : i32 to index
        %parallel_loop3A_409 = arith.index_cast %parallel_loop3A_316 : i32 to index
        %parallel_loop3A_410 = tpu.vector_load %arg9[%parallel_loop3A_408, %parallel_loop3A_409] {strides = array<i32>} : memref<8x2048xf32, #tpu.memory_space<vmem>>, vector<1x16xf32>,
        %parallel_loop3A_411 = vector.shape_cast %parallel_loop3A_410 : vector<1x16xf32> to vector<16xf32>
        %parallel_loop3A_412 = arith.addf %parallel_loop3A_406, %parallel_loop3A_411 : vector<16xf32>
        %parallel_loop3A_413 = arith.constant 5 : i32
        %parallel_loop3A_414 = arith.index_cast %parallel_loop3A_413 : i32 to index
        %parallel_loop3A_415 = arith.index_cast %parallel_loop3A_316 : i32 to index
        %parallel_loop3A_416 = tpu.vector_load %arg11[%parallel_loop3A_414, %parallel_loop3A_415] {strides = array<i32>} : memref<8x2048xf32, #tpu.memory_space<vmem>>, vector<1x16xf32>,
        %parallel_loop3A_417 = vector.shape_cast %parallel_loop3A_416 : vector<1x16xf32> to vector<16xf32>
        %parallel_loop3A_418 = vector.shape_cast %parallel_loop3A_412 : vector<16xf32> to vector<1x16xf32>
        tpu.vector_store %arg11[%parallel_loop3A_414, %parallel_loop3A_415], %parallel_loop3A_418 {strides = array<i32>} : memref<8x2048xf32, #tpu.memory_space<vmem>>, vector<1x16xf32>,
        %parallel_loop3A_419 = arith.constant 6 : i32
        %parallel_loop3A_420 = arith.index_cast %parallel_loop3A_419 : i32 to index
        %parallel_loop3A_421 = arith.index_cast %parallel_loop3A_316 : i32 to index
        %parallel_loop3A_422 = tpu.vector_load %arg7[%parallel_loop3A_420, %parallel_loop3A_421] {strides = array<i32>} : memref<8x2048xf32, #tpu.memory_space<vmem>>, vector<1x16xf32>,
        %parallel_loop3A_423 = vector.shape_cast %parallel_loop3A_422 : vector<1x16xf32> to vector<16xf32>
        %parallel_loop3A_424 = arith.constant 6 : i32
        %parallel_loop3A_425 = arith.index_cast %parallel_loop3A_424 : i32 to index
        %parallel_loop3A_426 = arith.index_cast %parallel_loop3A_316 : i32 to index
        %parallel_loop3A_427 = tpu.vector_load %arg9[%parallel_loop3A_425, %parallel_loop3A_426] {strides = array<i32>} : memref<8x2048xf32, #tpu.memory_space<vmem>>, vector<1x16xf32>,
        %parallel_loop3A_428 = vector.shape_cast %parallel_loop3A_427 : vector<1x16xf32> to vector<16xf32>
        %parallel_loop3A_429 = arith.addf %parallel_loop3A_423, %parallel_loop3A_428 : vector<16xf32>
        %parallel_loop3A_430 = arith.constant 6 : i32
        %parallel_loop3A_431 = arith.index_cast %parallel_loop3A_430 : i32 to index
        %parallel_loop3A_432 = arith.index_cast %parallel_loop3A_316 : i32 to index
        %parallel_loop3A_433 = tpu.vector_load %arg11[%parallel_loop3A_431, %parallel_loop3A_432] {strides = array<i32>} : memref<8x2048xf32, #tpu.memory_space<vmem>>, vector<1x16xf32>,
        %parallel_loop3A_434 = vector.shape_cast %parallel_loop3A_433 : vector<1x16xf32> to vector<16xf32>
        %parallel_loop3A_435 = vector.shape_cast %parallel_loop3A_429 : vector<16xf32> to vector<1x16xf32>
        tpu.vector_store %arg11[%parallel_loop3A_431, %parallel_loop3A_432], %parallel_loop3A_435 {strides = array<i32>} : memref<8x2048xf32, #tpu.memory_space<vmem>>, vector<1x16xf32>,
        %parallel_loop3A_436 = arith.constant 7 : i32
        %parallel_loop3A_437 = arith.index_cast %parallel_loop3A_436 : i32 to index
        %parallel_loop3A_438 = arith.index_cast %parallel_loop3A_316 : i32 to index
        %parallel_loop3A_439 = tpu.vector_load %arg7[%parallel_loop3A_437, %parallel_loop3A_438] {strides = array<i32>} : memref<8x2048xf32, #tpu.memory_space<vmem>>, vector<1x16xf32>,
        %parallel_loop3A_440 = vector.shape_cast %parallel_loop3A_439 : vector<1x16xf32> to vector<16xf32>
        %parallel_loop3A_441 = arith.constant 7 : i32
        %parallel_loop3A_442 = arith.index_cast %parallel_loop3A_441 : i32 to index
        %parallel_loop3A_443 = arith.index_cast %parallel_loop3A_316 : i32 to index
        %parallel_loop3A_444 = tpu.vector_load %arg9[%parallel_loop3A_442, %parallel_loop3A_443] {strides = array<i32>} : memref<8x2048xf32, #tpu.memory_space<vmem>>, vector<1x16xf32>,
        %parallel_loop3A_445 = vector.shape_cast %parallel_loop3A_444 : vector<1x16xf32> to vector<16xf32>
        %parallel_loop3A_446 = arith.addf %parallel_loop3A_440, %parallel_loop3A_445 : vector<16xf32>
        %parallel_loop3A_447 = arith.constant 7 : i32
        %parallel_loop3A_448 = arith.index_cast %parallel_loop3A_447 : i32 to index
        %parallel_loop3A_449 = arith.index_cast %parallel_loop3A_316 : i32 to index
        %parallel_loop3A_450 = tpu.vector_load %arg11[%parallel_loop3A_448, %parallel_loop3A_449] {strides = array<i32>} : memref<8x2048xf32, #tpu.memory_space<vmem>>, vector<1x16xf32>,
        %parallel_loop3A_451 = vector.shape_cast %parallel_loop3A_450 : vector<1x16xf32> to vector<16xf32>
        %parallel_loop3A_452 = vector.shape_cast %parallel_loop3A_446 : vector<16xf32> to vector<1x16xf32>
        tpu.vector_store %arg11[%parallel_loop3A_448, %parallel_loop3A_449], %parallel_loop3A_452 {strides = array<i32>} : memref<8x2048xf32, #tpu.memory_space<vmem>>, vector<1x16xf32>,
      } {sc.loop_unroll_factor = 2 : i64, sc.parallel_access}
      %add3A_66 = arith.constant 0 : i32
      %add3A_67 = arith.addi %add3A_66, %mul3A_2 : i32
      %mul3A_68 = arith.constant 8 : i32
      %mul3A_69 = arith.muli %add3A_52, %mul3A_68 : i32
      %add3A_70 = arith.addi %add3A_67, %mul3A_69 : i32
      %dma_start3A_71 = arith.constant 0 : i32
      %dma_start3A_72 = tpu.memref_slice %arg5[%add3A_70, %dma_start3A_71] : memref<16384x2048xf32, #tpu.memory_space<hbm>> -> memref<8x2048xf32, #tpu.memory_space<hbm>>
      %dma_start3A_73 = arith.constant 0 : i32
      %dma_start3A_74 = tpu.memref_slice %arg5[%add3A_70, %dma_start3A_73] : memref<16384x2048xf32, #tpu.memory_space<hbm>> -> memref<8x2048xf32, #tpu.memory_space<hbm>>
      tpu.enqueue_dma source(%arg11 : memref<8x2048xf32, #tpu.memory_space<vmem>>) target(%dma_start3A_74 : memref<8x2048xf32, #tpu.memory_space<hbm>>) target_semaphore(%arg17 : memref<!tpu.dma_semaphore, #tpu.memory_space<semaphore_mem>>)
      %mul3A_75 = arith.constant 8 : i32
      %mul3A_76 = arith.muli %add3A_52, %mul3A_75 : i32
      %add3A_77 = arith.constant 256 : i32
      %add3A_78 = arith.addi %add3A_77, %mul3A_76 : i32
      %dma_start3A_79 = tpu.memref_slice %arg6[%add3A_78] : memref<512xi32, #tpu.memory_space<vmem>> -> memref<8xi32, #tpu.memory_space<vmem>>
      %dma_start3A_80 = arith.constant 0 : i32
      %dma_start3A_81 = arith.constant 0 : i32
      %dma_start3A_82 = tpu.memref_slice %arg3[%dma_start3A_80, %dma_start3A_81] : memref<2048x2048xf32, #tpu.memory_space<hbm>> -> memref<2048x2048xf32, #tpu.memory_space<hbm>>
      tpu.enqueue_indirect_dma source(%dma_start3A_82 : memref<2048x2048xf32, #tpu.memory_space<hbm>>) target(%arg7 : memref<8x2048xf32, #tpu.memory_space<vmem>>) offsets(%dma_start3A_79 : memref<8xi32, #tpu.memory_space<vmem>>) semaphore(%arg13 : memref<!tpu.dma_semaphore, #tpu.memory_space<semaphore_mem>>)
      %dma_wait3A_83 = arith.constant 0 : i32
      %dma_wait3A_84 = tpu.memref_slice %arg6[%dma_wait3A_83] : memref<512xi32, #tpu.memory_space<vmem>> -> memref<8xi32, #tpu.memory_space<vmem>>
      %dma_wait3A_85 = arith.constant 0 : i32
      %dma_wait3A_86 = arith.constant 0 : i32
      %dma_wait3A_87 = tpu.memref_slice %arg3[%dma_wait3A_85, %dma_wait3A_86] : memref<2048x2048xf32, #tpu.memory_space<hbm>> -> memref<2048x2048xf32, #tpu.memory_space<hbm>>
      tpu.wait_indirect_dma semaphore(%arg14 : memref<!tpu.dma_semaphore, #tpu.memory_space<semaphore_mem>>) src(%dma_wait3A_87 : memref<2048x2048xf32, #tpu.memory_space<hbm>>) dst(%arg8 : memref<8x2048xf32, #tpu.memory_space<vmem>>)
      %gt3A_88 = arith.constant 0 : i32
      %gt3A_89 = arith.cmpi sgt, %add3A_52, %gt3A_88 : i32
      %convert_element_type3A_90 = arith.extui %gt3A_89 : i1 to i32
      %cond3A_91 = arith.constant 0 : i32
      %cond3A_92 = arith.cmpi ne, %convert_element_type3A_90, %cond3A_91 : i32
      scf.if %cond3A_92 {
        %dma_wait3A_314 = arith.constant 0 : i32
        %dma_wait3A_315 = arith.constant 0 : i32
        %dma_wait3A_316 = tpu.memref_slice %arg5[%dma_wait3A_314, %dma_wait3A_315] : memref<16384x2048xf32, #tpu.memory_space<hbm>> -> memref<8x2048xf32, #tpu.memory_space<hbm>>
        %dma_wait3A_317 = arith.constant 0 : i32
        %dma_wait3A_318 = arith.constant 0 : i32
        %dma_wait3A_319 = tpu.memref_slice %arg5[%dma_wait3A_317, %dma_wait3A_318] : memref<16384x2048xf32, #tpu.memory_space<hbm>> -> memref<8x2048xf32, #tpu.memory_space<hbm>>
        tpu.wait_dma2 semaphore(%arg18 : memref<!tpu.dma_semaphore, #tpu.memory_space<semaphore_mem>>) src(%arg12 : memref<8x2048xf32, #tpu.memory_space<vmem>>) dst(%dma_wait3A_319 : memref<8x2048xf32, #tpu.memory_space<hbm>>)
      } else {
      }
      %parallel_loop3A_93 = arith.constant 0 : i32
      %parallel_loop3A_94 = arith.constant 128 : i32
      %parallel_loop3A_95 = arith.constant 1 : i32
      scf.for %parallel_loop3A_314 = %parallel_loop3A_93 to %parallel_loop3A_94 step %parallel_loop3A_95  : i32 {
        %parallel_loop3A_315 = arith.constant 16 : i32
        %parallel_loop3A_316 = arith.muli %parallel_loop3A_314, %parallel_loop3A_315 : i32
        %parallel_loop3A_317 = arith.constant 0 : i32
        %parallel_loop3A_318 = arith.index_cast %parallel_loop3A_317 : i32 to index
        %parallel_loop3A_319 = arith.index_cast %parallel_loop3A_316 : i32 to index
        %parallel_loop3A_320 = tpu.vector_load %arg8[%parallel_loop3A_318, %parallel_loop3A_319] {strides = array<i32>} : memref<8x2048xf32, #tpu.memory_space<vmem>>, vector<1x16xf32>,
        %parallel_loop3A_321 = vector.shape_cast %parallel_loop3A_320 : vector<1x16xf32> to vector<16xf32>
        %parallel_loop3A_322 = arith.constant 0 : i32
        %parallel_loop3A_323 = arith.index_cast %parallel_loop3A_322 : i32 to index
        %parallel_loop3A_324 = arith.index_cast %parallel_loop3A_316 : i32 to index
        %parallel_loop3A_325 = tpu.vector_load %arg9[%parallel_loop3A_323, %parallel_loop3A_324] {strides = array<i32>} : memref<8x2048xf32, #tpu.memory_space<vmem>>, vector<1x16xf32>,
        %parallel_loop3A_326 = vector.shape_cast %parallel_loop3A_325 : vector<1x16xf32> to vector<16xf32>
        %parallel_loop3A_327 = arith.addf %parallel_loop3A_321, %parallel_loop3A_326 : vector<16xf32>
        %parallel_loop3A_328 = arith.constant 0 : i32
        %parallel_loop3A_329 = arith.index_cast %parallel_loop3A_328 : i32 to index
        %parallel_loop3A_330 = arith.index_cast %parallel_loop3A_316 : i32 to index
        %parallel_loop3A_331 = tpu.vector_load %arg12[%parallel_loop3A_329, %parallel_loop3A_330] {strides = array<i32>} : memref<8x2048xf32, #tpu.memory_space<vmem>>, vector<1x16xf32>,
        %parallel_loop3A_332 = vector.shape_cast %parallel_loop3A_331 : vector<1x16xf32> to vector<16xf32>
        %parallel_loop3A_333 = vector.shape_cast %parallel_loop3A_327 : vector<16xf32> to vector<1x16xf32>
        tpu.vector_store %arg12[%parallel_loop3A_329, %parallel_loop3A_330], %parallel_loop3A_333 {strides = array<i32>} : memref<8x2048xf32, #tpu.memory_space<vmem>>, vector<1x16xf32>,
        %parallel_loop3A_334 = arith.constant 1 : i32
        %parallel_loop3A_335 = arith.index_cast %parallel_loop3A_334 : i32 to index
        %parallel_loop3A_336 = arith.index_cast %parallel_loop3A_316 : i32 to index
        %parallel_loop3A_337 = tpu.vector_load %arg8[%parallel_loop3A_335, %parallel_loop3A_336] {strides = array<i32>} : memref<8x2048xf32, #tpu.memory_space<vmem>>, vector<1x16xf32>,
        %parallel_loop3A_338 = vector.shape_cast %parallel_loop3A_337 : vector<1x16xf32> to vector<16xf32>
        %parallel_loop3A_339 = arith.constant 1 : i32
        %parallel_loop3A_340 = arith.index_cast %parallel_loop3A_339 : i32 to index
        %parallel_loop3A_341 = arith.index_cast %parallel_loop3A_316 : i32 to index
        %parallel_loop3A_342 = tpu.vector_load %arg9[%parallel_loop3A_340, %parallel_loop3A_341] {strides = array<i32>} : memref<8x2048xf32, #tpu.memory_space<vmem>>, vector<1x16xf32>,
        %parallel_loop3A_343 = vector.shape_cast %parallel_loop3A_342 : vector<1x16xf32> to vector<16xf32>
        %parallel_loop3A_344 = arith.addf %parallel_loop3A_338, %parallel_loop3A_343 : vector<16xf32>
        %parallel_loop3A_345 = arith.constant 1 : i32
        %parallel_loop3A_346 = arith.index_cast %parallel_loop3A_345 : i32 to index
        %parallel_loop3A_347 = arith.index_cast %parallel_loop3A_316 : i32 to index
        %parallel_loop3A_348 = tpu.vector_load %arg12[%parallel_loop3A_346, %parallel_loop3A_347] {strides = array<i32>} : memref<8x2048xf32, #tpu.memory_space<vmem>>, vector<1x16xf32>,
        %parallel_loop3A_349 = vector.shape_cast %parallel_loop3A_348 : vector<1x16xf32> to vector<16xf32>
        %parallel_loop3A_350 = vector.shape_cast %parallel_loop3A_344 : vector<16xf32> to vector<1x16xf32>
        tpu.vector_store %arg12[%parallel_loop3A_346, %parallel_loop3A_347], %parallel_loop3A_350 {strides = array<i32>} : memref<8x2048xf32, #tpu.memory_space<vmem>>, vector<1x16xf32>,
        %parallel_loop3A_351 = arith.constant 2 : i32
        %parallel_loop3A_352 = arith.index_cast %parallel_loop3A_351 : i32 to index
        %parallel_loop3A_353 = arith.index_cast %parallel_loop3A_316 : i32 to index
        %parallel_loop3A_354 = tpu.vector_load %arg8[%parallel_loop3A_352, %parallel_loop3A_353] {strides = array<i32>} : memref<8x2048xf32, #tpu.memory_space<vmem>>, vector<1x16xf32>,
        %parallel_loop3A_355 = vector.shape_cast %parallel_loop3A_354 : vector<1x16xf32> to vector<16xf32>
        %parallel_loop3A_356 = arith.constant 2 : i32
        %parallel_loop3A_357 = arith.index_cast %parallel_loop3A_356 : i32 to index
        %parallel_loop3A_358 = arith.index_cast %parallel_loop3A_316 : i32 to index
        %parallel_loop3A_359 = tpu.vector_load %arg9[%parallel_loop3A_357, %parallel_loop3A_358] {strides = array<i32>} : memref<8x2048xf32, #tpu.memory_space<vmem>>, vector<1x16xf32>,
        %parallel_loop3A_360 = vector.shape_cast %parallel_loop3A_359 : vector<1x16xf32> to vector<16xf32>
        %parallel_loop3A_361 = arith.addf %parallel_loop3A_355, %parallel_loop3A_360 : vector<16xf32>
        %parallel_loop3A_362 = arith.constant 2 : i32
        %parallel_loop3A_363 = arith.index_cast %parallel_loop3A_362 : i32 to index
        %parallel_loop3A_364 = arith.index_cast %parallel_loop3A_316 : i32 to index
        %parallel_loop3A_365 = tpu.vector_load %arg12[%parallel_loop3A_363, %parallel_loop3A_364] {strides = array<i32>} : memref<8x2048xf32, #tpu.memory_space<vmem>>, vector<1x16xf32>,
        %parallel_loop3A_366 = vector.shape_cast %parallel_loop3A_365 : vector<1x16xf32> to vector<16xf32>
        %parallel_loop3A_367 = vector.shape_cast %parallel_loop3A_361 : vector<16xf32> to vector<1x16xf32>
        tpu.vector_store %arg12[%parallel_loop3A_363, %parallel_loop3A_364], %parallel_loop3A_367 {strides = array<i32>} : memref<8x2048xf32, #tpu.memory_space<vmem>>, vector<1x16xf32>,
        %parallel_loop3A_368 = arith.constant 3 : i32
        %parallel_loop3A_369 = arith.index_cast %parallel_loop3A_368 : i32 to index
        %parallel_loop3A_370 = arith.index_cast %parallel_loop3A_316 : i32 to index
        %parallel_loop3A_371 = tpu.vector_load %arg8[%parallel_loop3A_369, %parallel_loop3A_370] {strides = array<i32>} : memref<8x2048xf32, #tpu.memory_space<vmem>>, vector<1x16xf32>,
        %parallel_loop3A_372 = vector.shape_cast %parallel_loop3A_371 : vector<1x16xf32> to vector<16xf32>
        %parallel_loop3A_373 = arith.constant 3 : i32
        %parallel_loop3A_374 = arith.index_cast %parallel_loop3A_373 : i32 to index
        %parallel_loop3A_375 = arith.index_cast %parallel_loop3A_316 : i32 to index
        %parallel_loop3A_376 = tpu.vector_load %arg9[%parallel_loop3A_374, %parallel_loop3A_375] {strides = array<i32>} : memref<8x2048xf32, #tpu.memory_space<vmem>>, vector<1x16xf32>,
        %parallel_loop3A_377 = vector.shape_cast %parallel_loop3A_376 : vector<1x16xf32> to vector<16xf32>
        %parallel_loop3A_378 = arith.addf %parallel_loop3A_372, %parallel_loop3A_377 : vector<16xf32>
        %parallel_loop3A_379 = arith.constant 3 : i32
        %parallel_loop3A_380 = arith.index_cast %parallel_loop3A_379 : i32 to index
        %parallel_loop3A_381 = arith.index_cast %parallel_loop3A_316 : i32 to index
        %parallel_loop3A_382 = tpu.vector_load %arg12[%parallel_loop3A_380, %parallel_loop3A_381] {strides = array<i32>} : memref<8x2048xf32, #tpu.memory_space<vmem>>, vector<1x16xf32>,
        %parallel_loop3A_383 = vector.shape_cast %parallel_loop3A_382 : vector<1x16xf32> to vector<16xf32>
        %parallel_loop3A_384 = vector.shape_cast %parallel_loop3A_378 : vector<16xf32> to vector<1x16xf32>
        tpu.vector_store %arg12[%parallel_loop3A_380, %parallel_loop3A_381], %parallel_loop3A_384 {strides = array<i32>} : memref<8x2048xf32, #tpu.memory_space<vmem>>, vector<1x16xf32>,
        %parallel_loop3A_385 = arith.constant 4 : i32
        %parallel_loop3A_386 = arith.index_cast %parallel_loop3A_385 : i32 to index
        %parallel_loop3A_387 = arith.index_cast %parallel_loop3A_316 : i32 to index
        %parallel_loop3A_388 = tpu.vector_load %arg8[%parallel_loop3A_386, %parallel_loop3A_387] {strides = array<i32>} : memref<8x2048xf32, #tpu.memory_space<vmem>>, vector<1x16xf32>,
        %parallel_loop3A_389 = vector.shape_cast %parallel_loop3A_388 : vector<1x16xf32> to vector<16xf32>
        %parallel_loop3A_390 = arith.constant 4 : i32
        %parallel_loop3A_391 = arith.index_cast %parallel_loop3A_390 : i32 to index
        %parallel_loop3A_392 = arith.index_cast %parallel_loop3A_316 : i32 to index
        %parallel_loop3A_393 = tpu.vector_load %arg9[%parallel_loop3A_391, %parallel_loop3A_392] {strides = array<i32>} : memref<8x2048xf32, #tpu.memory_space<vmem>>, vector<1x16xf32>,
        %parallel_loop3A_394 = vector.shape_cast %parallel_loop3A_393 : vector<1x16xf32> to vector<16xf32>
        %parallel_loop3A_395 = arith.addf %parallel_loop3A_389, %parallel_loop3A_394 : vector<16xf32>
        %parallel_loop3A_396 = arith.constant 4 : i32
        %parallel_loop3A_397 = arith.index_cast %parallel_loop3A_396 : i32 to index
        %parallel_loop3A_398 = arith.index_cast %parallel_loop3A_316 : i32 to index
        %parallel_loop3A_399 = tpu.vector_load %arg12[%parallel_loop3A_397, %parallel_loop3A_398] {strides = array<i32>} : memref<8x2048xf32, #tpu.memory_space<vmem>>, vector<1x16xf32>,
        %parallel_loop3A_400 = vector.shape_cast %parallel_loop3A_399 : vector<1x16xf32> to vector<16xf32>
        %parallel_loop3A_401 = vector.shape_cast %parallel_loop3A_395 : vector<16xf32> to vector<1x16xf32>
        tpu.vector_store %arg12[%parallel_loop3A_397, %parallel_loop3A_398], %parallel_loop3A_401 {strides = array<i32>} : memref<8x2048xf32, #tpu.memory_space<vmem>>, vector<1x16xf32>,
        %parallel_loop3A_402 = arith.constant 5 : i32
        %parallel_loop3A_403 = arith.index_cast %parallel_loop3A_402 : i32 to index
        %parallel_loop3A_404 = arith.index_cast %parallel_loop3A_316 : i32 to index
        %parallel_loop3A_405 = tpu.vector_load %arg8[%parallel_loop3A_403, %parallel_loop3A_404] {strides = array<i32>} : memref<8x2048xf32, #tpu.memory_space<vmem>>, vector<1x16xf32>,
        %parallel_loop3A_406 = vector.shape_cast %parallel_loop3A_405 : vector<1x16xf32> to vector<16xf32>
        %parallel_loop3A_407 = arith.constant 5 : i32
        %parallel_loop3A_408 = arith.index_cast %parallel_loop3A_407 : i32 to index
        %parallel_loop3A_409 = arith.index_cast %parallel_loop3A_316 : i32 to index
        %parallel_loop3A_410 = tpu.vector_load %arg9[%parallel_loop3A_408, %parallel_loop3A_409] {strides = array<i32>} : memref<8x2048xf32, #tpu.memory_space<vmem>>, vector<1x16xf32>,
        %parallel_loop3A_411 = vector.shape_cast %parallel_loop3A_410 : vector<1x16xf32> to vector<16xf32>
        %parallel_loop3A_412 = arith.addf %parallel_loop3A_406, %parallel_loop3A_411 : vector<16xf32>
        %parallel_loop3A_413 = arith.constant 5 : i32
        %parallel_loop3A_414 = arith.index_cast %parallel_loop3A_413 : i32 to index
        %parallel_loop3A_415 = arith.index_cast %parallel_loop3A_316 : i32 to index
        %parallel_loop3A_416 = tpu.vector_load %arg12[%parallel_loop3A_414, %parallel_loop3A_415] {strides = array<i32>} : memref<8x2048xf32, #tpu.memory_space<vmem>>, vector<1x16xf32>,
        %parallel_loop3A_417 = vector.shape_cast %parallel_loop3A_416 : vector<1x16xf32> to vector<16xf32>
        %parallel_loop3A_418 = vector.shape_cast %parallel_loop3A_412 : vector<16xf32> to vector<1x16xf32>
        tpu.vector_store %arg12[%parallel_loop3A_414, %parallel_loop3A_415], %parallel_loop3A_418 {strides = array<i32>} : memref<8x2048xf32, #tpu.memory_space<vmem>>, vector<1x16xf32>,
        %parallel_loop3A_419 = arith.constant 6 : i32
        %parallel_loop3A_420 = arith.index_cast %parallel_loop3A_419 : i32 to index
        %parallel_loop3A_421 = arith.index_cast %parallel_loop3A_316 : i32 to index
        %parallel_loop3A_422 = tpu.vector_load %arg8[%parallel_loop3A_420, %parallel_loop3A_421] {strides = array<i32>} : memref<8x2048xf32, #tpu.memory_space<vmem>>, vector<1x16xf32>,
        %parallel_loop3A_423 = vector.shape_cast %parallel_loop3A_422 : vector<1x16xf32> to vector<16xf32>
        %parallel_loop3A_424 = arith.constant 6 : i32
        %parallel_loop3A_425 = arith.index_cast %parallel_loop3A_424 : i32 to index
        %parallel_loop3A_426 = arith.index_cast %parallel_loop3A_316 : i32 to index
        %parallel_loop3A_427 = tpu.vector_load %arg9[%parallel_loop3A_425, %parallel_loop3A_426] {strides = array<i32>} : memref<8x2048xf32, #tpu.memory_space<vmem>>, vector<1x16xf32>,
        %parallel_loop3A_428 = vector.shape_cast %parallel_loop3A_427 : vector<1x16xf32> to vector<16xf32>
        %parallel_loop3A_429 = arith.addf %parallel_loop3A_423, %parallel_loop3A_428 : vector<16xf32>
        %parallel_loop3A_430 = arith.constant 6 : i32
        %parallel_loop3A_431 = arith.index_cast %parallel_loop3A_430 : i32 to index
        %parallel_loop3A_432 = arith.index_cast %parallel_loop3A_316 : i32 to index
        %parallel_loop3A_433 = tpu.vector_load %arg12[%parallel_loop3A_431, %parallel_loop3A_432] {strides = array<i32>} : memref<8x2048xf32, #tpu.memory_space<vmem>>, vector<1x16xf32>,
        %parallel_loop3A_434 = vector.shape_cast %parallel_loop3A_433 : vector<1x16xf32> to vector<16xf32>
        %parallel_loop3A_435 = vector.shape_cast %parallel_loop3A_429 : vector<16xf32> to vector<1x16xf32>
        tpu.vector_store %arg12[%parallel_loop3A_431, %parallel_loop3A_432], %parallel_loop3A_435 {strides = array<i32>} : memref<8x2048xf32, #tpu.memory_space<vmem>>, vector<1x16xf32>,
        %parallel_loop3A_436 = arith.constant 7 : i32
        %parallel_loop3A_437 = arith.index_cast %parallel_loop3A_436 : i32 to index
        %parallel_loop3A_438 = arith.index_cast %parallel_loop3A_316 : i32 to index
        %parallel_loop3A_439 = tpu.vector_load %arg8[%parallel_loop3A_437, %parallel_loop3A_438] {strides = array<i32>} : memref<8x2048xf32, #tpu.memory_space<vmem>>, vector<1x16xf32>,
        %parallel_loop3A_440 = vector.shape_cast %parallel_loop3A_439 : vector<1x16xf32> to vector<16xf32>
        %parallel_loop3A_441 = arith.constant 7 : i32
        %parallel_loop3A_442 = arith.index_cast %parallel_loop3A_441 : i32 to index
        %parallel_loop3A_443 = arith.index_cast %parallel_loop3A_316 : i32 to index
        %parallel_loop3A_444 = tpu.vector_load %arg9[%parallel_loop3A_442, %parallel_loop3A_443] {strides = array<i32>} : memref<8x2048xf32, #tpu.memory_space<vmem>>, vector<1x16xf32>,
        %parallel_loop3A_445 = vector.shape_cast %parallel_loop3A_444 : vector<1x16xf32> to vector<16xf32>
        %parallel_loop3A_446 = arith.addf %parallel_loop3A_440, %parallel_loop3A_445 : vector<16xf32>
        %parallel_loop3A_447 = arith.constant 7 : i32
        %parallel_loop3A_448 = arith.index_cast %parallel_loop3A_447 : i32 to index
        %parallel_loop3A_449 = arith.index_cast %parallel_loop3A_316 : i32 to index
        %parallel_loop3A_450 = tpu.vector_load %arg12[%parallel_loop3A_448, %parallel_loop3A_449] {strides = array<i32>} : memref<8x2048xf32, #tpu.memory_space<vmem>>, vector<1x16xf32>,
        %parallel_loop3A_451 = vector.shape_cast %parallel_loop3A_450 : vector<1x16xf32> to vector<16xf32>
        %parallel_loop3A_452 = vector.shape_cast %parallel_loop3A_446 : vector<16xf32> to vector<1x16xf32>
        tpu.vector_store %arg12[%parallel_loop3A_448, %parallel_loop3A_449], %parallel_loop3A_452 {strides = array<i32>} : memref<8x2048xf32, #tpu.memory_space<vmem>>, vector<1x16xf32>,
      } {sc.loop_unroll_factor = 2 : i64, sc.parallel_access}
      %add3A_96 = arith.constant 4096 : i32
      %add3A_97 = arith.addi %add3A_96, %mul3A_2 : i32
      %mul3A_98 = arith.constant 8 : i32
      %mul3A_99 = arith.muli %add3A_52, %mul3A_98 : i32
      %add3A_100 = arith.addi %add3A_97, %mul3A_99 : i32
      %dma_start3A_101 = arith.constant 0 : i32
      %dma_start3A_102 = tpu.memref_slice %arg5[%add3A_100, %dma_start3A_101] : memref<16384x2048xf32, #tpu.memory_space<hbm>> -> memref<8x2048xf32, #tpu.memory_space<hbm>>
      %dma_start3A_103 = arith.constant 0 : i32
      %dma_start3A_104 = tpu.memref_slice %arg5[%add3A_100, %dma_start3A_103] : memref<16384x2048xf32, #tpu.memory_space<hbm>> -> memref<8x2048xf32, #tpu.memory_space<hbm>>
      tpu.enqueue_dma source(%arg12 : memref<8x2048xf32, #tpu.memory_space<vmem>>) target(%dma_start3A_104 : memref<8x2048xf32, #tpu.memory_space<hbm>>) target_semaphore(%arg18 : memref<!tpu.dma_semaphore, #tpu.memory_space<semaphore_mem>>)
      %mul3A_105 = arith.constant 8 : i32
      %mul3A_106 = arith.muli %add3A_52, %mul3A_105 : i32
      %add3A_107 = arith.constant 384 : i32
      %add3A_108 = arith.addi %add3A_107, %mul3A_106 : i32
      %dma_start3A_109 = tpu.memref_slice %arg6[%add3A_108] : memref<512xi32, #tpu.memory_space<vmem>> -> memref<8xi32, #tpu.memory_space<vmem>>
      %dma_start3A_110 = arith.constant 0 : i32
      %dma_start3A_111 = arith.constant 0 : i32
      %dma_start3A_112 = tpu.memref_slice %arg3[%dma_start3A_110, %dma_start3A_111] : memref<2048x2048xf32, #tpu.memory_space<hbm>> -> memref<2048x2048xf32, #tpu.memory_space<hbm>>
      tpu.enqueue_indirect_dma source(%dma_start3A_112 : memref<2048x2048xf32, #tpu.memory_space<hbm>>) target(%arg8 : memref<8x2048xf32, #tpu.memory_space<vmem>>) offsets(%dma_start3A_109 : memref<8xi32, #tpu.memory_space<vmem>>) semaphore(%arg14 : memref<!tpu.dma_semaphore, #tpu.memory_space<semaphore_mem>>)
      %dma_wait3A_113 = arith.constant 0 : i32
      %dma_wait3A_114 = tpu.memref_slice %arg6[%dma_wait3A_113] : memref<512xi32, #tpu.memory_space<vmem>> -> memref<8xi32, #tpu.memory_space<vmem>>
      %dma_wait3A_115 = arith.constant 0 : i32
      %dma_wait3A_116 = arith.constant 0 : i32
      %dma_wait3A_117 = tpu.memref_slice %arg3[%dma_wait3A_115, %dma_wait3A_116] : memref<2048x2048xf32, #tpu.memory_space<hbm>> -> memref<2048x2048xf32, #tpu.memory_space<hbm>>
      tpu.wait_indirect_dma semaphore(%arg13 : memref<!tpu.dma_semaphore, #tpu.memory_space<semaphore_mem>>) src(%dma_wait3A_117 : memref<2048x2048xf32, #tpu.memory_space<hbm>>) dst(%arg7 : memref<8x2048xf32, #tpu.memory_space<vmem>>)
      %dma_wait3A_118 = arith.constant 0 : i32
      %dma_wait3A_119 = arith.constant 0 : i32
      %dma_wait3A_120 = tpu.memref_slice %arg5[%dma_wait3A_118, %dma_wait3A_119] : memref<16384x2048xf32, #tpu.memory_space<hbm>> -> memref<8x2048xf32, #tpu.memory_space<hbm>>
      %dma_wait3A_121 = arith.constant 0 : i32
      %dma_wait3A_122 = arith.constant 0 : i32
      %dma_wait3A_123 = tpu.memref_slice %arg5[%dma_wait3A_121, %dma_wait3A_122] : memref<16384x2048xf32, #tpu.memory_space<hbm>> -> memref<8x2048xf32, #tpu.memory_space<hbm>>
      tpu.wait_dma2 semaphore(%arg17 : memref<!tpu.dma_semaphore, #tpu.memory_space<semaphore_mem>>) src(%arg11 : memref<8x2048xf32, #tpu.memory_space<vmem>>) dst(%dma_wait3A_123 : memref<8x2048xf32, #tpu.memory_space<hbm>>)
      %parallel_loop3A_124 = arith.constant 0 : i32
      %parallel_loop3A_125 = arith.constant 128 : i32
      %parallel_loop3A_126 = arith.constant 1 : i32
      scf.for %parallel_loop3A_314 = %parallel_loop3A_124 to %parallel_loop3A_125 step %parallel_loop3A_126  : i32 {
        %parallel_loop3A_315 = arith.constant 16 : i32
        %parallel_loop3A_316 = arith.muli %parallel_loop3A_314, %parallel_loop3A_315 : i32
        %parallel_loop3A_317 = arith.constant 0 : i32
        %parallel_loop3A_318 = arith.index_cast %parallel_loop3A_317 : i32 to index
        %parallel_loop3A_319 = arith.index_cast %parallel_loop3A_316 : i32 to index
        %parallel_loop3A_320 = tpu.vector_load %arg7[%parallel_loop3A_318, %parallel_loop3A_319] {strides = array<i32>} : memref<8x2048xf32, #tpu.memory_space<vmem>>, vector<1x16xf32>,
        %parallel_loop3A_321 = vector.shape_cast %parallel_loop3A_320 : vector<1x16xf32> to vector<16xf32>
        %parallel_loop3A_322 = arith.constant 0 : i32
        %parallel_loop3A_323 = arith.index_cast %parallel_loop3A_322 : i32 to index
        %parallel_loop3A_324 = arith.index_cast %parallel_loop3A_316 : i32 to index
        %parallel_loop3A_325 = tpu.vector_load %arg9[%parallel_loop3A_323, %parallel_loop3A_324] {strides = array<i32>} : memref<8x2048xf32, #tpu.memory_space<vmem>>, vector<1x16xf32>,
        %parallel_loop3A_326 = vector.shape_cast %parallel_loop3A_325 : vector<1x16xf32> to vector<16xf32>
        %parallel_loop3A_327 = arith.addf %parallel_loop3A_321, %parallel_loop3A_326 : vector<16xf32>
        %parallel_loop3A_328 = arith.constant 0 : i32
        %parallel_loop3A_329 = arith.index_cast %parallel_loop3A_328 : i32 to index
        %parallel_loop3A_330 = arith.index_cast %parallel_loop3A_316 : i32 to index
        %parallel_loop3A_331 = tpu.vector_load %arg11[%parallel_loop3A_329, %parallel_loop3A_330] {strides = array<i32>} : memref<8x2048xf32, #tpu.memory_space<vmem>>, vector<1x16xf32>,
        %parallel_loop3A_332 = vector.shape_cast %parallel_loop3A_331 : vector<1x16xf32> to vector<16xf32>
        %parallel_loop3A_333 = vector.shape_cast %parallel_loop3A_327 : vector<16xf32> to vector<1x16xf32>
        tpu.vector_store %arg11[%parallel_loop3A_329, %parallel_loop3A_330], %parallel_loop3A_333 {strides = array<i32>} : memref<8x2048xf32, #tpu.memory_space<vmem>>, vector<1x16xf32>,
        %parallel_loop3A_334 = arith.constant 1 : i32
        %parallel_loop3A_335 = arith.index_cast %parallel_loop3A_334 : i32 to index
        %parallel_loop3A_336 = arith.index_cast %parallel_loop3A_316 : i32 to index
        %parallel_loop3A_337 = tpu.vector_load %arg7[%parallel_loop3A_335, %parallel_loop3A_336] {strides = array<i32>} : memref<8x2048xf32, #tpu.memory_space<vmem>>, vector<1x16xf32>,
        %parallel_loop3A_338 = vector.shape_cast %parallel_loop3A_337 : vector<1x16xf32> to vector<16xf32>
        %parallel_loop3A_339 = arith.constant 1 : i32
        %parallel_loop3A_340 = arith.index_cast %parallel_loop3A_339 : i32 to index
        %parallel_loop3A_341 = arith.index_cast %parallel_loop3A_316 : i32 to index
        %parallel_loop3A_342 = tpu.vector_load %arg9[%parallel_loop3A_340, %parallel_loop3A_341] {strides = array<i32>} : memref<8x2048xf32, #tpu.memory_space<vmem>>, vector<1x16xf32>,
        %parallel_loop3A_343 = vector.shape_cast %parallel_loop3A_342 : vector<1x16xf32> to vector<16xf32>
        %parallel_loop3A_344 = arith.addf %parallel_loop3A_338, %parallel_loop3A_343 : vector<16xf32>
        %parallel_loop3A_345 = arith.constant 1 : i32
        %parallel_loop3A_346 = arith.index_cast %parallel_loop3A_345 : i32 to index
        %parallel_loop3A_347 = arith.index_cast %parallel_loop3A_316 : i32 to index
        %parallel_loop3A_348 = tpu.vector_load %arg11[%parallel_loop3A_346, %parallel_loop3A_347] {strides = array<i32>} : memref<8x2048xf32, #tpu.memory_space<vmem>>, vector<1x16xf32>,
        %parallel_loop3A_349 = vector.shape_cast %parallel_loop3A_348 : vector<1x16xf32> to vector<16xf32>
        %parallel_loop3A_350 = vector.shape_cast %parallel_loop3A_344 : vector<16xf32> to vector<1x16xf32>
        tpu.vector_store %arg11[%parallel_loop3A_346, %parallel_loop3A_347], %parallel_loop3A_350 {strides = array<i32>} : memref<8x2048xf32, #tpu.memory_space<vmem>>, vector<1x16xf32>,
        %parallel_loop3A_351 = arith.constant 2 : i32
        %parallel_loop3A_352 = arith.index_cast %parallel_loop3A_351 : i32 to index
        %parallel_loop3A_353 = arith.index_cast %parallel_loop3A_316 : i32 to index
        %parallel_loop3A_354 = tpu.vector_load %arg7[%parallel_loop3A_352, %parallel_loop3A_353] {strides = array<i32>} : memref<8x2048xf32, #tpu.memory_space<vmem>>, vector<1x16xf32>,
        %parallel_loop3A_355 = vector.shape_cast %parallel_loop3A_354 : vector<1x16xf32> to vector<16xf32>
        %parallel_loop3A_356 = arith.constant 2 : i32
        %parallel_loop3A_357 = arith.index_cast %parallel_loop3A_356 : i32 to index
        %parallel_loop3A_358 = arith.index_cast %parallel_loop3A_316 : i32 to index
        %parallel_loop3A_359 = tpu.vector_load %arg9[%parallel_loop3A_357, %parallel_loop3A_358] {strides = array<i32>} : memref<8x2048xf32, #tpu.memory_space<vmem>>, vector<1x16xf32>,
        %parallel_loop3A_360 = vector.shape_cast %parallel_loop3A_359 : vector<1x16xf32> to vector<16xf32>
        %parallel_loop3A_361 = arith.addf %parallel_loop3A_355, %parallel_loop3A_360 : vector<16xf32>
        %parallel_loop3A_362 = arith.constant 2 : i32
        %parallel_loop3A_363 = arith.index_cast %parallel_loop3A_362 : i32 to index
        %parallel_loop3A_364 = arith.index_cast %parallel_loop3A_316 : i32 to index
        %parallel_loop3A_365 = tpu.vector_load %arg11[%parallel_loop3A_363, %parallel_loop3A_364] {strides = array<i32>} : memref<8x2048xf32, #tpu.memory_space<vmem>>, vector<1x16xf32>,
        %parallel_loop3A_366 = vector.shape_cast %parallel_loop3A_365 : vector<1x16xf32> to vector<16xf32>
        %parallel_loop3A_367 = vector.shape_cast %parallel_loop3A_361 : vector<16xf32> to vector<1x16xf32>
        tpu.vector_store %arg11[%parallel_loop3A_363, %parallel_loop3A_364], %parallel_loop3A_367 {strides = array<i32>} : memref<8x2048xf32, #tpu.memory_space<vmem>>, vector<1x16xf32>,
        %parallel_loop3A_368 = arith.constant 3 : i32
        %parallel_loop3A_369 = arith.index_cast %parallel_loop3A_368 : i32 to index
        %parallel_loop3A_370 = arith.index_cast %parallel_loop3A_316 : i32 to index
        %parallel_loop3A_371 = tpu.vector_load %arg7[%parallel_loop3A_369, %parallel_loop3A_370] {strides = array<i32>} : memref<8x2048xf32, #tpu.memory_space<vmem>>, vector<1x16xf32>,
        %parallel_loop3A_372 = vector.shape_cast %parallel_loop3A_371 : vector<1x16xf32> to vector<16xf32>
        %parallel_loop3A_373 = arith.constant 3 : i32
        %parallel_loop3A_374 = arith.index_cast %parallel_loop3A_373 : i32 to index
        %parallel_loop3A_375 = arith.index_cast %parallel_loop3A_316 : i32 to index
        %parallel_loop3A_376 = tpu.vector_load %arg9[%parallel_loop3A_374, %parallel_loop3A_375] {strides = array<i32>} : memref<8x2048xf32, #tpu.memory_space<vmem>>, vector<1x16xf32>,
        %parallel_loop3A_377 = vector.shape_cast %parallel_loop3A_376 : vector<1x16xf32> to vector<16xf32>
        %parallel_loop3A_378 = arith.addf %parallel_loop3A_372, %parallel_loop3A_377 : vector<16xf32>
        %parallel_loop3A_379 = arith.constant 3 : i32
        %parallel_loop3A_380 = arith.index_cast %parallel_loop3A_379 : i32 to index
        %parallel_loop3A_381 = arith.index_cast %parallel_loop3A_316 : i32 to index
        %parallel_loop3A_382 = tpu.vector_load %arg11[%parallel_loop3A_380, %parallel_loop3A_381] {strides = array<i32>} : memref<8x2048xf32, #tpu.memory_space<vmem>>, vector<1x16xf32>,
        %parallel_loop3A_383 = vector.shape_cast %parallel_loop3A_382 : vector<1x16xf32> to vector<16xf32>
        %parallel_loop3A_384 = vector.shape_cast %parallel_loop3A_378 : vector<16xf32> to vector<1x16xf32>
        tpu.vector_store %arg11[%parallel_loop3A_380, %parallel_loop3A_381], %parallel_loop3A_384 {strides = array<i32>} : memref<8x2048xf32, #tpu.memory_space<vmem>>, vector<1x16xf32>,
        %parallel_loop3A_385 = arith.constant 4 : i32
        %parallel_loop3A_386 = arith.index_cast %parallel_loop3A_385 : i32 to index
        %parallel_loop3A_387 = arith.index_cast %parallel_loop3A_316 : i32 to index
        %parallel_loop3A_388 = tpu.vector_load %arg7[%parallel_loop3A_386, %parallel_loop3A_387] {strides = array<i32>} : memref<8x2048xf32, #tpu.memory_space<vmem>>, vector<1x16xf32>,
        %parallel_loop3A_389 = vector.shape_cast %parallel_loop3A_388 : vector<1x16xf32> to vector<16xf32>
        %parallel_loop3A_390 = arith.constant 4 : i32
        %parallel_loop3A_391 = arith.index_cast %parallel_loop3A_390 : i32 to index
        %parallel_loop3A_392 = arith.index_cast %parallel_loop3A_316 : i32 to index
        %parallel_loop3A_393 = tpu.vector_load %arg9[%parallel_loop3A_391, %parallel_loop3A_392] {strides = array<i32>} : memref<8x2048xf32, #tpu.memory_space<vmem>>, vector<1x16xf32>,
        %parallel_loop3A_394 = vector.shape_cast %parallel_loop3A_393 : vector<1x16xf32> to vector<16xf32>
        %parallel_loop3A_395 = arith.addf %parallel_loop3A_389, %parallel_loop3A_394 : vector<16xf32>
        %parallel_loop3A_396 = arith.constant 4 : i32
        %parallel_loop3A_397 = arith.index_cast %parallel_loop3A_396 : i32 to index
        %parallel_loop3A_398 = arith.index_cast %parallel_loop3A_316 : i32 to index
        %parallel_loop3A_399 = tpu.vector_load %arg11[%parallel_loop3A_397, %parallel_loop3A_398] {strides = array<i32>} : memref<8x2048xf32, #tpu.memory_space<vmem>>, vector<1x16xf32>,
        %parallel_loop3A_400 = vector.shape_cast %parallel_loop3A_399 : vector<1x16xf32> to vector<16xf32>
        %parallel_loop3A_401 = vector.shape_cast %parallel_loop3A_395 : vector<16xf32> to vector<1x16xf32>
        tpu.vector_store %arg11[%parallel_loop3A_397, %parallel_loop3A_398], %parallel_loop3A_401 {strides = array<i32>} : memref<8x2048xf32, #tpu.memory_space<vmem>>, vector<1x16xf32>,
        %parallel_loop3A_402 = arith.constant 5 : i32
        %parallel_loop3A_403 = arith.index_cast %parallel_loop3A_402 : i32 to index
        %parallel_loop3A_404 = arith.index_cast %parallel_loop3A_316 : i32 to index
        %parallel_loop3A_405 = tpu.vector_load %arg7[%parallel_loop3A_403, %parallel_loop3A_404] {strides = array<i32>} : memref<8x2048xf32, #tpu.memory_space<vmem>>, vector<1x16xf32>,
        %parallel_loop3A_406 = vector.shape_cast %parallel_loop3A_405 : vector<1x16xf32> to vector<16xf32>
        %parallel_loop3A_407 = arith.constant 5 : i32
        %parallel_loop3A_408 = arith.index_cast %parallel_loop3A_407 : i32 to index
        %parallel_loop3A_409 = arith.index_cast %parallel_loop3A_316 : i32 to index
        %parallel_loop3A_410 = tpu.vector_load %arg9[%parallel_loop3A_408, %parallel_loop3A_409] {strides = array<i32>} : memref<8x2048xf32, #tpu.memory_space<vmem>>, vector<1x16xf32>,
        %parallel_loop3A_411 = vector.shape_cast %parallel_loop3A_410 : vector<1x16xf32> to vector<16xf32>
        %parallel_loop3A_412 = arith.addf %parallel_loop3A_406, %parallel_loop3A_411 : vector<16xf32>
        %parallel_loop3A_413 = arith.constant 5 : i32
        %parallel_loop3A_414 = arith.index_cast %parallel_loop3A_413 : i32 to index
        %parallel_loop3A_415 = arith.index_cast %parallel_loop3A_316 : i32 to index
        %parallel_loop3A_416 = tpu.vector_load %arg11[%parallel_loop3A_414, %parallel_loop3A_415] {strides = array<i32>} : memref<8x2048xf32, #tpu.memory_space<vmem>>, vector<1x16xf32>,
        %parallel_loop3A_417 = vector.shape_cast %parallel_loop3A_416 : vector<1x16xf32> to vector<16xf32>
        %parallel_loop3A_418 = vector.shape_cast %parallel_loop3A_412 : vector<16xf32> to vector<1x16xf32>
        tpu.vector_store %arg11[%parallel_loop3A_414, %parallel_loop3A_415], %parallel_loop3A_418 {strides = array<i32>} : memref<8x2048xf32, #tpu.memory_space<vmem>>, vector<1x16xf32>,
        %parallel_loop3A_419 = arith.constant 6 : i32
        %parallel_loop3A_420 = arith.index_cast %parallel_loop3A_419 : i32 to index
        %parallel_loop3A_421 = arith.index_cast %parallel_loop3A_316 : i32 to index
        %parallel_loop3A_422 = tpu.vector_load %arg7[%parallel_loop3A_420, %parallel_loop3A_421] {strides = array<i32>} : memref<8x2048xf32, #tpu.memory_space<vmem>>, vector<1x16xf32>,
        %parallel_loop3A_423 = vector.shape_cast %parallel_loop3A_422 : vector<1x16xf32> to vector<16xf32>
        %parallel_loop3A_424 = arith.constant 6 : i32
        %parallel_loop3A_425 = arith.index_cast %parallel_loop3A_424 : i32 to index
        %parallel_loop3A_426 = arith.index_cast %parallel_loop3A_316 : i32 to index
        %parallel_loop3A_427 = tpu.vector_load %arg9[%parallel_loop3A_425, %parallel_loop3A_426] {strides = array<i32>} : memref<8x2048xf32, #tpu.memory_space<vmem>>, vector<1x16xf32>,
        %parallel_loop3A_428 = vector.shape_cast %parallel_loop3A_427 : vector<1x16xf32> to vector<16xf32>
        %parallel_loop3A_429 = arith.addf %parallel_loop3A_423, %parallel_loop3A_428 : vector<16xf32>
        %parallel_loop3A_430 = arith.constant 6 : i32
        %parallel_loop3A_431 = arith.index_cast %parallel_loop3A_430 : i32 to index
        %parallel_loop3A_432 = arith.index_cast %parallel_loop3A_316 : i32 to index
        %parallel_loop3A_433 = tpu.vector_load %arg11[%parallel_loop3A_431, %parallel_loop3A_432] {strides = array<i32>} : memref<8x2048xf32, #tpu.memory_space<vmem>>, vector<1x16xf32>,
        %parallel_loop3A_434 = vector.shape_cast %parallel_loop3A_433 : vector<1x16xf32> to vector<16xf32>
        %parallel_loop3A_435 = vector.shape_cast %parallel_loop3A_429 : vector<16xf32> to vector<1x16xf32>
        tpu.vector_store %arg11[%parallel_loop3A_431, %parallel_loop3A_432], %parallel_loop3A_435 {strides = array<i32>} : memref<8x2048xf32, #tpu.memory_space<vmem>>, vector<1x16xf32>,
        %parallel_loop3A_436 = arith.constant 7 : i32
        %parallel_loop3A_437 = arith.index_cast %parallel_loop3A_436 : i32 to index
        %parallel_loop3A_438 = arith.index_cast %parallel_loop3A_316 : i32 to index
        %parallel_loop3A_439 = tpu.vector_load %arg7[%parallel_loop3A_437, %parallel_loop3A_438] {strides = array<i32>} : memref<8x2048xf32, #tpu.memory_space<vmem>>, vector<1x16xf32>,
        %parallel_loop3A_440 = vector.shape_cast %parallel_loop3A_439 : vector<1x16xf32> to vector<16xf32>
        %parallel_loop3A_441 = arith.constant 7 : i32
        %parallel_loop3A_442 = arith.index_cast %parallel_loop3A_441 : i32 to index
        %parallel_loop3A_443 = arith.index_cast %parallel_loop3A_316 : i32 to index
        %parallel_loop3A_444 = tpu.vector_load %arg9[%parallel_loop3A_442, %parallel_loop3A_443] {strides = array<i32>} : memref<8x2048xf32, #tpu.memory_space<vmem>>, vector<1x16xf32>,
        %parallel_loop3A_445 = vector.shape_cast %parallel_loop3A_444 : vector<1x16xf32> to vector<16xf32>
        %parallel_loop3A_446 = arith.addf %parallel_loop3A_440, %parallel_loop3A_445 : vector<16xf32>
        %parallel_loop3A_447 = arith.constant 7 : i32
        %parallel_loop3A_448 = arith.index_cast %parallel_loop3A_447 : i32 to index
        %parallel_loop3A_449 = arith.index_cast %parallel_loop3A_316 : i32 to index
        %parallel_loop3A_450 = tpu.vector_load %arg11[%parallel_loop3A_448, %parallel_loop3A_449] {strides = array<i32>} : memref<8x2048xf32, #tpu.memory_space<vmem>>, vector<1x16xf32>,
        %parallel_loop3A_451 = vector.shape_cast %parallel_loop3A_450 : vector<1x16xf32> to vector<16xf32>
        %parallel_loop3A_452 = vector.shape_cast %parallel_loop3A_446 : vector<16xf32> to vector<1x16xf32>
        tpu.vector_store %arg11[%parallel_loop3A_448, %parallel_loop3A_449], %parallel_loop3A_452 {strides = array<i32>} : memref<8x2048xf32, #tpu.memory_space<vmem>>, vector<1x16xf32>,
      } {sc.loop_unroll_factor = 2 : i64, sc.parallel_access}
      %add3A_127 = arith.constant 8192 : i32
      %add3A_128 = arith.addi %add3A_127, %mul3A_2 : i32
      %mul3A_129 = arith.constant 8 : i32
      %mul3A_130 = arith.muli %add3A_52, %mul3A_129 : i32
      %add3A_131 = arith.addi %add3A_128, %mul3A_130 : i32
      %dma_start3A_132 = arith.constant 0 : i32
      %dma_start3A_133 = tpu.memref_slice %arg5[%add3A_131, %dma_start3A_132] : memref<16384x2048xf32, #tpu.memory_space<hbm>> -> memref<8x2048xf32, #tpu.memory_space<hbm>>
      %dma_start3A_134 = arith.constant 0 : i32
      %dma_start3A_135 = tpu.memref_slice %arg5[%add3A_131, %dma_start3A_134] : memref<16384x2048xf32, #tpu.memory_space<hbm>> -> memref<8x2048xf32, #tpu.memory_space<hbm>>
      tpu.enqueue_dma source(%arg11 : memref<8x2048xf32, #tpu.memory_space<vmem>>) target(%dma_start3A_135 : memref<8x2048xf32, #tpu.memory_space<hbm>>) target_semaphore(%arg17 : memref<!tpu.dma_semaphore, #tpu.memory_space<semaphore_mem>>)
      %add3A_136 = arith.constant 1 : i32
      %add3A_137 = arith.addi %add3A_52, %add3A_136 : i32
      %lt3A = arith.constant 16 : i32
      %lt3A_138 = arith.cmpi slt, %add3A_137, %lt3A : i32
      %convert_element_type3A_139 = arith.extui %lt3A_138 : i1 to i32
      %cond3A_140 = arith.constant 0 : i32
      %cond3A_141 = arith.cmpi ne, %convert_element_type3A_139, %cond3A_140 : i32
      scf.if %cond3A_141 {
        %add3A_314 = arith.constant 1 : i32
        %add3A_315 = arith.addi %add3A_52, %add3A_314 : i32
        %mul3A_316 = arith.constant 8 : i32
        %mul3A_317 = arith.muli %add3A_315, %mul3A_316 : i32
        %add3A_318 = arith.constant 0 : i32
        %add3A_319 = arith.addi %add3A_318, %mul3A_317 : i32
        %dma_start3A_320 = tpu.memref_slice %arg6[%add3A_319] : memref<512xi32, #tpu.memory_space<vmem>> -> memref<8xi32, #tpu.memory_space<vmem>>
        %dma_start3A_321 = arith.constant 0 : i32
        %dma_start3A_322 = arith.constant 0 : i32
        %dma_start3A_323 = tpu.memref_slice %arg3[%dma_start3A_321, %dma_start3A_322] : memref<2048x2048xf32, #tpu.memory_space<hbm>> -> memref<2048x2048xf32, #tpu.memory_space<hbm>>
        tpu.enqueue_indirect_dma source(%dma_start3A_323 : memref<2048x2048xf32, #tpu.memory_space<hbm>>) target(%arg7 : memref<8x2048xf32, #tpu.memory_space<vmem>>) offsets(%dma_start3A_320 : memref<8xi32, #tpu.memory_space<vmem>>) semaphore(%arg13 : memref<!tpu.dma_semaphore, #tpu.memory_space<semaphore_mem>>)
      } else {
      }
      %dma_wait3A_142 = arith.constant 0 : i32
      %dma_wait3A_143 = tpu.memref_slice %arg6[%dma_wait3A_142] : memref<512xi32, #tpu.memory_space<vmem>> -> memref<8xi32, #tpu.memory_space<vmem>>
      %dma_wait3A_144 = arith.constant 0 : i32
      %dma_wait3A_145 = arith.constant 0 : i32
      %dma_wait3A_146 = tpu.memref_slice %arg3[%dma_wait3A_144, %dma_wait3A_145] : memref<2048x2048xf32, #tpu.memory_space<hbm>> -> memref<2048x2048xf32, #tpu.memory_space<hbm>>
      tpu.wait_indirect_dma semaphore(%arg14 : memref<!tpu.dma_semaphore, #tpu.memory_space<semaphore_mem>>) src(%dma_wait3A_146 : memref<2048x2048xf32, #tpu.memory_space<hbm>>) dst(%arg8 : memref<8x2048xf32, #tpu.memory_space<vmem>>)
      %dma_wait3A_147 = arith.constant 0 : i32
      %dma_wait3A_148 = arith.constant 0 : i32
      %dma_wait3A_149 = tpu.memref_slice %arg5[%dma_wait3A_147, %dma_wait3A_148] : memref<16384x2048xf32, #tpu.memory_space<hbm>> -> memref<8x2048xf32, #tpu.memory_space<hbm>>
      %dma_wait3A_150 = arith.constant 0 : i32
      %dma_wait3A_151 = arith.constant 0 : i32
      %dma_wait3A_152 = tpu.memref_slice %arg5[%dma_wait3A_150, %dma_wait3A_151] : memref<16384x2048xf32, #tpu.memory_space<hbm>> -> memref<8x2048xf32, #tpu.memory_space<hbm>>
      tpu.wait_dma2 semaphore(%arg18 : memref<!tpu.dma_semaphore, #tpu.memory_space<semaphore_mem>>) src(%arg12 : memref<8x2048xf32, #tpu.memory_space<vmem>>) dst(%dma_wait3A_152 : memref<8x2048xf32, #tpu.memory_space<hbm>>)
      %parallel_loop3A_153 = arith.constant 0 : i32
      %parallel_loop3A_154 = arith.constant 128 : i32
      %parallel_loop3A_155 = arith.constant 1 : i32
      scf.for %parallel_loop3A_314 = %parallel_loop3A_153 to %parallel_loop3A_154 step %parallel_loop3A_155  : i32 {
        %parallel_loop3A_315 = arith.constant 16 : i32
        %parallel_loop3A_316 = arith.muli %parallel_loop3A_314, %parallel_loop3A_315 : i32
        %parallel_loop3A_317 = arith.constant 0 : i32
        %parallel_loop3A_318 = arith.index_cast %parallel_loop3A_317 : i32 to index
        %parallel_loop3A_319 = arith.index_cast %parallel_loop3A_316 : i32 to index
        %parallel_loop3A_320 = tpu.vector_load %arg8[%parallel_loop3A_318, %parallel_loop3A_319] {strides = array<i32>} : memref<8x2048xf32, #tpu.memory_space<vmem>>, vector<1x16xf32>,
        %parallel_loop3A_321 = vector.shape_cast %parallel_loop3A_320 : vector<1x16xf32> to vector<16xf32>
        %parallel_loop3A_322 = arith.constant 0 : i32
        %parallel_loop3A_323 = arith.index_cast %parallel_loop3A_322 : i32 to index
        %parallel_loop3A_324 = arith.index_cast %parallel_loop3A_316 : i32 to index
        %parallel_loop3A_325 = tpu.vector_load %arg9[%parallel_loop3A_323, %parallel_loop3A_324] {strides = array<i32>} : memref<8x2048xf32, #tpu.memory_space<vmem>>, vector<1x16xf32>,
        %parallel_loop3A_326 = vector.shape_cast %parallel_loop3A_325 : vector<1x16xf32> to vector<16xf32>
        %parallel_loop3A_327 = arith.addf %parallel_loop3A_321, %parallel_loop3A_326 : vector<16xf32>
        %parallel_loop3A_328 = arith.constant 0 : i32
        %parallel_loop3A_329 = arith.index_cast %parallel_loop3A_328 : i32 to index
        %parallel_loop3A_330 = arith.index_cast %parallel_loop3A_316 : i32 to index
        %parallel_loop3A_331 = tpu.vector_load %arg12[%parallel_loop3A_329, %parallel_loop3A_330] {strides = array<i32>} : memref<8x2048xf32, #tpu.memory_space<vmem>>, vector<1x16xf32>,
        %parallel_loop3A_332 = vector.shape_cast %parallel_loop3A_331 : vector<1x16xf32> to vector<16xf32>
        %parallel_loop3A_333 = vector.shape_cast %parallel_loop3A_327 : vector<16xf32> to vector<1x16xf32>
        tpu.vector_store %arg12[%parallel_loop3A_329, %parallel_loop3A_330], %parallel_loop3A_333 {strides = array<i32>} : memref<8x2048xf32, #tpu.memory_space<vmem>>, vector<1x16xf32>,
        %parallel_loop3A_334 = arith.constant 1 : i32
        %parallel_loop3A_335 = arith.index_cast %parallel_loop3A_334 : i32 to index
        %parallel_loop3A_336 = arith.index_cast %parallel_loop3A_316 : i32 to index
        %parallel_loop3A_337 = tpu.vector_load %arg8[%parallel_loop3A_335, %parallel_loop3A_336] {strides = array<i32>} : memref<8x2048xf32, #tpu.memory_space<vmem>>, vector<1x16xf32>,
        %parallel_loop3A_338 = vector.shape_cast %parallel_loop3A_337 : vector<1x16xf32> to vector<16xf32>
        %parallel_loop3A_339 = arith.constant 1 : i32
        %parallel_loop3A_340 = arith.index_cast %parallel_loop3A_339 : i32 to index
        %parallel_loop3A_341 = arith.index_cast %parallel_loop3A_316 : i32 to index
        %parallel_loop3A_342 = tpu.vector_load %arg9[%parallel_loop3A_340, %parallel_loop3A_341] {strides = array<i32>} : memref<8x2048xf32, #tpu.memory_space<vmem>>, vector<1x16xf32>,
        %parallel_loop3A_343 = vector.shape_cast %parallel_loop3A_342 : vector<1x16xf32> to vector<16xf32>
        %parallel_loop3A_344 = arith.addf %parallel_loop3A_338, %parallel_loop3A_343 : vector<16xf32>
        %parallel_loop3A_345 = arith.constant 1 : i32
        %parallel_loop3A_346 = arith.index_cast %parallel_loop3A_345 : i32 to index
        %parallel_loop3A_347 = arith.index_cast %parallel_loop3A_316 : i32 to index
        %parallel_loop3A_348 = tpu.vector_load %arg12[%parallel_loop3A_346, %parallel_loop3A_347] {strides = array<i32>} : memref<8x2048xf32, #tpu.memory_space<vmem>>, vector<1x16xf32>,
        %parallel_loop3A_349 = vector.shape_cast %parallel_loop3A_348 : vector<1x16xf32> to vector<16xf32>
        %parallel_loop3A_350 = vector.shape_cast %parallel_loop3A_344 : vector<16xf32> to vector<1x16xf32>
        tpu.vector_store %arg12[%parallel_loop3A_346, %parallel_loop3A_347], %parallel_loop3A_350 {strides = array<i32>} : memref<8x2048xf32, #tpu.memory_space<vmem>>, vector<1x16xf32>,
        %parallel_loop3A_351 = arith.constant 2 : i32
        %parallel_loop3A_352 = arith.index_cast %parallel_loop3A_351 : i32 to index
        %parallel_loop3A_353 = arith.index_cast %parallel_loop3A_316 : i32 to index
        %parallel_loop3A_354 = tpu.vector_load %arg8[%parallel_loop3A_352, %parallel_loop3A_353] {strides = array<i32>} : memref<8x2048xf32, #tpu.memory_space<vmem>>, vector<1x16xf32>,
        %parallel_loop3A_355 = vector.shape_cast %parallel_loop3A_354 : vector<1x16xf32> to vector<16xf32>
        %parallel_loop3A_356 = arith.constant 2 : i32
        %parallel_loop3A_357 = arith.index_cast %parallel_loop3A_356 : i32 to index
        %parallel_loop3A_358 = arith.index_cast %parallel_loop3A_316 : i32 to index
        %parallel_loop3A_359 = tpu.vector_load %arg9[%parallel_loop3A_357, %parallel_loop3A_358] {strides = array<i32>} : memref<8x2048xf32, #tpu.memory_space<vmem>>, vector<1x16xf32>,
        %parallel_loop3A_360 = vector.shape_cast %parallel_loop3A_359 : vector<1x16xf32> to vector<16xf32>
        %parallel_loop3A_361 = arith.addf %parallel_loop3A_355, %parallel_loop3A_360 : vector<16xf32>
        %parallel_loop3A_362 = arith.constant 2 : i32
        %parallel_loop3A_363 = arith.index_cast %parallel_loop3A_362 : i32 to index
        %parallel_loop3A_364 = arith.index_cast %parallel_loop3A_316 : i32 to index
        %parallel_loop3A_365 = tpu.vector_load %arg12[%parallel_loop3A_363, %parallel_loop3A_364] {strides = array<i32>} : memref<8x2048xf32, #tpu.memory_space<vmem>>, vector<1x16xf32>,
        %parallel_loop3A_366 = vector.shape_cast %parallel_loop3A_365 : vector<1x16xf32> to vector<16xf32>
        %parallel_loop3A_367 = vector.shape_cast %parallel_loop3A_361 : vector<16xf32> to vector<1x16xf32>
        tpu.vector_store %arg12[%parallel_loop3A_363, %parallel_loop3A_364], %parallel_loop3A_367 {strides = array<i32>} : memref<8x2048xf32, #tpu.memory_space<vmem>>, vector<1x16xf32>,
        %parallel_loop3A_368 = arith.constant 3 : i32
        %parallel_loop3A_369 = arith.index_cast %parallel_loop3A_368 : i32 to index
        %parallel_loop3A_370 = arith.index_cast %parallel_loop3A_316 : i32 to index
        %parallel_loop3A_371 = tpu.vector_load %arg8[%parallel_loop3A_369, %parallel_loop3A_370] {strides = array<i32>} : memref<8x2048xf32, #tpu.memory_space<vmem>>, vector<1x16xf32>,
        %parallel_loop3A_372 = vector.shape_cast %parallel_loop3A_371 : vector<1x16xf32> to vector<16xf32>
        %parallel_loop3A_373 = arith.constant 3 : i32
        %parallel_loop3A_374 = arith.index_cast %parallel_loop3A_373 : i32 to index
        %parallel_loop3A_375 = arith.index_cast %parallel_loop3A_316 : i32 to index
        %parallel_loop3A_376 = tpu.vector_load %arg9[%parallel_loop3A_374, %parallel_loop3A_375] {strides = array<i32>} : memref<8x2048xf32, #tpu.memory_space<vmem>>, vector<1x16xf32>,
        %parallel_loop3A_377 = vector.shape_cast %parallel_loop3A_376 : vector<1x16xf32> to vector<16xf32>
        %parallel_loop3A_378 = arith.addf %parallel_loop3A_372, %parallel_loop3A_377 : vector<16xf32>
        %parallel_loop3A_379 = arith.constant 3 : i32
        %parallel_loop3A_380 = arith.index_cast %parallel_loop3A_379 : i32 to index
        %parallel_loop3A_381 = arith.index_cast %parallel_loop3A_316 : i32 to index
        %parallel_loop3A_382 = tpu.vector_load %arg12[%parallel_loop3A_380, %parallel_loop3A_381] {strides = array<i32>} : memref<8x2048xf32, #tpu.memory_space<vmem>>, vector<1x16xf32>,
        %parallel_loop3A_383 = vector.shape_cast %parallel_loop3A_382 : vector<1x16xf32> to vector<16xf32>
        %parallel_loop3A_384 = vector.shape_cast %parallel_loop3A_378 : vector<16xf32> to vector<1x16xf32>
        tpu.vector_store %arg12[%parallel_loop3A_380, %parallel_loop3A_381], %parallel_loop3A_384 {strides = array<i32>} : memref<8x2048xf32, #tpu.memory_space<vmem>>, vector<1x16xf32>,
        %parallel_loop3A_385 = arith.constant 4 : i32
        %parallel_loop3A_386 = arith.index_cast %parallel_loop3A_385 : i32 to index
        %parallel_loop3A_387 = arith.index_cast %parallel_loop3A_316 : i32 to index
        %parallel_loop3A_388 = tpu.vector_load %arg8[%parallel_loop3A_386, %parallel_loop3A_387] {strides = array<i32>} : memref<8x2048xf32, #tpu.memory_space<vmem>>, vector<1x16xf32>,
        %parallel_loop3A_389 = vector.shape_cast %parallel_loop3A_388 : vector<1x16xf32> to vector<16xf32>
        %parallel_loop3A_390 = arith.constant 4 : i32
        %parallel_loop3A_391 = arith.index_cast %parallel_loop3A_390 : i32 to index
        %parallel_loop3A_392 = arith.index_cast %parallel_loop3A_316 : i32 to index
        %parallel_loop3A_393 = tpu.vector_load %arg9[%parallel_loop3A_391, %parallel_loop3A_392] {strides = array<i32>} : memref<8x2048xf32, #tpu.memory_space<vmem>>, vector<1x16xf32>,
        %parallel_loop3A_394 = vector.shape_cast %parallel_loop3A_393 : vector<1x16xf32> to vector<16xf32>
        %parallel_loop3A_395 = arith.addf %parallel_loop3A_389, %parallel_loop3A_394 : vector<16xf32>
        %parallel_loop3A_396 = arith.constant 4 : i32
        %parallel_loop3A_397 = arith.index_cast %parallel_loop3A_396 : i32 to index
        %parallel_loop3A_398 = arith.index_cast %parallel_loop3A_316 : i32 to index
        %parallel_loop3A_399 = tpu.vector_load %arg12[%parallel_loop3A_397, %parallel_loop3A_398] {strides = array<i32>} : memref<8x2048xf32, #tpu.memory_space<vmem>>, vector<1x16xf32>,
        %parallel_loop3A_400 = vector.shape_cast %parallel_loop3A_399 : vector<1x16xf32> to vector<16xf32>
        %parallel_loop3A_401 = vector.shape_cast %parallel_loop3A_395 : vector<16xf32> to vector<1x16xf32>
        tpu.vector_store %arg12[%parallel_loop3A_397, %parallel_loop3A_398], %parallel_loop3A_401 {strides = array<i32>} : memref<8x2048xf32, #tpu.memory_space<vmem>>, vector<1x16xf32>,
        %parallel_loop3A_402 = arith.constant 5 : i32
        %parallel_loop3A_403 = arith.index_cast %parallel_loop3A_402 : i32 to index
        %parallel_loop3A_404 = arith.index_cast %parallel_loop3A_316 : i32 to index
        %parallel_loop3A_405 = tpu.vector_load %arg8[%parallel_loop3A_403, %parallel_loop3A_404] {strides = array<i32>} : memref<8x2048xf32, #tpu.memory_space<vmem>>, vector<1x16xf32>,
        %parallel_loop3A_406 = vector.shape_cast %parallel_loop3A_405 : vector<1x16xf32> to vector<16xf32>
        %parallel_loop3A_407 = arith.constant 5 : i32
        %parallel_loop3A_408 = arith.index_cast %parallel_loop3A_407 : i32 to index
        %parallel_loop3A_409 = arith.index_cast %parallel_loop3A_316 : i32 to index
        %parallel_loop3A_410 = tpu.vector_load %arg9[%parallel_loop3A_408, %parallel_loop3A_409] {strides = array<i32>} : memref<8x2048xf32, #tpu.memory_space<vmem>>, vector<1x16xf32>,
        %parallel_loop3A_411 = vector.shape_cast %parallel_loop3A_410 : vector<1x16xf32> to vector<16xf32>
        %parallel_loop3A_412 = arith.addf %parallel_loop3A_406, %parallel_loop3A_411 : vector<16xf32>
        %parallel_loop3A_413 = arith.constant 5 : i32
        %parallel_loop3A_414 = arith.index_cast %parallel_loop3A_413 : i32 to index
        %parallel_loop3A_415 = arith.index_cast %parallel_loop3A_316 : i32 to index
        %parallel_loop3A_416 = tpu.vector_load %arg12[%parallel_loop3A_414, %parallel_loop3A_415] {strides = array<i32>} : memref<8x2048xf32, #tpu.memory_space<vmem>>, vector<1x16xf32>,
        %parallel_loop3A_417 = vector.shape_cast %parallel_loop3A_416 : vector<1x16xf32> to vector<16xf32>
        %parallel_loop3A_418 = vector.shape_cast %parallel_loop3A_412 : vector<16xf32> to vector<1x16xf32>
        tpu.vector_store %arg12[%parallel_loop3A_414, %parallel_loop3A_415], %parallel_loop3A_418 {strides = array<i32>} : memref<8x2048xf32, #tpu.memory_space<vmem>>, vector<1x16xf32>,
        %parallel_loop3A_419 = arith.constant 6 : i32
        %parallel_loop3A_420 = arith.index_cast %parallel_loop3A_419 : i32 to index
        %parallel_loop3A_421 = arith.index_cast %parallel_loop3A_316 : i32 to index
        %parallel_loop3A_422 = tpu.vector_load %arg8[%parallel_loop3A_420, %parallel_loop3A_421] {strides = array<i32>} : memref<8x2048xf32, #tpu.memory_space<vmem>>, vector<1x16xf32>,
        %parallel_loop3A_423 = vector.shape_cast %parallel_loop3A_422 : vector<1x16xf32> to vector<16xf32>
        %parallel_loop3A_424 = arith.constant 6 : i32
        %parallel_loop3A_425 = arith.index_cast %parallel_loop3A_424 : i32 to index
        %parallel_loop3A_426 = arith.index_cast %parallel_loop3A_316 : i32 to index
        %parallel_loop3A_427 = tpu.vector_load %arg9[%parallel_loop3A_425, %parallel_loop3A_426] {strides = array<i32>} : memref<8x2048xf32, #tpu.memory_space<vmem>>, vector<1x16xf32>,
        %parallel_loop3A_428 = vector.shape_cast %parallel_loop3A_427 : vector<1x16xf32> to vector<16xf32>
        %parallel_loop3A_429 = arith.addf %parallel_loop3A_423, %parallel_loop3A_428 : vector<16xf32>
        %parallel_loop3A_430 = arith.constant 6 : i32
        %parallel_loop3A_431 = arith.index_cast %parallel_loop3A_430 : i32 to index
        %parallel_loop3A_432 = arith.index_cast %parallel_loop3A_316 : i32 to index
        %parallel_loop3A_433 = tpu.vector_load %arg12[%parallel_loop3A_431, %parallel_loop3A_432] {strides = array<i32>} : memref<8x2048xf32, #tpu.memory_space<vmem>>, vector<1x16xf32>,
        %parallel_loop3A_434 = vector.shape_cast %parallel_loop3A_433 : vector<1x16xf32> to vector<16xf32>
        %parallel_loop3A_435 = vector.shape_cast %parallel_loop3A_429 : vector<16xf32> to vector<1x16xf32>
        tpu.vector_store %arg12[%parallel_loop3A_431, %parallel_loop3A_432], %parallel_loop3A_435 {strides = array<i32>} : memref<8x2048xf32, #tpu.memory_space<vmem>>, vector<1x16xf32>,
        %parallel_loop3A_436 = arith.constant 7 : i32
        %parallel_loop3A_437 = arith.index_cast %parallel_loop3A_436 : i32 to index
        %parallel_loop3A_438 = arith.index_cast %parallel_loop3A_316 : i32 to index
        %parallel_loop3A_439 = tpu.vector_load %arg8[%parallel_loop3A_437, %parallel_loop3A_438] {strides = array<i32>} : memref<8x2048xf32, #tpu.memory_space<vmem>>, vector<1x16xf32>,
        %parallel_loop3A_440 = vector.shape_cast %parallel_loop3A_439 : vector<1x16xf32> to vector<16xf32>
        %parallel_loop3A_441 = arith.constant 7 : i32
        %parallel_loop3A_442 = arith.index_cast %parallel_loop3A_441 : i32 to index
        %parallel_loop3A_443 = arith.index_cast %parallel_loop3A_316 : i32 to index
        %parallel_loop3A_444 = tpu.vector_load %arg9[%parallel_loop3A_442, %parallel_loop3A_443] {strides = array<i32>} : memref<8x2048xf32, #tpu.memory_space<vmem>>, vector<1x16xf32>,
        %parallel_loop3A_445 = vector.shape_cast %parallel_loop3A_444 : vector<1x16xf32> to vector<16xf32>
        %parallel_loop3A_446 = arith.addf %parallel_loop3A_440, %parallel_loop3A_445 : vector<16xf32>
        %parallel_loop3A_447 = arith.constant 7 : i32
        %parallel_loop3A_448 = arith.index_cast %parallel_loop3A_447 : i32 to index
        %parallel_loop3A_449 = arith.index_cast %parallel_loop3A_316 : i32 to index
        %parallel_loop3A_450 = tpu.vector_load %arg12[%parallel_loop3A_448, %parallel_loop3A_449] {strides = array<i32>} : memref<8x2048xf32, #tpu.memory_space<vmem>>, vector<1x16xf32>,
        %parallel_loop3A_451 = vector.shape_cast %parallel_loop3A_450 : vector<1x16xf32> to vector<16xf32>
        %parallel_loop3A_452 = vector.shape_cast %parallel_loop3A_446 : vector<16xf32> to vector<1x16xf32>
        tpu.vector_store %arg12[%parallel_loop3A_448, %parallel_loop3A_449], %parallel_loop3A_452 {strides = array<i32>} : memref<8x2048xf32, #tpu.memory_space<vmem>>, vector<1x16xf32>,
      } {sc.loop_unroll_factor = 2 : i64, sc.parallel_access}
      %add3A_156 = arith.constant 12288 : i32
      %add3A_157 = arith.addi %add3A_156, %mul3A_2 : i32
      %mul3A_158 = arith.constant 8 : i32
      %mul3A_159 = arith.muli %add3A_52, %mul3A_158 : i32
      %add3A_160 = arith.addi %add3A_157, %mul3A_159 : i32
      %dma_start3A_161 = arith.constant 0 : i32
      %dma_start3A_162 = tpu.memref_slice %arg5[%add3A_160, %dma_start3A_161] : memref<16384x2048xf32, #tpu.memory_space<hbm>> -> memref<8x2048xf32, #tpu.memory_space<hbm>>
      %dma_start3A_163 = arith.constant 0 : i32
      %dma_start3A_164 = tpu.memref_slice %arg5[%add3A_160, %dma_start3A_163] : memref<16384x2048xf32, #tpu.memory_space<hbm>> -> memref<8x2048xf32, #tpu.memory_space<hbm>>
      tpu.enqueue_dma source(%arg12 : memref<8x2048xf32, #tpu.memory_space<vmem>>) target(%dma_start3A_164 : memref<8x2048xf32, #tpu.memory_space<hbm>>) target_semaphore(%arg18 : memref<!tpu.dma_semaphore, #tpu.memory_space<semaphore_mem>>)
      %add3A_165 = arith.constant 1 : i32
      %add3A_166 = arith.addi %add3A_52, %add3A_165 : i32
      %lt3A_167 = arith.constant 16 : i32
      %lt3A_168 = arith.cmpi slt, %add3A_166, %lt3A_167 : i32
      %convert_element_type3A_169 = arith.extui %lt3A_168 : i1 to i32
      %cond3A_170 = arith.constant 0 : i32
      %cond3A_171 = arith.cmpi ne, %convert_element_type3A_169, %cond3A_170 : i32
      scf.if %cond3A_171 {
        %add3A_314 = arith.constant 1 : i32
        %add3A_315 = arith.addi %add3A_52, %add3A_314 : i32
        %mul3A_316 = arith.constant 8 : i32
        %mul3A_317 = arith.muli %add3A_315, %mul3A_316 : i32
        %add3A_318 = arith.constant 128 : i32
        %add3A_319 = arith.addi %add3A_318, %mul3A_317 : i32
        %dma_start3A_320 = tpu.memref_slice %arg6[%add3A_319] : memref<512xi32, #tpu.memory_space<vmem>> -> memref<8xi32, #tpu.memory_space<vmem>>
        %dma_start3A_321 = arith.constant 0 : i32
        %dma_start3A_322 = arith.constant 0 : i32
        %dma_start3A_323 = tpu.memref_slice %arg3[%dma_start3A_321, %dma_start3A_322] : memref<2048x2048xf32, #tpu.memory_space<hbm>> -> memref<2048x2048xf32, #tpu.memory_space<hbm>>
        tpu.enqueue_indirect_dma source(%dma_start3A_323 : memref<2048x2048xf32, #tpu.memory_space<hbm>>) target(%arg8 : memref<8x2048xf32, #tpu.memory_space<vmem>>) offsets(%dma_start3A_320 : memref<8xi32, #tpu.memory_space<vmem>>) semaphore(%arg14 : memref<!tpu.dma_semaphore, #tpu.memory_space<semaphore_mem>>)
      } else {
      }
      %add3A_172 = arith.constant 2 : i32
      %add3A_173 = arith.addi %add3A_52, %add3A_172 : i32
      %lt3A_174 = arith.constant 16 : i32
      %lt3A_175 = arith.cmpi slt, %add3A_173, %lt3A_174 : i32
      %convert_element_type3A_176 = arith.extui %lt3A_175 : i1 to i32
      %cond3A_177 = arith.constant 0 : i32
      %cond3A_178 = arith.cmpi ne, %convert_element_type3A_176, %cond3A_177 : i32
      scf.if %cond3A_178 {
        %add3A_314 = arith.constant 2 : i32
        %add3A_315 = arith.addi %add3A_52, %add3A_314 : i32
        %mul3A_316 = arith.constant 8 : i32
        %mul3A_317 = arith.muli %add3A_315, %mul3A_316 : i32
        %add3A_318 = arith.addi %mul3A_2, %mul3A_317 : i32
        %dma_start3A_319 = arith.constant 0 : i32
        %dma_start3A_320 = tpu.memref_slice %arg4[%add3A_318, %dma_start3A_319] : memref<4096x2048xf32, #tpu.memory_space<hbm>> -> memref<8x2048xf32, #tpu.memory_space<hbm>>
        %dma_start3A_321 = arith.constant 0 : i32
        %dma_start3A_322 = tpu.memref_slice %arg4[%add3A_318, %dma_start3A_321] : memref<4096x2048xf32, #tpu.memory_space<hbm>> -> memref<8x2048xf32, #tpu.memory_space<hbm>>
        tpu.enqueue_dma source(%dma_start3A_322 : memref<8x2048xf32, #tpu.memory_space<hbm>>) target(%arg9 : memref<8x2048xf32, #tpu.memory_space<vmem>>) target_semaphore(%arg15 : memref<!tpu.dma_semaphore, #tpu.memory_space<semaphore_mem>>)
      } else {
      }
      %mul3A_179 = arith.constant 2 : i32
      %mul3A_180 = arith.muli %scan3A_48, %mul3A_179 : i32
      %add3A_181 = arith.constant 1 : i32
      %add3A_182 = arith.addi %mul3A_180, %add3A_181 : i32
      %dma_wait3A_183 = arith.constant 0 : i32
      %dma_wait3A_184 = tpu.memref_slice %arg6[%dma_wait3A_183] : memref<512xi32, #tpu.memory_space<vmem>> -> memref<8xi32, #tpu.memory_space<vmem>>
      %dma_wait3A_185 = arith.constant 0 : i32
      %dma_wait3A_186 = arith.constant 0 : i32
      %dma_wait3A_187 = tpu.memref_slice %arg3[%dma_wait3A_185, %dma_wait3A_186] : memref<2048x2048xf32, #tpu.memory_space<hbm>> -> memref<2048x2048xf32, #tpu.memory_space<hbm>>
      tpu.wait_indirect_dma semaphore(%arg13 : memref<!tpu.dma_semaphore, #tpu.memory_space<semaphore_mem>>) src(%dma_wait3A_187 : memref<2048x2048xf32, #tpu.memory_space<hbm>>) dst(%arg7 : memref<8x2048xf32, #tpu.memory_space<vmem>>)
      %dma_wait3A_188 = arith.constant 0 : i32
      %dma_wait3A_189 = tpu.memref_slice %arg4[%mul3A_2, %dma_wait3A_188] : memref<4096x2048xf32, #tpu.memory_space<hbm>> -> memref<8x2048xf32, #tpu.memory_space<hbm>>
      %dma_wait3A_190 = arith.constant 0 : i32
      %dma_wait3A_191 = tpu.memref_slice %arg4[%mul3A_2, %dma_wait3A_190] : memref<4096x2048xf32, #tpu.memory_space<hbm>> -> memref<8x2048xf32, #tpu.memory_space<hbm>>
      tpu.wait_dma2 semaphore(%arg16 : memref<!tpu.dma_semaphore, #tpu.memory_space<semaphore_mem>>) src(%dma_wait3A_191 : memref<8x2048xf32, #tpu.memory_space<hbm>>) dst(%arg10 : memref<8x2048xf32, #tpu.memory_space<vmem>>)
      %gt3A_192 = arith.constant 0 : i32
      %gt3A_193 = arith.cmpi sgt, %add3A_182, %gt3A_192 : i32
      %convert_element_type3A_194 = arith.extui %gt3A_193 : i1 to i32
      %cond3A_195 = arith.constant 0 : i32
      %cond3A_196 = arith.cmpi ne, %convert_element_type3A_194, %cond3A_195 : i32
      scf.if %cond3A_196 {
        %dma_wait3A_314 = arith.constant 0 : i32
        %dma_wait3A_315 = arith.constant 0 : i32
        %dma_wait3A_316 = tpu.memref_slice %arg5[%dma_wait3A_314, %dma_wait3A_315] : memref<16384x2048xf32, #tpu.memory_space<hbm>> -> memref<8x2048xf32, #tpu.memory_space<hbm>>
        %dma_wait3A_317 = arith.constant 0 : i32
        %dma_wait3A_318 = arith.constant 0 : i32
        %dma_wait3A_319 = tpu.memref_slice %arg5[%dma_wait3A_317, %dma_wait3A_318] : memref<16384x2048xf32, #tpu.memory_space<hbm>> -> memref<8x2048xf32, #tpu.memory_space<hbm>>
        tpu.wait_dma2 semaphore(%arg17 : memref<!tpu.dma_semaphore, #tpu.memory_space<semaphore_mem>>) src(%arg11 : memref<8x2048xf32, #tpu.memory_space<vmem>>) dst(%dma_wait3A_319 : memref<8x2048xf32, #tpu.memory_space<hbm>>)
      } else {
      }
      %parallel_loop3A_197 = arith.constant 0 : i32
      %parallel_loop3A_198 = arith.constant 128 : i32
      %parallel_loop3A_199 = arith.constant 1 : i32
      scf.for %parallel_loop3A_314 = %parallel_loop3A_197 to %parallel_loop3A_198 step %parallel_loop3A_199  : i32 {
        %parallel_loop3A_315 = arith.constant 16 : i32
        %parallel_loop3A_316 = arith.muli %parallel_loop3A_314, %parallel_loop3A_315 : i32
        %parallel_loop3A_317 = arith.constant 0 : i32
        %parallel_loop3A_318 = arith.index_cast %parallel_loop3A_317 : i32 to index
        %parallel_loop3A_319 = arith.index_cast %parallel_loop3A_316 : i32 to index
        %parallel_loop3A_320 = tpu.vector_load %arg7[%parallel_loop3A_318, %parallel_loop3A_319] {strides = array<i32>} : memref<8x2048xf32, #tpu.memory_space<vmem>>, vector<1x16xf32>,
        %parallel_loop3A_321 = vector.shape_cast %parallel_loop3A_320 : vector<1x16xf32> to vector<16xf32>
        %parallel_loop3A_322 = arith.constant 0 : i32
        %parallel_loop3A_323 = arith.index_cast %parallel_loop3A_322 : i32 to index
        %parallel_loop3A_324 = arith.index_cast %parallel_loop3A_316 : i32 to index
        %parallel_loop3A_325 = tpu.vector_load %arg10[%parallel_loop3A_323, %parallel_loop3A_324] {strides = array<i32>} : memref<8x2048xf32, #tpu.memory_space<vmem>>, vector<1x16xf32>,
        %parallel_loop3A_326 = vector.shape_cast %parallel_loop3A_325 : vector<1x16xf32> to vector<16xf32>
        %parallel_loop3A_327 = arith.addf %parallel_loop3A_321, %parallel_loop3A_326 : vector<16xf32>
        %parallel_loop3A_328 = arith.constant 0 : i32
        %parallel_loop3A_329 = arith.index_cast %parallel_loop3A_328 : i32 to index
        %parallel_loop3A_330 = arith.index_cast %parallel_loop3A_316 : i32 to index
        %parallel_loop3A_331 = tpu.vector_load %arg11[%parallel_loop3A_329, %parallel_loop3A_330] {strides = array<i32>} : memref<8x2048xf32, #tpu.memory_space<vmem>>, vector<1x16xf32>,
        %parallel_loop3A_332 = vector.shape_cast %parallel_loop3A_331 : vector<1x16xf32> to vector<16xf32>
        %parallel_loop3A_333 = vector.shape_cast %parallel_loop3A_327 : vector<16xf32> to vector<1x16xf32>
        tpu.vector_store %arg11[%parallel_loop3A_329, %parallel_loop3A_330], %parallel_loop3A_333 {strides = array<i32>} : memref<8x2048xf32, #tpu.memory_space<vmem>>, vector<1x16xf32>,
        %parallel_loop3A_334 = arith.constant 1 : i32
        %parallel_loop3A_335 = arith.index_cast %parallel_loop3A_334 : i32 to index
        %parallel_loop3A_336 = arith.index_cast %parallel_loop3A_316 : i32 to index
        %parallel_loop3A_337 = tpu.vector_load %arg7[%parallel_loop3A_335, %parallel_loop3A_336] {strides = array<i32>} : memref<8x2048xf32, #tpu.memory_space<vmem>>, vector<1x16xf32>,
        %parallel_loop3A_338 = vector.shape_cast %parallel_loop3A_337 : vector<1x16xf32> to vector<16xf32>
        %parallel_loop3A_339 = arith.constant 1 : i32
        %parallel_loop3A_340 = arith.index_cast %parallel_loop3A_339 : i32 to index
        %parallel_loop3A_341 = arith.index_cast %parallel_loop3A_316 : i32 to index
        %parallel_loop3A_342 = tpu.vector_load %arg10[%parallel_loop3A_340, %parallel_loop3A_341] {strides = array<i32>} : memref<8x2048xf32, #tpu.memory_space<vmem>>, vector<1x16xf32>,
        %parallel_loop3A_343 = vector.shape_cast %parallel_loop3A_342 : vector<1x16xf32> to vector<16xf32>
        %parallel_loop3A_344 = arith.addf %parallel_loop3A_338, %parallel_loop3A_343 : vector<16xf32>
        %parallel_loop3A_345 = arith.constant 1 : i32
        %parallel_loop3A_346 = arith.index_cast %parallel_loop3A_345 : i32 to index
        %parallel_loop3A_347 = arith.index_cast %parallel_loop3A_316 : i32 to index
        %parallel_loop3A_348 = tpu.vector_load %arg11[%parallel_loop3A_346, %parallel_loop3A_347] {strides = array<i32>} : memref<8x2048xf32, #tpu.memory_space<vmem>>, vector<1x16xf32>,
        %parallel_loop3A_349 = vector.shape_cast %parallel_loop3A_348 : vector<1x16xf32> to vector<16xf32>
        %parallel_loop3A_350 = vector.shape_cast %parallel_loop3A_344 : vector<16xf32> to vector<1x16xf32>
        tpu.vector_store %arg11[%parallel_loop3A_346, %parallel_loop3A_347], %parallel_loop3A_350 {strides = array<i32>} : memref<8x2048xf32, #tpu.memory_space<vmem>>, vector<1x16xf32>,
        %parallel_loop3A_351 = arith.constant 2 : i32
        %parallel_loop3A_352 = arith.index_cast %parallel_loop3A_351 : i32 to index
        %parallel_loop3A_353 = arith.index_cast %parallel_loop3A_316 : i32 to index
        %parallel_loop3A_354 = tpu.vector_load %arg7[%parallel_loop3A_352, %parallel_loop3A_353] {strides = array<i32>} : memref<8x2048xf32, #tpu.memory_space<vmem>>, vector<1x16xf32>,
        %parallel_loop3A_355 = vector.shape_cast %parallel_loop3A_354 : vector<1x16xf32> to vector<16xf32>
        %parallel_loop3A_356 = arith.constant 2 : i32
        %parallel_loop3A_357 = arith.index_cast %parallel_loop3A_356 : i32 to index
        %parallel_loop3A_358 = arith.index_cast %parallel_loop3A_316 : i32 to index
        %parallel_loop3A_359 = tpu.vector_load %arg10[%parallel_loop3A_357, %parallel_loop3A_358] {strides = array<i32>} : memref<8x2048xf32, #tpu.memory_space<vmem>>, vector<1x16xf32>,
        %parallel_loop3A_360 = vector.shape_cast %parallel_loop3A_359 : vector<1x16xf32> to vector<16xf32>
        %parallel_loop3A_361 = arith.addf %parallel_loop3A_355, %parallel_loop3A_360 : vector<16xf32>
        %parallel_loop3A_362 = arith.constant 2 : i32
        %parallel_loop3A_363 = arith.index_cast %parallel_loop3A_362 : i32 to index
        %parallel_loop3A_364 = arith.index_cast %parallel_loop3A_316 : i32 to index
        %parallel_loop3A_365 = tpu.vector_load %arg11[%parallel_loop3A_363, %parallel_loop3A_364] {strides = array<i32>} : memref<8x2048xf32, #tpu.memory_space<vmem>>, vector<1x16xf32>,
        %parallel_loop3A_366 = vector.shape_cast %parallel_loop3A_365 : vector<1x16xf32> to vector<16xf32>
        %parallel_loop3A_367 = vector.shape_cast %parallel_loop3A_361 : vector<16xf32> to vector<1x16xf32>
        tpu.vector_store %arg11[%parallel_loop3A_363, %parallel_loop3A_364], %parallel_loop3A_367 {strides = array<i32>} : memref<8x2048xf32, #tpu.memory_space<vmem>>, vector<1x16xf32>,
        %parallel_loop3A_368 = arith.constant 3 : i32
        %parallel_loop3A_369 = arith.index_cast %parallel_loop3A_368 : i32 to index
        %parallel_loop3A_370 = arith.index_cast %parallel_loop3A_316 : i32 to index
        %parallel_loop3A_371 = tpu.vector_load %arg7[%parallel_loop3A_369, %parallel_loop3A_370] {strides = array<i32>} : memref<8x2048xf32, #tpu.memory_space<vmem>>, vector<1x16xf32>,
        %parallel_loop3A_372 = vector.shape_cast %parallel_loop3A_371 : vector<1x16xf32> to vector<16xf32>
        %parallel_loop3A_373 = arith.constant 3 : i32
        %parallel_loop3A_374 = arith.index_cast %parallel_loop3A_373 : i32 to index
        %parallel_loop3A_375 = arith.index_cast %parallel_loop3A_316 : i32 to index
        %parallel_loop3A_376 = tpu.vector_load %arg10[%parallel_loop3A_374, %parallel_loop3A_375] {strides = array<i32>} : memref<8x2048xf32, #tpu.memory_space<vmem>>, vector<1x16xf32>,
        %parallel_loop3A_377 = vector.shape_cast %parallel_loop3A_376 : vector<1x16xf32> to vector<16xf32>
        %parallel_loop3A_378 = arith.addf %parallel_loop3A_372, %parallel_loop3A_377 : vector<16xf32>
        %parallel_loop3A_379 = arith.constant 3 : i32
        %parallel_loop3A_380 = arith.index_cast %parallel_loop3A_379 : i32 to index
        %parallel_loop3A_381 = arith.index_cast %parallel_loop3A_316 : i32 to index
        %parallel_loop3A_382 = tpu.vector_load %arg11[%parallel_loop3A_380, %parallel_loop3A_381] {strides = array<i32>} : memref<8x2048xf32, #tpu.memory_space<vmem>>, vector<1x16xf32>,
        %parallel_loop3A_383 = vector.shape_cast %parallel_loop3A_382 : vector<1x16xf32> to vector<16xf32>
        %parallel_loop3A_384 = vector.shape_cast %parallel_loop3A_378 : vector<16xf32> to vector<1x16xf32>
        tpu.vector_store %arg11[%parallel_loop3A_380, %parallel_loop3A_381], %parallel_loop3A_384 {strides = array<i32>} : memref<8x2048xf32, #tpu.memory_space<vmem>>, vector<1x16xf32>,
        %parallel_loop3A_385 = arith.constant 4 : i32
        %parallel_loop3A_386 = arith.index_cast %parallel_loop3A_385 : i32 to index
        %parallel_loop3A_387 = arith.index_cast %parallel_loop3A_316 : i32 to index
        %parallel_loop3A_388 = tpu.vector_load %arg7[%parallel_loop3A_386, %parallel_loop3A_387] {strides = array<i32>} : memref<8x2048xf32, #tpu.memory_space<vmem>>, vector<1x16xf32>,
        %parallel_loop3A_389 = vector.shape_cast %parallel_loop3A_388 : vector<1x16xf32> to vector<16xf32>
        %parallel_loop3A_390 = arith.constant 4 : i32
        %parallel_loop3A_391 = arith.index_cast %parallel_loop3A_390 : i32 to index
        %parallel_loop3A_392 = arith.index_cast %parallel_loop3A_316 : i32 to index
        %parallel_loop3A_393 = tpu.vector_load %arg10[%parallel_loop3A_391, %parallel_loop3A_392] {strides = array<i32>} : memref<8x2048xf32, #tpu.memory_space<vmem>>, vector<1x16xf32>,
        %parallel_loop3A_394 = vector.shape_cast %parallel_loop3A_393 : vector<1x16xf32> to vector<16xf32>
        %parallel_loop3A_395 = arith.addf %parallel_loop3A_389, %parallel_loop3A_394 : vector<16xf32>
        %parallel_loop3A_396 = arith.constant 4 : i32
        %parallel_loop3A_397 = arith.index_cast %parallel_loop3A_396 : i32 to index
        %parallel_loop3A_398 = arith.index_cast %parallel_loop3A_316 : i32 to index
        %parallel_loop3A_399 = tpu.vector_load %arg11[%parallel_loop3A_397, %parallel_loop3A_398] {strides = array<i32>} : memref<8x2048xf32, #tpu.memory_space<vmem>>, vector<1x16xf32>,
        %parallel_loop3A_400 = vector.shape_cast %parallel_loop3A_399 : vector<1x16xf32> to vector<16xf32>
        %parallel_loop3A_401 = vector.shape_cast %parallel_loop3A_395 : vector<16xf32> to vector<1x16xf32>
        tpu.vector_store %arg11[%parallel_loop3A_397, %parallel_loop3A_398], %parallel_loop3A_401 {strides = array<i32>} : memref<8x2048xf32, #tpu.memory_space<vmem>>, vector<1x16xf32>,
        %parallel_loop3A_402 = arith.constant 5 : i32
        %parallel_loop3A_403 = arith.index_cast %parallel_loop3A_402 : i32 to index
        %parallel_loop3A_404 = arith.index_cast %parallel_loop3A_316 : i32 to index
        %parallel_loop3A_405 = tpu.vector_load %arg7[%parallel_loop3A_403, %parallel_loop3A_404] {strides = array<i32>} : memref<8x2048xf32, #tpu.memory_space<vmem>>, vector<1x16xf32>,
        %parallel_loop3A_406 = vector.shape_cast %parallel_loop3A_405 : vector<1x16xf32> to vector<16xf32>
        %parallel_loop3A_407 = arith.constant 5 : i32
        %parallel_loop3A_408 = arith.index_cast %parallel_loop3A_407 : i32 to index
        %parallel_loop3A_409 = arith.index_cast %parallel_loop3A_316 : i32 to index
        %parallel_loop3A_410 = tpu.vector_load %arg10[%parallel_loop3A_408, %parallel_loop3A_409] {strides = array<i32>} : memref<8x2048xf32, #tpu.memory_space<vmem>>, vector<1x16xf32>,
        %parallel_loop3A_411 = vector.shape_cast %parallel_loop3A_410 : vector<1x16xf32> to vector<16xf32>
        %parallel_loop3A_412 = arith.addf %parallel_loop3A_406, %parallel_loop3A_411 : vector<16xf32>
        %parallel_loop3A_413 = arith.constant 5 : i32
        %parallel_loop3A_414 = arith.index_cast %parallel_loop3A_413 : i32 to index
        %parallel_loop3A_415 = arith.index_cast %parallel_loop3A_316 : i32 to index
        %parallel_loop3A_416 = tpu.vector_load %arg11[%parallel_loop3A_414, %parallel_loop3A_415] {strides = array<i32>} : memref<8x2048xf32, #tpu.memory_space<vmem>>, vector<1x16xf32>,
        %parallel_loop3A_417 = vector.shape_cast %parallel_loop3A_416 : vector<1x16xf32> to vector<16xf32>
        %parallel_loop3A_418 = vector.shape_cast %parallel_loop3A_412 : vector<16xf32> to vector<1x16xf32>
        tpu.vector_store %arg11[%parallel_loop3A_414, %parallel_loop3A_415], %parallel_loop3A_418 {strides = array<i32>} : memref<8x2048xf32, #tpu.memory_space<vmem>>, vector<1x16xf32>,
        %parallel_loop3A_419 = arith.constant 6 : i32
        %parallel_loop3A_420 = arith.index_cast %parallel_loop3A_419 : i32 to index
        %parallel_loop3A_421 = arith.index_cast %parallel_loop3A_316 : i32 to index
        %parallel_loop3A_422 = tpu.vector_load %arg7[%parallel_loop3A_420, %parallel_loop3A_421] {strides = array<i32>} : memref<8x2048xf32, #tpu.memory_space<vmem>>, vector<1x16xf32>,
        %parallel_loop3A_423 = vector.shape_cast %parallel_loop3A_422 : vector<1x16xf32> to vector<16xf32>
        %parallel_loop3A_424 = arith.constant 6 : i32
        %parallel_loop3A_425 = arith.index_cast %parallel_loop3A_424 : i32 to index
        %parallel_loop3A_426 = arith.index_cast %parallel_loop3A_316 : i32 to index
        %parallel_loop3A_427 = tpu.vector_load %arg10[%parallel_loop3A_425, %parallel_loop3A_426] {strides = array<i32>} : memref<8x2048xf32, #tpu.memory_space<vmem>>, vector<1x16xf32>,
        %parallel_loop3A_428 = vector.shape_cast %parallel_loop3A_427 : vector<1x16xf32> to vector<16xf32>
        %parallel_loop3A_429 = arith.addf %parallel_loop3A_423, %parallel_loop3A_428 : vector<16xf32>
        %parallel_loop3A_430 = arith.constant 6 : i32
        %parallel_loop3A_431 = arith.index_cast %parallel_loop3A_430 : i32 to index
        %parallel_loop3A_432 = arith.index_cast %parallel_loop3A_316 : i32 to index
        %parallel_loop3A_433 = tpu.vector_load %arg11[%parallel_loop3A_431, %parallel_loop3A_432] {strides = array<i32>} : memref<8x2048xf32, #tpu.memory_space<vmem>>, vector<1x16xf32>,
        %parallel_loop3A_434 = vector.shape_cast %parallel_loop3A_433 : vector<1x16xf32> to vector<16xf32>
        %parallel_loop3A_435 = vector.shape_cast %parallel_loop3A_429 : vector<16xf32> to vector<1x16xf32>
        tpu.vector_store %arg11[%parallel_loop3A_431, %parallel_loop3A_432], %parallel_loop3A_435 {strides = array<i32>} : memref<8x2048xf32, #tpu.memory_space<vmem>>, vector<1x16xf32>,
        %parallel_loop3A_436 = arith.constant 7 : i32
        %parallel_loop3A_437 = arith.index_cast %parallel_loop3A_436 : i32 to index
        %parallel_loop3A_438 = arith.index_cast %parallel_loop3A_316 : i32 to index
        %parallel_loop3A_439 = tpu.vector_load %arg7[%parallel_loop3A_437, %parallel_loop3A_438] {strides = array<i32>} : memref<8x2048xf32, #tpu.memory_space<vmem>>, vector<1x16xf32>,
        %parallel_loop3A_440 = vector.shape_cast %parallel_loop3A_439 : vector<1x16xf32> to vector<16xf32>
        %parallel_loop3A_441 = arith.constant 7 : i32
        %parallel_loop3A_442 = arith.index_cast %parallel_loop3A_441 : i32 to index
        %parallel_loop3A_443 = arith.index_cast %parallel_loop3A_316 : i32 to index
        %parallel_loop3A_444 = tpu.vector_load %arg10[%parallel_loop3A_442, %parallel_loop3A_443] {strides = array<i32>} : memref<8x2048xf32, #tpu.memory_space<vmem>>, vector<1x16xf32>,
        %parallel_loop3A_445 = vector.shape_cast %parallel_loop3A_444 : vector<1x16xf32> to vector<16xf32>
        %parallel_loop3A_446 = arith.addf %parallel_loop3A_440, %parallel_loop3A_445 : vector<16xf32>
        %parallel_loop3A_447 = arith.constant 7 : i32
        %parallel_loop3A_448 = arith.index_cast %parallel_loop3A_447 : i32 to index
        %parallel_loop3A_449 = arith.index_cast %parallel_loop3A_316 : i32 to index
        %parallel_loop3A_450 = tpu.vector_load %arg11[%parallel_loop3A_448, %parallel_loop3A_449] {strides = array<i32>} : memref<8x2048xf32, #tpu.memory_space<vmem>>, vector<1x16xf32>,
        %parallel_loop3A_451 = vector.shape_cast %parallel_loop3A_450 : vector<1x16xf32> to vector<16xf32>
        %parallel_loop3A_452 = vector.shape_cast %parallel_loop3A_446 : vector<16xf32> to vector<1x16xf32>
        tpu.vector_store %arg11[%parallel_loop3A_448, %parallel_loop3A_449], %parallel_loop3A_452 {strides = array<i32>} : memref<8x2048xf32, #tpu.memory_space<vmem>>, vector<1x16xf32>,
      } {sc.loop_unroll_factor = 2 : i64, sc.parallel_access}
      %add3A_200 = arith.constant 0 : i32
      %add3A_201 = arith.addi %add3A_200, %mul3A_2 : i32
      %mul3A_202 = arith.constant 8 : i32
      %mul3A_203 = arith.muli %add3A_182, %mul3A_202 : i32
      %add3A_204 = arith.addi %add3A_201, %mul3A_203 : i32
      %dma_start3A_205 = arith.constant 0 : i32
      %dma_start3A_206 = tpu.memref_slice %arg5[%add3A_204, %dma_start3A_205] : memref<16384x2048xf32, #tpu.memory_space<hbm>> -> memref<8x2048xf32, #tpu.memory_space<hbm>>
      %dma_start3A_207 = arith.constant 0 : i32
      %dma_start3A_208 = tpu.memref_slice %arg5[%add3A_204, %dma_start3A_207] : memref<16384x2048xf32, #tpu.memory_space<hbm>> -> memref<8x2048xf32, #tpu.memory_space<hbm>>
      tpu.enqueue_dma source(%arg11 : memref<8x2048xf32, #tpu.memory_space<vmem>>) target(%dma_start3A_208 : memref<8x2048xf32, #tpu.memory_space<hbm>>) target_semaphore(%arg17 : memref<!tpu.dma_semaphore, #tpu.memory_space<semaphore_mem>>)
      %mul3A_209 = arith.constant 8 : i32
      %mul3A_210 = arith.muli %add3A_182, %mul3A_209 : i32
      %add3A_211 = arith.constant 256 : i32
      %add3A_212 = arith.addi %add3A_211, %mul3A_210 : i32
      %dma_start3A_213 = tpu.memref_slice %arg6[%add3A_212] : memref<512xi32, #tpu.memory_space<vmem>> -> memref<8xi32, #tpu.memory_space<vmem>>
      %dma_start3A_214 = arith.constant 0 : i32
      %dma_start3A_215 = arith.constant 0 : i32
      %dma_start3A_216 = tpu.memref_slice %arg3[%dma_start3A_214, %dma_start3A_215] : memref<2048x2048xf32, #tpu.memory_space<hbm>> -> memref<2048x2048xf32, #tpu.memory_space<hbm>>
      tpu.enqueue_indirect_dma source(%dma_start3A_216 : memref<2048x2048xf32, #tpu.memory_space<hbm>>) target(%arg7 : memref<8x2048xf32, #tpu.memory_space<vmem>>) offsets(%dma_start3A_213 : memref<8xi32, #tpu.memory_space<vmem>>) semaphore(%arg13 : memref<!tpu.dma_semaphore, #tpu.memory_space<semaphore_mem>>)
      %dma_wait3A_217 = arith.constant 0 : i32
      %dma_wait3A_218 = tpu.memref_slice %arg6[%dma_wait3A_217] : memref<512xi32, #tpu.memory_space<vmem>> -> memref<8xi32, #tpu.memory_space<vmem>>
      %dma_wait3A_219 = arith.constant 0 : i32
      %dma_wait3A_220 = arith.constant 0 : i32
      %dma_wait3A_221 = tpu.memref_slice %arg3[%dma_wait3A_219, %dma_wait3A_220] : memref<2048x2048xf32, #tpu.memory_space<hbm>> -> memref<2048x2048xf32, #tpu.memory_space<hbm>>
      tpu.wait_indirect_dma semaphore(%arg14 : memref<!tpu.dma_semaphore, #tpu.memory_space<semaphore_mem>>) src(%dma_wait3A_221 : memref<2048x2048xf32, #tpu.memory_space<hbm>>) dst(%arg8 : memref<8x2048xf32, #tpu.memory_space<vmem>>)
      %gt3A_222 = arith.constant 0 : i32
      %gt3A_223 = arith.cmpi sgt, %add3A_182, %gt3A_222 : i32
      %convert_element_type3A_224 = arith.extui %gt3A_223 : i1 to i32
      %cond3A_225 = arith.constant 0 : i32
      %cond3A_226 = arith.cmpi ne, %convert_element_type3A_224, %cond3A_225 : i32
      scf.if %cond3A_226 {
        %dma_wait3A_314 = arith.constant 0 : i32
        %dma_wait3A_315 = arith.constant 0 : i32
        %dma_wait3A_316 = tpu.memref_slice %arg5[%dma_wait3A_314, %dma_wait3A_315] : memref<16384x2048xf32, #tpu.memory_space<hbm>> -> memref<8x2048xf32, #tpu.memory_space<hbm>>
        %dma_wait3A_317 = arith.constant 0 : i32
        %dma_wait3A_318 = arith.constant 0 : i32
        %dma_wait3A_319 = tpu.memref_slice %arg5[%dma_wait3A_317, %dma_wait3A_318] : memref<16384x2048xf32, #tpu.memory_space<hbm>> -> memref<8x2048xf32, #tpu.memory_space<hbm>>
        tpu.wait_dma2 semaphore(%arg18 : memref<!tpu.dma_semaphore, #tpu.memory_space<semaphore_mem>>) src(%arg12 : memref<8x2048xf32, #tpu.memory_space<vmem>>) dst(%dma_wait3A_319 : memref<8x2048xf32, #tpu.memory_space<hbm>>)
      } else {
      }
      %parallel_loop3A_227 = arith.constant 0 : i32
      %parallel_loop3A_228 = arith.constant 128 : i32
      %parallel_loop3A_229 = arith.constant 1 : i32
      scf.for %parallel_loop3A_314 = %parallel_loop3A_227 to %parallel_loop3A_228 step %parallel_loop3A_229  : i32 {
        %parallel_loop3A_315 = arith.constant 16 : i32
        %parallel_loop3A_316 = arith.muli %parallel_loop3A_314, %parallel_loop3A_315 : i32
        %parallel_loop3A_317 = arith.constant 0 : i32
        %parallel_loop3A_318 = arith.index_cast %parallel_loop3A_317 : i32 to index
        %parallel_loop3A_319 = arith.index_cast %parallel_loop3A_316 : i32 to index
        %parallel_loop3A_320 = tpu.vector_load %arg8[%parallel_loop3A_318, %parallel_loop3A_319] {strides = array<i32>} : memref<8x2048xf32, #tpu.memory_space<vmem>>, vector<1x16xf32>,
        %parallel_loop3A_321 = vector.shape_cast %parallel_loop3A_320 : vector<1x16xf32> to vector<16xf32>
        %parallel_loop3A_322 = arith.constant 0 : i32
        %parallel_loop3A_323 = arith.index_cast %parallel_loop3A_322 : i32 to index
        %parallel_loop3A_324 = arith.index_cast %parallel_loop3A_316 : i32 to index
        %parallel_loop3A_325 = tpu.vector_load %arg10[%parallel_loop3A_323, %parallel_loop3A_324] {strides = array<i32>} : memref<8x2048xf32, #tpu.memory_space<vmem>>, vector<1x16xf32>,
        %parallel_loop3A_326 = vector.shape_cast %parallel_loop3A_325 : vector<1x16xf32> to vector<16xf32>
        %parallel_loop3A_327 = arith.addf %parallel_loop3A_321, %parallel_loop3A_326 : vector<16xf32>
        %parallel_loop3A_328 = arith.constant 0 : i32
        %parallel_loop3A_329 = arith.index_cast %parallel_loop3A_328 : i32 to index
        %parallel_loop3A_330 = arith.index_cast %parallel_loop3A_316 : i32 to index
        %parallel_loop3A_331 = tpu.vector_load %arg12[%parallel_loop3A_329, %parallel_loop3A_330] {strides = array<i32>} : memref<8x2048xf32, #tpu.memory_space<vmem>>, vector<1x16xf32>,
        %parallel_loop3A_332 = vector.shape_cast %parallel_loop3A_331 : vector<1x16xf32> to vector<16xf32>
        %parallel_loop3A_333 = vector.shape_cast %parallel_loop3A_327 : vector<16xf32> to vector<1x16xf32>
        tpu.vector_store %arg12[%parallel_loop3A_329, %parallel_loop3A_330], %parallel_loop3A_333 {strides = array<i32>} : memref<8x2048xf32, #tpu.memory_space<vmem>>, vector<1x16xf32>,
        %parallel_loop3A_334 = arith.constant 1 : i32
        %parallel_loop3A_335 = arith.index_cast %parallel_loop3A_334 : i32 to index
        %parallel_loop3A_336 = arith.index_cast %parallel_loop3A_316 : i32 to index
        %parallel_loop3A_337 = tpu.vector_load %arg8[%parallel_loop3A_335, %parallel_loop3A_336] {strides = array<i32>} : memref<8x2048xf32, #tpu.memory_space<vmem>>, vector<1x16xf32>,
        %parallel_loop3A_338 = vector.shape_cast %parallel_loop3A_337 : vector<1x16xf32> to vector<16xf32>
        %parallel_loop3A_339 = arith.constant 1 : i32
        %parallel_loop3A_340 = arith.index_cast %parallel_loop3A_339 : i32 to index
        %parallel_loop3A_341 = arith.index_cast %parallel_loop3A_316 : i32 to index
        %parallel_loop3A_342 = tpu.vector_load %arg10[%parallel_loop3A_340, %parallel_loop3A_341] {strides = array<i32>} : memref<8x2048xf32, #tpu.memory_space<vmem>>, vector<1x16xf32>,
        %parallel_loop3A_343 = vector.shape_cast %parallel_loop3A_342 : vector<1x16xf32> to vector<16xf32>
        %parallel_loop3A_344 = arith.addf %parallel_loop3A_338, %parallel_loop3A_343 : vector<16xf32>
        %parallel_loop3A_345 = arith.constant 1 : i32
        %parallel_loop3A_346 = arith.index_cast %parallel_loop3A_345 : i32 to index
        %parallel_loop3A_347 = arith.index_cast %parallel_loop3A_316 : i32 to index
        %parallel_loop3A_348 = tpu.vector_load %arg12[%parallel_loop3A_346, %parallel_loop3A_347] {strides = array<i32>} : memref<8x2048xf32, #tpu.memory_space<vmem>>, vector<1x16xf32>,
        %parallel_loop3A_349 = vector.shape_cast %parallel_loop3A_348 : vector<1x16xf32> to vector<16xf32>
        %parallel_loop3A_350 = vector.shape_cast %parallel_loop3A_344 : vector<16xf32> to vector<1x16xf32>
        tpu.vector_store %arg12[%parallel_loop3A_346, %parallel_loop3A_347], %parallel_loop3A_350 {strides = array<i32>} : memref<8x2048xf32, #tpu.memory_space<vmem>>, vector<1x16xf32>,
        %parallel_loop3A_351 = arith.constant 2 : i32
        %parallel_loop3A_352 = arith.index_cast %parallel_loop3A_351 : i32 to index
        %parallel_loop3A_353 = arith.index_cast %parallel_loop3A_316 : i32 to index
        %parallel_loop3A_354 = tpu.vector_load %arg8[%parallel_loop3A_352, %parallel_loop3A_353] {strides = array<i32>} : memref<8x2048xf32, #tpu.memory_space<vmem>>, vector<1x16xf32>,
        %parallel_loop3A_355 = vector.shape_cast %parallel_loop3A_354 : vector<1x16xf32> to vector<16xf32>
        %parallel_loop3A_356 = arith.constant 2 : i32
        %parallel_loop3A_357 = arith.index_cast %parallel_loop3A_356 : i32 to index
        %parallel_loop3A_358 = arith.index_cast %parallel_loop3A_316 : i32 to index
        %parallel_loop3A_359 = tpu.vector_load %arg10[%parallel_loop3A_357, %parallel_loop3A_358] {strides = array<i32>} : memref<8x2048xf32, #tpu.memory_space<vmem>>, vector<1x16xf32>,
        %parallel_loop3A_360 = vector.shape_cast %parallel_loop3A_359 : vector<1x16xf32> to vector<16xf32>
        %parallel_loop3A_361 = arith.addf %parallel_loop3A_355, %parallel_loop3A_360 : vector<16xf32>
        %parallel_loop3A_362 = arith.constant 2 : i32
        %parallel_loop3A_363 = arith.index_cast %parallel_loop3A_362 : i32 to index
        %parallel_loop3A_364 = arith.index_cast %parallel_loop3A_316 : i32 to index
        %parallel_loop3A_365 = tpu.vector_load %arg12[%parallel_loop3A_363, %parallel_loop3A_364] {strides = array<i32>} : memref<8x2048xf32, #tpu.memory_space<vmem>>, vector<1x16xf32>,
        %parallel_loop3A_366 = vector.shape_cast %parallel_loop3A_365 : vector<1x16xf32> to vector<16xf32>
        %parallel_loop3A_367 = vector.shape_cast %parallel_loop3A_361 : vector<16xf32> to vector<1x16xf32>
        tpu.vector_store %arg12[%parallel_loop3A_363, %parallel_loop3A_364], %parallel_loop3A_367 {strides = array<i32>} : memref<8x2048xf32, #tpu.memory_space<vmem>>, vector<1x16xf32>,
        %parallel_loop3A_368 = arith.constant 3 : i32
        %parallel_loop3A_369 = arith.index_cast %parallel_loop3A_368 : i32 to index
        %parallel_loop3A_370 = arith.index_cast %parallel_loop3A_316 : i32 to index
        %parallel_loop3A_371 = tpu.vector_load %arg8[%parallel_loop3A_369, %parallel_loop3A_370] {strides = array<i32>} : memref<8x2048xf32, #tpu.memory_space<vmem>>, vector<1x16xf32>,
        %parallel_loop3A_372 = vector.shape_cast %parallel_loop3A_371 : vector<1x16xf32> to vector<16xf32>
        %parallel_loop3A_373 = arith.constant 3 : i32
        %parallel_loop3A_374 = arith.index_cast %parallel_loop3A_373 : i32 to index
        %parallel_loop3A_375 = arith.index_cast %parallel_loop3A_316 : i32 to index
        %parallel_loop3A_376 = tpu.vector_load %arg10[%parallel_loop3A_374, %parallel_loop3A_375] {strides = array<i32>} : memref<8x2048xf32, #tpu.memory_space<vmem>>, vector<1x16xf32>,
        %parallel_loop3A_377 = vector.shape_cast %parallel_loop3A_376 : vector<1x16xf32> to vector<16xf32>
        %parallel_loop3A_378 = arith.addf %parallel_loop3A_372, %parallel_loop3A_377 : vector<16xf32>
        %parallel_loop3A_379 = arith.constant 3 : i32
        %parallel_loop3A_380 = arith.index_cast %parallel_loop3A_379 : i32 to index
        %parallel_loop3A_381 = arith.index_cast %parallel_loop3A_316 : i32 to index
        %parallel_loop3A_382 = tpu.vector_load %arg12[%parallel_loop3A_380, %parallel_loop3A_381] {strides = array<i32>} : memref<8x2048xf32, #tpu.memory_space<vmem>>, vector<1x16xf32>,
        %parallel_loop3A_383 = vector.shape_cast %parallel_loop3A_382 : vector<1x16xf32> to vector<16xf32>
        %parallel_loop3A_384 = vector.shape_cast %parallel_loop3A_378 : vector<16xf32> to vector<1x16xf32>
        tpu.vector_store %arg12[%parallel_loop3A_380, %parallel_loop3A_381], %parallel_loop3A_384 {strides = array<i32>} : memref<8x2048xf32, #tpu.memory_space<vmem>>, vector<1x16xf32>,
        %parallel_loop3A_385 = arith.constant 4 : i32
        %parallel_loop3A_386 = arith.index_cast %parallel_loop3A_385 : i32 to index
        %parallel_loop3A_387 = arith.index_cast %parallel_loop3A_316 : i32 to index
        %parallel_loop3A_388 = tpu.vector_load %arg8[%parallel_loop3A_386, %parallel_loop3A_387] {strides = array<i32>} : memref<8x2048xf32, #tpu.memory_space<vmem>>, vector<1x16xf32>,
        %parallel_loop3A_389 = vector.shape_cast %parallel_loop3A_388 : vector<1x16xf32> to vector<16xf32>
        %parallel_loop3A_390 = arith.constant 4 : i32
        %parallel_loop3A_391 = arith.index_cast %parallel_loop3A_390 : i32 to index
        %parallel_loop3A_392 = arith.index_cast %parallel_loop3A_316 : i32 to index
        %parallel_loop3A_393 = tpu.vector_load %arg10[%parallel_loop3A_391, %parallel_loop3A_392] {strides = array<i32>} : memref<8x2048xf32, #tpu.memory_space<vmem>>, vector<1x16xf32>,
        %parallel_loop3A_394 = vector.shape_cast %parallel_loop3A_393 : vector<1x16xf32> to vector<16xf32>
        %parallel_loop3A_395 = arith.addf %parallel_loop3A_389, %parallel_loop3A_394 : vector<16xf32>
        %parallel_loop3A_396 = arith.constant 4 : i32
        %parallel_loop3A_397 = arith.index_cast %parallel_loop3A_396 : i32 to index
        %parallel_loop3A_398 = arith.index_cast %parallel_loop3A_316 : i32 to index
        %parallel_loop3A_399 = tpu.vector_load %arg12[%parallel_loop3A_397, %parallel_loop3A_398] {strides = array<i32>} : memref<8x2048xf32, #tpu.memory_space<vmem>>, vector<1x16xf32>,
        %parallel_loop3A_400 = vector.shape_cast %parallel_loop3A_399 : vector<1x16xf32> to vector<16xf32>
        %parallel_loop3A_401 = vector.shape_cast %parallel_loop3A_395 : vector<16xf32> to vector<1x16xf32>
        tpu.vector_store %arg12[%parallel_loop3A_397, %parallel_loop3A_398], %parallel_loop3A_401 {strides = array<i32>} : memref<8x2048xf32, #tpu.memory_space<vmem>>, vector<1x16xf32>,
        %parallel_loop3A_402 = arith.constant 5 : i32
        %parallel_loop3A_403 = arith.index_cast %parallel_loop3A_402 : i32 to index
        %parallel_loop3A_404 = arith.index_cast %parallel_loop3A_316 : i32 to index
        %parallel_loop3A_405 = tpu.vector_load %arg8[%parallel_loop3A_403, %parallel_loop3A_404] {strides = array<i32>} : memref<8x2048xf32, #tpu.memory_space<vmem>>, vector<1x16xf32>,
        %parallel_loop3A_406 = vector.shape_cast %parallel_loop3A_405 : vector<1x16xf32> to vector<16xf32>
        %parallel_loop3A_407 = arith.constant 5 : i32
        %parallel_loop3A_408 = arith.index_cast %parallel_loop3A_407 : i32 to index
        %parallel_loop3A_409 = arith.index_cast %parallel_loop3A_316 : i32 to index
        %parallel_loop3A_410 = tpu.vector_load %arg10[%parallel_loop3A_408, %parallel_loop3A_409] {strides = array<i32>} : memref<8x2048xf32, #tpu.memory_space<vmem>>, vector<1x16xf32>,
        %parallel_loop3A_411 = vector.shape_cast %parallel_loop3A_410 : vector<1x16xf32> to vector<16xf32>
        %parallel_loop3A_412 = arith.addf %parallel_loop3A_406, %parallel_loop3A_411 : vector<16xf32>
        %parallel_loop3A_413 = arith.constant 5 : i32
        %parallel_loop3A_414 = arith.index_cast %parallel_loop3A_413 : i32 to index
        %parallel_loop3A_415 = arith.index_cast %parallel_loop3A_316 : i32 to index
        %parallel_loop3A_416 = tpu.vector_load %arg12[%parallel_loop3A_414, %parallel_loop3A_415] {strides = array<i32>} : memref<8x2048xf32, #tpu.memory_space<vmem>>, vector<1x16xf32>,
        %parallel_loop3A_417 = vector.shape_cast %parallel_loop3A_416 : vector<1x16xf32> to vector<16xf32>
        %parallel_loop3A_418 = vector.shape_cast %parallel_loop3A_412 : vector<16xf32> to vector<1x16xf32>
        tpu.vector_store %arg12[%parallel_loop3A_414, %parallel_loop3A_415], %parallel_loop3A_418 {strides = array<i32>} : memref<8x2048xf32, #tpu.memory_space<vmem>>, vector<1x16xf32>,
        %parallel_loop3A_419 = arith.constant 6 : i32
        %parallel_loop3A_420 = arith.index_cast %parallel_loop3A_419 : i32 to index
        %parallel_loop3A_421 = arith.index_cast %parallel_loop3A_316 : i32 to index
        %parallel_loop3A_422 = tpu.vector_load %arg8[%parallel_loop3A_420, %parallel_loop3A_421] {strides = array<i32>} : memref<8x2048xf32, #tpu.memory_space<vmem>>, vector<1x16xf32>,
        %parallel_loop3A_423 = vector.shape_cast %parallel_loop3A_422 : vector<1x16xf32> to vector<16xf32>
        %parallel_loop3A_424 = arith.constant 6 : i32
        %parallel_loop3A_425 = arith.index_cast %parallel_loop3A_424 : i32 to index
        %parallel_loop3A_426 = arith.index_cast %parallel_loop3A_316 : i32 to index
        %parallel_loop3A_427 = tpu.vector_load %arg10[%parallel_loop3A_425, %parallel_loop3A_426] {strides = array<i32>} : memref<8x2048xf32, #tpu.memory_space<vmem>>, vector<1x16xf32>,
        %parallel_loop3A_428 = vector.shape_cast %parallel_loop3A_427 : vector<1x16xf32> to vector<16xf32>
        %parallel_loop3A_429 = arith.addf %parallel_loop3A_423, %parallel_loop3A_428 : vector<16xf32>
        %parallel_loop3A_430 = arith.constant 6 : i32
        %parallel_loop3A_431 = arith.index_cast %parallel_loop3A_430 : i32 to index
        %parallel_loop3A_432 = arith.index_cast %parallel_loop3A_316 : i32 to index
        %parallel_loop3A_433 = tpu.vector_load %arg12[%parallel_loop3A_431, %parallel_loop3A_432] {strides = array<i32>} : memref<8x2048xf32, #tpu.memory_space<vmem>>, vector<1x16xf32>,
        %parallel_loop3A_434 = vector.shape_cast %parallel_loop3A_433 : vector<1x16xf32> to vector<16xf32>
        %parallel_loop3A_435 = vector.shape_cast %parallel_loop3A_429 : vector<16xf32> to vector<1x16xf32>
        tpu.vector_store %arg12[%parallel_loop3A_431, %parallel_loop3A_432], %parallel_loop3A_435 {strides = array<i32>} : memref<8x2048xf32, #tpu.memory_space<vmem>>, vector<1x16xf32>,
        %parallel_loop3A_436 = arith.constant 7 : i32
        %parallel_loop3A_437 = arith.index_cast %parallel_loop3A_436 : i32 to index
        %parallel_loop3A_438 = arith.index_cast %parallel_loop3A_316 : i32 to index
        %parallel_loop3A_439 = tpu.vector_load %arg8[%parallel_loop3A_437, %parallel_loop3A_438] {strides = array<i32>} : memref<8x2048xf32, #tpu.memory_space<vmem>>, vector<1x16xf32>,
        %parallel_loop3A_440 = vector.shape_cast %parallel_loop3A_439 : vector<1x16xf32> to vector<16xf32>
        %parallel_loop3A_441 = arith.constant 7 : i32
        %parallel_loop3A_442 = arith.index_cast %parallel_loop3A_441 : i32 to index
        %parallel_loop3A_443 = arith.index_cast %parallel_loop3A_316 : i32 to index
        %parallel_loop3A_444 = tpu.vector_load %arg10[%parallel_loop3A_442, %parallel_loop3A_443] {strides = array<i32>} : memref<8x2048xf32, #tpu.memory_space<vmem>>, vector<1x16xf32>,
        %parallel_loop3A_445 = vector.shape_cast %parallel_loop3A_444 : vector<1x16xf32> to vector<16xf32>
        %parallel_loop3A_446 = arith.addf %parallel_loop3A_440, %parallel_loop3A_445 : vector<16xf32>
        %parallel_loop3A_447 = arith.constant 7 : i32
        %parallel_loop3A_448 = arith.index_cast %parallel_loop3A_447 : i32 to index
        %parallel_loop3A_449 = arith.index_cast %parallel_loop3A_316 : i32 to index
        %parallel_loop3A_450 = tpu.vector_load %arg12[%parallel_loop3A_448, %parallel_loop3A_449] {strides = array<i32>} : memref<8x2048xf32, #tpu.memory_space<vmem>>, vector<1x16xf32>,
        %parallel_loop3A_451 = vector.shape_cast %parallel_loop3A_450 : vector<1x16xf32> to vector<16xf32>
        %parallel_loop3A_452 = vector.shape_cast %parallel_loop3A_446 : vector<16xf32> to vector<1x16xf32>
        tpu.vector_store %arg12[%parallel_loop3A_448, %parallel_loop3A_449], %parallel_loop3A_452 {strides = array<i32>} : memref<8x2048xf32, #tpu.memory_space<vmem>>, vector<1x16xf32>,
      } {sc.loop_unroll_factor = 2 : i64, sc.parallel_access}
      %add3A_230 = arith.constant 4096 : i32
      %add3A_231 = arith.addi %add3A_230, %mul3A_2 : i32
      %mul3A_232 = arith.constant 8 : i32
      %mul3A_233 = arith.muli %add3A_182, %mul3A_232 : i32
      %add3A_234 = arith.addi %add3A_231, %mul3A_233 : i32
      %dma_start3A_235 = arith.constant 0 : i32
      %dma_start3A_236 = tpu.memref_slice %arg5[%add3A_234, %dma_start3A_235] : memref<16384x2048xf32, #tpu.memory_space<hbm>> -> memref<8x2048xf32, #tpu.memory_space<hbm>>
      %dma_start3A_237 = arith.constant 0 : i32
      %dma_start3A_238 = tpu.memref_slice %arg5[%add3A_234, %dma_start3A_237] : memref<16384x2048xf32, #tpu.memory_space<hbm>> -> memref<8x2048xf32, #tpu.memory_space<hbm>>
      tpu.enqueue_dma source(%arg12 : memref<8x2048xf32, #tpu.memory_space<vmem>>) target(%dma_start3A_238 : memref<8x2048xf32, #tpu.memory_space<hbm>>) target_semaphore(%arg18 : memref<!tpu.dma_semaphore, #tpu.memory_space<semaphore_mem>>)
      %mul3A_239 = arith.constant 8 : i32
      %mul3A_240 = arith.muli %add3A_182, %mul3A_239 : i32
      %add3A_241 = arith.constant 384 : i32
      %add3A_242 = arith.addi %add3A_241, %mul3A_240 : i32
      %dma_start3A_243 = tpu.memref_slice %arg6[%add3A_242] : memref<512xi32, #tpu.memory_space<vmem>> -> memref<8xi32, #tpu.memory_space<vmem>>
      %dma_start3A_244 = arith.constant 0 : i32
      %dma_start3A_245 = arith.constant 0 : i32
      %dma_start3A_246 = tpu.memref_slice %arg3[%dma_start3A_244, %dma_start3A_245] : memref<2048x2048xf32, #tpu.memory_space<hbm>> -> memref<2048x2048xf32, #tpu.memory_space<hbm>>
      tpu.enqueue_indirect_dma source(%dma_start3A_246 : memref<2048x2048xf32, #tpu.memory_space<hbm>>) target(%arg8 : memref<8x2048xf32, #tpu.memory_space<vmem>>) offsets(%dma_start3A_243 : memref<8xi32, #tpu.memory_space<vmem>>) semaphore(%arg14 : memref<!tpu.dma_semaphore, #tpu.memory_space<semaphore_mem>>)
      %dma_wait3A_247 = arith.constant 0 : i32
      %dma_wait3A_248 = tpu.memref_slice %arg6[%dma_wait3A_247] : memref<512xi32, #tpu.memory_space<vmem>> -> memref<8xi32, #tpu.memory_space<vmem>>
      %dma_wait3A_249 = arith.constant 0 : i32
      %dma_wait3A_250 = arith.constant 0 : i32
      %dma_wait3A_251 = tpu.memref_slice %arg3[%dma_wait3A_249, %dma_wait3A_250] : memref<2048x2048xf32, #tpu.memory_space<hbm>> -> memref<2048x2048xf32, #tpu.memory_space<hbm>>
      tpu.wait_indirect_dma semaphore(%arg13 : memref<!tpu.dma_semaphore, #tpu.memory_space<semaphore_mem>>) src(%dma_wait3A_251 : memref<2048x2048xf32, #tpu.memory_space<hbm>>) dst(%arg7 : memref<8x2048xf32, #tpu.memory_space<vmem>>)
      %dma_wait3A_252 = arith.constant 0 : i32
      %dma_wait3A_253 = arith.constant 0 : i32
      %dma_wait3A_254 = tpu.memref_slice %arg5[%dma_wait3A_252, %dma_wait3A_253] : memref<16384x2048xf32, #tpu.memory_space<hbm>> -> memref<8x2048xf32, #tpu.memory_space<hbm>>
      %dma_wait3A_255 = arith.constant 0 : i32
      %dma_wait3A_256 = arith.constant 0 : i32
      %dma_wait3A_257 = tpu.memref_slice %arg5[%dma_wait3A_255, %dma_wait3A_256] : memref<16384x2048xf32, #tpu.memory_space<hbm>> -> memref<8x2048xf32, #tpu.memory_space<hbm>>
      tpu.wait_dma2 semaphore(%arg17 : memref<!tpu.dma_semaphore, #tpu.memory_space<semaphore_mem>>) src(%arg11 : memref<8x2048xf32, #tpu.memory_space<vmem>>) dst(%dma_wait3A_257 : memref<8x2048xf32, #tpu.memory_space<hbm>>)
      %parallel_loop3A_258 = arith.constant 0 : i32
      %parallel_loop3A_259 = arith.constant 128 : i32
      %parallel_loop3A_260 = arith.constant 1 : i32
      scf.for %parallel_loop3A_314 = %parallel_loop3A_258 to %parallel_loop3A_259 step %parallel_loop3A_260  : i32 {
        %parallel_loop3A_315 = arith.constant 16 : i32
        %parallel_loop3A_316 = arith.muli %parallel_loop3A_314, %parallel_loop3A_315 : i32
        %parallel_loop3A_317 = arith.constant 0 : i32
        %parallel_loop3A_318 = arith.index_cast %parallel_loop3A_317 : i32 to index
        %parallel_loop3A_319 = arith.index_cast %parallel_loop3A_316 : i32 to index
        %parallel_loop3A_320 = tpu.vector_load %arg7[%parallel_loop3A_318, %parallel_loop3A_319] {strides = array<i32>} : memref<8x2048xf32, #tpu.memory_space<vmem>>, vector<1x16xf32>,
        %parallel_loop3A_321 = vector.shape_cast %parallel_loop3A_320 : vector<1x16xf32> to vector<16xf32>
        %parallel_loop3A_322 = arith.constant 0 : i32
        %parallel_loop3A_323 = arith.index_cast %parallel_loop3A_322 : i32 to index
        %parallel_loop3A_324 = arith.index_cast %parallel_loop3A_316 : i32 to index
        %parallel_loop3A_325 = tpu.vector_load %arg10[%parallel_loop3A_323, %parallel_loop3A_324] {strides = array<i32>} : memref<8x2048xf32, #tpu.memory_space<vmem>>, vector<1x16xf32>,
        %parallel_loop3A_326 = vector.shape_cast %parallel_loop3A_325 : vector<1x16xf32> to vector<16xf32>
        %parallel_loop3A_327 = arith.addf %parallel_loop3A_321, %parallel_loop3A_326 : vector<16xf32>
        %parallel_loop3A_328 = arith.constant 0 : i32
        %parallel_loop3A_329 = arith.index_cast %parallel_loop3A_328 : i32 to index
        %parallel_loop3A_330 = arith.index_cast %parallel_loop3A_316 : i32 to index
        %parallel_loop3A_331 = tpu.vector_load %arg11[%parallel_loop3A_329, %parallel_loop3A_330] {strides = array<i32>} : memref<8x2048xf32, #tpu.memory_space<vmem>>, vector<1x16xf32>,
        %parallel_loop3A_332 = vector.shape_cast %parallel_loop3A_331 : vector<1x16xf32> to vector<16xf32>
        %parallel_loop3A_333 = vector.shape_cast %parallel_loop3A_327 : vector<16xf32> to vector<1x16xf32>
        tpu.vector_store %arg11[%parallel_loop3A_329, %parallel_loop3A_330], %parallel_loop3A_333 {strides = array<i32>} : memref<8x2048xf32, #tpu.memory_space<vmem>>, vector<1x16xf32>,
        %parallel_loop3A_334 = arith.constant 1 : i32
        %parallel_loop3A_335 = arith.index_cast %parallel_loop3A_334 : i32 to index
        %parallel_loop3A_336 = arith.index_cast %parallel_loop3A_316 : i32 to index
        %parallel_loop3A_337 = tpu.vector_load %arg7[%parallel_loop3A_335, %parallel_loop3A_336] {strides = array<i32>} : memref<8x2048xf32, #tpu.memory_space<vmem>>, vector<1x16xf32>,
        %parallel_loop3A_338 = vector.shape_cast %parallel_loop3A_337 : vector<1x16xf32> to vector<16xf32>
        %parallel_loop3A_339 = arith.constant 1 : i32
        %parallel_loop3A_340 = arith.index_cast %parallel_loop3A_339 : i32 to index
        %parallel_loop3A_341 = arith.index_cast %parallel_loop3A_316 : i32 to index
        %parallel_loop3A_342 = tpu.vector_load %arg10[%parallel_loop3A_340, %parallel_loop3A_341] {strides = array<i32>} : memref<8x2048xf32, #tpu.memory_space<vmem>>, vector<1x16xf32>,
        %parallel_loop3A_343 = vector.shape_cast %parallel_loop3A_342 : vector<1x16xf32> to vector<16xf32>
        %parallel_loop3A_344 = arith.addf %parallel_loop3A_338, %parallel_loop3A_343 : vector<16xf32>
        %parallel_loop3A_345 = arith.constant 1 : i32
        %parallel_loop3A_346 = arith.index_cast %parallel_loop3A_345 : i32 to index
        %parallel_loop3A_347 = arith.index_cast %parallel_loop3A_316 : i32 to index
        %parallel_loop3A_348 = tpu.vector_load %arg11[%parallel_loop3A_346, %parallel_loop3A_347] {strides = array<i32>} : memref<8x2048xf32, #tpu.memory_space<vmem>>, vector<1x16xf32>,
        %parallel_loop3A_349 = vector.shape_cast %parallel_loop3A_348 : vector<1x16xf32> to vector<16xf32>
        %parallel_loop3A_350 = vector.shape_cast %parallel_loop3A_344 : vector<16xf32> to vector<1x16xf32>
        tpu.vector_store %arg11[%parallel_loop3A_346, %parallel_loop3A_347], %parallel_loop3A_350 {strides = array<i32>} : memref<8x2048xf32, #tpu.memory_space<vmem>>, vector<1x16xf32>,
        %parallel_loop3A_351 = arith.constant 2 : i32
        %parallel_loop3A_352 = arith.index_cast %parallel_loop3A_351 : i32 to index
        %parallel_loop3A_353 = arith.index_cast %parallel_loop3A_316 : i32 to index
        %parallel_loop3A_354 = tpu.vector_load %arg7[%parallel_loop3A_352, %parallel_loop3A_353] {strides = array<i32>} : memref<8x2048xf32, #tpu.memory_space<vmem>>, vector<1x16xf32>,
        %parallel_loop3A_355 = vector.shape_cast %parallel_loop3A_354 : vector<1x16xf32> to vector<16xf32>
        %parallel_loop3A_356 = arith.constant 2 : i32
        %parallel_loop3A_357 = arith.index_cast %parallel_loop3A_356 : i32 to index
        %parallel_loop3A_358 = arith.index_cast %parallel_loop3A_316 : i32 to index
        %parallel_loop3A_359 = tpu.vector_load %arg10[%parallel_loop3A_357, %parallel_loop3A_358] {strides = array<i32>} : memref<8x2048xf32, #tpu.memory_space<vmem>>, vector<1x16xf32>,
        %parallel_loop3A_360 = vector.shape_cast %parallel_loop3A_359 : vector<1x16xf32> to vector<16xf32>
        %parallel_loop3A_361 = arith.addf %parallel_loop3A_355, %parallel_loop3A_360 : vector<16xf32>
        %parallel_loop3A_362 = arith.constant 2 : i32
        %parallel_loop3A_363 = arith.index_cast %parallel_loop3A_362 : i32 to index
        %parallel_loop3A_364 = arith.index_cast %parallel_loop3A_316 : i32 to index
        %parallel_loop3A_365 = tpu.vector_load %arg11[%parallel_loop3A_363, %parallel_loop3A_364] {strides = array<i32>} : memref<8x2048xf32, #tpu.memory_space<vmem>>, vector<1x16xf32>,
        %parallel_loop3A_366 = vector.shape_cast %parallel_loop3A_365 : vector<1x16xf32> to vector<16xf32>
        %parallel_loop3A_367 = vector.shape_cast %parallel_loop3A_361 : vector<16xf32> to vector<1x16xf32>
        tpu.vector_store %arg11[%parallel_loop3A_363, %parallel_loop3A_364], %parallel_loop3A_367 {strides = array<i32>} : memref<8x2048xf32, #tpu.memory_space<vmem>>, vector<1x16xf32>,
        %parallel_loop3A_368 = arith.constant 3 : i32
        %parallel_loop3A_369 = arith.index_cast %parallel_loop3A_368 : i32 to index
        %parallel_loop3A_370 = arith.index_cast %parallel_loop3A_316 : i32 to index
        %parallel_loop3A_371 = tpu.vector_load %arg7[%parallel_loop3A_369, %parallel_loop3A_370] {strides = array<i32>} : memref<8x2048xf32, #tpu.memory_space<vmem>>, vector<1x16xf32>,
        %parallel_loop3A_372 = vector.shape_cast %parallel_loop3A_371 : vector<1x16xf32> to vector<16xf32>
        %parallel_loop3A_373 = arith.constant 3 : i32
        %parallel_loop3A_374 = arith.index_cast %parallel_loop3A_373 : i32 to index
        %parallel_loop3A_375 = arith.index_cast %parallel_loop3A_316 : i32 to index
        %parallel_loop3A_376 = tpu.vector_load %arg10[%parallel_loop3A_374, %parallel_loop3A_375] {strides = array<i32>} : memref<8x2048xf32, #tpu.memory_space<vmem>>, vector<1x16xf32>,
        %parallel_loop3A_377 = vector.shape_cast %parallel_loop3A_376 : vector<1x16xf32> to vector<16xf32>
        %parallel_loop3A_378 = arith.addf %parallel_loop3A_372, %parallel_loop3A_377 : vector<16xf32>
        %parallel_loop3A_379 = arith.constant 3 : i32
        %parallel_loop3A_380 = arith.index_cast %parallel_loop3A_379 : i32 to index
        %parallel_loop3A_381 = arith.index_cast %parallel_loop3A_316 : i32 to index
        %parallel_loop3A_382 = tpu.vector_load %arg11[%parallel_loop3A_380, %parallel_loop3A_381] {strides = array<i32>} : memref<8x2048xf32, #tpu.memory_space<vmem>>, vector<1x16xf32>,
        %parallel_loop3A_383 = vector.shape_cast %parallel_loop3A_382 : vector<1x16xf32> to vector<16xf32>
        %parallel_loop3A_384 = vector.shape_cast %parallel_loop3A_378 : vector<16xf32> to vector<1x16xf32>
        tpu.vector_store %arg11[%parallel_loop3A_380, %parallel_loop3A_381], %parallel_loop3A_384 {strides = array<i32>} : memref<8x2048xf32, #tpu.memory_space<vmem>>, vector<1x16xf32>,
        %parallel_loop3A_385 = arith.constant 4 : i32
        %parallel_loop3A_386 = arith.index_cast %parallel_loop3A_385 : i32 to index
        %parallel_loop3A_387 = arith.index_cast %parallel_loop3A_316 : i32 to index
        %parallel_loop3A_388 = tpu.vector_load %arg7[%parallel_loop3A_386, %parallel_loop3A_387] {strides = array<i32>} : memref<8x2048xf32, #tpu.memory_space<vmem>>, vector<1x16xf32>,
        %parallel_loop3A_389 = vector.shape_cast %parallel_loop3A_388 : vector<1x16xf32> to vector<16xf32>
        %parallel_loop3A_390 = arith.constant 4 : i32
        %parallel_loop3A_391 = arith.index_cast %parallel_loop3A_390 : i32 to index
        %parallel_loop3A_392 = arith.index_cast %parallel_loop3A_316 : i32 to index
        %parallel_loop3A_393 = tpu.vector_load %arg10[%parallel_loop3A_391, %parallel_loop3A_392] {strides = array<i32>} : memref<8x2048xf32, #tpu.memory_space<vmem>>, vector<1x16xf32>,
        %parallel_loop3A_394 = vector.shape_cast %parallel_loop3A_393 : vector<1x16xf32> to vector<16xf32>
        %parallel_loop3A_395 = arith.addf %parallel_loop3A_389, %parallel_loop3A_394 : vector<16xf32>
        %parallel_loop3A_396 = arith.constant 4 : i32
        %parallel_loop3A_397 = arith.index_cast %parallel_loop3A_396 : i32 to index
        %parallel_loop3A_398 = arith.index_cast %parallel_loop3A_316 : i32 to index
        %parallel_loop3A_399 = tpu.vector_load %arg11[%parallel_loop3A_397, %parallel_loop3A_398] {strides = array<i32>} : memref<8x2048xf32, #tpu.memory_space<vmem>>, vector<1x16xf32>,
        %parallel_loop3A_400 = vector.shape_cast %parallel_loop3A_399 : vector<1x16xf32> to vector<16xf32>
        %parallel_loop3A_401 = vector.shape_cast %parallel_loop3A_395 : vector<16xf32> to vector<1x16xf32>
        tpu.vector_store %arg11[%parallel_loop3A_397, %parallel_loop3A_398], %parallel_loop3A_401 {strides = array<i32>} : memref<8x2048xf32, #tpu.memory_space<vmem>>, vector<1x16xf32>,
        %parallel_loop3A_402 = arith.constant 5 : i32
        %parallel_loop3A_403 = arith.index_cast %parallel_loop3A_402 : i32 to index
        %parallel_loop3A_404 = arith.index_cast %parallel_loop3A_316 : i32 to index
        %parallel_loop3A_405 = tpu.vector_load %arg7[%parallel_loop3A_403, %parallel_loop3A_404] {strides = array<i32>} : memref<8x2048xf32, #tpu.memory_space<vmem>>, vector<1x16xf32>,
        %parallel_loop3A_406 = vector.shape_cast %parallel_loop3A_405 : vector<1x16xf32> to vector<16xf32>
        %parallel_loop3A_407 = arith.constant 5 : i32
        %parallel_loop3A_408 = arith.index_cast %parallel_loop3A_407 : i32 to index
        %parallel_loop3A_409 = arith.index_cast %parallel_loop3A_316 : i32 to index
        %parallel_loop3A_410 = tpu.vector_load %arg10[%parallel_loop3A_408, %parallel_loop3A_409] {strides = array<i32>} : memref<8x2048xf32, #tpu.memory_space<vmem>>, vector<1x16xf32>,
        %parallel_loop3A_411 = vector.shape_cast %parallel_loop3A_410 : vector<1x16xf32> to vector<16xf32>
        %parallel_loop3A_412 = arith.addf %parallel_loop3A_406, %parallel_loop3A_411 : vector<16xf32>
        %parallel_loop3A_413 = arith.constant 5 : i32
        %parallel_loop3A_414 = arith.index_cast %parallel_loop3A_413 : i32 to index
        %parallel_loop3A_415 = arith.index_cast %parallel_loop3A_316 : i32 to index
        %parallel_loop3A_416 = tpu.vector_load %arg11[%parallel_loop3A_414, %parallel_loop3A_415] {strides = array<i32>} : memref<8x2048xf32, #tpu.memory_space<vmem>>, vector<1x16xf32>,
        %parallel_loop3A_417 = vector.shape_cast %parallel_loop3A_416 : vector<1x16xf32> to vector<16xf32>
        %parallel_loop3A_418 = vector.shape_cast %parallel_loop3A_412 : vector<16xf32> to vector<1x16xf32>
        tpu.vector_store %arg11[%parallel_loop3A_414, %parallel_loop3A_415], %parallel_loop3A_418 {strides = array<i32>} : memref<8x2048xf32, #tpu.memory_space<vmem>>, vector<1x16xf32>,
        %parallel_loop3A_419 = arith.constant 6 : i32
        %parallel_loop3A_420 = arith.index_cast %parallel_loop3A_419 : i32 to index
        %parallel_loop3A_421 = arith.index_cast %parallel_loop3A_316 : i32 to index
        %parallel_loop3A_422 = tpu.vector_load %arg7[%parallel_loop3A_420, %parallel_loop3A_421] {strides = array<i32>} : memref<8x2048xf32, #tpu.memory_space<vmem>>, vector<1x16xf32>,
        %parallel_loop3A_423 = vector.shape_cast %parallel_loop3A_422 : vector<1x16xf32> to vector<16xf32>
        %parallel_loop3A_424 = arith.constant 6 : i32
        %parallel_loop3A_425 = arith.index_cast %parallel_loop3A_424 : i32 to index
        %parallel_loop3A_426 = arith.index_cast %parallel_loop3A_316 : i32 to index
        %parallel_loop3A_427 = tpu.vector_load %arg10[%parallel_loop3A_425, %parallel_loop3A_426] {strides = array<i32>} : memref<8x2048xf32, #tpu.memory_space<vmem>>, vector<1x16xf32>,
        %parallel_loop3A_428 = vector.shape_cast %parallel_loop3A_427 : vector<1x16xf32> to vector<16xf32>
        %parallel_loop3A_429 = arith.addf %parallel_loop3A_423, %parallel_loop3A_428 : vector<16xf32>
        %parallel_loop3A_430 = arith.constant 6 : i32
        %parallel_loop3A_431 = arith.index_cast %parallel_loop3A_430 : i32 to index
        %parallel_loop3A_432 = arith.index_cast %parallel_loop3A_316 : i32 to index
        %parallel_loop3A_433 = tpu.vector_load %arg11[%parallel_loop3A_431, %parallel_loop3A_432] {strides = array<i32>} : memref<8x2048xf32, #tpu.memory_space<vmem>>, vector<1x16xf32>,
        %parallel_loop3A_434 = vector.shape_cast %parallel_loop3A_433 : vector<1x16xf32> to vector<16xf32>
        %parallel_loop3A_435 = vector.shape_cast %parallel_loop3A_429 : vector<16xf32> to vector<1x16xf32>
        tpu.vector_store %arg11[%parallel_loop3A_431, %parallel_loop3A_432], %parallel_loop3A_435 {strides = array<i32>} : memref<8x2048xf32, #tpu.memory_space<vmem>>, vector<1x16xf32>,
        %parallel_loop3A_436 = arith.constant 7 : i32
        %parallel_loop3A_437 = arith.index_cast %parallel_loop3A_436 : i32 to index
        %parallel_loop3A_438 = arith.index_cast %parallel_loop3A_316 : i32 to index
        %parallel_loop3A_439 = tpu.vector_load %arg7[%parallel_loop3A_437, %parallel_loop3A_438] {strides = array<i32>} : memref<8x2048xf32, #tpu.memory_space<vmem>>, vector<1x16xf32>,
        %parallel_loop3A_440 = vector.shape_cast %parallel_loop3A_439 : vector<1x16xf32> to vector<16xf32>
        %parallel_loop3A_441 = arith.constant 7 : i32
        %parallel_loop3A_442 = arith.index_cast %parallel_loop3A_441 : i32 to index
        %parallel_loop3A_443 = arith.index_cast %parallel_loop3A_316 : i32 to index
        %parallel_loop3A_444 = tpu.vector_load %arg10[%parallel_loop3A_442, %parallel_loop3A_443] {strides = array<i32>} : memref<8x2048xf32, #tpu.memory_space<vmem>>, vector<1x16xf32>,
        %parallel_loop3A_445 = vector.shape_cast %parallel_loop3A_444 : vector<1x16xf32> to vector<16xf32>
        %parallel_loop3A_446 = arith.addf %parallel_loop3A_440, %parallel_loop3A_445 : vector<16xf32>
        %parallel_loop3A_447 = arith.constant 7 : i32
        %parallel_loop3A_448 = arith.index_cast %parallel_loop3A_447 : i32 to index
        %parallel_loop3A_449 = arith.index_cast %parallel_loop3A_316 : i32 to index
        %parallel_loop3A_450 = tpu.vector_load %arg11[%parallel_loop3A_448, %parallel_loop3A_449] {strides = array<i32>} : memref<8x2048xf32, #tpu.memory_space<vmem>>, vector<1x16xf32>,
        %parallel_loop3A_451 = vector.shape_cast %parallel_loop3A_450 : vector<1x16xf32> to vector<16xf32>
        %parallel_loop3A_452 = vector.shape_cast %parallel_loop3A_446 : vector<16xf32> to vector<1x16xf32>
        tpu.vector_store %arg11[%parallel_loop3A_448, %parallel_loop3A_449], %parallel_loop3A_452 {strides = array<i32>} : memref<8x2048xf32, #tpu.memory_space<vmem>>, vector<1x16xf32>,
      } {sc.loop_unroll_factor = 2 : i64, sc.parallel_access}
      %add3A_261 = arith.constant 8192 : i32
      %add3A_262 = arith.addi %add3A_261, %mul3A_2 : i32
      %mul3A_263 = arith.constant 8 : i32
      %mul3A_264 = arith.muli %add3A_182, %mul3A_263 : i32
      %add3A_265 = arith.addi %add3A_262, %mul3A_264 : i32
      %dma_start3A_266 = arith.constant 0 : i32
      %dma_start3A_267 = tpu.memref_slice %arg5[%add3A_265, %dma_start3A_266] : memref<16384x2048xf32, #tpu.memory_space<hbm>> -> memref<8x2048xf32, #tpu.memory_space<hbm>>
      %dma_start3A_268 = arith.constant 0 : i32
      %dma_start3A_269 = tpu.memref_slice %arg5[%add3A_265, %dma_start3A_268] : memref<16384x2048xf32, #tpu.memory_space<hbm>> -> memref<8x2048xf32, #tpu.memory_space<hbm>>
      tpu.enqueue_dma source(%arg11 : memref<8x2048xf32, #tpu.memory_space<vmem>>) target(%dma_start3A_269 : memref<8x2048xf32, #tpu.memory_space<hbm>>) target_semaphore(%arg17 : memref<!tpu.dma_semaphore, #tpu.memory_space<semaphore_mem>>)
      %add3A_270 = arith.constant 1 : i32
      %add3A_271 = arith.addi %add3A_182, %add3A_270 : i32
      %lt3A_272 = arith.constant 16 : i32
      %lt3A_273 = arith.cmpi slt, %add3A_271, %lt3A_272 : i32
      %convert_element_type3A_274 = arith.extui %lt3A_273 : i1 to i32
      %cond3A_275 = arith.constant 0 : i32
      %cond3A_276 = arith.cmpi ne, %convert_element_type3A_274, %cond3A_275 : i32
      scf.if %cond3A_276 {
        %add3A_314 = arith.constant 1 : i32
        %add3A_315 = arith.addi %add3A_182, %add3A_314 : i32
        %mul3A_316 = arith.constant 8 : i32
        %mul3A_317 = arith.muli %add3A_315, %mul3A_316 : i32
        %add3A_318 = arith.constant 0 : i32
        %add3A_319 = arith.addi %add3A_318, %mul3A_317 : i32
        %dma_start3A_320 = tpu.memref_slice %arg6[%add3A_319] : memref<512xi32, #tpu.memory_space<vmem>> -> memref<8xi32, #tpu.memory_space<vmem>>
        %dma_start3A_321 = arith.constant 0 : i32
        %dma_start3A_322 = arith.constant 0 : i32
        %dma_start3A_323 = tpu.memref_slice %arg3[%dma_start3A_321, %dma_start3A_322] : memref<2048x2048xf32, #tpu.memory_space<hbm>> -> memref<2048x2048xf32, #tpu.memory_space<hbm>>
        tpu.enqueue_indirect_dma source(%dma_start3A_323 : memref<2048x2048xf32, #tpu.memory_space<hbm>>) target(%arg7 : memref<8x2048xf32, #tpu.memory_space<vmem>>) offsets(%dma_start3A_320 : memref<8xi32, #tpu.memory_space<vmem>>) semaphore(%arg13 : memref<!tpu.dma_semaphore, #tpu.memory_space<semaphore_mem>>)
      } else {
      }
      %dma_wait3A_277 = arith.constant 0 : i32
      %dma_wait3A_278 = tpu.memref_slice %arg6[%dma_wait3A_277] : memref<512xi32, #tpu.memory_space<vmem>> -> memref<8xi32, #tpu.memory_space<vmem>>
      %dma_wait3A_279 = arith.constant 0 : i32
      %dma_wait3A_280 = arith.constant 0 : i32
      %dma_wait3A_281 = tpu.memref_slice %arg3[%dma_wait3A_279, %dma_wait3A_280] : memref<2048x2048xf32, #tpu.memory_space<hbm>> -> memref<2048x2048xf32, #tpu.memory_space<hbm>>
      tpu.wait_indirect_dma semaphore(%arg14 : memref<!tpu.dma_semaphore, #tpu.memory_space<semaphore_mem>>) src(%dma_wait3A_281 : memref<2048x2048xf32, #tpu.memory_space<hbm>>) dst(%arg8 : memref<8x2048xf32, #tpu.memory_space<vmem>>)
      %dma_wait3A_282 = arith.constant 0 : i32
      %dma_wait3A_283 = arith.constant 0 : i32
      %dma_wait3A_284 = tpu.memref_slice %arg5[%dma_wait3A_282, %dma_wait3A_283] : memref<16384x2048xf32, #tpu.memory_space<hbm>> -> memref<8x2048xf32, #tpu.memory_space<hbm>>
      %dma_wait3A_285 = arith.constant 0 : i32
      %dma_wait3A_286 = arith.constant 0 : i32
      %dma_wait3A_287 = tpu.memref_slice %arg5[%dma_wait3A_285, %dma_wait3A_286] : memref<16384x2048xf32, #tpu.memory_space<hbm>> -> memref<8x2048xf32, #tpu.memory_space<hbm>>
      tpu.wait_dma2 semaphore(%arg18 : memref<!tpu.dma_semaphore, #tpu.memory_space<semaphore_mem>>) src(%arg12 : memref<8x2048xf32, #tpu.memory_space<vmem>>) dst(%dma_wait3A_287 : memref<8x2048xf32, #tpu.memory_space<hbm>>)
      %parallel_loop3A_288 = arith.constant 0 : i32
      %parallel_loop3A_289 = arith.constant 128 : i32
      %parallel_loop3A_290 = arith.constant 1 : i32
      scf.for %parallel_loop3A_314 = %parallel_loop3A_288 to %parallel_loop3A_289 step %parallel_loop3A_290  : i32 {
        %parallel_loop3A_315 = arith.constant 16 : i32
        %parallel_loop3A_316 = arith.muli %parallel_loop3A_314, %parallel_loop3A_315 : i32
        %parallel_loop3A_317 = arith.constant 0 : i32
        %parallel_loop3A_318 = arith.index_cast %parallel_loop3A_317 : i32 to index
        %parallel_loop3A_319 = arith.index_cast %parallel_loop3A_316 : i32 to index
        %parallel_loop3A_320 = tpu.vector_load %arg8[%parallel_loop3A_318, %parallel_loop3A_319] {strides = array<i32>} : memref<8x2048xf32, #tpu.memory_space<vmem>>, vector<1x16xf32>,
        %parallel_loop3A_321 = vector.shape_cast %parallel_loop3A_320 : vector<1x16xf32> to vector<16xf32>
        %parallel_loop3A_322 = arith.constant 0 : i32
        %parallel_loop3A_323 = arith.index_cast %parallel_loop3A_322 : i32 to index
        %parallel_loop3A_324 = arith.index_cast %parallel_loop3A_316 : i32 to index
        %parallel_loop3A_325 = tpu.vector_load %arg10[%parallel_loop3A_323, %parallel_loop3A_324] {strides = array<i32>} : memref<8x2048xf32, #tpu.memory_space<vmem>>, vector<1x16xf32>,
        %parallel_loop3A_326 = vector.shape_cast %parallel_loop3A_325 : vector<1x16xf32> to vector<16xf32>
        %parallel_loop3A_327 = arith.addf %parallel_loop3A_321, %parallel_loop3A_326 : vector<16xf32>
        %parallel_loop3A_328 = arith.constant 0 : i32
        %parallel_loop3A_329 = arith.index_cast %parallel_loop3A_328 : i32 to index
        %parallel_loop3A_330 = arith.index_cast %parallel_loop3A_316 : i32 to index
        %parallel_loop3A_331 = tpu.vector_load %arg12[%parallel_loop3A_329, %parallel_loop3A_330] {strides = array<i32>} : memref<8x2048xf32, #tpu.memory_space<vmem>>, vector<1x16xf32>,
        %parallel_loop3A_332 = vector.shape_cast %parallel_loop3A_331 : vector<1x16xf32> to vector<16xf32>
        %parallel_loop3A_333 = vector.shape_cast %parallel_loop3A_327 : vector<16xf32> to vector<1x16xf32>
        tpu.vector_store %arg12[%parallel_loop3A_329, %parallel_loop3A_330], %parallel_loop3A_333 {strides = array<i32>} : memref<8x2048xf32, #tpu.memory_space<vmem>>, vector<1x16xf32>,
        %parallel_loop3A_334 = arith.constant 1 : i32
        %parallel_loop3A_335 = arith.index_cast %parallel_loop3A_334 : i32 to index
        %parallel_loop3A_336 = arith.index_cast %parallel_loop3A_316 : i32 to index
        %parallel_loop3A_337 = tpu.vector_load %arg8[%parallel_loop3A_335, %parallel_loop3A_336] {strides = array<i32>} : memref<8x2048xf32, #tpu.memory_space<vmem>>, vector<1x16xf32>,
        %parallel_loop3A_338 = vector.shape_cast %parallel_loop3A_337 : vector<1x16xf32> to vector<16xf32>
        %parallel_loop3A_339 = arith.constant 1 : i32
        %parallel_loop3A_340 = arith.index_cast %parallel_loop3A_339 : i32 to index
        %parallel_loop3A_341 = arith.index_cast %parallel_loop3A_316 : i32 to index
        %parallel_loop3A_342 = tpu.vector_load %arg10[%parallel_loop3A_340, %parallel_loop3A_341] {strides = array<i32>} : memref<8x2048xf32, #tpu.memory_space<vmem>>, vector<1x16xf32>,
        %parallel_loop3A_343 = vector.shape_cast %parallel_loop3A_342 : vector<1x16xf32> to vector<16xf32>
        %parallel_loop3A_344 = arith.addf %parallel_loop3A_338, %parallel_loop3A_343 : vector<16xf32>
        %parallel_loop3A_345 = arith.constant 1 : i32
        %parallel_loop3A_346 = arith.index_cast %parallel_loop3A_345 : i32 to index
        %parallel_loop3A_347 = arith.index_cast %parallel_loop3A_316 : i32 to index
        %parallel_loop3A_348 = tpu.vector_load %arg12[%parallel_loop3A_346, %parallel_loop3A_347] {strides = array<i32>} : memref<8x2048xf32, #tpu.memory_space<vmem>>, vector<1x16xf32>,
        %parallel_loop3A_349 = vector.shape_cast %parallel_loop3A_348 : vector<1x16xf32> to vector<16xf32>
        %parallel_loop3A_350 = vector.shape_cast %parallel_loop3A_344 : vector<16xf32> to vector<1x16xf32>
        tpu.vector_store %arg12[%parallel_loop3A_346, %parallel_loop3A_347], %parallel_loop3A_350 {strides = array<i32>} : memref<8x2048xf32, #tpu.memory_space<vmem>>, vector<1x16xf32>,
        %parallel_loop3A_351 = arith.constant 2 : i32
        %parallel_loop3A_352 = arith.index_cast %parallel_loop3A_351 : i32 to index
        %parallel_loop3A_353 = arith.index_cast %parallel_loop3A_316 : i32 to index
        %parallel_loop3A_354 = tpu.vector_load %arg8[%parallel_loop3A_352, %parallel_loop3A_353] {strides = array<i32>} : memref<8x2048xf32, #tpu.memory_space<vmem>>, vector<1x16xf32>,
        %parallel_loop3A_355 = vector.shape_cast %parallel_loop3A_354 : vector<1x16xf32> to vector<16xf32>
        %parallel_loop3A_356 = arith.constant 2 : i32
        %parallel_loop3A_357 = arith.index_cast %parallel_loop3A_356 : i32 to index
        %parallel_loop3A_358 = arith.index_cast %parallel_loop3A_316 : i32 to index
        %parallel_loop3A_359 = tpu.vector_load %arg10[%parallel_loop3A_357, %parallel_loop3A_358] {strides = array<i32>} : memref<8x2048xf32, #tpu.memory_space<vmem>>, vector<1x16xf32>,
        %parallel_loop3A_360 = vector.shape_cast %parallel_loop3A_359 : vector<1x16xf32> to vector<16xf32>
        %parallel_loop3A_361 = arith.addf %parallel_loop3A_355, %parallel_loop3A_360 : vector<16xf32>
        %parallel_loop3A_362 = arith.constant 2 : i32
        %parallel_loop3A_363 = arith.index_cast %parallel_loop3A_362 : i32 to index
        %parallel_loop3A_364 = arith.index_cast %parallel_loop3A_316 : i32 to index
        %parallel_loop3A_365 = tpu.vector_load %arg12[%parallel_loop3A_363, %parallel_loop3A_364] {strides = array<i32>} : memref<8x2048xf32, #tpu.memory_space<vmem>>, vector<1x16xf32>,
        %parallel_loop3A_366 = vector.shape_cast %parallel_loop3A_365 : vector<1x16xf32> to vector<16xf32>
        %parallel_loop3A_367 = vector.shape_cast %parallel_loop3A_361 : vector<16xf32> to vector<1x16xf32>
        tpu.vector_store %arg12[%parallel_loop3A_363, %parallel_loop3A_364], %parallel_loop3A_367 {strides = array<i32>} : memref<8x2048xf32, #tpu.memory_space<vmem>>, vector<1x16xf32>,
        %parallel_loop3A_368 = arith.constant 3 : i32
        %parallel_loop3A_369 = arith.index_cast %parallel_loop3A_368 : i32 to index
        %parallel_loop3A_370 = arith.index_cast %parallel_loop3A_316 : i32 to index
        %parallel_loop3A_371 = tpu.vector_load %arg8[%parallel_loop3A_369, %parallel_loop3A_370] {strides = array<i32>} : memref<8x2048xf32, #tpu.memory_space<vmem>>, vector<1x16xf32>,
        %parallel_loop3A_372 = vector.shape_cast %parallel_loop3A_371 : vector<1x16xf32> to vector<16xf32>
        %parallel_loop3A_373 = arith.constant 3 : i32
        %parallel_loop3A_374 = arith.index_cast %parallel_loop3A_373 : i32 to index
        %parallel_loop3A_375 = arith.index_cast %parallel_loop3A_316 : i32 to index
        %parallel_loop3A_376 = tpu.vector_load %arg10[%parallel_loop3A_374, %parallel_loop3A_375] {strides = array<i32>} : memref<8x2048xf32, #tpu.memory_space<vmem>>, vector<1x16xf32>,
        %parallel_loop3A_377 = vector.shape_cast %parallel_loop3A_376 : vector<1x16xf32> to vector<16xf32>
        %parallel_loop3A_378 = arith.addf %parallel_loop3A_372, %parallel_loop3A_377 : vector<16xf32>
        %parallel_loop3A_379 = arith.constant 3 : i32
        %parallel_loop3A_380 = arith.index_cast %parallel_loop3A_379 : i32 to index
        %parallel_loop3A_381 = arith.index_cast %parallel_loop3A_316 : i32 to index
        %parallel_loop3A_382 = tpu.vector_load %arg12[%parallel_loop3A_380, %parallel_loop3A_381] {strides = array<i32>} : memref<8x2048xf32, #tpu.memory_space<vmem>>, vector<1x16xf32>,
        %parallel_loop3A_383 = vector.shape_cast %parallel_loop3A_382 : vector<1x16xf32> to vector<16xf32>
        %parallel_loop3A_384 = vector.shape_cast %parallel_loop3A_378 : vector<16xf32> to vector<1x16xf32>
        tpu.vector_store %arg12[%parallel_loop3A_380, %parallel_loop3A_381], %parallel_loop3A_384 {strides = array<i32>} : memref<8x2048xf32, #tpu.memory_space<vmem>>, vector<1x16xf32>,
        %parallel_loop3A_385 = arith.constant 4 : i32
        %parallel_loop3A_386 = arith.index_cast %parallel_loop3A_385 : i32 to index
        %parallel_loop3A_387 = arith.index_cast %parallel_loop3A_316 : i32 to index
        %parallel_loop3A_388 = tpu.vector_load %arg8[%parallel_loop3A_386, %parallel_loop3A_387] {strides = array<i32>} : memref<8x2048xf32, #tpu.memory_space<vmem>>, vector<1x16xf32>,
        %parallel_loop3A_389 = vector.shape_cast %parallel_loop3A_388 : vector<1x16xf32> to vector<16xf32>
        %parallel_loop3A_390 = arith.constant 4 : i32
        %parallel_loop3A_391 = arith.index_cast %parallel_loop3A_390 : i32 to index
        %parallel_loop3A_392 = arith.index_cast %parallel_loop3A_316 : i32 to index
        %parallel_loop3A_393 = tpu.vector_load %arg10[%parallel_loop3A_391, %parallel_loop3A_392] {strides = array<i32>} : memref<8x2048xf32, #tpu.memory_space<vmem>>, vector<1x16xf32>,
        %parallel_loop3A_394 = vector.shape_cast %parallel_loop3A_393 : vector<1x16xf32> to vector<16xf32>
        %parallel_loop3A_395 = arith.addf %parallel_loop3A_389, %parallel_loop3A_394 : vector<16xf32>
        %parallel_loop3A_396 = arith.constant 4 : i32
        %parallel_loop3A_397 = arith.index_cast %parallel_loop3A_396 : i32 to index
        %parallel_loop3A_398 = arith.index_cast %parallel_loop3A_316 : i32 to index
        %parallel_loop3A_399 = tpu.vector_load %arg12[%parallel_loop3A_397, %parallel_loop3A_398] {strides = array<i32>} : memref<8x2048xf32, #tpu.memory_space<vmem>>, vector<1x16xf32>,
        %parallel_loop3A_400 = vector.shape_cast %parallel_loop3A_399 : vector<1x16xf32> to vector<16xf32>
        %parallel_loop3A_401 = vector.shape_cast %parallel_loop3A_395 : vector<16xf32> to vector<1x16xf32>
        tpu.vector_store %arg12[%parallel_loop3A_397, %parallel_loop3A_398], %parallel_loop3A_401 {strides = array<i32>} : memref<8x2048xf32, #tpu.memory_space<vmem>>, vector<1x16xf32>,
        %parallel_loop3A_402 = arith.constant 5 : i32
        %parallel_loop3A_403 = arith.index_cast %parallel_loop3A_402 : i32 to index
        %parallel_loop3A_404 = arith.index_cast %parallel_loop3A_316 : i32 to index
        %parallel_loop3A_405 = tpu.vector_load %arg8[%parallel_loop3A_403, %parallel_loop3A_404] {strides = array<i32>} : memref<8x2048xf32, #tpu.memory_space<vmem>>, vector<1x16xf32>,
        %parallel_loop3A_406 = vector.shape_cast %parallel_loop3A_405 : vector<1x16xf32> to vector<16xf32>
        %parallel_loop3A_407 = arith.constant 5 : i32
        %parallel_loop3A_408 = arith.index_cast %parallel_loop3A_407 : i32 to index
        %parallel_loop3A_409 = arith.index_cast %parallel_loop3A_316 : i32 to index
        %parallel_loop3A_410 = tpu.vector_load %arg10[%parallel_loop3A_408, %parallel_loop3A_409] {strides = array<i32>} : memref<8x2048xf32, #tpu.memory_space<vmem>>, vector<1x16xf32>,
        %parallel_loop3A_411 = vector.shape_cast %parallel_loop3A_410 : vector<1x16xf32> to vector<16xf32>
        %parallel_loop3A_412 = arith.addf %parallel_loop3A_406, %parallel_loop3A_411 : vector<16xf32>
        %parallel_loop3A_413 = arith.constant 5 : i32
        %parallel_loop3A_414 = arith.index_cast %parallel_loop3A_413 : i32 to index
        %parallel_loop3A_415 = arith.index_cast %parallel_loop3A_316 : i32 to index
        %parallel_loop3A_416 = tpu.vector_load %arg12[%parallel_loop3A_414, %parallel_loop3A_415] {strides = array<i32>} : memref<8x2048xf32, #tpu.memory_space<vmem>>, vector<1x16xf32>,
        %parallel_loop3A_417 = vector.shape_cast %parallel_loop3A_416 : vector<1x16xf32> to vector<16xf32>
        %parallel_loop3A_418 = vector.shape_cast %parallel_loop3A_412 : vector<16xf32> to vector<1x16xf32>
        tpu.vector_store %arg12[%parallel_loop3A_414, %parallel_loop3A_415], %parallel_loop3A_418 {strides = array<i32>} : memref<8x2048xf32, #tpu.memory_space<vmem>>, vector<1x16xf32>,
        %parallel_loop3A_419 = arith.constant 6 : i32
        %parallel_loop3A_420 = arith.index_cast %parallel_loop3A_419 : i32 to index
        %parallel_loop3A_421 = arith.index_cast %parallel_loop3A_316 : i32 to index
        %parallel_loop3A_422 = tpu.vector_load %arg8[%parallel_loop3A_420, %parallel_loop3A_421] {strides = array<i32>} : memref<8x2048xf32, #tpu.memory_space<vmem>>, vector<1x16xf32>,
        %parallel_loop3A_423 = vector.shape_cast %parallel_loop3A_422 : vector<1x16xf32> to vector<16xf32>
        %parallel_loop3A_424 = arith.constant 6 : i32
        %parallel_loop3A_425 = arith.index_cast %parallel_loop3A_424 : i32 to index
        %parallel_loop3A_426 = arith.index_cast %parallel_loop3A_316 : i32 to index
        %parallel_loop3A_427 = tpu.vector_load %arg10[%parallel_loop3A_425, %parallel_loop3A_426] {strides = array<i32>} : memref<8x2048xf32, #tpu.memory_space<vmem>>, vector<1x16xf32>,
        %parallel_loop3A_428 = vector.shape_cast %parallel_loop3A_427 : vector<1x16xf32> to vector<16xf32>
        %parallel_loop3A_429 = arith.addf %parallel_loop3A_423, %parallel_loop3A_428 : vector<16xf32>
        %parallel_loop3A_430 = arith.constant 6 : i32
        %parallel_loop3A_431 = arith.index_cast %parallel_loop3A_430 : i32 to index
        %parallel_loop3A_432 = arith.index_cast %parallel_loop3A_316 : i32 to index
        %parallel_loop3A_433 = tpu.vector_load %arg12[%parallel_loop3A_431, %parallel_loop3A_432] {strides = array<i32>} : memref<8x2048xf32, #tpu.memory_space<vmem>>, vector<1x16xf32>,
        %parallel_loop3A_434 = vector.shape_cast %parallel_loop3A_433 : vector<1x16xf32> to vector<16xf32>
        %parallel_loop3A_435 = vector.shape_cast %parallel_loop3A_429 : vector<16xf32> to vector<1x16xf32>
        tpu.vector_store %arg12[%parallel_loop3A_431, %parallel_loop3A_432], %parallel_loop3A_435 {strides = array<i32>} : memref<8x2048xf32, #tpu.memory_space<vmem>>, vector<1x16xf32>,
        %parallel_loop3A_436 = arith.constant 7 : i32
        %parallel_loop3A_437 = arith.index_cast %parallel_loop3A_436 : i32 to index
        %parallel_loop3A_438 = arith.index_cast %parallel_loop3A_316 : i32 to index
        %parallel_loop3A_439 = tpu.vector_load %arg8[%parallel_loop3A_437, %parallel_loop3A_438] {strides = array<i32>} : memref<8x2048xf32, #tpu.memory_space<vmem>>, vector<1x16xf32>,
        %parallel_loop3A_440 = vector.shape_cast %parallel_loop3A_439 : vector<1x16xf32> to vector<16xf32>
        %parallel_loop3A_441 = arith.constant 7 : i32
        %parallel_loop3A_442 = arith.index_cast %parallel_loop3A_441 : i32 to index
        %parallel_loop3A_443 = arith.index_cast %parallel_loop3A_316 : i32 to index
        %parallel_loop3A_444 = tpu.vector_load %arg10[%parallel_loop3A_442, %parallel_loop3A_443] {strides = array<i32>} : memref<8x2048xf32, #tpu.memory_space<vmem>>, vector<1x16xf32>,
        %parallel_loop3A_445 = vector.shape_cast %parallel_loop3A_444 : vector<1x16xf32> to vector<16xf32>
        %parallel_loop3A_446 = arith.addf %parallel_loop3A_440, %parallel_loop3A_445 : vector<16xf32>
        %parallel_loop3A_447 = arith.constant 7 : i32
        %parallel_loop3A_448 = arith.index_cast %parallel_loop3A_447 : i32 to index
        %parallel_loop3A_449 = arith.index_cast %parallel_loop3A_316 : i32 to index
        %parallel_loop3A_450 = tpu.vector_load %arg12[%parallel_loop3A_448, %parallel_loop3A_449] {strides = array<i32>} : memref<8x2048xf32, #tpu.memory_space<vmem>>, vector<1x16xf32>,
        %parallel_loop3A_451 = vector.shape_cast %parallel_loop3A_450 : vector<1x16xf32> to vector<16xf32>
        %parallel_loop3A_452 = vector.shape_cast %parallel_loop3A_446 : vector<16xf32> to vector<1x16xf32>
        tpu.vector_store %arg12[%parallel_loop3A_448, %parallel_loop3A_449], %parallel_loop3A_452 {strides = array<i32>} : memref<8x2048xf32, #tpu.memory_space<vmem>>, vector<1x16xf32>,
      } {sc.loop_unroll_factor = 2 : i64, sc.parallel_access}
      %add3A_291 = arith.constant 12288 : i32
      %add3A_292 = arith.addi %add3A_291, %mul3A_2 : i32
      %mul3A_293 = arith.constant 8 : i32
      %mul3A_294 = arith.muli %add3A_182, %mul3A_293 : i32
      %add3A_295 = arith.addi %add3A_292, %mul3A_294 : i32
      %dma_start3A_296 = arith.constant 0 : i32
      %dma_start3A_297 = tpu.memref_slice %arg5[%add3A_295, %dma_start3A_296] : memref<16384x2048xf32, #tpu.memory_space<hbm>> -> memref<8x2048xf32, #tpu.memory_space<hbm>>
      %dma_start3A_298 = arith.constant 0 : i32
      %dma_start3A_299 = tpu.memref_slice %arg5[%add3A_295, %dma_start3A_298] : memref<16384x2048xf32, #tpu.memory_space<hbm>> -> memref<8x2048xf32, #tpu.memory_space<hbm>>
      tpu.enqueue_dma source(%arg12 : memref<8x2048xf32, #tpu.memory_space<vmem>>) target(%dma_start3A_299 : memref<8x2048xf32, #tpu.memory_space<hbm>>) target_semaphore(%arg18 : memref<!tpu.dma_semaphore, #tpu.memory_space<semaphore_mem>>)
      %add3A_300 = arith.constant 1 : i32
      %add3A_301 = arith.addi %add3A_182, %add3A_300 : i32
      %lt3A_302 = arith.constant 16 : i32
      %lt3A_303 = arith.cmpi slt, %add3A_301, %lt3A_302 : i32
      %convert_element_type3A_304 = arith.extui %lt3A_303 : i1 to i32
      %cond3A_305 = arith.constant 0 : i32
      %cond3A_306 = arith.cmpi ne, %convert_element_type3A_304, %cond3A_305 : i32
      scf.if %cond3A_306 {
        %add3A_314 = arith.constant 1 : i32
        %add3A_315 = arith.addi %add3A_182, %add3A_314 : i32
        %mul3A_316 = arith.constant 8 : i32
        %mul3A_317 = arith.muli %add3A_315, %mul3A_316 : i32
        %add3A_318 = arith.constant 128 : i32
        %add3A_319 = arith.addi %add3A_318, %mul3A_317 : i32
        %dma_start3A_320 = tpu.memref_slice %arg6[%add3A_319] : memref<512xi32, #tpu.memory_space<vmem>> -> memref<8xi32, #tpu.memory_space<vmem>>
        %dma_start3A_321 = arith.constant 0 : i32
        %dma_start3A_322 = arith.constant 0 : i32
        %dma_start3A_323 = tpu.memref_slice %arg3[%dma_start3A_321, %dma_start3A_322] : memref<2048x2048xf32, #tpu.memory_space<hbm>> -> memref<2048x2048xf32, #tpu.memory_space<hbm>>
        tpu.enqueue_indirect_dma source(%dma_start3A_323 : memref<2048x2048xf32, #tpu.memory_space<hbm>>) target(%arg8 : memref<8x2048xf32, #tpu.memory_space<vmem>>) offsets(%dma_start3A_320 : memref<8xi32, #tpu.memory_space<vmem>>) semaphore(%arg14 : memref<!tpu.dma_semaphore, #tpu.memory_space<semaphore_mem>>)
      } else {
      }
      %add3A_307 = arith.constant 2 : i32
      %add3A_308 = arith.addi %add3A_182, %add3A_307 : i32
      %lt3A_309 = arith.constant 16 : i32
      %lt3A_310 = arith.cmpi slt, %add3A_308, %lt3A_309 : i32
      %convert_element_type3A_311 = arith.extui %lt3A_310 : i1 to i32
      %cond3A_312 = arith.constant 0 : i32
      %cond3A_313 = arith.cmpi ne, %convert_element_type3A_311, %cond3A_312 : i32
      scf.if %cond3A_313 {
        %add3A_314 = arith.constant 2 : i32
        %add3A_315 = arith.addi %add3A_182, %add3A_314 : i32
        %mul3A_316 = arith.constant 8 : i32
        %mul3A_317 = arith.muli %add3A_315, %mul3A_316 : i32
        %add3A_318 = arith.addi %mul3A_2, %mul3A_317 : i32
        %dma_start3A_319 = arith.constant 0 : i32
        %dma_start3A_320 = tpu.memref_slice %arg4[%add3A_318, %dma_start3A_319] : memref<4096x2048xf32, #tpu.memory_space<hbm>> -> memref<8x2048xf32, #tpu.memory_space<hbm>>
        %dma_start3A_321 = arith.constant 0 : i32
        %dma_start3A_322 = tpu.memref_slice %arg4[%add3A_318, %dma_start3A_321] : memref<4096x2048xf32, #tpu.memory_space<hbm>> -> memref<8x2048xf32, #tpu.memory_space<hbm>>
        tpu.enqueue_dma source(%dma_start3A_322 : memref<8x2048xf32, #tpu.memory_space<hbm>>) target(%arg10 : memref<8x2048xf32, #tpu.memory_space<vmem>>) target_semaphore(%arg16 : memref<!tpu.dma_semaphore, #tpu.memory_space<semaphore_mem>>)
      } else {
      }
    }
    %scan3A_36 = arith.constant 8 : i32
    %dma_wait3A = arith.constant 0 : i32
    %dma_wait3A_37 = arith.constant 0 : i32
    %dma_wait3A_38 = tpu.memref_slice %arg5[%dma_wait3A, %dma_wait3A_37] : memref<16384x2048xf32, #tpu.memory_space<hbm>> -> memref<8x2048xf32, #tpu.memory_space<hbm>>
    %dma_wait3A_39 = arith.constant 0 : i32
    %dma_wait3A_40 = arith.constant 0 : i32
    %dma_wait3A_41 = tpu.memref_slice %arg5[%dma_wait3A_39, %dma_wait3A_40] : memref<16384x2048xf32, #tpu.memory_space<hbm>> -> memref<8x2048xf32, #tpu.memory_space<hbm>>
    tpu.wait_dma2 semaphore(%arg17 : memref<!tpu.dma_semaphore, #tpu.memory_space<semaphore_mem>>) src(%arg11 : memref<8x2048xf32, #tpu.memory_space<vmem>>) dst(%dma_wait3A_41 : memref<8x2048xf32, #tpu.memory_space<hbm>>)
    %dma_wait3A_42 = arith.constant 0 : i32
    %dma_wait3A_43 = arith.constant 0 : i32
    %dma_wait3A_44 = tpu.memref_slice %arg5[%dma_wait3A_42, %dma_wait3A_43] : memref<16384x2048xf32, #tpu.memory_space<hbm>> -> memref<8x2048xf32, #tpu.memory_space<hbm>>
    %dma_wait3A_45 = arith.constant 0 : i32
    %dma_wait3A_46 = arith.constant 0 : i32
    %dma_wait3A_47 = tpu.memref_slice %arg5[%dma_wait3A_45, %dma_wait3A_46] : memref<16384x2048xf32, #tpu.memory_space<hbm>> -> memref<8x2048xf32, #tpu.memory_space<hbm>>
    tpu.wait_dma2 semaphore(%arg18 : memref<!tpu.dma_semaphore, #tpu.memory_space<semaphore_mem>>) src(%arg12 : memref<8x2048xf32, #tpu.memory_space<vmem>>) dst(%dma_wait3A_47 : memref<8x2048xf32, #tpu.memory_space<hbm>>)
    return
  }
}

</mosaic_0001>

<sc_bundles>
// kernel: kernel.3.cloned.1.call-start
scs
__scs_entry_jumppad:
0x0: {  	(pc) =	sbr.rel $0x88, $3  }
0x1: {  	(tag) =	ssettag $0x0;
	lr =	simm.s32 $0x1  }
0x2: {  	[smem:$0x3F9F] =	sst lr;
	_ =	strace $0xD0000000  }
0x3: {  	_ = 	snop  }
0x4: {  	_ = 	snop  }
0x5: {  	_ = 	snop  }
0x6: {  	_ = 	snop  }
0x7: {  	_ = 	snop  }
__scs_overlays_trampoline_lowered:
0x8: {  	[smem:$0x3FAE] =	sst s0  }
0x9: {  	[smem:$0x3FAF] =	sst s1  }
0xa: {  	[smem:$0x3FB0] =	sst s2  }
0xb: {  	[smem:$0x3FB1] =	sst s3  }
0xc: {  	[smem:$0x3FB2] =	sst s4  }
0xd: {  	[smem:$0x3FB3] =	sst s5  }
0xe: {  	[smem:$0x3FB4] =	sst s6  }
0xf: {  	[smem:$0x3FB5] =	sst s7  }
0x10: {  	[smem:$0x3FB6] =	sst s8  }
0x11: {  	[smem:$0x3FB7] =	sst s9;
	s0 =	simm.s32 @!p0 $0x0  }
0x12: {  	s1 =	sld [smem:$0x3F9D];
	s0 =	simm.s32 @p0 $0x1  }
0x13: {  	[smem:$0x3FB8] =	sst s0;
	s0 =	simm.s32 @!p1 $0x0  }
0x14: {  	s2 =	sld [smem:$0x3F9C];
	s0 =	simm.s32 @p1 $0x1  }
0x15: {  	[smem:$0x3FB9] =	sst s0;
	s0 =	simm.s32 @!p2 $0x0  }
0x16: {  	s3 =	sld [smem:$0x3FDB];
	s0 =	simm.s32 @p2 $0x1  }
0x17: {  	s4 =	simm.s32 $0x1BF5;
	[smem:$0x3FBB] =	sst s0  }
0x18: {  	s0 =	sld [smem:$0x3F9E];
	_ =	swait.ge [sflag:s4], $0x0  }
0x19: {  	s7 =	sld [smem:$0x3F9F]  }
0x1a: {  	s8 =	sadd.s32 $0xFFFFE003, lr  }
0x1b: {  	s9 =	sadd.s32 $0xFFFFFEF7, lr;
	s5 =	simm.s32 $0xFFFFFFFF;
	p2 =	slt.u32 s8, $0xFFFFF086  }
0x1c: {  	p1 =	slt.u32 s9, $0xF7A;
	s5 =	simm.s32 @!p2 $0x0  }
0x1d: {  	s5 =	simm.s32 @p1 $0x1;
	p0 =	seq.s32 s7, s2  }
0x1e: {  	s7 =	smul.u32 @!p0 $0xF7A, s2;
	p2 =	seq.s32 @!p0 s5, $0x0  }
0x1f: {  	s9 =	smul.u32 $0xF7A, s1;
	s8 =	simm.s32 @!p0 $0x1BF5;
	p2 =	por !p2, p0  }
0x20: {  	[sflag:s8] =	ssyncset.s32 @!p0 $0xFFFFF086;
	s6 =	sadd.s32 @!p0 s3, s7;
	s7 =	simm.s32 @!p0 $0x108  }
0x21: {  	s3 =	sadd.s32 s3, s9;
	s6 =	sadd.s32 @!p0 $0x88, s6;
	s7 =	simm.s32 @p2 $0x1082  }
0x22: {  	[simem:s7], [sflag:s8] =	dma.local @!p0 [hbm:s6], $0xF7A  }
0x23: {  	s9 =	sor.u32 $0xD0000000, s2;
	s6 =	simm.s32 $0x108;
	_ =	swait.ge @!p0 [sflag:s8], $0x0  }
0x24: {  	s3 =	sadd.s32 $0x88, s3;
	s6 =	simm.s32 @!p1 $0x1082;
	[sflag:s4] =	ssyncset.s32 $0xFFFFF086  }
0x25: {  	[simem:s6], [sflag:s4] =	dma.local [hbm:s3], $0xF7A  }
0x26: {  	[smem:$0x3F9F] =	sst s1;
	(tag) =	ssettag s2;
	_ =	strace s9  }
0x27: {  	s1 =	sld [smem:$0x3FAF]  }
0x28: {  	s2 =	sld [smem:$0x3FB0]  }
0x29: {  	s4 =	sld [smem:$0x3FB2]  }
0x2a: {  	p0 =	seq.s32 s5, $0x0;
	s5 =	sld [smem:$0x3FB3]  }
0x2b: {  	s6 =	sld [smem:$0x3FB4]  }
0x2c: {  	s7 =	sld [smem:$0x3FB5]  }
0x2d: {  	s3 =	simm.s32 $0x108;
	s8 =	sld [smem:$0x3FB6]  }
0x2e: {  	s3 =	simm.s32 @!p0 $0x1082;
	s9 =	sld [smem:$0x3FB7]  }
0x2f: {  	lr =	sadd.s32 s0, s3;
	s0 =	sld [smem:$0x3FAE]  }
0x30: {  	s3 =	sld [smem:$0x3FB1]  }
0x31: {  	[smem:$0x3FBA] =	sst s10  }
0x32: {  	s10 =	sld [smem:$0x3FB8];
	_ =	sdelay $0x3  }
0x33: {  	p0 =	seq.s32 s10, $0x1;
	s10 =	sld [smem:$0x3FBA];
	_ =	sdelay $0x3  }
0x34: {  	[smem:$0x3FBA] =	sst s10  }
0x35: {  	s10 =	sld [smem:$0x3FB9];
	_ =	sdelay $0x3  }
0x36: {  	p1 =	seq.s32 s10, $0x1;
	s10 =	sld [smem:$0x3FBA];
	_ =	sdelay $0x3  }
0x37: {  	[smem:$0x3FBA] =	sst s10  }
0x38: {  	s10 =	sld [smem:$0x3FBB]  }
0x39: {  	_ = 	snop;
	(pc) =	sbr.ind lr, $3  }
0x3a: {  	_ = 	snop  }
0x3b: {  	_ = 	snop  }
0x3c: {  	p2 =	seq.s32 s10, $0x1;
	s10 =	sld [smem:$0x3FBA]  }
0x3d: {  	_ =	shalt  }
0x3e: {  	_ =	shalt  }
0x3f: {  	_ =	shalt  }
0x40: {  	_ =	shalt  }
0x41: {  	_ =	shalt  }
0x42: {  	_ =	shalt  }
0x43: {  	_ =	shalt  }
0x44: {  	_ =	shalt  }
0x45: {  	_ =	shalt  }
0x46: {  	_ =	shalt  }
0x47: {  	_ =	shalt  }
0x48: {  	_ =	shalt  }
0x49: {  	_ =	shalt  }
0x4a: {  	_ =	shalt  }
0x4b: {  	_ =	shalt  }
0x4c: {  	_ =	shalt  }
0x4d: {  	_ =	shalt  }
0x4e: {  	_ =	shalt  }
0x4f: {  	_ =	shalt  }
0x50: {  	_ =	shalt  }
0x51: {  	_ =	shalt  }
0x52: {  	_ =	shalt  }
0x53: {  	_ =	shalt  }
0x54: {  	_ =	shalt  }
0x55: {  	_ =	shalt  }
0x56: {  	_ =	shalt  }
0x57: {  	_ =	shalt  }
0x58: {  	_ =	shalt  }
0x59: {  	_ =	shalt  }
0x5a: {  	_ =	shalt  }
0x5b: {  	_ =	shalt  }
0x5c: {  	_ =	shalt  }
0x5d: {  	_ =	shalt  }
0x5e: {  	_ =	shalt  }
0x5f: {  	_ =	shalt  }
0x60: {  	_ =	shalt  }
0x61: {  	_ =	shalt  }
0x62: {  	_ =	shalt  }
0x63: {  	_ =	shalt  }
0x64: {  	_ =	shalt  }
0x65: {  	_ =	shalt  }
0x66: {  	_ =	shalt  }
0x67: {  	_ =	shalt  }
0x68: {  	_ =	shalt  }
0x69: {  	_ =	shalt  }
0x6a: {  	_ =	shalt  }
0x6b: {  	_ =	shalt  }
0x6c: {  	_ =	shalt  }
0x6d: {  	_ =	shalt  }
0x6e: {  	_ =	shalt  }
0x6f: {  	_ =	shalt  }
0x70: {  	_ =	shalt  }
0x71: {  	_ =	shalt  }
0x72: {  	_ =	shalt  }
0x73: {  	_ =	shalt  }
0x74: {  	_ =	shalt  }
0x75: {  	_ =	shalt  }
0x76: {  	_ =	shalt  }
0x77: {  	_ =	shalt  }
0x78: {  	_ =	shalt  }
0x79: {  	_ =	shalt  }
0x7a: {  	_ =	shalt  }
0x7b: {  	_ =	shalt  }
0x7c: {  	_ =	shalt  }
0x7d: {  	_ =	shalt  }
0x7e: {  	_ =	shalt  }
0x7f: {  	_ =	shalt  }
0x80: {  	_ =	shalt  }
0x81: {  	_ =	shalt  }
0x82: {  	_ =	shalt  }
0x83: {  	_ =	shalt  }
0x84: {  	_ =	shalt  }
0x85: {  	_ =	shalt  }
0x86: {  	_ =	shalt  }
0x87: {  	_ =	shalt  }
.Lfunc_end0:
.L_simem_size_0:
called_computation_lowered:
.L_overlay_start_0:
0x88: {  	s2 =	sld [smem:$0x3FD9]  }
0x89: {  	s3 =	sld [smem:$0x3FFE];
	_ =	sdelay $0x1  }
0x8a: {  	s1 =	srdreg.scid  }
0x8b: {  	s0 =	sand.u32 $0x1, s1  }
0x8c: {  	s17 =	sshll.u32 s0, $0xA;
	s2 =	sadd.s32 s3, s2  }
0x8d: {  	s2 =	sadd.s32 s2, s17  }
0x8e: {  	[smem:$0x3FC6] =	sst s2  }
0x8f: {  	_ = 	snop  }
0x90: {  	s2 =	sld [smem:$0x3FC8]  }
0x91: {  	s18 =	sld [smem:$0x3FD0];
	(tm) =	ssettm $0x1  }
0x92: {  	s4 =	sld [smem:$0x3FFB];
	_ =	sdelay $0x3  }
0x93: {  	_ =	strace s4  }
0x94: {  	s4 =	sld [smem:$0x3FFC];
	_ =	sdelay $0x3  }
0x95: {  	_ =	strace s4  }
0x96: {  	s4 =	sld [smem:$0x3FFD];
	_ =	sdelay $0x3  }
0x97: {  	_ =	strace s4  }
0x98: {  	_ =	strace $0x8FFFFFFF  }
0x99: {  	s19 =	sld [smem:$0x3FDB];
	_ =	sdelay $0x1  }
0x9a: {  	s5 =	simm.s32 $_scs_section_size  }
0x9b: {  	s6 =	simm.s32 $_size__tile_overlayer_lowered;
	s7 =	simm.s32 $_tile_overlayer_lowered  }
0x9c: {  	s22 =	simm.s32 $0x1BFF;
	s21 =	sshll.u32 s7, $0x1;
	s4 =	sadd.s32 s5, s19  }
0x9d: {  	s8 =	simm.s32 $0x0;
	s20 =	sshll.u32 s6, $0x1;
	s6 =	sadd.s32 s21, s4  }
0x9e: {  	[timem:s8], [sflag:s22] =	dma.local [hbm:s6], s20  }
0x9f: {  	_ =	swait.ge [sflag:s22], s20  }
0xa0: {  	s5 =	ssub.s32 $0x0, s20;
	[sflag:s22] =	ssyncset.done $0x0  }
0xa1: {  	[sflag:s22] =	ssyncadd.s32 s5;
	_ =	sdelay $0x1  }
0xa2: {  	s23 =	simm.s32 $0x1B8B  }
0xa3: {  	_ =	swait.ge [sflag:s23], $0x1  }
0xa4: {  	[sflag:s23] =	ssyncset.done $0x0  }
0xa5: {  	s25 =	simm.s32 $0x1B8E;
	s24 =	sld [smem:$0x3FFE];
	[sflag:s23] =	ssyncadd.s32 $0xFFFFFFFF  }
0xa6: {  	s26 =	simm.s32 $execute0_lowered;
	[smem:$0x3FD2] =	sst s25  }
0xa7: {  	s6 =	sshll.u32 s26, $0x1;
	_ =	strace $0x80000046;
	[dreg:$0x1] =	wrdreg $0xFFFFFFFF  }
0xa8: {  	s28 =	simm.s32 $_size_execute0_lowered;
	s4 =	sadd.s32 s4, s6;
	[dreg:$0x0] =	wrdreg $0x0  }
0xa9: {  	s6 =	sshll.u32 s28, $0x1;
	[dreg:$0x2] =	wrdreg s4  }
0xaa: {  	[dreg:$0x3] =	wrdreg s6  }
0xab: {  	[dreg:$0x4] =	wrdreg $0xC0  }
0xac: {  	_ =	task [dreg:s8], $0x5FFFF  }
0xad: {  	[dreg:$0x1] =	wrdreg $0xFFFFFFFF  }
0xae: {  	[dreg:$0x0] =	wrdreg $0x60  }
0xaf: {  	[dreg:$0x2] =	wrdreg s24  }
0xb0: {  	[dreg:$0x3] =	wrdreg s2  }
0xb1: {  	[dreg:$0x4] =	wrdreg s18  }
0xb2: {  	[dreg:$0x5] =	wrdreg $0x9  }
0xb3: {  	_ =	task.clear_ibuf [dreg:s8], $0x6FFFF;
	_ =	strace $0x90000046  }
0xb4: {  	s29 =	simm.s32 $0x9;
	_ =	strace $0x80000048  }
0xb5: {  	_ =	swait.ge [sflag:s29], $0x1  }
0xb6: {  	[sflag:s29] =	ssyncadd.s32 $0xFFFFFFFF  }
0xb7: {  	_ =	strace $0x90000048  }
0xb8: {  	_ =	sfence  }
0xb9: {  	s30 =	sld [smem:$0x0];
	_ =	sdelay $0x2  }
0xba: {  	s31 =	sshll.u32 s1, $0xD;
	s1 =	sshrl.u32 s1, $0x2  }
0xbb: {  	s3 =	sand.u32 $0x4000, s31;
	s1 =	sadd.s32 s1, s30  }
0xbc: {  	s0 =	sor.u32 s3, s0;
	s1 =	sshll.u32 s1, $0x11  }
0xbd: {  	s0 =	sor.u32 s1, s0  }
0xbe: {  	s0 =	sadd.s32 $0x8F2B, s0  }
0xbf: {  	[sflag:s0] =	ssyncadd.remote.s32 $0x1  }
0xc0: {  	_ =	sfence.sel $0xFFFF  }
0xc1: {  	[dreg:$0x0] =	wrdreg $0xFFFFFFFF;
	(pc) =	sbr.abs _section_cstart, $3  }
0xc2: {  	[dreg:$0x1] =	wrdreg $0xFFFFFFFF  }
0xc3: {  	_ =	task.clear_ibuf [dreg:s8], $0x2FFFF;
	_ =	strace $0x9FFFFFFF  }
0xc4: {  	(tm) =	ssettm $0x7FFFFFFF  }
0xc5: {  	_ =	shalt  }
tec
execute0_lowered:
.L_overlay_start_1:
0x0: {  	(tag) =	ssettag $0x1  }
0x1: {  	s0 =	rddreg [dreg:$0x0]  }
0x2: {  	s1 =	rddreg [dreg:$0x1]  }
0x3: {  	s30 =	rddreg [dreg:$0x2];
	s2 =	srdreg.scid;
	s4 =	simm.s32 $0x0  }
0x4: {  	s3 =	stileid.u32;
	s13 =	simm.s32 $0x4200;
	s29 =	simm.s32 $0x2  }
0x5: {  	s2 =	sand.u32 $0x1, s2;
	[smem:$0x7FF] =	sst s4;
	s5 =	sshll.u32 s3, $0x8  }
0x6: {  	s7 =	sadd.s32 $0x800, s0;
	s17 =	sadd.s32 $0x100, s1;
	s6 =	sshll.u32 s2, $0x7  }
0x7: {  	_ =	strace $0x80000047;
	s2 =	ssub.s32 $0x2, s2;
	s3 =	sor.u32 s6, s5  }
0x8: {  	[dreg:$0x5] =	wrdreg s7;
	s18 =	sshrl.u32 s2, $0x1;
	s6 =	sor.u32 $0x1000, s3  }
0x9: {  	s2 =	ssub.s32 s2, s18;
	s8 =	sshrl.u32 s3, $0x3;
	[dreg:$0x4] =	wrdreg s3  }
0xa: {  	s21 =	sor.u32 $0x2000, s3;
	s9 =	sor.u32 $0x3000, s3;
	[dreg:$0x6] =	wrdreg s6  }
0xb: {  	s22 =	sshll.u32 s3, $0x8;
	s18 =	sadd.s32 $0x200, s1;
	[dreg:$0xa] =	wrdreg s21  }
0xc: {  	s3 =	simm.s32 $0x0;
	s19 =	sshrl.u32 s6, $0x3;
	[dreg:$0xb] =	wrdreg s9  }
0xd: {  	s20 =	sadd.s32 s0, s8;
	s24 =	sshrl.u32 s9, $0x3;
	[dreg:$0x7] =	wrdreg s8  }
0xe: {  	s25 =	sadd.s32 s7, s22;
	s22 =	sadd.s32 $0x600, s1;
	[dreg:$0x8] =	wrdreg s20  }
0xf: {  	s28 =	sor.u32 $0x3, s8;
	s31 =	smax.u32 s2, $0x1;
	[dreg:$0xd] =	wrdreg s25  }
0x10: {  	s2 =	simm.s32 $0x1;
	s9 =	simm.s32 $0x6;
	[dreg:$0x10] =	wrdreg s28  }
.Ltmp0:
0x11: {  	s5 =	sadd.s32 s0, s19;
	[dreg:$0x11] =	wrdreg s31;
	(pc) =	sbr.rel .LBB2_1-.Ltmp0, $4  }
0x12: {  	s26 =	sadd.s32 $0x800, s25;
	[dreg:$0x9] =	wrdreg s5;
	s5 =	sshrl.u32 s21, $0x3  }
0x13: {  	v0 =	vlaneseq.u32;
	s19 =	sadd.s32 $0x300, s1;
	[dreg:$0xf] =	wrdreg s26;
	s23 =	sadd.s32 s0, s5  }
0x14: {  	v1 =	vshrl.u32 v0, $0x3;
	s20 =	sadd.s32 $0x400, s1;
	s0 =	sadd.s32 s0, s24;
	[dreg:$0xc] =	wrdreg s23  }
0x15: {  	vm0 =	vmmov $0xffff;
	v0 =	vand.u32 $0x7, v0;
	v1 =	vmul.u32 $0x8, v1;
	s21 =	sadd.s32 $0x500, s1;
	[dreg:$0xe] =	wrdreg s0;
	s23 =	sadd.s32 $0x700, s1  }
.LBB2_20:
0x16: {  	s0 =	simm.s32 $0x5  }
0x17: {  	_ =	swait.ge [sflag:s0], $0x4000  }
0x18: {  	[sflag:s0] =	ssyncset.done $0x0  }
0x19: {  	[sflag:s0] =	ssyncadd.s32 $0xFFFFC000  }
0x1a: {  	_ =	swait.ge [sflag:s9], $0x4000  }
0x1b: {  	s3 =	rddreg [dreg:$0x12]  }
0x1c: {  	s31 =	rddreg [dreg:$0x11];
	s3 =	sadd.s32 $0x1, s3  }
0x1d: {  	p0 =	sne.s32 s3, s31  }
.Ltmp1:
0x1e: {  	_ = 	snop;
	(pc) =	sbr.rel @!p0 .LBB2_21-.Ltmp1, $3  }
0x1f: {  	_ =	sdelay $0x1  }
0x20: {  	[sflag:s9] =	ssyncset.done $0x0  }
0x21: {  	[sflag:s9] =	ssyncadd.s32 $0xFFFFC000  }
.LBB2_1:
0x22: {  	[dreg:$0x12] =	wrdreg s3  }
0x23: {  	s0 =	rddreg [dreg:$0x8];
	s10 =	simm.s32 $0x7  }
0x24: {  	[tilespmem:s4], [sflag:$0x7] =	stream.linear.gather [hbm4b:s0+s4], $0x80, $0x38;
	[tilespmem:$0x18200] =	vst v63  }
0x25: {  	_ =	swait.ge [sflag:s10], $0x80  }
0x26: {  	[sflag:s10] =	ssyncset.done $0x0  }
0x27: {  	s5 =	simm.s32 $0x80;
	s11 =	rddreg [dreg:$0x9];
	[sflag:s10] =	ssyncadd.s32 $0xFFFFFF80  }
0x28: {  	[tilespmem:s5], [sflag:$0x7] =	stream.linear.gather [hbm4b:s11+s4], $0x80, $0x38;
	[tilespmem:$0x18200] =	vst v63  }
0x29: {  	_ =	swait.ge [sflag:s10], $0x80  }
0x2a: {  	[sflag:s10] =	ssyncset.done $0x0  }
0x2b: {  	s14 =	simm.s32 $0x100;
	s12 =	rddreg [dreg:$0xc];
	[sflag:s10] =	ssyncadd.s32 $0xFFFFFF80  }
0x2c: {  	[tilespmem:s14], [sflag:$0x7] =	stream.linear.gather [hbm4b:s12+s4], $0x80, $0x38;
	[tilespmem:$0x18200] =	vst v63  }
0x2d: {  	_ =	swait.ge [sflag:s10], $0x80  }
0x2e: {  	[sflag:s10] =	ssyncset.done $0x0  }
0x2f: {  	s16 =	simm.s32 $0x180;
	s15 =	rddreg [dreg:$0xe];
	[sflag:s10] =	ssyncadd.s32 $0xFFFFFF80  }
0x30: {  	[tilespmem:s16], [sflag:$0x7] =	stream.linear.gather [hbm4b:s15+s4], $0x80, $0x38;
	[tilespmem:$0x18200] =	vst v63  }
0x31: {  	_ =	swait.ge [sflag:s10], $0x80  }
0x32: {  	[sflag:s10] =	ssyncset.done $0x0  }
0x33: {  	s25 =	simm.s32 $0x8200;
	s24 =	rddreg [dreg:$0xd];
	[sflag:s10] =	ssyncadd.s32 $0xFFFFFF80  }
0x34: {  	[tilespmem:s25], [sflag:$0x3] =	stream.linear.gather [hbm4b:s24+s4], $0x4000, $0x38;
	[tilespmem:$0x18200] =	vst v63  }
0x35: {  	s28 =	simm.s32 $0xC200;
	s26 =	rddreg [dreg:$0xf]  }
0x36: {  	[tilespmem:s28], [sflag:$0x4] =	stream.linear.gather [hbm4b:s26+s4], $0x4000, $0x38;
	[tilespmem:$0x18200] =	vst v63  }
0x37: {  	v2 =	vld.msk [tilespmem:$0x0], $0xff;
	_ =	sdelay $0x4  }
0x38: {  	v3 =	vshll.u32 v2, $0x4  }
0x39: {  	v2 =	vand.u32 $0x7, v2;
	v3 =	vand.u32 $0xFFFFFF80, v3  }
0x3a: {  	v2 =	vor.u32 v2, v3  }
0x3b: {  	v2 =	vperm.xlane v2, v0;
	_ =	sdelay $0x1  }
0x3c: {  	v2 =	vadd.s32 v1, v2;
	_ =	sdelay $0x3  }
0x3d: {  	s3 =	simm.s32 $0x200  }
0x3e: {  	[tilespmem:s3], [sflag:$0x1] =	stream.indirect_vreg.gather [hbm4b:s1+s4], $0x80, v2, vm0, $0xb8;
	[tilespmem:$0x18200] =	vst v63  }
0x3f: {  	s5 =	simm.s32 $0xA00  }
0x40: {  	[tilespmem:s5], [sflag:$0x1] =	stream.indirect_vreg.gather [hbm4b:s17+s4], $0x80, v2, vm0, $0xb8;
	[tilespmem:$0x18200] =	vst v63  }
0x41: {  	s6 =	simm.s32 $0x1200  }
0x42: {  	[tilespmem:s6], [sflag:$0x1] =	stream.indirect_vreg.gather [hbm4b:s18+s4], $0x80, v2, vm0, $0xb8;
	[tilespmem:$0x18200] =	vst v63  }
0x43: {  	s7 =	simm.s32 $0x1A00  }
0x44: {  	[tilespmem:s7], [sflag:$0x1] =	stream.indirect_vreg.gather [hbm4b:s19+s4], $0x80, v2, vm0, $0xb8;
	[tilespmem:$0x18200] =	vst v63  }
0x45: {  	s8 =	simm.s32 $0x2200  }
0x46: {  	[tilespmem:s8], [sflag:$0x1] =	stream.indirect_vreg.gather [hbm4b:s20+s4], $0x80, v2, vm0, $0xb8;
	[tilespmem:$0x18200] =	vst v63  }
0x47: {  	s10 =	simm.s32 $0x2A00  }
0x48: {  	[tilespmem:s10], [sflag:$0x1] =	stream.indirect_vreg.gather [hbm4b:s21+s4], $0x80, v2, vm0, $0xb8;
	[tilespmem:$0x18200] =	vst v63  }
0x49: {  	s11 =	simm.s32 $0x3200  }
0x4a: {  	[tilespmem:s11], [sflag:$0x1] =	stream.indirect_vreg.gather [hbm4b:s22+s4], $0x80, v2, vm0, $0xb8;
	[tilespmem:$0x18200] =	vst v63  }
0x4b: {  	s12 =	simm.s32 $0x3A00  }
0x4c: {  	[tilespmem:s12], [sflag:$0x1] =	stream.indirect_vreg.gather [hbm4b:s23+s4], $0x80, v2, vm0, $0xb8;
	[tilespmem:$0x18200] =	vst v63  }
0x4d: {  	v2 =	vld.msk [tilespmem:$0x80], $0xff;
	_ =	sdelay $0x4  }
0x4e: {  	v3 =	vshll.u32 v2, $0x4  }
0x4f: {  	v2 =	vand.u32 $0x7, v2;
	v3 =	vand.u32 $0xFFFFFF80, v3  }
0x50: {  	v2 =	vor.u32 v2, v3  }
0x51: {  	v2 =	vperm.xlane v2, v0;
	_ =	sdelay $0x1  }
0x52: {  	v2 =	vadd.s32 v1, v2;
	_ =	sdelay $0x4  }
0x53: {  	[tilespmem:s13], [sflag:$0x2] =	stream.indirect_vreg.gather [hbm4b:s1+s4], $0x80, v2, vm0, $0xb8;
	[tilespmem:$0x18200] =	vst v63  }
0x54: {  	s14 =	simm.s32 $0x4A00  }
0x55: {  	[tilespmem:s14], [sflag:$0x2] =	stream.indirect_vreg.gather [hbm4b:s17+s4], $0x80, v2, vm0, $0xb8;
	[tilespmem:$0x18200] =	vst v63  }
0x56: {  	s15 =	simm.s32 $0x5200  }
0x57: {  	[tilespmem:s15], [sflag:$0x2] =	stream.indirect_vreg.gather [hbm4b:s18+s4], $0x80, v2, vm0, $0xb8;
	[tilespmem:$0x18200] =	vst v63  }
0x58: {  	s16 =	simm.s32 $0x5A00  }
0x59: {  	[tilespmem:s16], [sflag:$0x2] =	stream.indirect_vreg.gather [hbm4b:s19+s4], $0x80, v2, vm0, $0xb8;
	[tilespmem:$0x18200] =	vst v63  }
0x5a: {  	s24 =	simm.s32 $0x6200  }
0x5b: {  	[tilespmem:s24], [sflag:$0x2] =	stream.indirect_vreg.gather [hbm4b:s20+s4], $0x80, v2, vm0, $0xb8;
	[tilespmem:$0x18200] =	vst v63  }
0x5c: {  	s25 =	simm.s32 $0x6A00  }
0x5d: {  	[tilespmem:s25], [sflag:$0x2] =	stream.indirect_vreg.gather [hbm4b:s21+s4], $0x80, v2, vm0, $0xb8;
	[tilespmem:$0x18200] =	vst v63  }
0x5e: {  	s26 =	simm.s32 $0x7200  }
0x5f: {  	[tilespmem:s26], [sflag:$0x2] =	stream.indirect_vreg.gather [hbm4b:s22+s4], $0x80, v2, vm0, $0xb8;
	[tilespmem:$0x18200] =	vst v63  }
0x60: {  	s31 =	simm.s32 $0x4200;
	s28 =	simm.s32 $0x7A00;
	s10 =	simm.s32 $0x0  }
0x61: {  	[tilespmem:s28], [sflag:$0x2] =	stream.indirect_vreg.gather [hbm4b:s23+s4], $0x80, v2, vm0, $0xb8;
	[tilespmem:$0x18200] =	vst v63  }
.LBB2_2:
0x62: {  	_ =	swait.ge [sflag:s2], $0x4000  }
0x63: {  	[sflag:s2] =	ssyncset.done $0x0  }
0x64: {  	s0 =	simm.s32 $0x3;
	[sflag:s2] =	ssyncadd.s32 $0xFFFFC000  }
0x65: {  	_ =	swait.ge [sflag:s0], $0x4000  }
0x66: {  	p0 =	seq.s32 s10, $0x0;
	[sflag:s0] =	ssyncset.done $0x0  }
0x67: {  	[sflag:s0] =	ssyncadd.s32 $0xFFFFC000;
	s0 =	simm.s32 @!p0 $0x5  }
0x68: {  	s6 =	simm.s32 $0x0;
	_ =	swait.ge @!p0 [sflag:s0], $0x4000  }
0x69: {  	s5 =	sand.u32 $0x60, s6;
	s7 =	sand.u32 $0x3C00, s6;
	[sflag:s0] =	ssyncset.done @!p0 $0x0  }
0x6a: {  	s5 =	sor.u32 s5, s7;
	[sflag:s0] =	ssyncadd.s32 @!p0 $0xFFFFC000  }
0x6b: {  	v2 =	vld [tilespmem:s5+$0x210]  }
0x6c: {  	v3 =	vld [tilespmem:s5+$0x8210]  }
0x6d: {  	v4 =	vld [tilespmem:s5+$0x290]  }
0x6e: {  	v5 =	vld [tilespmem:s5+$0x8290]  }
0x6f: {  	v6 =	vld [tilespmem:s5+$0x310]  }
0x70: {  	v7 =	vld [tilespmem:s5+$0x8310]  }
0x71: {  	v8 =	vld [tilespmem:s5+$0x390]  }
0x72: {  	v9 =	vld [tilespmem:s5+$0x8390]  }
0x73: {  	s26 =	sand.u32 $0x3, s6;
	v10 =	vld [tilespmem:s5+$0x410]  }
0x74: {  	s0 =	sshll.u32 s26, $0x5;
	v11 =	vld [tilespmem:s5+$0x8410]  }
0x75: {  	s8 =	simm.s32 $0x20;
	v12 =	vld [tilespmem:s5+$0x490];
	s7 =	sadd.s32 $0x0, s0  }
0x76: {  	s14 =	simm.s32 $0x100;
	s8 =	sand.u32 $0x60, s8;
	v59 =	vld [tilespmem:s5+$0x400];
	s0 =	sadd.s32 $0x10, s7  }
0x77: {  	v13 =	vld [tilespmem:s5+$0x8400];
	s28 =	sor.u32 $0x300, s0;
	s3 =	sor.u32 $0x380, s0;
	s0 =	sand.u32 $0x3C00, s14  }
0x78: {  	v14 =	vld [tilespmem:s5+$0x8480];
	s11 =	sor.u32 s8, s0  }
0x79: {  	v16 =	vld [tilespmem:s11+$0x210]  }
0x7a: {  	v17 =	vld [tilespmem:s11+$0x8210]  }
0x7b: {  	v18 =	vld [tilespmem:s11+$0x290]  }
0x7c: {  	v19 =	vld [tilespmem:s11+$0x8290]  }
0x7d: {  	v20 =	vld [tilespmem:s11+$0x310]  }
0x7e: {  	v21 =	vld [tilespmem:s11+$0x8310]  }
0x7f: {  	v22 =	vld [tilespmem:s11+$0x390]  }
0x80: {  	v23 =	vld [tilespmem:s11+$0x8390]  }
0x81: {  	v24 =	vld [tilespmem:s11+$0x410]  }
0x82: {  	v25 =	vld [tilespmem:s11+$0x8410]  }
0x83: {  	v26 =	vld [tilespmem:s11+$0x490]  }
0x84: {  	v60 =	vld [tilespmem:s11+$0x8490]  }
0x85: {  	v27 =	vld [tilespmem:s11+$0x200]  }
0x86: {  	v61 =	vld [tilespmem:s11+$0x8200]  }
0x87: {  	v63 =	vld [tilespmem:s11+$0x280]  }
0x88: {  	v33 =	vld [tilespmem:s11+$0x8280];
	v2 =	vadd.f32 v3, v2  }
0x89: {  	v35 =	vld [tilespmem:s11+$0x300];
	v4 =	vadd.f32 v5, v4  }
0x8a: {  	v36 =	vld [tilespmem:s11+$0x8300];
	[tilespmem:s5+$0x10210] =	vst v2;
	v2 =	vadd.f32 v7, v6  }
0x8b: {  	v3 =	vld [tilespmem:s5+$0x8490];
	[tilespmem:s5+$0x10290] =	vst v4;
	v4 =	vadd.f32 v9, v8  }
0x8c: {  	v5 =	vld [tilespmem:s5+$0x200];
	[tilespmem:s5+$0x10310] =	vst v2;
	v2 =	vadd.f32 v11, v10  }
0x8d: {  	v6 =	vld [tilespmem:s5+$0x8200];
	[tilespmem:s5+$0x10390] =	vst v4;
	v16 =	vadd.f32 v17, v16  }
0x8e: {  	v7 =	vld [tilespmem:s5+$0x280];
	v18 =	vadd.f32 v19, v18;
	[tilespmem:s5+$0x10410] =	vst v2  }
0x8f: {  	v9 =	vld [tilespmem:s5+$0x8300];
	v62 =	vadd.f32 v21, v20;
	[tilespmem:s11+$0x10210] =	vst v16  }
0x90: {  	s15 =	simm.s32 $0x1;
	v4 =	vld [tilespmem:s5+$0x8280];
	v3 =	vadd.f32 v3, v12;
	[tilespmem:s11+$0x10290] =	vst v18  }
0x91: {  	s0 =	sand.u32 $0x3, s15;
	v10 =	vld [tilespmem:s5+$0x380];
	v32 =	vadd.f32 v23, v22;
	[tilespmem:s11+$0x10310] =	vst v62  }
0x92: {  	s0 =	sshll.u32 s0, $0x5;
	v34 =	vadd.f32 v25, v24;
	v2 =	vld [tilespmem:s5+$0x300];
	[tilespmem:s5+$0x10490] =	vst v3  }
0x93: {  	s0 =	sadd.s32 $0x100, s0;
	v17 =	vadd.f32 v60, v26;
	[tilespmem:s11+$0x10390] =	vst v32;
	v3 =	vld [tilespmem:s28+$0x200]  }
0x94: {  	s16 =	sadd.s32 $0x10, s0;
	[tilespmem:s11+$0x10410] =	vst v34;
	v8 =	vld [tilespmem:s28+$0x8200]  }
0x95: {  	s13 =	sor.u32 $0x300, s16;
	v11 =	vld [tilespmem:s5+$0x8380];
	[tilespmem:s11+$0x10490] =	vst v17;
	v5 =	vadd.f32 v6, v5  }
0x96: {  	v4 =	vadd.f32 v4, v7;
	v7 =	vld [tilespmem:s13+$0x200]  }
0x97: {  	[tilespmem:s5+$0x10200] =	vst v5;
	v5 =	vld [tilespmem:s13+$0x8200]  }
0x98: {  	v6 =	vld [tilespmem:s11+$0x380];
	v2 =	vadd.f32 v9, v2  }
0x99: {  	[tilespmem:s5+$0x10280] =	vst v4;
	v9 =	vld [tilespmem:s11+$0x8380];
	v3 =	vadd.f32 v8, v3  }
0x9a: {  	v8 =	vld [tilespmem:s5+$0x480];
	[tilespmem:s5+$0x10300] =	vst v2;
	v2 =	vadd.f32 v13, v59  }
0x9b: {  	v4 =	vadd.f32 v11, v10;
	v10 =	vld [tilespmem:s11+$0x400];
	[tilespmem:s28+$0x10200] =	vst v3  }
0x9c: {  	v5 =	vadd.f32 v5, v7;
	[tilespmem:s5+$0x10400] =	vst v2;
	v2 =	vld [tilespmem:s11+$0x480]  }
0x9d: {  	v3 =	vld [tilespmem:s3+$0x200]  }
0x9e: {  	s8 =	sor.u32 $0x380, s16;
	v15 =	vld [tilespmem:s3+$0x8200];
	[tilespmem:s13+$0x10200] =	vst v5  }
0x9f: {  	[tilespmem:s5+$0x10380] =	vst v4;
	v11 =	vld [tilespmem:s8+$0x200];
	v4 =	vadd.f32 v14, v8  }
0xa0: {  	s24 =	simm.s32 $0x200;
	s14 =	simm.s32 $0x40;
	v54 =	vld [tilespmem:s8+$0x8200]  }
0xa1: {  	s25 =	sand.u32 $0x60, s14;
	v8 =	vld [tilespmem:s11+$0x8400];
	[tilespmem:s5+$0x10480] =	vst v4;
	s5 =	sand.u32 $0x3C00, s24  }
0xa2: {  	v4 =	vld [tilespmem:s11+$0x8480];
	s5 =	sor.u32 s25, s5  }
0xa3: {  	v37 =	vld [tilespmem:s5+$0x210]  }
0xa4: {  	v38 =	vld [tilespmem:s5+$0x8210]  }
0xa5: {  	v39 =	vld [tilespmem:s5+$0x290]  }
0xa6: {  	v40 =	vld [tilespmem:s5+$0x8290]  }
0xa7: {  	v41 =	vld [tilespmem:s5+$0x310]  }
0xa8: {  	v42 =	vld [tilespmem:s5+$0x8310]  }
0xa9: {  	v43 =	vld [tilespmem:s5+$0x390]  }
0xaa: {  	v44 =	vld [tilespmem:s5+$0x8390]  }
0xab: {  	v45 =	vld [tilespmem:s5+$0x410]  }
0xac: {  	v19 =	vadd.f32 v61, v27;
	v28 =	vld [tilespmem:s5+$0x8410]  }
0xad: {  	v3 =	vadd.f32 v15, v3;
	v46 =	vld [tilespmem:s5+$0x490]  }
0xae: {  	v58 =	vadd.f32 v33, v63;
	[tilespmem:s11+$0x10200] =	vst v19;
	v47 =	vld [tilespmem:s5+$0x8490]  }
0xaf: {  	v48 =	vld [tilespmem:s5+$0x200];
	[tilespmem:s3+$0x10200] =	vst v3;
	v3 =	vadd.f32 v38, v37  }
0xb0: {  	[tilespmem:s11+$0x10280] =	vst v58;
	v50 =	vld [tilespmem:s5+$0x8200];
	v49 =	vadd.f32 v40, v39  }
0xb1: {  	v51 =	vld [tilespmem:s5+$0x280];
	[tilespmem:s5+$0x10210] =	vst v3;
	v3 =	vadd.f32 v42, v41  }
0xb2: {  	s6 =	simm.s32 $0x2;
	s12 =	sor.u32 $0x300, s7;
	v53 =	vld [tilespmem:s5+$0x8280];
	v52 =	vadd.f32 v44, v43;
	[tilespmem:s5+$0x10290] =	vst v49  }
0xb3: {  	s26 =	sand.u32 $0x3, s6;
	v7 =	vld [tilespmem:s12+$0x200];
	[tilespmem:s5+$0x10310] =	vst v3;
	v3 =	vadd.f32 v28, v45  }
0xb4: {  	s13 =	sshll.u32 s26, $0x5;
	v5 =	vld [tilespmem:s12+$0x8200];
	v55 =	vadd.f32 v47, v46;
	[tilespmem:s5+$0x10390] =	vst v52  }
0xb5: {  	s28 =	sadd.s32 $0x200, s13;
	v56 =	vld [tilespmem:s5+$0x300];
	[tilespmem:s5+$0x10410] =	vst v3;
	v3 =	vadd.f32 v50, v48  }
0xb6: {  	v6 =	vadd.f32 v9, v6;
	s16 =	sadd.s32 $0x10, s28;
	v57 =	vld [tilespmem:s5+$0x8300];
	[tilespmem:s5+$0x10490] =	vst v55  }
0xb7: {  	s24 =	sor.u32 $0x300, s16;
	v59 =	vld [tilespmem:s5+$0x380];
	[tilespmem:s5+$0x10200] =	vst v3;
	v3 =	vadd.f32 v53, v51  }
0xb8: {  	v61 =	vadd.f32 v36, v35;
	[tilespmem:s11+$0x10380] =	vst v6;
	v60 =	vld [tilespmem:s24+$0x200]  }
0xb9: {  	v6 =	vadd.f32 v8, v10;
	[tilespmem:s5+$0x10280] =	vst v3;
	v3 =	vld [tilespmem:s24+$0x8200]  }
0xba: {  	[tilespmem:s11+$0x10300] =	vst v61;
	v62 =	vld [tilespmem:s5+$0x8380];
	v4 =	vadd.f32 v4, v2  }
0xbb: {  	v63 =	vld [tilespmem:s5+$0x400];
	[tilespmem:s11+$0x10400] =	vst v6;
	v6 =	vadd.f32 v5, v7  }
0xbc: {  	v8 =	vld [tilespmem:s5+$0x8400];
	v9 =	vadd.f32 v57, v56;
	[tilespmem:s11+$0x10480] =	vst v4  }
0xbd: {  	v2 =	vld [tilespmem:s5+$0x480];
	[tilespmem:s12+$0x10200] =	vst v6  }
0xbe: {  	s15 =	sor.u32 $0x300, s0;
	s3 =	sshll.u32 s10, $0x1;
	v5 =	vld [tilespmem:s5+$0x8480];
	[tilespmem:s5+$0x10300] =	vst v9;
	v4 =	vadd.f32 v3, v60  }
0xbf: {  	v9 =	vadd.f32 v54, v11;
	v3 =	vld [tilespmem:s15+$0x200];
	[dreg:$0x13] =	wrdreg s3  }
0xc0: {  	s14 =	simm.s32 $0x300;
	s25 =	sor.u32 $0x380, s16;
	v6 =	vadd.f32 v62, v59;
	v7 =	vld [tilespmem:s15+$0x8200];
	[tilespmem:s24+$0x10200] =	vst v4  }
0xc1: {  	s16 =	simm.s32 $0x60;
	s11 =	sor.u32 $0x380, s7;
	s7 =	simm.s32 $0x4;
	v8 =	vadd.f32 v8, v63;
	[tilespmem:s8+$0x10200] =	vst v9;
	v4 =	vld [tilespmem:s25+$0x200]  }
0xc2: {  	s12 =	sor.u32 $0x380, s0;
	s0 =	sor.u32 $0x380, s28;
	[tilespmem:s5+$0x10380] =	vst v6;
	s24 =	sor.u32 $0x300, s28;
	v6 =	vld [tilespmem:s25+$0x8200]  }
.LBB2_3:
0xc3: {  	s8 =	sand.u32 $0x60, s16;
	s26 =	sand.u32 $0x3C00, s14;
	[tilespmem:s5+$0x10400] =	vst v8;
	v2 =	vadd.f32 v5, v2;
	v5 =	vld [tilespmem:s11+$0x200]  }
0xc4: {  	s8 =	sor.u32 s8, s26;
	v8 =	vld [tilespmem:s11+$0x8200]  }
0xc5: {  	v9 =	vld [tilespmem:s8+$0x210];
	[tilespmem:s5+$0x10480] =	vst v2;
	v2 =	vadd.f32 v7, v3;
	s5 =	smov.u32 s8  }
0xc6: {  	v3 =	vld [tilespmem:s5+$0x8210]  }
0xc7: {  	v7 =	vld [tilespmem:s5+$0x290];
	v4 =	vadd.f32 v6, v4;
	[tilespmem:s15+$0x10200] =	vst v2;
	s15 =	smov.u32 s24  }
0xc8: {  	v2 =	vld [tilespmem:s5+$0x8290]  }
0xc9: {  	v6 =	vld [tilespmem:s5+$0x310];
	[tilespmem:s25+$0x10200] =	vst v4;
	v4 =	vadd.f32 v8, v5  }
0xca: {  	v5 =	vld [tilespmem:s5+$0x8310]  }
0xcb: {  	v8 =	vld [tilespmem:s5+$0x390];
	[tilespmem:s11+$0x10200] =	vst v4;
	s11 =	smov.u32 s12;
	s12 =	smov.u32 s0  }
0xcc: {  	v4 =	vld [tilespmem:s5+$0x8390]  }
0xcd: {  	v10 =	vld [tilespmem:s5+$0x410]  }
0xce: {  	v11 =	vld [tilespmem:s5+$0x8410]  }
0xcf: {  	v12 =	vld [tilespmem:s5+$0x490]  }
0xd0: {  	s7 =	sadd.s32 $0x2, s7;
	v3 =	vadd.f32 v3, v9;
	v9 =	vld [tilespmem:s5+$0x8490]  }
0xd1: {  	p1 =	slt.u32 s7, $0x7E;
	v2 =	vadd.f32 v2, v7;
	v13 =	vld [tilespmem:s5+$0x200]  }
0xd2: {  	s6 =	sadd.s32 $0x1, s6;
	v7 =	vld [tilespmem:s5+$0x8200];
	[tilespmem:s5+$0x10210] =	vst v3;
	v3 =	vadd.f32 v5, v6  }
0xd3: {  	s0 =	sand.u32 $0x3, s6;
	v5 =	vld [tilespmem:s5+$0x280];
	[tilespmem:s5+$0x10290] =	vst v2;
	v2 =	vadd.f32 v4, v8  }
0xd4: {  	s0 =	sshll.u32 s0, $0x5;
	v4 =	vld [tilespmem:s5+$0x8280];
	[tilespmem:s5+$0x10310] =	vst v3;
	v3 =	vadd.f32 v11, v10  }
0xd5: {  	s8 =	sadd.s32 s0, s14;
	v6 =	vld [tilespmem:s5+$0x300];
	[tilespmem:s5+$0x10390] =	vst v2;
	v2 =	vadd.f32 v9, v12  }
0xd6: {  	s24 =	sor.u32 $0x300, s8;
	s0 =	sor.u32 $0x380, s8;
	s8 =	sadd.s32 $0x10, s8;
	v8 =	vld [tilespmem:s5+$0x8300];
	[tilespmem:s5+$0x10410] =	vst v3  }
0xd7: {  	s25 =	sor.u32 $0x300, s8;
	v3 =	vadd.f32 v7, v13;
	v7 =	vld [tilespmem:s5+$0x380];
	[tilespmem:s5+$0x10490] =	vst v2  }
0xd8: {  	v9 =	vld [tilespmem:s25+$0x200]  }
0xd9: {  	[tilespmem:s5+$0x10200] =	vst v3;
	v2 =	vadd.f32 v4, v5;
	v3 =	vld [tilespmem:s25+$0x8200]  }
0xda: {  	v4 =	vld [tilespmem:s5+$0x8380]  }
0xdb: {  	[tilespmem:s5+$0x10280] =	vst v2;
	v2 =	vadd.f32 v8, v6;
	v6 =	vld [tilespmem:s5+$0x400]  }
0xdc: {  	v8 =	vld [tilespmem:s5+$0x8400]  }
0xdd: {  	[tilespmem:s5+$0x10300] =	vst v2;
	v2 =	vld [tilespmem:s5+$0x480]  }
.Ltmp2:
0xde: {  	v5 =	vld [tilespmem:s5+$0x8480];
	v9 =	vadd.f32 v3, v9;
	(pc) =	sbr.rel @p1 .LBB2_3-.Ltmp2, $4  }
0xdf: {  	v4 =	vadd.f32 v4, v7;
	v3 =	vld [tilespmem:s15+$0x200]  }
0xe0: {  	[tilespmem:s25+$0x10200] =	vst v9;
	s25 =	sor.u32 $0x380, s8;
	v7 =	vld [tilespmem:s15+$0x8200]  }
0xe1: {  	[tilespmem:s5+$0x10380] =	vst v4;
	v8 =	vadd.f32 v8, v6;
	v4 =	vld [tilespmem:s25+$0x200]  }
0xe2: {  	s16 =	sadd.s32 $0x20, s16;
	s14 =	sadd.s32 $0x100, s14;
	v6 =	vld [tilespmem:s25+$0x8200]  }
0xe3: {  	v2 =	vadd.f32 v5, v2  }
0xe4: {  	[tilespmem:s5+$0x10400] =	vst v8  }
0xe5: {  	[tilespmem:s5+$0x10480] =	vst v2  }
0xe6: {  	v2 =	vld [tilespmem:s24+$0x200]  }
0xe7: {  	v5 =	vld [tilespmem:s24+$0x8200];
	_ =	sdelay $0x2  }
0xe8: {  	v3 =	vadd.f32 v7, v3  }
0xe9: {  	v8 =	vld [tilespmem:s11+$0x8200]  }
0xea: {  	v7 =	vld [tilespmem:s11+$0x200];
	[tilespmem:s15+$0x10200] =	vst v3;
	v2 =	vadd.f32 v5, v2  }
0xeb: {  	v3 =	vld [tilespmem:s12+$0x200]  }
0xec: {  	v5 =	vld [tilespmem:s12+$0x8200];
	[tilespmem:s24+$0x10200] =	vst v2  }
0xed: {  	v2 =	vld [tilespmem:s0+$0x200]  }
0xee: {  	v4 =	vadd.f32 v6, v4;
	v9 =	vld [tilespmem:s0+$0x8200]  }
0xef: {  	v6 =	vadd.f32 v8, v7  }
0xf0: {  	[tilespmem:s25+$0x10200] =	vst v4  }
0xf1: {  	[tilespmem:s11+$0x10200] =	vst v6  }
0xf2: {  	s7 =	sshll.u32 s10, $0x4;
	s3 =	rddreg [dreg:$0x4];
	v3 =	vadd.f32 v5, v3  }
0xf3: {  	s8 =	sadd.s32 s3, s7;
	v2 =	vadd.f32 v9, v2  }
0xf4: {  	s5 =	sshll.u32 s8, $0x8;
	[tilespmem:s12+$0x10200] =	vst v3  }
0xf5: {  	s11 =	sadd.s32 s30, s5;
	s12 =	simm.s32 $0x10200;
	[tilespmem:s0+$0x10200] =	vst v2  }
0xf6: {  	[hbm4b:s11+s4] =	stream.linear.scatter [tilespmem:s12], [sflag:$0x5], $0x4000, $0x38;
	[tilespmem:$0x18200] =	vst v63  }
0xf7: {  	v2 =	vld.msk [tilespmem:s7+$0x100], $0xff;
	_ =	sdelay $0x4  }
0xf8: {  	v3 =	vshll.u32 v2, $0x4  }
0xf9: {  	v2 =	vand.u32 $0x7, v2;
	v3 =	vand.u32 $0xFFFFFF80, v3  }
0xfa: {  	v2 =	vor.u32 v2, v3  }
0xfb: {  	v2 =	vperm.xlane v2, v0;
	_ =	sdelay $0x1  }
0xfc: {  	v2 =	vadd.s32 v1, v2;
	_ =	sdelay $0x3  }
0xfd: {  	s13 =	simm.s32 $0x200  }
0xfe: {  	[tilespmem:s13], [sflag:$0x1] =	stream.indirect_vreg.gather [hbm4b:s1+s4], $0x80, v2, vm0, $0xb8;
	[tilespmem:$0x18200] =	vst v63  }
0xff: {  	s14 =	simm.s32 $0xA00  }
0x100: {  	[tilespmem:s14], [sflag:$0x1] =	stream.indirect_vreg.gather [hbm4b:s17+s4], $0x80, v2, vm0, $0xb8;
	[tilespmem:$0x18200] =	vst v63  }
0x101: {  	s15 =	simm.s32 $0x1200  }
0x102: {  	[tilespmem:s15], [sflag:$0x1] =	stream.indirect_vreg.gather [hbm4b:s18+s4], $0x80, v2, vm0, $0xb8;
	[tilespmem:$0x18200] =	vst v63  }
0x103: {  	s16 =	simm.s32 $0x1A00  }
0x104: {  	[tilespmem:s16], [sflag:$0x1] =	stream.indirect_vreg.gather [hbm4b:s19+s4], $0x80, v2, vm0, $0xb8;
	[tilespmem:$0x18200] =	vst v63  }
0x105: {  	s24 =	simm.s32 $0x2200  }
0x106: {  	[tilespmem:s24], [sflag:$0x1] =	stream.indirect_vreg.gather [hbm4b:s20+s4], $0x80, v2, vm0, $0xb8;
	[tilespmem:$0x18200] =	vst v63  }
0x107: {  	s25 =	simm.s32 $0x2A00  }
0x108: {  	[tilespmem:s25], [sflag:$0x1] =	stream.indirect_vreg.gather [hbm4b:s21+s4], $0x80, v2, vm0, $0xb8;
	[tilespmem:$0x18200] =	vst v63  }
0x109: {  	s26 =	simm.s32 $0x3200  }
0x10a: {  	[tilespmem:s26], [sflag:$0x1] =	stream.indirect_vreg.gather [hbm4b:s22+s4], $0x80, v2, vm0, $0xb8;
	[tilespmem:$0x18200] =	vst v63  }
0x10b: {  	s28 =	simm.s32 $0x3A00  }
0x10c: {  	[tilespmem:s28], [sflag:$0x1] =	stream.indirect_vreg.gather [hbm4b:s23+s4], $0x80, v2, vm0, $0xb8;
	[tilespmem:$0x18200] =	vst v63  }
0x10d: {  	_ =	swait.ge [sflag:s29], $0x4000  }
0x10e: {  	[sflag:s29] =	ssyncset.done $0x0  }
0x10f: {  	s0 =	simm.s32 @!p0 $0x6;
	[sflag:s29] =	ssyncadd.s32 $0xFFFFC000  }
0x110: {  	s6 =	simm.s32 $0x0;
	_ =	swait.ge @!p0 [sflag:s0], $0x4000  }
0x111: {  	s3 =	sand.u32 $0x60, s6;
	s8 =	sand.u32 $0x3C00, s6;
	[sflag:s0] =	ssyncset.done @!p0 $0x0  }
0x112: {  	s5 =	sor.u32 s3, s8;
	[sflag:s0] =	ssyncadd.s32 @!p0 $0xFFFFC000  }
0x113: {  	v2 =	vld [tilespmem:s5+$0x4210]  }
0x114: {  	v3 =	vld [tilespmem:s5+$0x8210]  }
0x115: {  	v4 =	vld [tilespmem:s5+$0x4290]  }
0x116: {  	v5 =	vld [tilespmem:s5+$0x8290]  }
0x117: {  	v6 =	vld [tilespmem:s5+$0x4310]  }
0x118: {  	v7 =	vld [tilespmem:s5+$0x8310]  }
0x119: {  	v8 =	vld [tilespmem:s5+$0x4390]  }
0x11a: {  	v9 =	vld [tilespmem:s5+$0x8390]  }
0x11b: {  	s11 =	sand.u32 $0x3, s6;
	v10 =	vld [tilespmem:s5+$0x4410]  }
0x11c: {  	s0 =	sshll.u32 s11, $0x5;
	v11 =	vld [tilespmem:s5+$0x8410]  }
0x11d: {  	s3 =	simm.s32 $0x20;
	v12 =	vld [tilespmem:s5+$0x4490];
	s11 =	sadd.s32 $0x0, s0  }
0x11e: {  	s8 =	sand.u32 $0x60, s3;
	s28 =	simm.s32 $0x100;
	v59 =	vld [tilespmem:s5+$0x4400];
	s0 =	sadd.s32 $0x10, s11  }
0x11f: {  	v13 =	vld [tilespmem:s5+$0x8400];
	s12 =	sor.u32 $0x300, s0;
	s13 =	sor.u32 $0x380, s0;
	s0 =	sand.u32 $0x3C00, s28  }
0x120: {  	v14 =	vld [tilespmem:s5+$0x8480];
	s8 =	sor.u32 s8, s0  }
0x121: {  	v16 =	vld [tilespmem:s8+$0x4210]  }
0x122: {  	v17 =	vld [tilespmem:s8+$0x8210]  }
0x123: {  	v18 =	vld [tilespmem:s8+$0x4290]  }
0x124: {  	v19 =	vld [tilespmem:s8+$0x8290]  }
0x125: {  	v20 =	vld [tilespmem:s8+$0x4310]  }
0x126: {  	v21 =	vld [tilespmem:s8+$0x8310]  }
0x127: {  	v22 =	vld [tilespmem:s8+$0x4390]  }
0x128: {  	v23 =	vld [tilespmem:s8+$0x8390]  }
0x129: {  	v24 =	vld [tilespmem:s8+$0x4410]  }
0x12a: {  	v25 =	vld [tilespmem:s8+$0x8410]  }
0x12b: {  	v26 =	vld [tilespmem:s8+$0x4490]  }
0x12c: {  	v60 =	vld [tilespmem:s8+$0x8490]  }
0x12d: {  	v27 =	vld [tilespmem:s8+$0x4200]  }
0x12e: {  	v61 =	vld [tilespmem:s8+$0x8200]  }
0x12f: {  	v63 =	vld [tilespmem:s8+$0x4280]  }
0x130: {  	v33 =	vld [tilespmem:s8+$0x8280];
	v2 =	vadd.f32 v3, v2  }
0x131: {  	v35 =	vld [tilespmem:s8+$0x4300];
	v4 =	vadd.f32 v5, v4  }
0x132: {  	v36 =	vld [tilespmem:s8+$0x8300];
	[tilespmem:s5+$0x14210] =	vst v2;
	v2 =	vadd.f32 v7, v6  }
0x133: {  	v3 =	vld [tilespmem:s5+$0x8490];
	[tilespmem:s5+$0x14290] =	vst v4;
	v4 =	vadd.f32 v9, v8  }
0x134: {  	v5 =	vld [tilespmem:s5+$0x4200];
	[tilespmem:s5+$0x14310] =	vst v2;
	v2 =	vadd.f32 v11, v10  }
0x135: {  	v6 =	vld [tilespmem:s5+$0x8200];
	[tilespmem:s5+$0x14390] =	vst v4;
	v16 =	vadd.f32 v17, v16  }
0x136: {  	v7 =	vld [tilespmem:s5+$0x4280];
	v18 =	vadd.f32 v19, v18;
	[tilespmem:s5+$0x14410] =	vst v2  }
0x137: {  	v9 =	vld [tilespmem:s5+$0x8300];
	v62 =	vadd.f32 v21, v20;
	[tilespmem:s8+$0x14210] =	vst v16  }
0x138: {  	s16 =	simm.s32 $0x1;
	v4 =	vld [tilespmem:s5+$0x8280];
	v3 =	vadd.f32 v3, v12;
	[tilespmem:s8+$0x14290] =	vst v18  }
0x139: {  	s0 =	sand.u32 $0x3, s16;
	v10 =	vld [tilespmem:s5+$0x4380];
	v32 =	vadd.f32 v23, v22;
	[tilespmem:s8+$0x14310] =	vst v62  }
0x13a: {  	s0 =	sshll.u32 s0, $0x5;
	v34 =	vadd.f32 v25, v24;
	v2 =	vld [tilespmem:s5+$0x4300];
	[tilespmem:s5+$0x14490] =	vst v3  }
0x13b: {  	s0 =	sadd.s32 $0x100, s0;
	v17 =	vadd.f32 v60, v26;
	[tilespmem:s8+$0x14390] =	vst v32;
	v3 =	vld [tilespmem:s12+$0x4200]  }
0x13c: {  	s14 =	sadd.s32 $0x10, s0;
	[tilespmem:s8+$0x14410] =	vst v34;
	v8 =	vld [tilespmem:s12+$0x8200]  }
0x13d: {  	s24 =	sor.u32 $0x300, s14;
	v11 =	vld [tilespmem:s5+$0x8380];
	[tilespmem:s8+$0x14490] =	vst v17;
	v5 =	vadd.f32 v6, v5  }
0x13e: {  	v4 =	vadd.f32 v4, v7;
	v7 =	vld [tilespmem:s24+$0x4200]  }
0x13f: {  	[tilespmem:s5+$0x14200] =	vst v5;
	v5 =	vld [tilespmem:s24+$0x8200]  }
0x140: {  	v6 =	vld [tilespmem:s8+$0x4380];
	v2 =	vadd.f32 v9, v2  }
0x141: {  	[tilespmem:s5+$0x14280] =	vst v4;
	v9 =	vld [tilespmem:s8+$0x8380];
	v3 =	vadd.f32 v8, v3  }
0x142: {  	v8 =	vld [tilespmem:s5+$0x4480];
	[tilespmem:s5+$0x14300] =	vst v2;
	v2 =	vadd.f32 v13, v59  }
0x143: {  	v4 =	vadd.f32 v11, v10;
	v10 =	vld [tilespmem:s8+$0x4400];
	[tilespmem:s12+$0x14200] =	vst v3  }
0x144: {  	v5 =	vadd.f32 v5, v7;
	[tilespmem:s5+$0x14400] =	vst v2;
	v2 =	vld [tilespmem:s8+$0x4480]  }
0x145: {  	v3 =	vld [tilespmem:s13+$0x4200]  }
0x146: {  	s14 =	sor.u32 $0x380, s14;
	v15 =	vld [tilespmem:s13+$0x8200];
	[tilespmem:s24+$0x14200] =	vst v5  }
0x147: {  	[tilespmem:s5+$0x14380] =	vst v4;
	v11 =	vld [tilespmem:s14+$0x4200];
	v4 =	vadd.f32 v14, v8  }
0x148: {  	s26 =	simm.s32 $0x200;
	s16 =	simm.s32 $0x40;
	v54 =	vld [tilespmem:s14+$0x8200]  }
0x149: {  	s28 =	sand.u32 $0x60, s16;
	v8 =	vld [tilespmem:s8+$0x8400];
	[tilespmem:s5+$0x14480] =	vst v4;
	s5 =	sand.u32 $0x3C00, s26  }
0x14a: {  	v4 =	vld [tilespmem:s8+$0x8480];
	s5 =	sor.u32 s28, s5  }
0x14b: {  	v37 =	vld [tilespmem:s5+$0x4210]  }
0x14c: {  	v38 =	vld [tilespmem:s5+$0x8210]  }
0x14d: {  	v39 =	vld [tilespmem:s5+$0x4290]  }
0x14e: {  	v40 =	vld [tilespmem:s5+$0x8290]  }
0x14f: {  	v41 =	vld [tilespmem:s5+$0x4310]  }
0x150: {  	v42 =	vld [tilespmem:s5+$0x8310]  }
0x151: {  	v43 =	vld [tilespmem:s5+$0x4390]  }
0x152: {  	v44 =	vld [tilespmem:s5+$0x8390]  }
0x153: {  	v45 =	vld [tilespmem:s5+$0x4410]  }
0x154: {  	v28 =	vld [tilespmem:s5+$0x8410]  }
0x155: {  	v3 =	vadd.f32 v15, v3;
	v46 =	vld [tilespmem:s5+$0x4490]  }
0x156: {  	v19 =	vadd.f32 v61, v27;
	v47 =	vld [tilespmem:s5+$0x8490]  }
0x157: {  	v48 =	vld [tilespmem:s5+$0x4200];
	[tilespmem:s13+$0x14200] =	vst v3;
	v3 =	vadd.f32 v38, v37  }
0x158: {  	[tilespmem:s8+$0x14200] =	vst v19;
	v50 =	vld [tilespmem:s5+$0x8200];
	v49 =	vadd.f32 v40, v39  }
0x159: {  	v51 =	vld [tilespmem:s5+$0x4280];
	[tilespmem:s5+$0x14210] =	vst v3;
	v3 =	vadd.f32 v42, v41  }
0x15a: {  	s6 =	simm.s32 $0x2;
	s25 =	sor.u32 $0x300, s11;
	v53 =	vld [tilespmem:s5+$0x8280];
	v52 =	vadd.f32 v44, v43;
	[tilespmem:s5+$0x14290] =	vst v49  }
0x15b: {  	s3 =	sand.u32 $0x3, s6;
	v7 =	vld [tilespmem:s25+$0x4200];
	[tilespmem:s5+$0x14310] =	vst v3;
	v3 =	vadd.f32 v28, v45  }
0x15c: {  	s15 =	sshll.u32 s3, $0x5;
	v5 =	vld [tilespmem:s25+$0x8200];
	v55 =	vadd.f32 v47, v46;
	[tilespmem:s5+$0x14390] =	vst v52  }
0x15d: {  	v56 =	vld [tilespmem:s5+$0x4300];
	s13 =	sadd.s32 $0x200, s15;
	[tilespmem:s5+$0x14410] =	vst v3;
	v3 =	vadd.f32 v50, v48  }
0x15e: {  	v58 =	vadd.f32 v33, v63;
	v57 =	vld [tilespmem:s5+$0x8300];
	s26 =	sadd.s32 $0x10, s13;
	[tilespmem:s5+$0x14490] =	vst v55  }
0x15f: {  	v59 =	vld [tilespmem:s5+$0x4380];
	s28 =	sor.u32 $0x300, s26;
	[tilespmem:s5+$0x14200] =	vst v3;
	v3 =	vadd.f32 v53, v51  }
0x160: {  	[tilespmem:s8+$0x14280] =	vst v58;
	v6 =	vadd.f32 v9, v6;
	v60 =	vld [tilespmem:s28+$0x4200]  }
0x161: {  	v61 =	vadd.f32 v36, v35;
	[tilespmem:s5+$0x14280] =	vst v3;
	v3 =	vld [tilespmem:s28+$0x8200]  }
0x162: {  	[tilespmem:s8+$0x14380] =	vst v6;
	v62 =	vld [tilespmem:s5+$0x8380];
	v6 =	vadd.f32 v8, v10  }
0x163: {  	[tilespmem:s8+$0x14300] =	vst v61;
	v63 =	vld [tilespmem:s5+$0x4400];
	v4 =	vadd.f32 v4, v2  }
0x164: {  	v8 =	vld [tilespmem:s5+$0x8400];
	[tilespmem:s8+$0x14400] =	vst v6;
	v6 =	vadd.f32 v5, v7  }
0x165: {  	v2 =	vld [tilespmem:s5+$0x4480];
	v9 =	vadd.f32 v57, v56;
	[tilespmem:s8+$0x14480] =	vst v4  }
0x166: {  	s15 =	sor.u32 $0x300, s0;
	v5 =	vld [tilespmem:s5+$0x8480];
	[tilespmem:s25+$0x14200] =	vst v6;
	v4 =	vadd.f32 v3, v60  }
0x167: {  	v6 =	vadd.f32 v62, v59;
	v7 =	vld [tilespmem:s15+$0x8200];
	[tilespmem:s5+$0x14300] =	vst v9  }
0x168: {  	s11 =	sor.u32 $0x380, s11;
	s8 =	sor.u32 $0x380, s26;
	v9 =	vadd.f32 v54, v11;
	v3 =	vld [tilespmem:s15+$0x4200];
	[tilespmem:s28+$0x14200] =	vst v4  }
0x169: {  	s16 =	simm.s32 $0x4;
	s12 =	sor.u32 $0x380, s0;
	s24 =	sor.u32 $0x300, s13;
	v8 =	vadd.f32 v8, v63;
	[tilespmem:s5+$0x14380] =	vst v6;
	v4 =	vld [tilespmem:s8+$0x4200]  }
0x16a: {  	s0 =	sor.u32 $0x380, s13;
	s25 =	simm.s32 $0x60;
	[tilespmem:s14+$0x14200] =	vst v9;
	s14 =	simm.s32 $0x300;
	v6 =	vld [tilespmem:s8+$0x8200]  }
.LBB2_5:
0x16b: {  	s26 =	sand.u32 $0x60, s25;
	s28 =	sand.u32 $0x3C00, s14;
	[tilespmem:s5+$0x14400] =	vst v8;
	v2 =	vadd.f32 v5, v2;
	v5 =	vld [tilespmem:s11+$0x4200]  }
0x16c: {  	s26 =	sor.u32 s26, s28;
	v8 =	vld [tilespmem:s11+$0x8200]  }
0x16d: {  	v9 =	vld [tilespmem:s26+$0x4210];
	[tilespmem:s5+$0x14480] =	vst v2;
	v2 =	vadd.f32 v7, v3;
	s5 =	smov.u32 s26  }
0x16e: {  	v3 =	vld [tilespmem:s5+$0x8210]  }
0x16f: {  	v7 =	vld [tilespmem:s5+$0x4290];
	v4 =	vadd.f32 v6, v4;
	[tilespmem:s15+$0x14200] =	vst v2;
	s15 =	smov.u32 s24  }
0x170: {  	v2 =	vld [tilespmem:s5+$0x8290]  }
0x171: {  	v6 =	vld [tilespmem:s5+$0x4310];
	[tilespmem:s8+$0x14200] =	vst v4;
	v4 =	vadd.f32 v8, v5  }
0x172: {  	v5 =	vld [tilespmem:s5+$0x8310]  }
0x173: {  	v8 =	vld [tilespmem:s5+$0x4390];
	[tilespmem:s11+$0x14200] =	vst v4;
	s11 =	smov.u32 s12;
	s12 =	smov.u32 s0  }
0x174: {  	v4 =	vld [tilespmem:s5+$0x8390]  }
0x175: {  	v10 =	vld [tilespmem:s5+$0x4410]  }
0x176: {  	v11 =	vld [tilespmem:s5+$0x8410]  }
0x177: {  	v12 =	vld [tilespmem:s5+$0x4490]  }
0x178: {  	s16 =	sadd.s32 $0x2, s16;
	v3 =	vadd.f32 v3, v9;
	v9 =	vld [tilespmem:s5+$0x8490]  }
0x179: {  	p0 =	slt.u32 s16, $0x7E;
	v2 =	vadd.f32 v2, v7;
	v13 =	vld [tilespmem:s5+$0x4200]  }
0x17a: {  	s6 =	sadd.s32 $0x1, s6;
	v7 =	vld [tilespmem:s5+$0x8200];
	[tilespmem:s5+$0x14210] =	vst v3;
	v3 =	vadd.f32 v5, v6  }
0x17b: {  	s0 =	sand.u32 $0x3, s6;
	v5 =	vld [tilespmem:s5+$0x4280];
	[tilespmem:s5+$0x14290] =	vst v2;
	v2 =	vadd.f32 v4, v8  }
0x17c: {  	s0 =	sshll.u32 s0, $0x5;
	v4 =	vld [tilespmem:s5+$0x8280];
	[tilespmem:s5+$0x14310] =	vst v3;
	v3 =	vadd.f32 v11, v10  }
0x17d: {  	s8 =	sadd.s32 s0, s14;
	v6 =	vld [tilespmem:s5+$0x4300];
	[tilespmem:s5+$0x14390] =	vst v2;
	v2 =	vadd.f32 v9, v12  }
0x17e: {  	s24 =	sor.u32 $0x300, s8;
	s0 =	sor.u32 $0x380, s8;
	s8 =	sadd.s32 $0x10, s8;
	v8 =	vld [tilespmem:s5+$0x8300];
	[tilespmem:s5+$0x14410] =	vst v3  }
0x17f: {  	s26 =	sor.u32 $0x300, s8;
	v3 =	vadd.f32 v7, v13;
	v7 =	vld [tilespmem:s5+$0x4380];
	[tilespmem:s5+$0x14490] =	vst v2  }
0x180: {  	v9 =	vld [tilespmem:s26+$0x4200]  }
0x181: {  	[tilespmem:s5+$0x14200] =	vst v3;
	v2 =	vadd.f32 v4, v5;
	v3 =	vld [tilespmem:s26+$0x8200]  }
0x182: {  	v4 =	vld [tilespmem:s5+$0x8380]  }
0x183: {  	[tilespmem:s5+$0x14280] =	vst v2;
	v2 =	vadd.f32 v8, v6;
	v6 =	vld [tilespmem:s5+$0x4400]  }
0x184: {  	v8 =	vld [tilespmem:s5+$0x8400]  }
0x185: {  	[tilespmem:s5+$0x14300] =	vst v2;
	v2 =	vld [tilespmem:s5+$0x4480]  }
.Ltmp3:
0x186: {  	v5 =	vld [tilespmem:s5+$0x8480];
	v9 =	vadd.f32 v3, v9;
	(pc) =	sbr.rel @p0 .LBB2_5-.Ltmp3, $4  }
0x187: {  	v4 =	vadd.f32 v4, v7;
	v3 =	vld [tilespmem:s15+$0x4200]  }
0x188: {  	s8 =	sor.u32 $0x380, s8;
	[tilespmem:s26+$0x14200] =	vst v9;
	v7 =	vld [tilespmem:s15+$0x8200]  }
0x189: {  	[tilespmem:s5+$0x14380] =	vst v4;
	v8 =	vadd.f32 v8, v6;
	v4 =	vld [tilespmem:s8+$0x4200]  }
0x18a: {  	s25 =	sadd.s32 $0x20, s25;
	s14 =	sadd.s32 $0x100, s14;
	v6 =	vld [tilespmem:s8+$0x8200]  }
0x18b: {  	v2 =	vadd.f32 v5, v2  }
0x18c: {  	[tilespmem:s5+$0x14400] =	vst v8  }
0x18d: {  	[tilespmem:s5+$0x14480] =	vst v2  }
0x18e: {  	v2 =	vld [tilespmem:s24+$0x4200]  }
0x18f: {  	v5 =	vld [tilespmem:s24+$0x8200];
	_ =	sdelay $0x2  }
0x190: {  	v3 =	vadd.f32 v7, v3  }
0x191: {  	v8 =	vld [tilespmem:s11+$0x8200]  }
0x192: {  	v7 =	vld [tilespmem:s11+$0x4200];
	[tilespmem:s15+$0x14200] =	vst v3;
	v2 =	vadd.f32 v5, v2  }
0x193: {  	v3 =	vld [tilespmem:s12+$0x4200]  }
0x194: {  	v5 =	vld [tilespmem:s12+$0x8200];
	[tilespmem:s24+$0x14200] =	vst v2  }
0x195: {  	v2 =	vld [tilespmem:s0+$0x4200]  }
0x196: {  	v4 =	vadd.f32 v6, v4;
	v9 =	vld [tilespmem:s0+$0x8200]  }
0x197: {  	v6 =	vadd.f32 v8, v7  }
0x198: {  	[tilespmem:s8+$0x14200] =	vst v4  }
0x199: {  	[tilespmem:s11+$0x14200] =	vst v6  }
0x19a: {  	s3 =	rddreg [dreg:$0x6];
	v3 =	vadd.f32 v5, v3  }
0x19b: {  	s24 =	sadd.s32 s3, s7;
	v2 =	vadd.f32 v9, v2  }
0x19c: {  	s5 =	sshll.u32 s24, $0x8;
	[tilespmem:s12+$0x14200] =	vst v3  }
0x19d: {  	s6 =	simm.s32 $0x0;
	s26 =	simm.s32 $0x14200;
	s25 =	sadd.s32 s30, s5;
	[tilespmem:s0+$0x14200] =	vst v2  }
0x19e: {  	[hbm4b:s25+s6] =	stream.linear.scatter [tilespmem:s26], [sflag:$0x6], $0x4000, $0x38;
	[tilespmem:$0x18200] =	vst v63  }
0x19f: {  	v2 =	vld.msk [tilespmem:s7+$0x180], $0xff;
	_ =	sdelay $0x4  }
0x1a0: {  	v3 =	vshll.u32 v2, $0x4  }
0x1a1: {  	v2 =	vand.u32 $0x7, v2;
	v3 =	vand.u32 $0xFFFFFF80, v3  }
0x1a2: {  	v2 =	vor.u32 v2, v3  }
0x1a3: {  	v2 =	vperm.xlane v2, v0;
	_ =	sdelay $0x1  }
0x1a4: {  	v2 =	vadd.s32 v1, v2;
	_ =	sdelay $0x4  }
0x1a5: {  	[tilespmem:s31], [sflag:$0x2] =	stream.indirect_vreg.gather [hbm4b:s1+s6], $0x80, v2, vm0, $0xb8;
	[tilespmem:$0x18200] =	vst v63  }
0x1a6: {  	s31 =	simm.s32 $0x4A00  }
0x1a7: {  	[tilespmem:s31], [sflag:$0x2] =	stream.indirect_vreg.gather [hbm4b:s17+s6], $0x80, v2, vm0, $0xb8;
	[tilespmem:$0x18200] =	vst v63  }
0x1a8: {  	s28 =	simm.s32 $0x5200  }
0x1a9: {  	[tilespmem:s28], [sflag:$0x2] =	stream.indirect_vreg.gather [hbm4b:s18+s6], $0x80, v2, vm0, $0xb8;
	[tilespmem:$0x18200] =	vst v63  }
0x1aa: {  	s13 =	smov.u32 s1;
	s1 =	simm.s32 $0x5A00  }
0x1ab: {  	[tilespmem:s1], [sflag:$0x2] =	stream.indirect_vreg.gather [hbm4b:s19+s6], $0x80, v2, vm0, $0xb8;
	[tilespmem:$0x18200] =	vst v63  }
0x1ac: {  	s3 =	simm.s32 $0x6200  }
0x1ad: {  	[tilespmem:s3], [sflag:$0x2] =	stream.indirect_vreg.gather [hbm4b:s20+s6], $0x80, v2, vm0, $0xb8;
	[tilespmem:$0x18200] =	vst v63  }
0x1ae: {  	s5 =	simm.s32 $0x6A00  }
0x1af: {  	[tilespmem:s5], [sflag:$0x2] =	stream.indirect_vreg.gather [hbm4b:s21+s6], $0x80, v2, vm0, $0xb8;
	[tilespmem:$0x18200] =	vst v63  }
0x1b0: {  	s8 =	simm.s32 $0x7200  }
0x1b1: {  	[tilespmem:s8], [sflag:$0x2] =	stream.indirect_vreg.gather [hbm4b:s22+s6], $0x80, v2, vm0, $0xb8;
	[tilespmem:$0x18200] =	vst v63  }
0x1b2: {  	s11 =	simm.s32 $0x7A00  }
0x1b3: {  	[tilespmem:s11], [sflag:$0x2] =	stream.indirect_vreg.gather [hbm4b:s23+s6], $0x80, v2, vm0, $0xb8;
	[tilespmem:$0x18200] =	vst v63  }
0x1b4: {  	_ =	swait.ge [sflag:s2], $0x4000  }
0x1b5: {  	[sflag:s2] =	ssyncset.done $0x0  }
0x1b6: {  	s12 =	simm.s32 $0x5;
	[sflag:s2] =	ssyncadd.s32 $0xFFFFC000  }
0x1b7: {  	_ =	swait.ge [sflag:s12], $0x4000  }
0x1b8: {  	s14 =	sand.u32 $0x60, s6;
	s15 =	sand.u32 $0x3C00, s6;
	[sflag:s12] =	ssyncset.done $0x0  }
0x1b9: {  	s5 =	sor.u32 s14, s15;
	[sflag:s12] =	ssyncadd.s32 $0xFFFFC000  }
0x1ba: {  	v2 =	vld [tilespmem:s5+$0x210]  }
0x1bb: {  	v3 =	vld [tilespmem:s5+$0x8210]  }
0x1bc: {  	v4 =	vld [tilespmem:s5+$0x290]  }
0x1bd: {  	v5 =	vld [tilespmem:s5+$0x8290]  }
0x1be: {  	v6 =	vld [tilespmem:s5+$0x310]  }
0x1bf: {  	v7 =	vld [tilespmem:s5+$0x8310]  }
0x1c0: {  	v8 =	vld [tilespmem:s5+$0x390]  }
0x1c1: {  	v9 =	vld [tilespmem:s5+$0x8390]  }
0x1c2: {  	s16 =	sand.u32 $0x3, s6;
	v10 =	vld [tilespmem:s5+$0x410]  }
0x1c3: {  	s0 =	sshll.u32 s16, $0x5;
	v11 =	vld [tilespmem:s5+$0x8410]  }
0x1c4: {  	s3 =	simm.s32 $0x20;
	s11 =	sadd.s32 $0x0, s0;
	v12 =	vld [tilespmem:s5+$0x490]  }
0x1c5: {  	s1 =	simm.s32 $0x100;
	s8 =	sand.u32 $0x60, s3;
	s0 =	sadd.s32 $0x10, s11;
	v59 =	vld [tilespmem:s5+$0x400]  }
0x1c6: {  	s24 =	sor.u32 $0x300, s0;
	s25 =	sor.u32 $0x380, s0;
	s0 =	sand.u32 $0x3C00, s1;
	v13 =	vld [tilespmem:s5+$0x8400]  }
0x1c7: {  	s8 =	sor.u32 s8, s0;
	v14 =	vld [tilespmem:s5+$0x8480]  }
0x1c8: {  	v16 =	vld [tilespmem:s8+$0x210]  }
0x1c9: {  	v17 =	vld [tilespmem:s8+$0x8210]  }
0x1ca: {  	v18 =	vld [tilespmem:s8+$0x290]  }
0x1cb: {  	v19 =	vld [tilespmem:s8+$0x8290]  }
0x1cc: {  	v20 =	vld [tilespmem:s8+$0x310]  }
0x1cd: {  	v21 =	vld [tilespmem:s8+$0x8310]  }
0x1ce: {  	v22 =	vld [tilespmem:s8+$0x390]  }
0x1cf: {  	v23 =	vld [tilespmem:s8+$0x8390]  }
0x1d0: {  	v24 =	vld [tilespmem:s8+$0x410]  }
0x1d1: {  	v25 =	vld [tilespmem:s8+$0x8410]  }
0x1d2: {  	v26 =	vld [tilespmem:s8+$0x490]  }
0x1d3: {  	v60 =	vld [tilespmem:s8+$0x8490]  }
0x1d4: {  	v27 =	vld [tilespmem:s8+$0x200]  }
0x1d5: {  	v61 =	vld [tilespmem:s8+$0x8200]  }
0x1d6: {  	v63 =	vld [tilespmem:s8+$0x280]  }
0x1d7: {  	v33 =	vld [tilespmem:s8+$0x8280];
	v2 =	vadd.f32 v3, v2  }
0x1d8: {  	v35 =	vld [tilespmem:s8+$0x300];
	v4 =	vadd.f32 v5, v4  }
0x1d9: {  	v36 =	vld [tilespmem:s8+$0x8300];
	v16 =	vadd.f32 v17, v16;
	[tilespmem:s5+$0x10210] =	vst v2  }
0x1da: {  	v3 =	vld [tilespmem:s5+$0x8490];
	v18 =	vadd.f32 v19, v18;
	[tilespmem:s5+$0x10290] =	vst v4  }
0x1db: {  	v5 =	vld [tilespmem:s5+$0x200];
	v62 =	vadd.f32 v21, v20;
	[tilespmem:s8+$0x10210] =	vst v16  }
0x1dc: {  	v2 =	vadd.f32 v7, v6;
	v6 =	vld [tilespmem:s5+$0x8200];
	[tilespmem:s8+$0x10290] =	vst v18  }
0x1dd: {  	v4 =	vadd.f32 v9, v8;
	v7 =	vld [tilespmem:s5+$0x280];
	[tilespmem:s8+$0x10310] =	vst v62  }
0x1de: {  	v9 =	vld [tilespmem:s5+$0x8300];
	[tilespmem:s5+$0x10310] =	vst v2;
	v2 =	vadd.f32 v11, v10  }
0x1df: {  	s26 =	simm.s32 $0x1;
	[tilespmem:s5+$0x10390] =	vst v4;
	v4 =	vld [tilespmem:s5+$0x8280];
	v3 =	vadd.f32 v3, v12  }
0x1e0: {  	s0 =	sand.u32 $0x3, s26;
	v32 =	vadd.f32 v23, v22;
	v10 =	vld [tilespmem:s5+$0x380];
	[tilespmem:s5+$0x10410] =	vst v2  }
0x1e1: {  	s0 =	sshll.u32 s0, $0x5;
	v34 =	vadd.f32 v25, v24;
	v2 =	vld [tilespmem:s5+$0x300];
	[tilespmem:s5+$0x10490] =	vst v3  }
0x1e2: {  	s0 =	sadd.s32 $0x100, s0;
	v17 =	vadd.f32 v60, v26;
	[tilespmem:s8+$0x10390] =	vst v32;
	v3 =	vld [tilespmem:s24+$0x200]  }
0x1e3: {  	s14 =	sadd.s32 $0x10, s0;
	[tilespmem:s8+$0x10410] =	vst v34;
	v8 =	vld [tilespmem:s24+$0x8200]  }
0x1e4: {  	s28 =	sor.u32 $0x300, s14;
	[tilespmem:s8+$0x10490] =	vst v17;
	v11 =	vld [tilespmem:s5+$0x8380];
	v5 =	vadd.f32 v6, v5  }
0x1e5: {  	v4 =	vadd.f32 v4, v7;
	v7 =	vld [tilespmem:s28+$0x200]  }
0x1e6: {  	[tilespmem:s5+$0x10200] =	vst v5;
	v5 =	vld [tilespmem:s28+$0x8200]  }
0x1e7: {  	v6 =	vld [tilespmem:s8+$0x380];
	v2 =	vadd.f32 v9, v2  }
0x1e8: {  	[tilespmem:s5+$0x10280] =	vst v4;
	v9 =	vld [tilespmem:s8+$0x8380];
	v3 =	vadd.f32 v8, v3  }
0x1e9: {  	v8 =	vld [tilespmem:s5+$0x480];
	[tilespmem:s5+$0x10300] =	vst v2;
	v2 =	vadd.f32 v13, v59  }
0x1ea: {  	v4 =	vadd.f32 v11, v10;
	v10 =	vld [tilespmem:s8+$0x400];
	[tilespmem:s24+$0x10200] =	vst v3  }
0x1eb: {  	v5 =	vadd.f32 v5, v7;
	[tilespmem:s5+$0x10400] =	vst v2;
	v2 =	vld [tilespmem:s8+$0x480]  }
0x1ec: {  	v3 =	vld [tilespmem:s25+$0x200]  }
0x1ed: {  	s14 =	sor.u32 $0x380, s14;
	v15 =	vld [tilespmem:s25+$0x8200];
	[tilespmem:s28+$0x10200] =	vst v5  }
0x1ee: {  	[tilespmem:s5+$0x10380] =	vst v4;
	v11 =	vld [tilespmem:s14+$0x200];
	v4 =	vadd.f32 v14, v8  }
0x1ef: {  	s16 =	simm.s32 $0x40;
	s3 =	simm.s32 $0x200;
	v54 =	vld [tilespmem:s14+$0x8200]  }
0x1f0: {  	s24 =	sand.u32 $0x60, s16;
	v8 =	vld [tilespmem:s8+$0x8400];
	[tilespmem:s5+$0x10480] =	vst v4;
	s5 =	sand.u32 $0x3C00, s3  }
0x1f1: {  	v4 =	vld [tilespmem:s8+$0x8480];
	s5 =	sor.u32 s24, s5  }
0x1f2: {  	v37 =	vld [tilespmem:s5+$0x210]  }
0x1f3: {  	v38 =	vld [tilespmem:s5+$0x8210]  }
0x1f4: {  	v39 =	vld [tilespmem:s5+$0x290]  }
0x1f5: {  	v40 =	vld [tilespmem:s5+$0x8290]  }
0x1f6: {  	v41 =	vld [tilespmem:s5+$0x310]  }
0x1f7: {  	v42 =	vld [tilespmem:s5+$0x8310]  }
0x1f8: {  	v43 =	vld [tilespmem:s5+$0x390]  }
0x1f9: {  	v44 =	vld [tilespmem:s5+$0x8390]  }
0x1fa: {  	v45 =	vld [tilespmem:s5+$0x410]  }
0x1fb: {  	v28 =	vld [tilespmem:s5+$0x8410]  }
0x1fc: {  	v3 =	vadd.f32 v15, v3;
	v46 =	vld [tilespmem:s5+$0x490]  }
0x1fd: {  	v19 =	vadd.f32 v61, v27;
	v47 =	vld [tilespmem:s5+$0x8490]  }
0x1fe: {  	v48 =	vld [tilespmem:s5+$0x200];
	[tilespmem:s25+$0x10200] =	vst v3;
	v3 =	vadd.f32 v38, v37  }
0x1ff: {  	[tilespmem:s8+$0x10200] =	vst v19;
	v50 =	vld [tilespmem:s5+$0x8200];
	v49 =	vadd.f32 v40, v39  }
0x200: {  	v51 =	vld [tilespmem:s5+$0x280];
	[tilespmem:s5+$0x10210] =	vst v3;
	v3 =	vadd.f32 v42, v41  }
0x201: {  	s6 =	simm.s32 $0x2;
	s1 =	sor.u32 $0x300, s11;
	v53 =	vld [tilespmem:s5+$0x8280];
	v52 =	vadd.f32 v44, v43;
	[tilespmem:s5+$0x10290] =	vst v49  }
0x202: {  	v7 =	vld [tilespmem:s1+$0x200];
	s25 =	sand.u32 $0x3, s6;
	[tilespmem:s5+$0x10310] =	vst v3;
	v3 =	vadd.f32 v28, v45  }
0x203: {  	v5 =	vld [tilespmem:s1+$0x8200];
	s15 =	sshll.u32 s25, $0x5;
	v55 =	vadd.f32 v47, v46;
	[tilespmem:s5+$0x10390] =	vst v52  }
0x204: {  	v56 =	vld [tilespmem:s5+$0x300];
	s25 =	sadd.s32 $0x200, s15;
	[tilespmem:s5+$0x10410] =	vst v3;
	v3 =	vadd.f32 v50, v48  }
0x205: {  	v58 =	vadd.f32 v33, v63;
	v57 =	vld [tilespmem:s5+$0x8300];
	s26 =	sadd.s32 $0x10, s25;
	[tilespmem:s5+$0x10490] =	vst v55  }
0x206: {  	v59 =	vld [tilespmem:s5+$0x380];
	s28 =	sor.u32 $0x300, s26;
	[tilespmem:s5+$0x10200] =	vst v3;
	v3 =	vadd.f32 v53, v51  }
0x207: {  	[tilespmem:s8+$0x10280] =	vst v58;
	v6 =	vadd.f32 v9, v6;
	v60 =	vld [tilespmem:s28+$0x200]  }
0x208: {  	v61 =	vadd.f32 v36, v35;
	[tilespmem:s5+$0x10280] =	vst v3;
	v3 =	vld [tilespmem:s28+$0x8200]  }
0x209: {  	[tilespmem:s8+$0x10380] =	vst v6;
	v62 =	vld [tilespmem:s5+$0x8380];
	v6 =	vadd.f32 v8, v10  }
0x20a: {  	[tilespmem:s8+$0x10300] =	vst v61;
	v63 =	vld [tilespmem:s5+$0x400];
	v4 =	vadd.f32 v4, v2  }
0x20b: {  	v8 =	vld [tilespmem:s5+$0x8400];
	[tilespmem:s8+$0x10400] =	vst v6;
	v6 =	vadd.f32 v5, v7  }
0x20c: {  	v2 =	vld [tilespmem:s5+$0x480];
	v9 =	vadd.f32 v57, v56;
	[tilespmem:s8+$0x10480] =	vst v4  }
0x20d: {  	s15 =	sor.u32 $0x300, s0;
	v5 =	vld [tilespmem:s5+$0x8480];
	[tilespmem:s1+$0x10200] =	vst v6;
	v4 =	vadd.f32 v3, v60  }
0x20e: {  	v6 =	vadd.f32 v62, v59;
	v7 =	vld [tilespmem:s15+$0x8200];
	[tilespmem:s5+$0x10300] =	vst v9  }
0x20f: {  	s11 =	sor.u32 $0x380, s11;
	s8 =	sor.u32 $0x380, s26;
	v9 =	vadd.f32 v54, v11;
	v3 =	vld [tilespmem:s15+$0x200];
	[tilespmem:s28+$0x10200] =	vst v4  }
0x210: {  	s12 =	sor.u32 $0x380, s0;
	s16 =	simm.s32 $0x4;
	s24 =	sor.u32 $0x300, s25;
	v8 =	vadd.f32 v8, v63;
	[tilespmem:s5+$0x10380] =	vst v6;
	v4 =	vld [tilespmem:s8+$0x200]  }
0x211: {  	s0 =	sor.u32 $0x380, s25;
	s25 =	simm.s32 $0x60;
	[tilespmem:s14+$0x10200] =	vst v9;
	s14 =	simm.s32 $0x300;
	v6 =	vld [tilespmem:s8+$0x8200]  }
.LBB2_7:
0x212: {  	s26 =	sand.u32 $0x60, s25;
	s28 =	sand.u32 $0x3C00, s14;
	[tilespmem:s5+$0x10400] =	vst v8;
	v2 =	vadd.f32 v5, v2;
	v5 =	vld [tilespmem:s11+$0x200]  }
0x213: {  	s26 =	sor.u32 s26, s28;
	v8 =	vld [tilespmem:s11+$0x8200]  }
0x214: {  	v9 =	vld [tilespmem:s26+$0x210];
	[tilespmem:s5+$0x10480] =	vst v2;
	v2 =	vadd.f32 v7, v3;
	s5 =	smov.u32 s26  }
0x215: {  	v3 =	vld [tilespmem:s5+$0x8210]  }
0x216: {  	v7 =	vld [tilespmem:s5+$0x290];
	v4 =	vadd.f32 v6, v4;
	[tilespmem:s15+$0x10200] =	vst v2;
	s15 =	smov.u32 s24  }
0x217: {  	v2 =	vld [tilespmem:s5+$0x8290]  }
0x218: {  	v6 =	vld [tilespmem:s5+$0x310];
	[tilespmem:s8+$0x10200] =	vst v4;
	v4 =	vadd.f32 v8, v5  }
0x219: {  	v5 =	vld [tilespmem:s5+$0x8310]  }
0x21a: {  	v8 =	vld [tilespmem:s5+$0x390];
	[tilespmem:s11+$0x10200] =	vst v4;
	s11 =	smov.u32 s12;
	s12 =	smov.u32 s0  }
0x21b: {  	v4 =	vld [tilespmem:s5+$0x8390]  }
0x21c: {  	v10 =	vld [tilespmem:s5+$0x410]  }
0x21d: {  	v11 =	vld [tilespmem:s5+$0x8410]  }
0x21e: {  	v12 =	vld [tilespmem:s5+$0x490]  }
0x21f: {  	s16 =	sadd.s32 $0x2, s16;
	v3 =	vadd.f32 v3, v9;
	v9 =	vld [tilespmem:s5+$0x8490]  }
0x220: {  	p0 =	slt.u32 s16, $0x7E;
	v2 =	vadd.f32 v2, v7;
	v13 =	vld [tilespmem:s5+$0x200]  }
0x221: {  	s6 =	sadd.s32 $0x1, s6;
	v7 =	vld [tilespmem:s5+$0x8200];
	[tilespmem:s5+$0x10210] =	vst v3;
	v3 =	vadd.f32 v5, v6  }
0x222: {  	s0 =	sand.u32 $0x3, s6;
	v5 =	vld [tilespmem:s5+$0x280];
	[tilespmem:s5+$0x10290] =	vst v2;
	v2 =	vadd.f32 v4, v8  }
0x223: {  	s0 =	sshll.u32 s0, $0x5;
	v4 =	vld [tilespmem:s5+$0x8280];
	[tilespmem:s5+$0x10310] =	vst v3;
	v3 =	vadd.f32 v11, v10  }
0x224: {  	s8 =	sadd.s32 s0, s14;
	v6 =	vld [tilespmem:s5+$0x300];
	[tilespmem:s5+$0x10390] =	vst v2;
	v2 =	vadd.f32 v9, v12  }
0x225: {  	s24 =	sor.u32 $0x300, s8;
	s0 =	sor.u32 $0x380, s8;
	s8 =	sadd.s32 $0x10, s8;
	v8 =	vld [tilespmem:s5+$0x8300];
	[tilespmem:s5+$0x10410] =	vst v3  }
0x226: {  	s26 =	sor.u32 $0x300, s8;
	v3 =	vadd.f32 v7, v13;
	v7 =	vld [tilespmem:s5+$0x380];
	[tilespmem:s5+$0x10490] =	vst v2  }
0x227: {  	v9 =	vld [tilespmem:s26+$0x200]  }
0x228: {  	[tilespmem:s5+$0x10200] =	vst v3;
	v2 =	vadd.f32 v4, v5;
	v3 =	vld [tilespmem:s26+$0x8200]  }
0x229: {  	v4 =	vld [tilespmem:s5+$0x8380]  }
0x22a: {  	[tilespmem:s5+$0x10280] =	vst v2;
	v2 =	vadd.f32 v8, v6;
	v6 =	vld [tilespmem:s5+$0x400]  }
0x22b: {  	v8 =	vld [tilespmem:s5+$0x8400]  }
0x22c: {  	[tilespmem:s5+$0x10300] =	vst v2;
	v2 =	vld [tilespmem:s5+$0x480]  }
.Ltmp4:
0x22d: {  	v5 =	vld [tilespmem:s5+$0x8480];
	v9 =	vadd.f32 v3, v9;
	(pc) =	sbr.rel @p0 .LBB2_7-.Ltmp4, $4  }
0x22e: {  	v4 =	vadd.f32 v4, v7;
	v3 =	vld [tilespmem:s15+$0x200]  }
0x22f: {  	s8 =	sor.u32 $0x380, s8;
	[tilespmem:s26+$0x10200] =	vst v9;
	v7 =	vld [tilespmem:s15+$0x8200]  }
0x230: {  	[tilespmem:s5+$0x10380] =	vst v4;
	v8 =	vadd.f32 v8, v6;
	v4 =	vld [tilespmem:s8+$0x200]  }
0x231: {  	s25 =	sadd.s32 $0x20, s25;
	s14 =	sadd.s32 $0x100, s14;
	v6 =	vld [tilespmem:s8+$0x8200]  }
0x232: {  	v2 =	vadd.f32 v5, v2  }
0x233: {  	[tilespmem:s5+$0x10400] =	vst v8  }
0x234: {  	[tilespmem:s5+$0x10480] =	vst v2  }
0x235: {  	v2 =	vld [tilespmem:s24+$0x200]  }
0x236: {  	v5 =	vld [tilespmem:s24+$0x8200];
	_ =	sdelay $0x2  }
0x237: {  	v3 =	vadd.f32 v7, v3  }
0x238: {  	v8 =	vld [tilespmem:s11+$0x8200]  }
0x239: {  	v7 =	vld [tilespmem:s11+$0x200];
	[tilespmem:s15+$0x10200] =	vst v3;
	v2 =	vadd.f32 v5, v2  }
0x23a: {  	v3 =	vld [tilespmem:s12+$0x200]  }
0x23b: {  	v5 =	vld [tilespmem:s12+$0x8200];
	[tilespmem:s24+$0x10200] =	vst v2  }
0x23c: {  	v2 =	vld [tilespmem:s0+$0x200]  }
0x23d: {  	v4 =	vadd.f32 v6, v4;
	v9 =	vld [tilespmem:s0+$0x8200]  }
0x23e: {  	v6 =	vadd.f32 v8, v7  }
0x23f: {  	[tilespmem:s8+$0x10200] =	vst v4  }
0x240: {  	[tilespmem:s11+$0x10200] =	vst v6  }
0x241: {  	s1 =	rddreg [dreg:$0xa];
	v3 =	vadd.f32 v5, v3  }
0x242: {  	s11 =	sadd.s32 s1, s7;
	v2 =	vadd.f32 v9, v2  }
0x243: {  	s5 =	sshll.u32 s11, $0x8;
	[tilespmem:s12+$0x10200] =	vst v3  }
0x244: {  	s3 =	simm.s32 $0x10200;
	s8 =	simm.s32 $0x0;
	s12 =	sadd.s32 s30, s5;
	[tilespmem:s0+$0x10200] =	vst v2  }
0x245: {  	[hbm4b:s12+s8] =	stream.linear.scatter [tilespmem:s3], [sflag:$0x5], $0x4000, $0x38;
	[tilespmem:$0x18200] =	vst v63  }
0x246: {  	s14 =	rddreg [dreg:$0x13]  }
0x247: {  	s0 =	sor.u32 $0x1, s14  }
0x248: {  	s6 =	sshll.u32 s0, $0x3  }
0x249: {  	s5 =	sand.u32 $0x3FFFFFF8, s6  }
0x24a: {  	v2 =	vld.msk [tilespmem:s5+$0x0], $0xff;
	_ =	sdelay $0x4  }
0x24b: {  	v3 =	vshll.u32 v2, $0x4  }
0x24c: {  	v2 =	vand.u32 $0x7, v2;
	v3 =	vand.u32 $0xFFFFFF80, v3  }
0x24d: {  	v2 =	vor.u32 v2, v3  }
0x24e: {  	v2 =	vperm.xlane v2, v0;
	_ =	sdelay $0x1  }
0x24f: {  	v2 =	vadd.s32 v1, v2;
	_ =	sdelay $0x3  }
0x250: {  	s15 =	simm.s32 $0x200  }
0x251: {  	[tilespmem:s15], [sflag:$0x1] =	stream.indirect_vreg.gather [hbm4b:s13+s8], $0x80, v2, vm0, $0xb8;
	[tilespmem:$0x18200] =	vst v63  }
0x252: {  	s16 =	simm.s32 $0xA00  }
0x253: {  	[tilespmem:s16], [sflag:$0x1] =	stream.indirect_vreg.gather [hbm4b:s17+s8], $0x80, v2, vm0, $0xb8;
	[tilespmem:$0x18200] =	vst v63  }
0x254: {  	s24 =	simm.s32 $0x1200  }
0x255: {  	[tilespmem:s24], [sflag:$0x1] =	stream.indirect_vreg.gather [hbm4b:s18+s8], $0x80, v2, vm0, $0xb8;
	[tilespmem:$0x18200] =	vst v63  }
0x256: {  	s25 =	simm.s32 $0x1A00  }
0x257: {  	[tilespmem:s25], [sflag:$0x1] =	stream.indirect_vreg.gather [hbm4b:s19+s8], $0x80, v2, vm0, $0xb8;
	[tilespmem:$0x18200] =	vst v63  }
0x258: {  	s26 =	simm.s32 $0x2200  }
0x259: {  	[tilespmem:s26], [sflag:$0x1] =	stream.indirect_vreg.gather [hbm4b:s20+s8], $0x80, v2, vm0, $0xb8;
	[tilespmem:$0x18200] =	vst v63  }
0x25a: {  	s1 =	smov.u32 s30;
	s30 =	simm.s32 $0x2A00  }
0x25b: {  	[tilespmem:s30], [sflag:$0x1] =	stream.indirect_vreg.gather [hbm4b:s21+s8], $0x80, v2, vm0, $0xb8;
	[tilespmem:$0x18200] =	vst v63  }
0x25c: {  	s3 =	simm.s32 $0x3200  }
0x25d: {  	[tilespmem:s3], [sflag:$0x1] =	stream.indirect_vreg.gather [hbm4b:s22+s8], $0x80, v2, vm0, $0xb8;
	[tilespmem:$0x18200] =	vst v63  }
0x25e: {  	s11 =	simm.s32 $0x3A00  }
0x25f: {  	[tilespmem:s11], [sflag:$0x1] =	stream.indirect_vreg.gather [hbm4b:s23+s8], $0x80, v2, vm0, $0xb8;
	[tilespmem:$0x18200] =	vst v63  }
0x260: {  	_ =	swait.ge [sflag:s29], $0x4000  }
0x261: {  	[sflag:s29] =	ssyncset.done $0x0  }
0x262: {  	[sflag:s29] =	ssyncadd.s32 $0xFFFFC000  }
0x263: {  	_ =	swait.ge [sflag:s9], $0x4000  }
0x264: {  	s12 =	sand.u32 $0x60, s8;
	s14 =	sand.u32 $0x3C00, s8;
	[sflag:s9] =	ssyncset.done $0x0  }
0x265: {  	s11 =	sor.u32 s12, s14;
	[sflag:s9] =	ssyncadd.s32 $0xFFFFC000  }
0x266: {  	v2 =	vld [tilespmem:s11+$0x4210]  }
0x267: {  	v3 =	vld [tilespmem:s11+$0x8210]  }
0x268: {  	v4 =	vld [tilespmem:s11+$0x4290]  }
0x269: {  	v5 =	vld [tilespmem:s11+$0x8290]  }
0x26a: {  	v6 =	vld [tilespmem:s11+$0x4310]  }
0x26b: {  	v7 =	vld [tilespmem:s11+$0x8310]  }
0x26c: {  	v8 =	vld [tilespmem:s11+$0x4390]  }
0x26d: {  	v9 =	vld [tilespmem:s11+$0x8390]  }
0x26e: {  	v10 =	vld [tilespmem:s11+$0x4410]  }
0x26f: {  	v11 =	vld [tilespmem:s11+$0x8410]  }
0x270: {  	v12 =	vld [tilespmem:s11+$0x4490]  }
0x271: {  	v2 =	vadd.f32 v3, v2;
	v3 =	vld [tilespmem:s11+$0x8490]  }
0x272: {  	v4 =	vadd.f32 v5, v4  }
0x273: {  	[tilespmem:s11+$0x14210] =	vst v2;
	v2 =	vadd.f32 v7, v6  }
0x274: {  	s15 =	sand.u32 $0x3, s8;
	v59 =	vld [tilespmem:s11+$0x4400];
	[tilespmem:s11+$0x14290] =	vst v4;
	v4 =	vadd.f32 v9, v8  }
0x275: {  	s0 =	sshll.u32 s15, $0x5;
	v13 =	vld [tilespmem:s11+$0x8400];
	[tilespmem:s11+$0x14310] =	vst v2;
	v2 =	vadd.f32 v11, v10  }
0x276: {  	s15 =	sadd.s32 $0x0, s0;
	v14 =	vld [tilespmem:s11+$0x8480];
	[tilespmem:s11+$0x14390] =	vst v4;
	v3 =	vadd.f32 v3, v12  }
0x277: {  	s0 =	sadd.s32 $0x10, s15;
	v5 =	vld [tilespmem:s11+$0x4200];
	[tilespmem:s11+$0x14410] =	vst v2  }
0x278: {  	s16 =	sor.u32 $0x300, s0;
	v6 =	vld [tilespmem:s11+$0x8200];
	[tilespmem:s11+$0x14490] =	vst v3  }
0x279: {  	v3 =	vld [tilespmem:s16+$0x4200]  }
0x27a: {  	v8 =	vld [tilespmem:s16+$0x8200]  }
0x27b: {  	v7 =	vld [tilespmem:s11+$0x4280]  }
0x27c: {  	v9 =	vld [tilespmem:s11+$0x8300]  }
0x27d: {  	v4 =	vld [tilespmem:s11+$0x8280]  }
0x27e: {  	v10 =	vld [tilespmem:s11+$0x4380]  }
0x27f: {  	v11 =	vld [tilespmem:s11+$0x8380];
	v3 =	vadd.f32 v8, v3  }
0x280: {  	v2 =	vld [tilespmem:s11+$0x4300]  }
0x281: {  	s24 =	simm.s32 $0x100;
	s25 =	simm.s32 $0x20;
	s12 =	sor.u32 $0x380, s0;
	v8 =	vld [tilespmem:s11+$0x4480];
	[tilespmem:s16+$0x14200] =	vst v3  }
0x282: {  	s8 =	sand.u32 $0x60, s25;
	s0 =	sand.u32 $0x3C00, s24;
	v3 =	vld [tilespmem:s12+$0x4200]  }
0x283: {  	s16 =	sor.u32 s8, s0;
	v15 =	vld [tilespmem:s12+$0x8200]  }
0x284: {  	v16 =	vld [tilespmem:s16+$0x4210]  }
0x285: {  	v17 =	vld [tilespmem:s16+$0x8210]  }
0x286: {  	v18 =	vld [tilespmem:s16+$0x4290]  }
0x287: {  	v19 =	vld [tilespmem:s16+$0x8290]  }
0x288: {  	v20 =	vld [tilespmem:s16+$0x4310]  }
0x289: {  	v21 =	vld [tilespmem:s16+$0x8310]  }
0x28a: {  	v22 =	vld [tilespmem:s16+$0x4390]  }
0x28b: {  	v23 =	vld [tilespmem:s16+$0x8390]  }
0x28c: {  	v24 =	vld [tilespmem:s16+$0x4410]  }
0x28d: {  	v25 =	vld [tilespmem:s16+$0x8410]  }
0x28e: {  	v26 =	vld [tilespmem:s16+$0x4490]  }
0x28f: {  	v60 =	vld [tilespmem:s16+$0x8490]  }
0x290: {  	v27 =	vld [tilespmem:s16+$0x4200]  }
0x291: {  	v61 =	vld [tilespmem:s16+$0x8200]  }
0x292: {  	v63 =	vld [tilespmem:s16+$0x4280]  }
0x293: {  	v5 =	vadd.f32 v6, v5;
	v33 =	vld [tilespmem:s16+$0x8280]  }
0x294: {  	v4 =	vadd.f32 v4, v7;
	v35 =	vld [tilespmem:s16+$0x4300]  }
0x295: {  	[tilespmem:s11+$0x14200] =	vst v5;
	v2 =	vadd.f32 v9, v2;
	v36 =	vld [tilespmem:s16+$0x8300]  }
0x296: {  	[tilespmem:s11+$0x14280] =	vst v4;
	v4 =	vadd.f32 v11, v10;
	v6 =	vld [tilespmem:s16+$0x4380]  }
0x297: {  	[tilespmem:s11+$0x14300] =	vst v2;
	v2 =	vadd.f32 v13, v59;
	v9 =	vld [tilespmem:s16+$0x8380]  }
0x298: {  	[tilespmem:s11+$0x14380] =	vst v4;
	v10 =	vld [tilespmem:s16+$0x4400];
	v4 =	vadd.f32 v14, v8  }
0x299: {  	s26 =	simm.s32 $0x1;
	s3 =	simm.s32 $0x200;
	s25 =	simm.s32 $0x40;
	[tilespmem:s11+$0x14400] =	vst v2;
	v2 =	vld [tilespmem:s16+$0x4480]  }
0x29a: {  	s0 =	sand.u32 $0x3, s26;
	s26 =	sand.u32 $0x60, s25;
	v8 =	vld [tilespmem:s16+$0x8400];
	[tilespmem:s11+$0x14480] =	vst v4;
	s11 =	sand.u32 $0x3C00, s3  }
0x29b: {  	v4 =	vld [tilespmem:s16+$0x8480];
	s11 =	sor.u32 s26, s11  }
0x29c: {  	v37 =	vld [tilespmem:s11+$0x4210]  }
0x29d: {  	v38 =	vld [tilespmem:s11+$0x8210]  }
0x29e: {  	v39 =	vld [tilespmem:s11+$0x4290]  }
0x29f: {  	v16 =	vadd.f32 v17, v16;
	v40 =	vld [tilespmem:s11+$0x8290]  }
0x2a0: {  	v18 =	vadd.f32 v19, v18;
	v41 =	vld [tilespmem:s11+$0x4310]  }
0x2a1: {  	v62 =	vadd.f32 v21, v20;
	v42 =	vld [tilespmem:s11+$0x8310];
	[tilespmem:s16+$0x14210] =	vst v16  }
0x2a2: {  	v32 =	vadd.f32 v23, v22;
	v43 =	vld [tilespmem:s11+$0x4390];
	[tilespmem:s16+$0x14290] =	vst v18  }
0x2a3: {  	s0 =	sshll.u32 s0, $0x5;
	v34 =	vadd.f32 v25, v24;
	v44 =	vld [tilespmem:s11+$0x8390];
	[tilespmem:s16+$0x14310] =	vst v62  }
0x2a4: {  	s0 =	sadd.s32 $0x100, s0;
	v17 =	vadd.f32 v60, v26;
	v45 =	vld [tilespmem:s11+$0x4410];
	[tilespmem:s16+$0x14390] =	vst v32  }
0x2a5: {  	s14 =	sadd.s32 $0x10, s0;
	v28 =	vld [tilespmem:s11+$0x8410];
	[tilespmem:s16+$0x14410] =	vst v34  }
0x2a6: {  	s30 =	sor.u32 $0x300, s14;
	v46 =	vld [tilespmem:s11+$0x4490];
	[tilespmem:s16+$0x14490] =	vst v17  }
0x2a7: {  	v7 =	vld [tilespmem:s30+$0x4200]  }
0x2a8: {  	v5 =	vld [tilespmem:s30+$0x8200]  }
0x2a9: {  	v3 =	vadd.f32 v15, v3;
	v47 =	vld [tilespmem:s11+$0x8490]  }
0x2aa: {  	v19 =	vadd.f32 v61, v27;
	v48 =	vld [tilespmem:s11+$0x4200]  }
0x2ab: {  	v50 =	vld [tilespmem:s11+$0x8200];
	[tilespmem:s12+$0x14200] =	vst v3;
	v3 =	vadd.f32 v38, v37  }
0x2ac: {  	v51 =	vld [tilespmem:s11+$0x4280];
	[tilespmem:s16+$0x14200] =	vst v19;
	v49 =	vadd.f32 v40, v39  }
0x2ad: {  	v53 =	vld [tilespmem:s11+$0x8280];
	v5 =	vadd.f32 v5, v7;
	[tilespmem:s11+$0x14210] =	vst v3  }
0x2ae: {  	v56 =	vld [tilespmem:s11+$0x4300];
	v3 =	vadd.f32 v42, v41;
	[tilespmem:s11+$0x14290] =	vst v49  }
0x2af: {  	v57 =	vld [tilespmem:s11+$0x8300];
	s12 =	simm.s32 $0x2;
	v52 =	vadd.f32 v44, v43;
	[tilespmem:s30+$0x14200] =	vst v5  }
0x2b0: {  	v59 =	vld [tilespmem:s11+$0x4380];
	s30 =	sand.u32 $0x3, s12;
	[tilespmem:s11+$0x14310] =	vst v3;
	v3 =	vadd.f32 v28, v45  }
0x2b1: {  	s8 =	sor.u32 $0x300, s15;
	v58 =	vadd.f32 v33, v63;
	v63 =	vld [tilespmem:s11+$0x4400];
	v55 =	vadd.f32 v47, v46;
	[tilespmem:s11+$0x14390] =	vst v52;
	s24 =	sshll.u32 s30, $0x5  }
0x2b2: {  	v7 =	vld [tilespmem:s8+$0x4200];
	s24 =	sadd.s32 $0x200, s24;
	[tilespmem:s11+$0x14410] =	vst v3;
	v3 =	vadd.f32 v50, v48  }
0x2b3: {  	s14 =	sor.u32 $0x380, s14;
	[tilespmem:s11+$0x14490] =	vst v55;
	v5 =	vld [tilespmem:s8+$0x8200];
	s26 =	sadd.s32 $0x10, s24  }
0x2b4: {  	v11 =	vld [tilespmem:s14+$0x4200];
	s28 =	sor.u32 $0x300, s26;
	[tilespmem:s11+$0x14200] =	vst v3;
	v3 =	vadd.f32 v53, v51  }
0x2b5: {  	v6 =	vadd.f32 v9, v6;
	[tilespmem:s16+$0x14280] =	vst v58;
	v60 =	vld [tilespmem:s28+$0x4200]  }
0x2b6: {  	v61 =	vadd.f32 v36, v35;
	[tilespmem:s11+$0x14280] =	vst v3;
	v3 =	vld [tilespmem:s28+$0x8200]  }
0x2b7: {  	[tilespmem:s16+$0x14380] =	vst v6;
	v6 =	vadd.f32 v8, v10;
	v54 =	vld [tilespmem:s14+$0x8200]  }
0x2b8: {  	v62 =	vld [tilespmem:s11+$0x8380];
	[tilespmem:s16+$0x14300] =	vst v61;
	v4 =	vadd.f32 v4, v2  }
0x2b9: {  	v8 =	vld [tilespmem:s11+$0x8400];
	[tilespmem:s16+$0x14400] =	vst v6;
	v9 =	vadd.f32 v57, v56  }
0x2ba: {  	v2 =	vld [tilespmem:s11+$0x4480];
	[tilespmem:s16+$0x14480] =	vst v4;
	v6 =	vadd.f32 v5, v7  }
0x2bb: {  	s25 =	sor.u32 $0x300, s0;
	[tilespmem:s11+$0x14300] =	vst v9;
	v5 =	vld [tilespmem:s11+$0x8480];
	v4 =	vadd.f32 v3, v60  }
0x2bc: {  	v7 =	vld [tilespmem:s25+$0x8200];
	v9 =	vadd.f32 v54, v11;
	[tilespmem:s8+$0x14200] =	vst v6  }
0x2bd: {  	s15 =	sor.u32 $0x380, s15;
	v6 =	vadd.f32 v62, v59;
	v3 =	vld [tilespmem:s25+$0x4200];
	[tilespmem:s28+$0x14200] =	vst v4;
	s28 =	sor.u32 $0x380, s26  }
0x2be: {  	s16 =	sor.u32 $0x380, s0;
	s0 =	simm.s32 $0x60;
	v8 =	vadd.f32 v8, v63;
	s8 =	sor.u32 $0x300, s24;
	[tilespmem:s14+$0x14200] =	vst v9;
	v4 =	vld [tilespmem:s28+$0x4200]  }
0x2bf: {  	s24 =	sor.u32 $0x380, s24;
	s14 =	simm.s32 $0x4;
	[tilespmem:s11+$0x14380] =	vst v6;
	s26 =	simm.s32 $0x300;
	v6 =	vld [tilespmem:s28+$0x8200]  }
.LBB2_9:
0x2c0: {  	s30 =	sand.u32 $0x60, s0;
	s3 =	sand.u32 $0x3C00, s26;
	[tilespmem:s11+$0x14400] =	vst v8;
	v2 =	vadd.f32 v5, v2;
	v5 =	vld [tilespmem:s15+$0x4200]  }
0x2c1: {  	s3 =	sor.u32 s30, s3;
	v8 =	vld [tilespmem:s15+$0x8200]  }
0x2c2: {  	v9 =	vld [tilespmem:s3+$0x4210];
	[tilespmem:s11+$0x14480] =	vst v2;
	v2 =	vadd.f32 v7, v3;
	s11 =	smov.u32 s3  }
0x2c3: {  	v3 =	vld [tilespmem:s11+$0x8210]  }
0x2c4: {  	v7 =	vld [tilespmem:s11+$0x4290];
	v4 =	vadd.f32 v6, v4;
	[tilespmem:s25+$0x14200] =	vst v2;
	s25 =	smov.u32 s8  }
0x2c5: {  	v2 =	vld [tilespmem:s11+$0x8290]  }
0x2c6: {  	v6 =	vld [tilespmem:s11+$0x4310];
	[tilespmem:s28+$0x14200] =	vst v4;
	v4 =	vadd.f32 v8, v5  }
0x2c7: {  	v5 =	vld [tilespmem:s11+$0x8310]  }
0x2c8: {  	v8 =	vld [tilespmem:s11+$0x4390];
	[tilespmem:s15+$0x14200] =	vst v4;
	s15 =	smov.u32 s16;
	s16 =	smov.u32 s24  }
0x2c9: {  	v4 =	vld [tilespmem:s11+$0x8390]  }
0x2ca: {  	v10 =	vld [tilespmem:s11+$0x4410]  }
0x2cb: {  	v11 =	vld [tilespmem:s11+$0x8410]  }
0x2cc: {  	v12 =	vld [tilespmem:s11+$0x4490]  }
0x2cd: {  	s14 =	sadd.s32 $0x2, s14;
	v3 =	vadd.f32 v3, v9;
	v9 =	vld [tilespmem:s11+$0x8490]  }
0x2ce: {  	p0 =	slt.u32 s14, $0x7E;
	v2 =	vadd.f32 v2, v7;
	v13 =	vld [tilespmem:s11+$0x4200]  }
0x2cf: {  	s12 =	sadd.s32 $0x1, s12;
	v7 =	vld [tilespmem:s11+$0x8200];
	[tilespmem:s11+$0x14210] =	vst v3;
	v3 =	vadd.f32 v5, v6  }
0x2d0: {  	s3 =	sand.u32 $0x3, s12;
	v5 =	vld [tilespmem:s11+$0x4280];
	[tilespmem:s11+$0x14290] =	vst v2;
	v2 =	vadd.f32 v4, v8  }
0x2d1: {  	s3 =	sshll.u32 s3, $0x5;
	v4 =	vld [tilespmem:s11+$0x8280];
	[tilespmem:s11+$0x14310] =	vst v3;
	v3 =	vadd.f32 v11, v10  }
0x2d2: {  	s3 =	sadd.s32 s3, s26;
	v6 =	vld [tilespmem:s11+$0x4300];
	[tilespmem:s11+$0x14390] =	vst v2;
	v2 =	vadd.f32 v9, v12  }
0x2d3: {  	s8 =	sor.u32 $0x300, s3;
	s24 =	sor.u32 $0x380, s3;
	s3 =	sadd.s32 $0x10, s3;
	v8 =	vld [tilespmem:s11+$0x8300];
	[tilespmem:s11+$0x14410] =	vst v3  }
0x2d4: {  	s28 =	sor.u32 $0x300, s3;
	v3 =	vadd.f32 v7, v13;
	v7 =	vld [tilespmem:s11+$0x4380];
	[tilespmem:s11+$0x14490] =	vst v2  }
0x2d5: {  	v9 =	vld [tilespmem:s28+$0x4200]  }
0x2d6: {  	[tilespmem:s11+$0x14200] =	vst v3;
	v2 =	vadd.f32 v4, v5;
	v3 =	vld [tilespmem:s28+$0x8200]  }
0x2d7: {  	v4 =	vld [tilespmem:s11+$0x8380]  }
0x2d8: {  	[tilespmem:s11+$0x14280] =	vst v2;
	v2 =	vadd.f32 v8, v6;
	v6 =	vld [tilespmem:s11+$0x4400]  }
0x2d9: {  	v8 =	vld [tilespmem:s11+$0x8400]  }
0x2da: {  	[tilespmem:s11+$0x14300] =	vst v2;
	v2 =	vld [tilespmem:s11+$0x4480]  }
.Ltmp5:
0x2db: {  	v5 =	vld [tilespmem:s11+$0x8480];
	v9 =	vadd.f32 v3, v9;
	(pc) =	sbr.rel @p0 .LBB2_9-.Ltmp5, $4  }
0x2dc: {  	v4 =	vadd.f32 v4, v7;
	v3 =	vld [tilespmem:s25+$0x4200]  }
0x2dd: {  	[tilespmem:s28+$0x14200] =	vst v9;
	s28 =	sor.u32 $0x380, s3;
	v7 =	vld [tilespmem:s25+$0x8200]  }
0x2de: {  	[tilespmem:s11+$0x14380] =	vst v4;
	v8 =	vadd.f32 v8, v6;
	v4 =	vld [tilespmem:s28+$0x4200]  }
0x2df: {  	s0 =	sadd.s32 $0x20, s0;
	s26 =	sadd.s32 $0x100, s26;
	v6 =	vld [tilespmem:s28+$0x8200]  }
0x2e0: {  	v2 =	vadd.f32 v5, v2  }
0x2e1: {  	[tilespmem:s11+$0x14400] =	vst v8  }
0x2e2: {  	[tilespmem:s11+$0x14480] =	vst v2  }
0x2e3: {  	v2 =	vld [tilespmem:s8+$0x4200]  }
0x2e4: {  	v5 =	vld [tilespmem:s8+$0x8200];
	_ =	sdelay $0x2  }
0x2e5: {  	v3 =	vadd.f32 v7, v3  }
0x2e6: {  	v8 =	vld [tilespmem:s15+$0x8200]  }
0x2e7: {  	v7 =	vld [tilespmem:s15+$0x4200];
	[tilespmem:s25+$0x14200] =	vst v3;
	v2 =	vadd.f32 v5, v2  }
0x2e8: {  	v3 =	vld [tilespmem:s16+$0x4200]  }
0x2e9: {  	v5 =	vld [tilespmem:s16+$0x8200];
	[tilespmem:s8+$0x14200] =	vst v2  }
0x2ea: {  	v2 =	vld [tilespmem:s24+$0x4200]  }
0x2eb: {  	v4 =	vadd.f32 v6, v4;
	v9 =	vld [tilespmem:s24+$0x8200]  }
0x2ec: {  	v6 =	vadd.f32 v8, v7  }
0x2ed: {  	[tilespmem:s28+$0x14200] =	vst v4  }
0x2ee: {  	[tilespmem:s15+$0x14200] =	vst v6  }
0x2ef: {  	s0 =	rddreg [dreg:$0xb];
	v3 =	vadd.f32 v5, v3  }
0x2f0: {  	s0 =	sadd.s32 s0, s7;
	v2 =	vadd.f32 v9, v2  }
0x2f1: {  	s0 =	sshll.u32 s0, $0x8;
	[tilespmem:s16+$0x14200] =	vst v3  }
0x2f2: {  	s7 =	simm.s32 $0x14200;
	s0 =	sadd.s32 s1, s0;
	[tilespmem:s24+$0x14200] =	vst v2  }
0x2f3: {  	[hbm4b:s0+s4] =	stream.linear.scatter [tilespmem:s7], [sflag:$0x6], $0x4000, $0x38;
	[tilespmem:$0x18200] =	vst v63  }
0x2f4: {  	v2 =	vld.msk [tilespmem:s5+$0x80], $0xff;
	_ =	sdelay $0x4  }
0x2f5: {  	v3 =	vshll.u32 v2, $0x4  }
0x2f6: {  	v2 =	vand.u32 $0x7, v2;
	v3 =	vand.u32 $0xFFFFFF80, v3  }
0x2f7: {  	v2 =	vor.u32 v2, v3  }
0x2f8: {  	v2 =	vperm.xlane v2, v0;
	_ =	sdelay $0x1  }
0x2f9: {  	v2 =	vadd.s32 v1, v2;
	_ =	sdelay $0x3  }
0x2fa: {  	s30 =	smov.u32 s1;
	s1 =	smov.u32 s13;
	s13 =	simm.s32 $0x4200  }
0x2fb: {  	[tilespmem:s13], [sflag:$0x2] =	stream.indirect_vreg.gather [hbm4b:s1+s4], $0x80, v2, vm0, $0xb8;
	[tilespmem:$0x18200] =	vst v63  }
0x2fc: {  	_ = 	snop  }
0x2fd: {  	[tilespmem:s31], [sflag:$0x2] =	stream.indirect_vreg.gather [hbm4b:s17+s4], $0x80, v2, vm0, $0xb8;
	[tilespmem:$0x18200] =	vst v63  }
0x2fe: {  	s8 =	simm.s32 $0x5200  }
0x2ff: {  	[tilespmem:s8], [sflag:$0x2] =	stream.indirect_vreg.gather [hbm4b:s18+s4], $0x80, v2, vm0, $0xb8;
	[tilespmem:$0x18200] =	vst v63  }
0x300: {  	s12 =	simm.s32 $0x6200;
	s11 =	simm.s32 $0x5A00;
	s24 =	rddreg [dreg:$0x13]  }
0x301: {  	[tilespmem:s11], [sflag:$0x2] =	stream.indirect_vreg.gather [hbm4b:s19+s4], $0x80, v2, vm0, $0xb8;
	[tilespmem:$0x18200] =	vst v63  }
0x302: {  	p0 =	seq.s32 s10, $0x7;
	s0 =	rddreg [dreg:$0x7];
	s7 =	sadd.s32 $0x2, s24  }
0x303: {  	[tilespmem:s12], [sflag:$0x2] =	stream.indirect_vreg.gather [hbm4b:s20+s4], $0x80, v2, vm0, $0xb8;
	[tilespmem:$0x18200] =	vst v63  }
0x304: {  	s14 =	simm.s32 $0x6A00;
	s0 =	sadd.s32 @!p0 s0, s7  }
0x305: {  	[tilespmem:s14], [sflag:$0x2] =	stream.indirect_vreg.gather [hbm4b:s21+s4], $0x80, v2, vm0, $0xb8;
	[tilespmem:$0x18200] =	vst v63  }
0x306: {  	s15 =	simm.s32 $0x7200;
	s0 =	sshll.u32 @!p0 s0, $0xB  }
0x307: {  	[tilespmem:s15], [sflag:$0x2] =	stream.indirect_vreg.gather [hbm4b:s22+s4], $0x80, v2, vm0, $0xb8;
	[tilespmem:$0x18200] =	vst v63  }
0x308: {  	s16 =	simm.s32 $0x7A00;
	s3 =	rddreg [dreg:$0x5];
	s0 =	sand.u32 @!p0 $0x1FFFF000, s0  }
0x309: {  	[tilespmem:s16], [sflag:$0x2] =	stream.indirect_vreg.gather [hbm4b:s23+s4], $0x80, v2, vm0, $0xb8;
	[tilespmem:$0x18200] =	vst v63  }
0x30a: {  	s5 =	simm.s32 @!p0 $0x8200;
	s0 =	sadd.s32 @!p0 s3, s0;
	s3 =	simm.s32 @!p0 $0x0  }
0x30b: {  	[tilespmem:s5], [sflag:$0x3] =	stream.linear.gather @!p0 [hbm4b:s0+s3], $0x4000, $0x38;
	[tilespmem:$0x18200] =	vst v63  }
0x30c: {  	_ =	swait.ge [sflag:s2], $0x4000  }
0x30d: {  	[sflag:s2] =	ssyncset.done $0x0  }
0x30e: {  	s25 =	simm.s32 $0x4;
	[sflag:s2] =	ssyncadd.s32 $0xFFFFC000  }
0x30f: {  	_ =	swait.ge [sflag:s25], $0x4000  }
0x310: {  	[sflag:s25] =	ssyncset.done $0x0  }
0x311: {  	s26 =	simm.s32 $0x5;
	[sflag:s25] =	ssyncadd.s32 $0xFFFFC000  }
0x312: {  	s28 =	simm.s32 $0x0;
	_ =	swait.ge [sflag:s26], $0x4000  }
0x313: {  	s11 =	sand.u32 $0x60, s28;
	s12 =	sand.u32 $0x3C00, s28;
	[sflag:s26] =	ssyncset.done $0x0  }
0x314: {  	s5 =	sor.u32 s11, s12;
	[sflag:s26] =	ssyncadd.s32 $0xFFFFC000  }
0x315: {  	v2 =	vld [tilespmem:s5+$0x210]  }
0x316: {  	v3 =	vld [tilespmem:s5+$0xC210]  }
0x317: {  	v4 =	vld [tilespmem:s5+$0x290]  }
0x318: {  	v5 =	vld [tilespmem:s5+$0xC290]  }
0x319: {  	v6 =	vld [tilespmem:s5+$0x310]  }
0x31a: {  	v7 =	vld [tilespmem:s5+$0xC310]  }
0x31b: {  	v8 =	vld [tilespmem:s5+$0x390]  }
0x31c: {  	v9 =	vld [tilespmem:s5+$0xC390]  }
0x31d: {  	s0 =	sand.u32 $0x3, s28;
	v10 =	vld [tilespmem:s5+$0x410]  }
0x31e: {  	s0 =	sshll.u32 s0, $0x5;
	v11 =	vld [tilespmem:s5+$0xC410]  }
0x31f: {  	s16 =	simm.s32 $0x20;
	s12 =	sadd.s32 $0x0, s0;
	v12 =	vld [tilespmem:s5+$0x490]  }
0x320: {  	s15 =	simm.s32 $0x100;
	s3 =	sand.u32 $0x60, s16;
	s0 =	sadd.s32 $0x10, s12;
	v59 =	vld [tilespmem:s5+$0x400]  }
0x321: {  	s14 =	sor.u32 $0x300, s0;
	s11 =	sor.u32 $0x380, s0;
	s0 =	sand.u32 $0x3C00, s15;
	v13 =	vld [tilespmem:s5+$0xC400]  }
0x322: {  	s15 =	sor.u32 s3, s0;
	v14 =	vld [tilespmem:s5+$0xC480]  }
0x323: {  	v16 =	vld [tilespmem:s15+$0x210]  }
0x324: {  	v17 =	vld [tilespmem:s15+$0xC210]  }
0x325: {  	v18 =	vld [tilespmem:s15+$0x290]  }
0x326: {  	v19 =	vld [tilespmem:s15+$0xC290]  }
0x327: {  	v20 =	vld [tilespmem:s15+$0x310]  }
0x328: {  	v21 =	vld [tilespmem:s15+$0xC310]  }
0x329: {  	v22 =	vld [tilespmem:s15+$0x390]  }
0x32a: {  	v23 =	vld [tilespmem:s15+$0xC390]  }
0x32b: {  	v24 =	vld [tilespmem:s15+$0x410]  }
0x32c: {  	v25 =	vld [tilespmem:s15+$0xC410]  }
0x32d: {  	v26 =	vld [tilespmem:s15+$0x490]  }
0x32e: {  	v60 =	vld [tilespmem:s15+$0xC490]  }
0x32f: {  	v27 =	vld [tilespmem:s15+$0x200]  }
0x330: {  	v61 =	vld [tilespmem:s15+$0xC200]  }
0x331: {  	v63 =	vld [tilespmem:s15+$0x280]  }
0x332: {  	v33 =	vld [tilespmem:s15+$0xC280]  }
0x333: {  	v2 =	vadd.f32 v3, v2;
	v3 =	vld [tilespmem:s5+$0xC490]  }
0x334: {  	v4 =	vadd.f32 v5, v4;
	v5 =	vld [tilespmem:s5+$0x200]  }
0x335: {  	[tilespmem:s5+$0x10210] =	vst v2;
	v2 =	vadd.f32 v7, v6;
	v6 =	vld [tilespmem:s5+$0xC200]  }
0x336: {  	[tilespmem:s5+$0x10290] =	vst v4;
	v4 =	vadd.f32 v9, v8;
	v7 =	vld [tilespmem:s5+$0x280]  }
0x337: {  	v9 =	vld [tilespmem:s5+$0xC300];
	[tilespmem:s5+$0x10310] =	vst v2;
	v2 =	vadd.f32 v11, v10  }
0x338: {  	[tilespmem:s5+$0x10390] =	vst v4;
	v4 =	vld [tilespmem:s5+$0xC280];
	v3 =	vadd.f32 v3, v12  }
0x339: {  	v16 =	vadd.f32 v17, v16;
	v10 =	vld [tilespmem:s5+$0x380];
	[tilespmem:s5+$0x10410] =	vst v2  }
0x33a: {  	v18 =	vadd.f32 v19, v18;
	v2 =	vld [tilespmem:s5+$0x300];
	[tilespmem:s5+$0x10490] =	vst v3  }
0x33b: {  	v62 =	vadd.f32 v21, v20;
	[tilespmem:s15+$0x10210] =	vst v16;
	v3 =	vld [tilespmem:s14+$0x200]  }
0x33c: {  	v32 =	vadd.f32 v23, v22;
	[tilespmem:s15+$0x10290] =	vst v18;
	v8 =	vld [tilespmem:s14+$0xC200]  }
0x33d: {  	v34 =	vadd.f32 v25, v24;
	[tilespmem:s15+$0x10310] =	vst v62;
	v11 =	vld [tilespmem:s5+$0xC380]  }
0x33e: {  	v35 =	vld [tilespmem:s15+$0x300];
	v17 =	vadd.f32 v60, v26;
	[tilespmem:s15+$0x10390] =	vst v32  }
0x33f: {  	s24 =	simm.s32 $0x1;
	v36 =	vld [tilespmem:s15+$0xC300];
	[tilespmem:s15+$0x10410] =	vst v34;
	v4 =	vadd.f32 v4, v7  }
0x340: {  	s0 =	sand.u32 $0x3, s24;
	[tilespmem:s15+$0x10490] =	vst v17;
	v5 =	vadd.f32 v6, v5;
	v6 =	vld [tilespmem:s15+$0x380];
	v2 =	vadd.f32 v9, v2  }
0x341: {  	s0 =	sshll.u32 s0, $0x5;
	[tilespmem:s5+$0x10280] =	vst v4;
	v9 =	vld [tilespmem:s15+$0xC380];
	v3 =	vadd.f32 v8, v3  }
0x342: {  	s0 =	sadd.s32 $0x100, s0;
	v4 =	vadd.f32 v11, v10;
	v10 =	vld [tilespmem:s15+$0x400];
	[tilespmem:s5+$0x10300] =	vst v2;
	v2 =	vadd.f32 v13, v59  }
0x343: {  	s25 =	sadd.s32 $0x10, s0;
	v8 =	vld [tilespmem:s5+$0x480];
	[tilespmem:s14+$0x10200] =	vst v3  }
0x344: {  	s14 =	sor.u32 $0x300, s25;
	[tilespmem:s5+$0x10400] =	vst v2;
	v2 =	vld [tilespmem:s15+$0x480]  }
0x345: {  	v7 =	vld [tilespmem:s14+$0x200]  }
0x346: {  	[tilespmem:s5+$0x10200] =	vst v5;
	v5 =	vld [tilespmem:s14+$0xC200]  }
0x347: {  	v3 =	vld [tilespmem:s11+$0x200]  }
0x348: {  	[tilespmem:s5+$0x10380] =	vst v4;
	v15 =	vld [tilespmem:s11+$0xC200];
	v4 =	vadd.f32 v14, v8  }
0x349: {  	s28 =	simm.s32 $0x40;
	s26 =	simm.s32 $0x200;
	v8 =	vld [tilespmem:s15+$0xC400]  }
0x34a: {  	s8 =	sor.u32 $0x300, s12;
	s24 =	sand.u32 $0x60, s28;
	[tilespmem:s5+$0x10480] =	vst v4;
	v4 =	vld [tilespmem:s15+$0xC480];
	s5 =	sand.u32 $0x3C00, s26  }
0x34b: {  	v5 =	vadd.f32 v5, v7;
	v7 =	vld [tilespmem:s8+$0x200];
	s5 =	sor.u32 s24, s5  }
0x34c: {  	v37 =	vld [tilespmem:s5+$0x210]  }
0x34d: {  	v38 =	vld [tilespmem:s5+$0xC210]  }
0x34e: {  	v39 =	vld [tilespmem:s5+$0x290]  }
0x34f: {  	v40 =	vld [tilespmem:s5+$0xC290]  }
0x350: {  	v41 =	vld [tilespmem:s5+$0x310]  }
0x351: {  	v42 =	vld [tilespmem:s5+$0xC310]  }
0x352: {  	v43 =	vld [tilespmem:s5+$0x390]  }
0x353: {  	v44 =	vld [tilespmem:s5+$0xC390]  }
0x354: {  	v45 =	vld [tilespmem:s5+$0x410]  }
0x355: {  	v28 =	vld [tilespmem:s5+$0xC410]  }
0x356: {  	v19 =	vadd.f32 v61, v27;
	v46 =	vld [tilespmem:s5+$0x490]  }
0x357: {  	v3 =	vadd.f32 v15, v3;
	v47 =	vld [tilespmem:s5+$0xC490]  }
0x358: {  	[tilespmem:s15+$0x10200] =	vst v19;
	v48 =	vld [tilespmem:s5+$0x200]  }
0x359: {  	v50 =	vld [tilespmem:s5+$0xC200];
	[tilespmem:s11+$0x10200] =	vst v3;
	v3 =	vadd.f32 v38, v37  }
0x35a: {  	v51 =	vld [tilespmem:s5+$0x280];
	[tilespmem:s14+$0x10200] =	vst v5;
	v49 =	vadd.f32 v40, v39  }
0x35b: {  	v53 =	vld [tilespmem:s5+$0xC280];
	[tilespmem:s5+$0x10210] =	vst v3;
	v3 =	vadd.f32 v42, v41  }
0x35c: {  	v56 =	vld [tilespmem:s5+$0x300];
	s11 =	simm.s32 $0x2;
	v52 =	vadd.f32 v44, v43;
	[tilespmem:s5+$0x10290] =	vst v49  }
0x35d: {  	v57 =	vld [tilespmem:s5+$0xC300];
	s14 =	sor.u32 $0x380, s25;
	s25 =	sand.u32 $0x3, s11;
	[tilespmem:s5+$0x10310] =	vst v3;
	v3 =	vadd.f32 v28, v45  }
0x35e: {  	v59 =	vld [tilespmem:s5+$0x380];
	s3 =	sshll.u32 s25, $0x5;
	v55 =	vadd.f32 v47, v46;
	[tilespmem:s5+$0x10390] =	vst v52  }
0x35f: {  	v62 =	vld [tilespmem:s5+$0xC380];
	s3 =	sadd.s32 $0x200, s3;
	[tilespmem:s5+$0x10410] =	vst v3;
	v3 =	vadd.f32 v50, v48  }
0x360: {  	v58 =	vadd.f32 v33, v63;
	v5 =	vld [tilespmem:s8+$0xC200];
	s26 =	sadd.s32 $0x10, s3;
	[tilespmem:s5+$0x10490] =	vst v55  }
0x361: {  	v11 =	vld [tilespmem:s14+$0x200];
	s28 =	sor.u32 $0x300, s26;
	[tilespmem:s5+$0x10200] =	vst v3;
	v3 =	vadd.f32 v53, v51  }
0x362: {  	[tilespmem:s15+$0x10280] =	vst v58;
	v6 =	vadd.f32 v9, v6;
	v60 =	vld [tilespmem:s28+$0x200]  }
0x363: {  	v61 =	vadd.f32 v36, v35;
	[tilespmem:s5+$0x10280] =	vst v3;
	v3 =	vld [tilespmem:s28+$0xC200]  }
0x364: {  	[tilespmem:s15+$0x10380] =	vst v6;
	v6 =	vadd.f32 v8, v10;
	v54 =	vld [tilespmem:s14+$0xC200]  }
0x365: {  	[tilespmem:s15+$0x10300] =	vst v61;
	v63 =	vld [tilespmem:s5+$0x400];
	v4 =	vadd.f32 v4, v2  }
0x366: {  	v8 =	vld [tilespmem:s5+$0xC400];
	[tilespmem:s15+$0x10400] =	vst v6;
	v9 =	vadd.f32 v57, v56  }
0x367: {  	v2 =	vld [tilespmem:s5+$0x480];
	[tilespmem:s15+$0x10480] =	vst v4;
	v6 =	vadd.f32 v5, v7  }
0x368: {  	s16 =	sor.u32 $0x300, s0;
	v5 =	vld [tilespmem:s5+$0xC480];
	[tilespmem:s5+$0x10300] =	vst v9;
	v4 =	vadd.f32 v3, v60  }
0x369: {  	v7 =	vld [tilespmem:s16+$0xC200];
	v9 =	vadd.f32 v54, v11;
	[tilespmem:s8+$0x10200] =	vst v6  }
0x36a: {  	s12 =	sor.u32 $0x380, s12;
	s26 =	sor.u32 $0x380, s26;
	v6 =	vadd.f32 v62, v59;
	v3 =	vld [tilespmem:s16+$0x200];
	[tilespmem:s28+$0x10200] =	vst v4  }
0x36b: {  	s25 =	simm.s32 $0x300;
	s15 =	sor.u32 $0x380, s0;
	s24 =	sor.u32 $0x380, s3;
	v8 =	vadd.f32 v8, v63;
	[tilespmem:s14+$0x10200] =	vst v9;
	v4 =	vld [tilespmem:s26+$0x200]  }
0x36c: {  	s0 =	simm.s32 $0x60;
	s8 =	sor.u32 $0x300, s3;
	s14 =	simm.s32 $0x4;
	[tilespmem:s5+$0x10380] =	vst v6;
	v6 =	vld [tilespmem:s26+$0xC200]  }
.LBB2_11:
0x36d: {  	s3 =	sand.u32 $0x60, s0;
	s28 =	sand.u32 $0x3C00, s25;
	[tilespmem:s5+$0x10400] =	vst v8;
	v2 =	vadd.f32 v5, v2;
	v5 =	vld [tilespmem:s12+$0x200]  }
0x36e: {  	s3 =	sor.u32 s3, s28;
	v8 =	vld [tilespmem:s12+$0xC200]  }
0x36f: {  	v9 =	vld [tilespmem:s3+$0x210];
	[tilespmem:s5+$0x10480] =	vst v2;
	v2 =	vadd.f32 v7, v3;
	s5 =	smov.u32 s3  }
0x370: {  	v3 =	vld [tilespmem:s5+$0xC210]  }
0x371: {  	v7 =	vld [tilespmem:s5+$0x290];
	v4 =	vadd.f32 v6, v4;
	[tilespmem:s16+$0x10200] =	vst v2;
	s16 =	smov.u32 s8  }
0x372: {  	v2 =	vld [tilespmem:s5+$0xC290]  }
0x373: {  	v6 =	vld [tilespmem:s5+$0x310];
	[tilespmem:s26+$0x10200] =	vst v4;
	v4 =	vadd.f32 v8, v5  }
0x374: {  	v5 =	vld [tilespmem:s5+$0xC310]  }
0x375: {  	v8 =	vld [tilespmem:s5+$0x390];
	[tilespmem:s12+$0x10200] =	vst v4;
	s12 =	smov.u32 s15;
	s15 =	smov.u32 s24  }
0x376: {  	v4 =	vld [tilespmem:s5+$0xC390]  }
0x377: {  	v10 =	vld [tilespmem:s5+$0x410]  }
0x378: {  	v11 =	vld [tilespmem:s5+$0xC410]  }
0x379: {  	v12 =	vld [tilespmem:s5+$0x490]  }
0x37a: {  	s14 =	sadd.s32 $0x2, s14;
	v3 =	vadd.f32 v3, v9;
	v9 =	vld [tilespmem:s5+$0xC490]  }
0x37b: {  	p1 =	slt.u32 s14, $0x7E;
	v2 =	vadd.f32 v2, v7;
	v13 =	vld [tilespmem:s5+$0x200]  }
0x37c: {  	s11 =	sadd.s32 $0x1, s11;
	v7 =	vld [tilespmem:s5+$0xC200];
	[tilespmem:s5+$0x10210] =	vst v3;
	v3 =	vadd.f32 v5, v6  }
0x37d: {  	s3 =	sand.u32 $0x3, s11;
	v5 =	vld [tilespmem:s5+$0x280];
	[tilespmem:s5+$0x10290] =	vst v2;
	v2 =	vadd.f32 v4, v8  }
0x37e: {  	s3 =	sshll.u32 s3, $0x5;
	v4 =	vld [tilespmem:s5+$0xC280];
	[tilespmem:s5+$0x10310] =	vst v3;
	v3 =	vadd.f32 v11, v10  }
0x37f: {  	s3 =	sadd.s32 s3, s25;
	v6 =	vld [tilespmem:s5+$0x300];
	[tilespmem:s5+$0x10390] =	vst v2;
	v2 =	vadd.f32 v9, v12  }
0x380: {  	s8 =	sor.u32 $0x300, s3;
	s24 =	sor.u32 $0x380, s3;
	s3 =	sadd.s32 $0x10, s3;
	v8 =	vld [tilespmem:s5+$0xC300];
	[tilespmem:s5+$0x10410] =	vst v3  }
0x381: {  	s26 =	sor.u32 $0x300, s3;
	v3 =	vadd.f32 v7, v13;
	v7 =	vld [tilespmem:s5+$0x380];
	[tilespmem:s5+$0x10490] =	vst v2  }
0x382: {  	v9 =	vld [tilespmem:s26+$0x200]  }
0x383: {  	[tilespmem:s5+$0x10200] =	vst v3;
	v2 =	vadd.f32 v4, v5;
	v3 =	vld [tilespmem:s26+$0xC200]  }
0x384: {  	v4 =	vld [tilespmem:s5+$0xC380]  }
0x385: {  	[tilespmem:s5+$0x10280] =	vst v2;
	v2 =	vadd.f32 v8, v6;
	v6 =	vld [tilespmem:s5+$0x400]  }
0x386: {  	v8 =	vld [tilespmem:s5+$0xC400]  }
0x387: {  	[tilespmem:s5+$0x10300] =	vst v2;
	v2 =	vld [tilespmem:s5+$0x480]  }
.Ltmp6:
0x388: {  	v5 =	vld [tilespmem:s5+$0xC480];
	v9 =	vadd.f32 v3, v9;
	(pc) =	sbr.rel @p1 .LBB2_11-.Ltmp6, $4  }
0x389: {  	v4 =	vadd.f32 v4, v7;
	v3 =	vld [tilespmem:s16+$0x200]  }
0x38a: {  	[tilespmem:s26+$0x10200] =	vst v9;
	s26 =	sor.u32 $0x380, s3;
	v7 =	vld [tilespmem:s16+$0xC200]  }
0x38b: {  	[tilespmem:s5+$0x10380] =	vst v4;
	v8 =	vadd.f32 v8, v6;
	v4 =	vld [tilespmem:s26+$0x200]  }
0x38c: {  	s0 =	sadd.s32 $0x20, s0;
	s25 =	sadd.s32 $0x100, s25;
	v6 =	vld [tilespmem:s26+$0xC200]  }
0x38d: {  	v2 =	vadd.f32 v5, v2  }
0x38e: {  	[tilespmem:s5+$0x10400] =	vst v8  }
0x38f: {  	[tilespmem:s5+$0x10480] =	vst v2  }
0x390: {  	v2 =	vld [tilespmem:s8+$0x200]  }
0x391: {  	v5 =	vld [tilespmem:s8+$0xC200];
	_ =	sdelay $0x2  }
0x392: {  	v3 =	vadd.f32 v7, v3  }
0x393: {  	v8 =	vld [tilespmem:s12+$0xC200]  }
0x394: {  	v7 =	vld [tilespmem:s12+$0x200];
	[tilespmem:s16+$0x10200] =	vst v3;
	v2 =	vadd.f32 v5, v2  }
0x395: {  	v3 =	vld [tilespmem:s15+$0x200]  }
0x396: {  	v5 =	vld [tilespmem:s15+$0xC200];
	[tilespmem:s8+$0x10200] =	vst v2  }
0x397: {  	v2 =	vld [tilespmem:s24+$0x200]  }
0x398: {  	v4 =	vadd.f32 v6, v4;
	v9 =	vld [tilespmem:s24+$0xC200]  }
0x399: {  	v6 =	vadd.f32 v8, v7  }
0x39a: {  	[tilespmem:s26+$0x10200] =	vst v4  }
0x39b: {  	[tilespmem:s12+$0x10200] =	vst v6  }
0x39c: {  	s0 =	rddreg [dreg:$0x4];
	v3 =	vadd.f32 v5, v3  }
0x39d: {  	s0 =	sadd.s32 s0, s6;
	v2 =	vadd.f32 v9, v2  }
0x39e: {  	s0 =	sshll.u32 s0, $0x8;
	[tilespmem:s15+$0x10200] =	vst v3  }
0x39f: {  	s3 =	simm.s32 $0x0;
	s14 =	simm.s32 $0x10200;
	s0 =	sadd.s32 s30, s0;
	[tilespmem:s24+$0x10200] =	vst v2  }
0x3a0: {  	[hbm4b:s0+s3] =	stream.linear.scatter [tilespmem:s14], [sflag:$0x5], $0x4000, $0x38;
	[tilespmem:$0x18200] =	vst v63  }
0x3a1: {  	v2 =	vld.msk [tilespmem:s6+$0x100], $0xff;
	_ =	sdelay $0x4  }
0x3a2: {  	v3 =	vshll.u32 v2, $0x4  }
0x3a3: {  	v2 =	vand.u32 $0x7, v2;
	v3 =	vand.u32 $0xFFFFFF80, v3  }
0x3a4: {  	v2 =	vor.u32 v2, v3  }
0x3a5: {  	v2 =	vperm.xlane v2, v0;
	_ =	sdelay $0x1  }
0x3a6: {  	v2 =	vadd.s32 v1, v2;
	_ =	sdelay $0x3  }
0x3a7: {  	s15 =	simm.s32 $0x200  }
0x3a8: {  	[tilespmem:s15], [sflag:$0x1] =	stream.indirect_vreg.gather [hbm4b:s1+s3], $0x80, v2, vm0, $0xb8;
	[tilespmem:$0x18200] =	vst v63  }
0x3a9: {  	s16 =	simm.s32 $0xA00  }
0x3aa: {  	[tilespmem:s16], [sflag:$0x1] =	stream.indirect_vreg.gather [hbm4b:s17+s3], $0x80, v2, vm0, $0xb8;
	[tilespmem:$0x18200] =	vst v63  }
0x3ab: {  	s24 =	simm.s32 $0x1200  }
0x3ac: {  	[tilespmem:s24], [sflag:$0x1] =	stream.indirect_vreg.gather [hbm4b:s18+s3], $0x80, v2, vm0, $0xb8;
	[tilespmem:$0x18200] =	vst v63  }
0x3ad: {  	s25 =	simm.s32 $0x1A00  }
0x3ae: {  	[tilespmem:s25], [sflag:$0x1] =	stream.indirect_vreg.gather [hbm4b:s19+s3], $0x80, v2, vm0, $0xb8;
	[tilespmem:$0x18200] =	vst v63  }
0x3af: {  	s26 =	simm.s32 $0x2200  }
0x3b0: {  	[tilespmem:s26], [sflag:$0x1] =	stream.indirect_vreg.gather [hbm4b:s20+s3], $0x80, v2, vm0, $0xb8;
	[tilespmem:$0x18200] =	vst v63  }
0x3b1: {  	s28 =	simm.s32 $0x2A00  }
0x3b2: {  	[tilespmem:s28], [sflag:$0x1] =	stream.indirect_vreg.gather [hbm4b:s21+s3], $0x80, v2, vm0, $0xb8;
	[tilespmem:$0x18200] =	vst v63  }
0x3b3: {  	s5 =	simm.s32 $0x3200  }
0x3b4: {  	[tilespmem:s5], [sflag:$0x1] =	stream.indirect_vreg.gather [hbm4b:s22+s3], $0x80, v2, vm0, $0xb8;
	[tilespmem:$0x18200] =	vst v63  }
0x3b5: {  	s8 =	simm.s32 $0x3A00  }
0x3b6: {  	[tilespmem:s8], [sflag:$0x1] =	stream.indirect_vreg.gather [hbm4b:s23+s3], $0x80, v2, vm0, $0xb8;
	[tilespmem:$0x18200] =	vst v63  }
0x3b7: {  	_ =	swait.ge [sflag:s29], $0x4000  }
0x3b8: {  	[sflag:s29] =	ssyncset.done $0x0  }
0x3b9: {  	[sflag:s29] =	ssyncadd.s32 $0xFFFFC000  }
0x3ba: {  	_ =	swait.ge [sflag:s9], $0x4000  }
0x3bb: {  	s11 =	sand.u32 $0x60, s3;
	s12 =	sand.u32 $0x3C00, s3;
	[sflag:s9] =	ssyncset.done $0x0  }
0x3bc: {  	s5 =	sor.u32 s11, s12;
	[sflag:s9] =	ssyncadd.s32 $0xFFFFC000  }
0x3bd: {  	v2 =	vld [tilespmem:s5+$0x4210]  }
0x3be: {  	v3 =	vld [tilespmem:s5+$0xC210]  }
0x3bf: {  	v4 =	vld [tilespmem:s5+$0x4290]  }
0x3c0: {  	v5 =	vld [tilespmem:s5+$0xC290]  }
0x3c1: {  	v6 =	vld [tilespmem:s5+$0x4310]  }
0x3c2: {  	v7 =	vld [tilespmem:s5+$0xC310]  }
0x3c3: {  	v8 =	vld [tilespmem:s5+$0x4390]  }
0x3c4: {  	v9 =	vld [tilespmem:s5+$0xC390]  }
0x3c5: {  	v10 =	vld [tilespmem:s5+$0x4410]  }
0x3c6: {  	v11 =	vld [tilespmem:s5+$0xC410]  }
0x3c7: {  	v12 =	vld [tilespmem:s5+$0x4490]  }
0x3c8: {  	v2 =	vadd.f32 v3, v2;
	v3 =	vld [tilespmem:s5+$0xC490]  }
0x3c9: {  	v4 =	vadd.f32 v5, v4  }
0x3ca: {  	[tilespmem:s5+$0x14210] =	vst v2;
	v2 =	vadd.f32 v7, v6  }
0x3cb: {  	s14 =	sand.u32 $0x3, s3;
	v59 =	vld [tilespmem:s5+$0x4400];
	[tilespmem:s5+$0x14290] =	vst v4;
	v4 =	vadd.f32 v9, v8  }
0x3cc: {  	s0 =	sshll.u32 s14, $0x5;
	v13 =	vld [tilespmem:s5+$0xC400];
	[tilespmem:s5+$0x14310] =	vst v2;
	v2 =	vadd.f32 v11, v10  }
0x3cd: {  	s12 =	sadd.s32 $0x0, s0;
	v14 =	vld [tilespmem:s5+$0xC480];
	[tilespmem:s5+$0x14390] =	vst v4;
	v3 =	vadd.f32 v3, v12  }
0x3ce: {  	s0 =	sadd.s32 $0x10, s12;
	v5 =	vld [tilespmem:s5+$0x4200];
	[tilespmem:s5+$0x14410] =	vst v2  }
0x3cf: {  	s15 =	sor.u32 $0x300, s0;
	v6 =	vld [tilespmem:s5+$0xC200];
	[tilespmem:s5+$0x14490] =	vst v3  }
0x3d0: {  	v3 =	vld [tilespmem:s15+$0x4200]  }
0x3d1: {  	v8 =	vld [tilespmem:s15+$0xC200]  }
0x3d2: {  	v7 =	vld [tilespmem:s5+$0x4280]  }
0x3d3: {  	v9 =	vld [tilespmem:s5+$0xC300]  }
0x3d4: {  	v4 =	vld [tilespmem:s5+$0xC280]  }
0x3d5: {  	v10 =	vld [tilespmem:s5+$0x4380]  }
0x3d6: {  	v11 =	vld [tilespmem:s5+$0xC380];
	v3 =	vadd.f32 v8, v3  }
0x3d7: {  	v2 =	vld [tilespmem:s5+$0x4300]  }
0x3d8: {  	s16 =	simm.s32 $0x100;
	s24 =	simm.s32 $0x20;
	s11 =	sor.u32 $0x380, s0;
	v8 =	vld [tilespmem:s5+$0x4480];
	[tilespmem:s15+$0x14200] =	vst v3  }
0x3d9: {  	s3 =	sand.u32 $0x60, s24;
	s0 =	sand.u32 $0x3C00, s16;
	v3 =	vld [tilespmem:s11+$0x4200]  }
0x3da: {  	s15 =	sor.u32 s3, s0;
	v15 =	vld [tilespmem:s11+$0xC200]  }
0x3db: {  	v16 =	vld [tilespmem:s15+$0x4210]  }
0x3dc: {  	v17 =	vld [tilespmem:s15+$0xC210]  }
0x3dd: {  	v18 =	vld [tilespmem:s15+$0x4290]  }
0x3de: {  	v19 =	vld [tilespmem:s15+$0xC290]  }
0x3df: {  	v20 =	vld [tilespmem:s15+$0x4310]  }
0x3e0: {  	v21 =	vld [tilespmem:s15+$0xC310]  }
0x3e1: {  	v22 =	vld [tilespmem:s15+$0x4390]  }
0x3e2: {  	v23 =	vld [tilespmem:s15+$0xC390]  }
0x3e3: {  	v24 =	vld [tilespmem:s15+$0x4410]  }
0x3e4: {  	v25 =	vld [tilespmem:s15+$0xC410]  }
0x3e5: {  	v26 =	vld [tilespmem:s15+$0x4490]  }
0x3e6: {  	v60 =	vld [tilespmem:s15+$0xC490]  }
0x3e7: {  	v27 =	vld [tilespmem:s15+$0x4200]  }
0x3e8: {  	v61 =	vld [tilespmem:s15+$0xC200]  }
0x3e9: {  	v63 =	vld [tilespmem:s15+$0x4280]  }
0x3ea: {  	v5 =	vadd.f32 v6, v5;
	v33 =	vld [tilespmem:s15+$0xC280]  }
0x3eb: {  	v4 =	vadd.f32 v4, v7;
	v35 =	vld [tilespmem:s15+$0x4300]  }
0x3ec: {  	[tilespmem:s5+$0x14200] =	vst v5;
	v2 =	vadd.f32 v9, v2;
	v36 =	vld [tilespmem:s15+$0xC300]  }
0x3ed: {  	[tilespmem:s5+$0x14280] =	vst v4;
	v4 =	vadd.f32 v11, v10;
	v6 =	vld [tilespmem:s15+$0x4380]  }
0x3ee: {  	[tilespmem:s5+$0x14300] =	vst v2;
	v2 =	vadd.f32 v13, v59;
	v9 =	vld [tilespmem:s15+$0xC380]  }
0x3ef: {  	[tilespmem:s5+$0x14380] =	vst v4;
	v10 =	vld [tilespmem:s15+$0x4400];
	v4 =	vadd.f32 v14, v8  }
0x3f0: {  	s25 =	simm.s32 $0x1;
	s28 =	simm.s32 $0x200;
	s24 =	simm.s32 $0x40;
	[tilespmem:s5+$0x14400] =	vst v2;
	v2 =	vld [tilespmem:s15+$0x4480]  }
0x3f1: {  	s0 =	sand.u32 $0x3, s25;
	s25 =	sand.u32 $0x60, s24;
	v8 =	vld [tilespmem:s15+$0xC400];
	[tilespmem:s5+$0x14480] =	vst v4;
	s5 =	sand.u32 $0x3C00, s28  }
0x3f2: {  	v4 =	vld [tilespmem:s15+$0xC480];
	s5 =	sor.u32 s25, s5  }
0x3f3: {  	v37 =	vld [tilespmem:s5+$0x4210]  }
0x3f4: {  	v38 =	vld [tilespmem:s5+$0xC210]  }
0x3f5: {  	v39 =	vld [tilespmem:s5+$0x4290]  }
0x3f6: {  	v16 =	vadd.f32 v17, v16;
	v40 =	vld [tilespmem:s5+$0xC290]  }
0x3f7: {  	v18 =	vadd.f32 v19, v18;
	v41 =	vld [tilespmem:s5+$0x4310]  }
0x3f8: {  	v62 =	vadd.f32 v21, v20;
	v42 =	vld [tilespmem:s5+$0xC310];
	[tilespmem:s15+$0x14210] =	vst v16  }
0x3f9: {  	v32 =	vadd.f32 v23, v22;
	v43 =	vld [tilespmem:s5+$0x4390];
	[tilespmem:s15+$0x14290] =	vst v18  }
0x3fa: {  	s0 =	sshll.u32 s0, $0x5;
	v34 =	vadd.f32 v25, v24;
	v44 =	vld [tilespmem:s5+$0xC390];
	[tilespmem:s15+$0x14310] =	vst v62  }
0x3fb: {  	s0 =	sadd.s32 $0x100, s0;
	v17 =	vadd.f32 v60, v26;
	v45 =	vld [tilespmem:s5+$0x4410];
	[tilespmem:s15+$0x14390] =	vst v32  }
0x3fc: {  	s26 =	sadd.s32 $0x10, s0;
	v28 =	vld [tilespmem:s5+$0xC410];
	[tilespmem:s15+$0x14410] =	vst v34  }
0x3fd: {  	s14 =	sor.u32 $0x300, s26;
	v46 =	vld [tilespmem:s5+$0x4490];
	[tilespmem:s15+$0x14490] =	vst v17  }
0x3fe: {  	v7 =	vld [tilespmem:s14+$0x4200]  }
0x3ff: {  	v5 =	vld [tilespmem:s14+$0xC200]  }
0x400: {  	v3 =	vadd.f32 v15, v3;
	v47 =	vld [tilespmem:s5+$0xC490]  }
0x401: {  	v19 =	vadd.f32 v61, v27;
	v48 =	vld [tilespmem:s5+$0x4200]  }
0x402: {  	v50 =	vld [tilespmem:s5+$0xC200];
	[tilespmem:s11+$0x14200] =	vst v3;
	v3 =	vadd.f32 v38, v37  }
0x403: {  	v51 =	vld [tilespmem:s5+$0x4280];
	[tilespmem:s15+$0x14200] =	vst v19;
	v49 =	vadd.f32 v40, v39  }
0x404: {  	v53 =	vld [tilespmem:s5+$0xC280];
	v5 =	vadd.f32 v5, v7;
	[tilespmem:s5+$0x14210] =	vst v3  }
0x405: {  	v56 =	vld [tilespmem:s5+$0x4300];
	v3 =	vadd.f32 v42, v41;
	[tilespmem:s5+$0x14290] =	vst v49  }
0x406: {  	v57 =	vld [tilespmem:s5+$0xC300];
	s11 =	simm.s32 $0x2;
	v52 =	vadd.f32 v44, v43;
	[tilespmem:s14+$0x14200] =	vst v5  }
0x407: {  	v59 =	vld [tilespmem:s5+$0x4380];
	s14 =	sor.u32 $0x380, s26;
	s26 =	sand.u32 $0x3, s11;
	[tilespmem:s5+$0x14310] =	vst v3;
	v3 =	vadd.f32 v28, v45  }
0x408: {  	s8 =	sor.u32 $0x300, s12;
	v58 =	vadd.f32 v33, v63;
	v63 =	vld [tilespmem:s5+$0x4400];
	v55 =	vadd.f32 v47, v46;
	[tilespmem:s5+$0x14390] =	vst v52;
	s3 =	sshll.u32 s26, $0x5  }
0x409: {  	v7 =	vld [tilespmem:s8+$0x4200];
	s3 =	sadd.s32 $0x200, s3;
	[tilespmem:s5+$0x14410] =	vst v3;
	v3 =	vadd.f32 v50, v48  }
0x40a: {  	[tilespmem:s5+$0x14490] =	vst v55;
	v5 =	vld [tilespmem:s8+$0xC200];
	s28 =	sadd.s32 $0x10, s3  }
0x40b: {  	v11 =	vld [tilespmem:s14+$0x4200];
	s25 =	sor.u32 $0x300, s28;
	[tilespmem:s5+$0x14200] =	vst v3;
	v3 =	vadd.f32 v53, v51  }
0x40c: {  	v6 =	vadd.f32 v9, v6;
	[tilespmem:s15+$0x14280] =	vst v58;
	v60 =	vld [tilespmem:s25+$0x4200]  }
0x40d: {  	v61 =	vadd.f32 v36, v35;
	[tilespmem:s5+$0x14280] =	vst v3;
	v3 =	vld [tilespmem:s25+$0xC200]  }
0x40e: {  	[tilespmem:s15+$0x14380] =	vst v6;
	v6 =	vadd.f32 v8, v10;
	v54 =	vld [tilespmem:s14+$0xC200]  }
0x40f: {  	v62 =	vld [tilespmem:s5+$0xC380];
	[tilespmem:s15+$0x14300] =	vst v61;
	v4 =	vadd.f32 v4, v2  }
0x410: {  	v8 =	vld [tilespmem:s5+$0xC400];
	[tilespmem:s15+$0x14400] =	vst v6;
	v9 =	vadd.f32 v57, v56  }
0x411: {  	v2 =	vld [tilespmem:s5+$0x4480];
	[tilespmem:s15+$0x14480] =	vst v4;
	v6 =	vadd.f32 v5, v7  }
0x412: {  	s16 =	sor.u32 $0x300, s0;
	[tilespmem:s5+$0x14300] =	vst v9;
	v5 =	vld [tilespmem:s5+$0xC480];
	v4 =	vadd.f32 v3, v60  }
0x413: {  	v7 =	vld [tilespmem:s16+$0xC200];
	v9 =	vadd.f32 v54, v11;
	[tilespmem:s8+$0x14200] =	vst v6  }
0x414: {  	s12 =	sor.u32 $0x380, s12;
	s26 =	sor.u32 $0x380, s28;
	v6 =	vadd.f32 v62, v59;
	v3 =	vld [tilespmem:s16+$0x4200];
	[tilespmem:s25+$0x14200] =	vst v4  }
0x415: {  	s15 =	sor.u32 $0x380, s0;
	s0 =	simm.s32 $0x60;
	v8 =	vadd.f32 v8, v63;
	s24 =	sor.u32 $0x380, s3;
	[tilespmem:s14+$0x14200] =	vst v9;
	v4 =	vld [tilespmem:s26+$0x4200]  }
0x416: {  	s8 =	sor.u32 $0x300, s3;
	s14 =	simm.s32 $0x4;
	[tilespmem:s5+$0x14380] =	vst v6;
	s25 =	simm.s32 $0x300;
	v6 =	vld [tilespmem:s26+$0xC200]  }
.LBB2_13:
0x417: {  	s3 =	sand.u32 $0x60, s0;
	s28 =	sand.u32 $0x3C00, s25;
	[tilespmem:s5+$0x14400] =	vst v8;
	v2 =	vadd.f32 v5, v2;
	v5 =	vld [tilespmem:s12+$0x4200]  }
0x418: {  	s3 =	sor.u32 s3, s28;
	v8 =	vld [tilespmem:s12+$0xC200]  }
0x419: {  	v9 =	vld [tilespmem:s3+$0x4210];
	[tilespmem:s5+$0x14480] =	vst v2;
	v2 =	vadd.f32 v7, v3;
	s5 =	smov.u32 s3  }
0x41a: {  	v3 =	vld [tilespmem:s5+$0xC210]  }
0x41b: {  	v7 =	vld [tilespmem:s5+$0x4290];
	v4 =	vadd.f32 v6, v4;
	[tilespmem:s16+$0x14200] =	vst v2;
	s16 =	smov.u32 s8  }
0x41c: {  	v2 =	vld [tilespmem:s5+$0xC290]  }
0x41d: {  	v6 =	vld [tilespmem:s5+$0x4310];
	[tilespmem:s26+$0x14200] =	vst v4;
	v4 =	vadd.f32 v8, v5  }
0x41e: {  	v5 =	vld [tilespmem:s5+$0xC310]  }
0x41f: {  	v8 =	vld [tilespmem:s5+$0x4390];
	[tilespmem:s12+$0x14200] =	vst v4;
	s12 =	smov.u32 s15;
	s15 =	smov.u32 s24  }
0x420: {  	v4 =	vld [tilespmem:s5+$0xC390]  }
0x421: {  	v10 =	vld [tilespmem:s5+$0x4410]  }
0x422: {  	v11 =	vld [tilespmem:s5+$0xC410]  }
0x423: {  	v12 =	vld [tilespmem:s5+$0x4490]  }
0x424: {  	s14 =	sadd.s32 $0x2, s14;
	v3 =	vadd.f32 v3, v9;
	v9 =	vld [tilespmem:s5+$0xC490]  }
0x425: {  	p1 =	slt.u32 s14, $0x7E;
	v2 =	vadd.f32 v2, v7;
	v13 =	vld [tilespmem:s5+$0x4200]  }
0x426: {  	s11 =	sadd.s32 $0x1, s11;
	v7 =	vld [tilespmem:s5+$0xC200];
	[tilespmem:s5+$0x14210] =	vst v3;
	v3 =	vadd.f32 v5, v6  }
0x427: {  	s3 =	sand.u32 $0x3, s11;
	v5 =	vld [tilespmem:s5+$0x4280];
	[tilespmem:s5+$0x14290] =	vst v2;
	v2 =	vadd.f32 v4, v8  }
0x428: {  	s3 =	sshll.u32 s3, $0x5;
	v4 =	vld [tilespmem:s5+$0xC280];
	[tilespmem:s5+$0x14310] =	vst v3;
	v3 =	vadd.f32 v11, v10  }
0x429: {  	s3 =	sadd.s32 s3, s25;
	v6 =	vld [tilespmem:s5+$0x4300];
	[tilespmem:s5+$0x14390] =	vst v2;
	v2 =	vadd.f32 v9, v12  }
0x42a: {  	s8 =	sor.u32 $0x300, s3;
	s24 =	sor.u32 $0x380, s3;
	s3 =	sadd.s32 $0x10, s3;
	v8 =	vld [tilespmem:s5+$0xC300];
	[tilespmem:s5+$0x14410] =	vst v3  }
0x42b: {  	s26 =	sor.u32 $0x300, s3;
	v3 =	vadd.f32 v7, v13;
	v7 =	vld [tilespmem:s5+$0x4380];
	[tilespmem:s5+$0x14490] =	vst v2  }
0x42c: {  	v9 =	vld [tilespmem:s26+$0x4200]  }
0x42d: {  	[tilespmem:s5+$0x14200] =	vst v3;
	v2 =	vadd.f32 v4, v5;
	v3 =	vld [tilespmem:s26+$0xC200]  }
0x42e: {  	v4 =	vld [tilespmem:s5+$0xC380]  }
0x42f: {  	[tilespmem:s5+$0x14280] =	vst v2;
	v2 =	vadd.f32 v8, v6;
	v6 =	vld [tilespmem:s5+$0x4400]  }
0x430: {  	v8 =	vld [tilespmem:s5+$0xC400]  }
0x431: {  	[tilespmem:s5+$0x14300] =	vst v2;
	v2 =	vld [tilespmem:s5+$0x4480]  }
.Ltmp7:
0x432: {  	v5 =	vld [tilespmem:s5+$0xC480];
	v9 =	vadd.f32 v3, v9;
	(pc) =	sbr.rel @p1 .LBB2_13-.Ltmp7, $4  }
0x433: {  	v4 =	vadd.f32 v4, v7;
	v3 =	vld [tilespmem:s16+$0x4200]  }
0x434: {  	[tilespmem:s26+$0x14200] =	vst v9;
	s26 =	sor.u32 $0x380, s3;
	v7 =	vld [tilespmem:s16+$0xC200]  }
0x435: {  	[tilespmem:s5+$0x14380] =	vst v4;
	v8 =	vadd.f32 v8, v6;
	v4 =	vld [tilespmem:s26+$0x4200]  }
0x436: {  	s0 =	sadd.s32 $0x20, s0;
	s25 =	sadd.s32 $0x100, s25;
	v6 =	vld [tilespmem:s26+$0xC200]  }
0x437: {  	v2 =	vadd.f32 v5, v2  }
0x438: {  	[tilespmem:s5+$0x14400] =	vst v8  }
0x439: {  	[tilespmem:s5+$0x14480] =	vst v2  }
0x43a: {  	v2 =	vld [tilespmem:s8+$0x4200]  }
0x43b: {  	v5 =	vld [tilespmem:s8+$0xC200];
	_ =	sdelay $0x2  }
0x43c: {  	v3 =	vadd.f32 v7, v3  }
0x43d: {  	v8 =	vld [tilespmem:s12+$0xC200]  }
0x43e: {  	v7 =	vld [tilespmem:s12+$0x4200];
	[tilespmem:s16+$0x14200] =	vst v3;
	v2 =	vadd.f32 v5, v2  }
0x43f: {  	v3 =	vld [tilespmem:s15+$0x4200]  }
0x440: {  	v5 =	vld [tilespmem:s15+$0xC200];
	[tilespmem:s8+$0x14200] =	vst v2  }
0x441: {  	v2 =	vld [tilespmem:s24+$0x4200]  }
0x442: {  	v4 =	vadd.f32 v6, v4;
	v9 =	vld [tilespmem:s24+$0xC200]  }
0x443: {  	v6 =	vadd.f32 v8, v7  }
0x444: {  	[tilespmem:s26+$0x14200] =	vst v4  }
0x445: {  	[tilespmem:s12+$0x14200] =	vst v6  }
0x446: {  	s0 =	rddreg [dreg:$0x6];
	v3 =	vadd.f32 v5, v3  }
0x447: {  	s0 =	sadd.s32 s0, s6;
	v2 =	vadd.f32 v9, v2  }
0x448: {  	s0 =	sshll.u32 s0, $0x8;
	[tilespmem:s15+$0x14200] =	vst v3  }
0x449: {  	s3 =	simm.s32 $0x0;
	s28 =	simm.s32 $0x14200;
	s0 =	sadd.s32 s30, s0;
	[tilespmem:s24+$0x14200] =	vst v2  }
0x44a: {  	[hbm4b:s0+s3] =	stream.linear.scatter [tilespmem:s28], [sflag:$0x6], $0x4000, $0x38;
	[tilespmem:$0x18200] =	vst v63  }
0x44b: {  	v2 =	vld.msk [tilespmem:s6+$0x180], $0xff;
	_ =	sdelay $0x4  }
0x44c: {  	v3 =	vshll.u32 v2, $0x4  }
0x44d: {  	v2 =	vand.u32 $0x7, v2;
	v3 =	vand.u32 $0xFFFFFF80, v3  }
0x44e: {  	v2 =	vor.u32 v2, v3  }
0x44f: {  	v2 =	vperm.xlane v2, v0;
	_ =	sdelay $0x1  }
0x450: {  	v2 =	vadd.s32 v1, v2;
	_ =	sdelay $0x4  }
0x451: {  	[tilespmem:s13], [sflag:$0x2] =	stream.indirect_vreg.gather [hbm4b:s1+s3], $0x80, v2, vm0, $0xb8;
	[tilespmem:$0x18200] =	vst v63  }
0x452: {  	_ = 	snop  }
0x453: {  	[tilespmem:s31], [sflag:$0x2] =	stream.indirect_vreg.gather [hbm4b:s17+s3], $0x80, v2, vm0, $0xb8;
	[tilespmem:$0x18200] =	vst v63  }
0x454: {  	s5 =	simm.s32 $0x5200  }
0x455: {  	[tilespmem:s5], [sflag:$0x2] =	stream.indirect_vreg.gather [hbm4b:s18+s3], $0x80, v2, vm0, $0xb8;
	[tilespmem:$0x18200] =	vst v63  }
0x456: {  	s8 =	simm.s32 $0x5A00  }
0x457: {  	[tilespmem:s8], [sflag:$0x2] =	stream.indirect_vreg.gather [hbm4b:s19+s3], $0x80, v2, vm0, $0xb8;
	[tilespmem:$0x18200] =	vst v63  }
0x458: {  	s11 =	simm.s32 $0x6200  }
0x459: {  	[tilespmem:s11], [sflag:$0x2] =	stream.indirect_vreg.gather [hbm4b:s20+s3], $0x80, v2, vm0, $0xb8;
	[tilespmem:$0x18200] =	vst v63  }
0x45a: {  	s12 =	simm.s32 $0x6A00  }
0x45b: {  	[tilespmem:s12], [sflag:$0x2] =	stream.indirect_vreg.gather [hbm4b:s21+s3], $0x80, v2, vm0, $0xb8;
	[tilespmem:$0x18200] =	vst v63  }
0x45c: {  	s14 =	simm.s32 $0x7200  }
0x45d: {  	[tilespmem:s14], [sflag:$0x2] =	stream.indirect_vreg.gather [hbm4b:s22+s3], $0x80, v2, vm0, $0xb8;
	[tilespmem:$0x18200] =	vst v63  }
0x45e: {  	s15 =	simm.s32 $0x7A00  }
0x45f: {  	[tilespmem:s15], [sflag:$0x2] =	stream.indirect_vreg.gather [hbm4b:s23+s3], $0x80, v2, vm0, $0xb8;
	[tilespmem:$0x18200] =	vst v63  }
0x460: {  	_ =	swait.ge [sflag:s2], $0x4000  }
0x461: {  	[sflag:s2] =	ssyncset.done $0x0  }
0x462: {  	s16 =	simm.s32 $0x5;
	[sflag:s2] =	ssyncadd.s32 $0xFFFFC000  }
0x463: {  	_ =	swait.ge [sflag:s16], $0x4000  }
0x464: {  	s25 =	sand.u32 $0x3C00, s3;
	s24 =	sand.u32 $0x60, s3;
	[sflag:s16] =	ssyncset.done $0x0  }
0x465: {  	s5 =	sor.u32 s24, s25;
	[sflag:s16] =	ssyncadd.s32 $0xFFFFC000  }
0x466: {  	v2 =	vld [tilespmem:s5+$0x210]  }
0x467: {  	v3 =	vld [tilespmem:s5+$0xC210]  }
0x468: {  	v4 =	vld [tilespmem:s5+$0x290]  }
0x469: {  	v5 =	vld [tilespmem:s5+$0xC290]  }
0x46a: {  	v6 =	vld [tilespmem:s5+$0x310]  }
0x46b: {  	v7 =	vld [tilespmem:s5+$0xC310]  }
0x46c: {  	v8 =	vld [tilespmem:s5+$0x390]  }
0x46d: {  	s26 =	sand.u32 $0x3, s3;
	v9 =	vld [tilespmem:s5+$0xC390]  }
0x46e: {  	s0 =	sshll.u32 s26, $0x5;
	v10 =	vld [tilespmem:s5+$0x410]  }
0x46f: {  	s12 =	sadd.s32 $0x0, s0;
	v11 =	vld [tilespmem:s5+$0xC410]  }
0x470: {  	s0 =	sadd.s32 $0x10, s12;
	v12 =	vld [tilespmem:s5+$0x490]  }
0x471: {  	s31 =	simm.s32 $0x100;
	s8 =	simm.s32 $0x20;
	s28 =	sor.u32 $0x300, s0;
	v59 =	vld [tilespmem:s5+$0x400]  }
0x472: {  	s11 =	sor.u32 $0x380, s0;
	s0 =	sand.u32 $0x3C00, s31;
	s3 =	sand.u32 $0x60, s8;
	v13 =	vld [tilespmem:s5+$0xC400]  }
0x473: {  	s15 =	sor.u32 s3, s0;
	v14 =	vld [tilespmem:s5+$0xC480]  }
0x474: {  	v16 =	vld [tilespmem:s15+$0x210]  }
0x475: {  	v17 =	vld [tilespmem:s15+$0xC210]  }
0x476: {  	v18 =	vld [tilespmem:s15+$0x290]  }
0x477: {  	v19 =	vld [tilespmem:s15+$0xC290]  }
0x478: {  	v20 =	vld [tilespmem:s15+$0x310]  }
0x479: {  	v21 =	vld [tilespmem:s15+$0xC310]  }
0x47a: {  	v22 =	vld [tilespmem:s15+$0x390]  }
0x47b: {  	v23 =	vld [tilespmem:s15+$0xC390]  }
0x47c: {  	v24 =	vld [tilespmem:s15+$0x410]  }
0x47d: {  	v25 =	vld [tilespmem:s15+$0xC410]  }
0x47e: {  	v26 =	vld [tilespmem:s15+$0x490]  }
0x47f: {  	v60 =	vld [tilespmem:s15+$0xC490]  }
0x480: {  	v27 =	vld [tilespmem:s15+$0x200]  }
0x481: {  	v61 =	vld [tilespmem:s15+$0xC200]  }
0x482: {  	v63 =	vld [tilespmem:s15+$0x280]  }
0x483: {  	v33 =	vld [tilespmem:s15+$0xC280];
	v2 =	vadd.f32 v3, v2  }
0x484: {  	v35 =	vld [tilespmem:s15+$0x300];
	v4 =	vadd.f32 v5, v4  }
0x485: {  	v36 =	vld [tilespmem:s15+$0xC300];
	v16 =	vadd.f32 v17, v16;
	[tilespmem:s5+$0x10210] =	vst v2  }
0x486: {  	v3 =	vld [tilespmem:s5+$0xC490];
	v18 =	vadd.f32 v19, v18;
	[tilespmem:s5+$0x10290] =	vst v4  }
0x487: {  	v5 =	vld [tilespmem:s5+$0x200];
	v62 =	vadd.f32 v21, v20;
	[tilespmem:s15+$0x10210] =	vst v16  }
0x488: {  	v2 =	vadd.f32 v7, v6;
	v6 =	vld [tilespmem:s5+$0xC200];
	[tilespmem:s15+$0x10290] =	vst v18  }
0x489: {  	v4 =	vadd.f32 v9, v8;
	v7 =	vld [tilespmem:s5+$0x280];
	[tilespmem:s15+$0x10310] =	vst v62  }
0x48a: {  	v9 =	vld [tilespmem:s5+$0xC300];
	[tilespmem:s5+$0x10310] =	vst v2;
	v2 =	vadd.f32 v11, v10  }
0x48b: {  	s14 =	simm.s32 $0x1;
	[tilespmem:s5+$0x10390] =	vst v4;
	v4 =	vld [tilespmem:s5+$0xC280];
	v3 =	vadd.f32 v3, v12  }
0x48c: {  	s0 =	sand.u32 $0x3, s14;
	v32 =	vadd.f32 v23, v22;
	v10 =	vld [tilespmem:s5+$0x380];
	[tilespmem:s5+$0x10410] =	vst v2  }
0x48d: {  	s0 =	sshll.u32 s0, $0x5;
	v34 =	vadd.f32 v25, v24;
	v2 =	vld [tilespmem:s5+$0x300];
	[tilespmem:s5+$0x10490] =	vst v3  }
0x48e: {  	s0 =	sadd.s32 $0x100, s0;
	v17 =	vadd.f32 v60, v26;
	[tilespmem:s15+$0x10390] =	vst v32;
	v3 =	vld [tilespmem:s28+$0x200]  }
0x48f: {  	s16 =	sadd.s32 $0x10, s0;
	[tilespmem:s15+$0x10410] =	vst v34;
	v8 =	vld [tilespmem:s28+$0xC200]  }
0x490: {  	s14 =	sor.u32 $0x300, s16;
	[tilespmem:s15+$0x10490] =	vst v17;
	v11 =	vld [tilespmem:s5+$0xC380];
	v5 =	vadd.f32 v6, v5  }
0x491: {  	v4 =	vadd.f32 v4, v7;
	v7 =	vld [tilespmem:s14+$0x200]  }
0x492: {  	[tilespmem:s5+$0x10200] =	vst v5;
	v5 =	vld [tilespmem:s14+$0xC200]  }
0x493: {  	v6 =	vld [tilespmem:s15+$0x380];
	v2 =	vadd.f32 v9, v2  }
0x494: {  	[tilespmem:s5+$0x10280] =	vst v4;
	v9 =	vld [tilespmem:s15+$0xC380];
	v3 =	vadd.f32 v8, v3  }
0x495: {  	v8 =	vld [tilespmem:s5+$0x480];
	[tilespmem:s5+$0x10300] =	vst v2;
	v2 =	vadd.f32 v13, v59  }
0x496: {  	v4 =	vadd.f32 v11, v10;
	v10 =	vld [tilespmem:s15+$0x400];
	[tilespmem:s28+$0x10200] =	vst v3  }
0x497: {  	v5 =	vadd.f32 v5, v7;
	[tilespmem:s5+$0x10400] =	vst v2;
	v2 =	vld [tilespmem:s15+$0x480]  }
0x498: {  	v3 =	vld [tilespmem:s11+$0x200]  }
0x499: {  	v15 =	vld [tilespmem:s11+$0xC200];
	[tilespmem:s14+$0x10200] =	vst v5;
	s14 =	sor.u32 $0x380, s16  }
0x49a: {  	[tilespmem:s5+$0x10380] =	vst v4;
	v11 =	vld [tilespmem:s14+$0x200];
	v4 =	vadd.f32 v14, v8  }
0x49b: {  	s24 =	simm.s32 $0x200;
	s25 =	simm.s32 $0x40;
	v54 =	vld [tilespmem:s14+$0xC200]  }
0x49c: {  	s26 =	sand.u32 $0x60, s25;
	v8 =	vld [tilespmem:s15+$0xC400];
	[tilespmem:s5+$0x10480] =	vst v4;
	s5 =	sand.u32 $0x3C00, s24  }
0x49d: {  	v4 =	vld [tilespmem:s15+$0xC480];
	s5 =	sor.u32 s26, s5  }
0x49e: {  	v37 =	vld [tilespmem:s5+$0x210]  }
0x49f: {  	v38 =	vld [tilespmem:s5+$0xC210]  }
0x4a0: {  	v39 =	vld [tilespmem:s5+$0x290]  }
0x4a1: {  	v40 =	vld [tilespmem:s5+$0xC290]  }
0x4a2: {  	v41 =	vld [tilespmem:s5+$0x310]  }
0x4a3: {  	v42 =	vld [tilespmem:s5+$0xC310]  }
0x4a4: {  	v43 =	vld [tilespmem:s5+$0x390]  }
0x4a5: {  	v44 =	vld [tilespmem:s5+$0xC390]  }
0x4a6: {  	v45 =	vld [tilespmem:s5+$0x410]  }
0x4a7: {  	v28 =	vld [tilespmem:s5+$0xC410]  }
0x4a8: {  	v3 =	vadd.f32 v15, v3;
	v46 =	vld [tilespmem:s5+$0x490]  }
0x4a9: {  	v19 =	vadd.f32 v61, v27;
	v47 =	vld [tilespmem:s5+$0xC490]  }
0x4aa: {  	v48 =	vld [tilespmem:s5+$0x200];
	[tilespmem:s11+$0x10200] =	vst v3;
	v3 =	vadd.f32 v38, v37  }
0x4ab: {  	[tilespmem:s15+$0x10200] =	vst v19;
	v50 =	vld [tilespmem:s5+$0xC200];
	v49 =	vadd.f32 v40, v39  }
0x4ac: {  	v51 =	vld [tilespmem:s5+$0x280];
	[tilespmem:s5+$0x10210] =	vst v3;
	v3 =	vadd.f32 v42, v41  }
0x4ad: {  	s8 =	sor.u32 $0x300, s12;
	v53 =	vld [tilespmem:s5+$0xC280];
	s11 =	simm.s32 $0x2;
	v52 =	vadd.f32 v44, v43;
	[tilespmem:s5+$0x10290] =	vst v49  }
0x4ae: {  	v7 =	vld [tilespmem:s8+$0x200];
	s28 =	sand.u32 $0x3, s11;
	[tilespmem:s5+$0x10310] =	vst v3;
	v3 =	vadd.f32 v28, v45  }
0x4af: {  	v5 =	vld [tilespmem:s8+$0xC200];
	s3 =	sshll.u32 s28, $0x5;
	v55 =	vadd.f32 v47, v46;
	[tilespmem:s5+$0x10390] =	vst v52  }
0x4b0: {  	v56 =	vld [tilespmem:s5+$0x300];
	s3 =	sadd.s32 $0x200, s3;
	[tilespmem:s5+$0x10410] =	vst v3;
	v3 =	vadd.f32 v50, v48  }
0x4b1: {  	v58 =	vadd.f32 v33, v63;
	v57 =	vld [tilespmem:s5+$0xC300];
	s31 =	sadd.s32 $0x10, s3;
	[tilespmem:s5+$0x10490] =	vst v55  }
0x4b2: {  	v59 =	vld [tilespmem:s5+$0x380];
	s25 =	sor.u32 $0x300, s31;
	[tilespmem:s5+$0x10200] =	vst v3;
	v3 =	vadd.f32 v53, v51  }
0x4b3: {  	[tilespmem:s15+$0x10280] =	vst v58;
	v6 =	vadd.f32 v9, v6;
	v60 =	vld [tilespmem:s25+$0x200]  }
0x4b4: {  	v61 =	vadd.f32 v36, v35;
	[tilespmem:s5+$0x10280] =	vst v3;
	v3 =	vld [tilespmem:s25+$0xC200]  }
0x4b5: {  	[tilespmem:s15+$0x10380] =	vst v6;
	v62 =	vld [tilespmem:s5+$0xC380];
	v6 =	vadd.f32 v8, v10  }
0x4b6: {  	[tilespmem:s15+$0x10300] =	vst v61;
	v63 =	vld [tilespmem:s5+$0x400];
	v4 =	vadd.f32 v4, v2  }
0x4b7: {  	v8 =	vld [tilespmem:s5+$0xC400];
	[tilespmem:s15+$0x10400] =	vst v6;
	v6 =	vadd.f32 v5, v7  }
0x4b8: {  	v2 =	vld [tilespmem:s5+$0x480];
	v9 =	vadd.f32 v57, v56;
	[tilespmem:s15+$0x10480] =	vst v4  }
0x4b9: {  	s16 =	sor.u32 $0x300, s0;
	v5 =	vld [tilespmem:s5+$0xC480];
	[tilespmem:s8+$0x10200] =	vst v6;
	v4 =	vadd.f32 v3, v60  }
0x4ba: {  	v6 =	vadd.f32 v62, v59;
	v7 =	vld [tilespmem:s16+$0xC200];
	[tilespmem:s5+$0x10300] =	vst v9  }
0x4bb: {  	s12 =	sor.u32 $0x380, s12;
	s26 =	sor.u32 $0x380, s31;
	v9 =	vadd.f32 v54, v11;
	v3 =	vld [tilespmem:s16+$0x200];
	[tilespmem:s25+$0x10200] =	vst v4  }
0x4bc: {  	s15 =	sor.u32 $0x380, s0;
	s24 =	sor.u32 $0x380, s3;
	s0 =	simm.s32 $0x60;
	v8 =	vadd.f32 v8, v63;
	[tilespmem:s5+$0x10380] =	vst v6;
	v4 =	vld [tilespmem:s26+$0x200]  }
0x4bd: {  	s8 =	sor.u32 $0x300, s3;
	[tilespmem:s14+$0x10200] =	vst v9;
	s14 =	simm.s32 $0x4;
	s25 =	simm.s32 $0x300;
	v6 =	vld [tilespmem:s26+$0xC200]  }
.LBB2_15:
0x4be: {  	s3 =	sand.u32 $0x60, s0;
	s28 =	sand.u32 $0x3C00, s25;
	[tilespmem:s5+$0x10400] =	vst v8;
	v2 =	vadd.f32 v5, v2;
	v5 =	vld [tilespmem:s12+$0x200]  }
0x4bf: {  	s3 =	sor.u32 s3, s28;
	v8 =	vld [tilespmem:s12+$0xC200]  }
0x4c0: {  	v9 =	vld [tilespmem:s3+$0x210];
	[tilespmem:s5+$0x10480] =	vst v2;
	v2 =	vadd.f32 v7, v3;
	s5 =	smov.u32 s3  }
0x4c1: {  	v3 =	vld [tilespmem:s5+$0xC210]  }
0x4c2: {  	v7 =	vld [tilespmem:s5+$0x290];
	v4 =	vadd.f32 v6, v4;
	[tilespmem:s16+$0x10200] =	vst v2;
	s16 =	smov.u32 s8  }
0x4c3: {  	v2 =	vld [tilespmem:s5+$0xC290]  }
0x4c4: {  	v6 =	vld [tilespmem:s5+$0x310];
	[tilespmem:s26+$0x10200] =	vst v4;
	v4 =	vadd.f32 v8, v5  }
0x4c5: {  	v5 =	vld [tilespmem:s5+$0xC310]  }
0x4c6: {  	v8 =	vld [tilespmem:s5+$0x390];
	[tilespmem:s12+$0x10200] =	vst v4;
	s12 =	smov.u32 s15;
	s15 =	smov.u32 s24  }
0x4c7: {  	v4 =	vld [tilespmem:s5+$0xC390]  }
0x4c8: {  	v10 =	vld [tilespmem:s5+$0x410]  }
0x4c9: {  	v11 =	vld [tilespmem:s5+$0xC410]  }
0x4ca: {  	v12 =	vld [tilespmem:s5+$0x490]  }
0x4cb: {  	s14 =	sadd.s32 $0x2, s14;
	v3 =	vadd.f32 v3, v9;
	v9 =	vld [tilespmem:s5+$0xC490]  }
0x4cc: {  	p1 =	slt.u32 s14, $0x7E;
	v2 =	vadd.f32 v2, v7;
	v13 =	vld [tilespmem:s5+$0x200]  }
0x4cd: {  	s11 =	sadd.s32 $0x1, s11;
	v7 =	vld [tilespmem:s5+$0xC200];
	[tilespmem:s5+$0x10210] =	vst v3;
	v3 =	vadd.f32 v5, v6  }
0x4ce: {  	s3 =	sand.u32 $0x3, s11;
	v5 =	vld [tilespmem:s5+$0x280];
	[tilespmem:s5+$0x10290] =	vst v2;
	v2 =	vadd.f32 v4, v8  }
0x4cf: {  	s3 =	sshll.u32 s3, $0x5;
	v4 =	vld [tilespmem:s5+$0xC280];
	[tilespmem:s5+$0x10310] =	vst v3;
	v3 =	vadd.f32 v11, v10  }
0x4d0: {  	s3 =	sadd.s32 s3, s25;
	v6 =	vld [tilespmem:s5+$0x300];
	[tilespmem:s5+$0x10390] =	vst v2;
	v2 =	vadd.f32 v9, v12  }
0x4d1: {  	s8 =	sor.u32 $0x300, s3;
	s24 =	sor.u32 $0x380, s3;
	s3 =	sadd.s32 $0x10, s3;
	v8 =	vld [tilespmem:s5+$0xC300];
	[tilespmem:s5+$0x10410] =	vst v3  }
0x4d2: {  	s26 =	sor.u32 $0x300, s3;
	v3 =	vadd.f32 v7, v13;
	v7 =	vld [tilespmem:s5+$0x380];
	[tilespmem:s5+$0x10490] =	vst v2  }
0x4d3: {  	v9 =	vld [tilespmem:s26+$0x200]  }
0x4d4: {  	[tilespmem:s5+$0x10200] =	vst v3;
	v2 =	vadd.f32 v4, v5;
	v3 =	vld [tilespmem:s26+$0xC200]  }
0x4d5: {  	v4 =	vld [tilespmem:s5+$0xC380]  }
0x4d6: {  	[tilespmem:s5+$0x10280] =	vst v2;
	v2 =	vadd.f32 v8, v6;
	v6 =	vld [tilespmem:s5+$0x400]  }
0x4d7: {  	v8 =	vld [tilespmem:s5+$0xC400]  }
0x4d8: {  	[tilespmem:s5+$0x10300] =	vst v2;
	v2 =	vld [tilespmem:s5+$0x480]  }
.Ltmp8:
0x4d9: {  	v5 =	vld [tilespmem:s5+$0xC480];
	v9 =	vadd.f32 v3, v9;
	(pc) =	sbr.rel @p1 .LBB2_15-.Ltmp8, $4  }
0x4da: {  	v4 =	vadd.f32 v4, v7;
	v3 =	vld [tilespmem:s16+$0x200]  }
0x4db: {  	[tilespmem:s26+$0x10200] =	vst v9;
	s26 =	sor.u32 $0x380, s3;
	v7 =	vld [tilespmem:s16+$0xC200]  }
0x4dc: {  	[tilespmem:s5+$0x10380] =	vst v4;
	v8 =	vadd.f32 v8, v6;
	v4 =	vld [tilespmem:s26+$0x200]  }
0x4dd: {  	s0 =	sadd.s32 $0x20, s0;
	s25 =	sadd.s32 $0x100, s25;
	v6 =	vld [tilespmem:s26+$0xC200]  }
0x4de: {  	v2 =	vadd.f32 v5, v2  }
0x4df: {  	[tilespmem:s5+$0x10400] =	vst v8  }
0x4e0: {  	[tilespmem:s5+$0x10480] =	vst v2  }
0x4e1: {  	v2 =	vld [tilespmem:s8+$0x200]  }
0x4e2: {  	v5 =	vld [tilespmem:s8+$0xC200];
	_ =	sdelay $0x2  }
0x4e3: {  	v3 =	vadd.f32 v7, v3  }
0x4e4: {  	v8 =	vld [tilespmem:s12+$0xC200]  }
0x4e5: {  	v7 =	vld [tilespmem:s12+$0x200];
	[tilespmem:s16+$0x10200] =	vst v3;
	v2 =	vadd.f32 v5, v2  }
0x4e6: {  	v3 =	vld [tilespmem:s15+$0x200]  }
0x4e7: {  	v5 =	vld [tilespmem:s15+$0xC200];
	[tilespmem:s8+$0x10200] =	vst v2  }
0x4e8: {  	v2 =	vld [tilespmem:s24+$0x200]  }
0x4e9: {  	v4 =	vadd.f32 v6, v4;
	v9 =	vld [tilespmem:s24+$0xC200]  }
0x4ea: {  	v6 =	vadd.f32 v8, v7  }
0x4eb: {  	[tilespmem:s26+$0x10200] =	vst v4  }
0x4ec: {  	[tilespmem:s12+$0x10200] =	vst v6  }
0x4ed: {  	s0 =	rddreg [dreg:$0xa];
	v3 =	vadd.f32 v5, v3  }
0x4ee: {  	s0 =	sadd.s32 s0, s6;
	v2 =	vadd.f32 v9, v2  }
0x4ef: {  	s0 =	sshll.u32 s0, $0x8;
	[tilespmem:s15+$0x10200] =	vst v3  }
0x4f0: {  	s3 =	simm.s32 $0x10200;
	s0 =	sadd.s32 s30, s0;
	[tilespmem:s24+$0x10200] =	vst v2  }
0x4f1: {  	[hbm4b:s0+s4] =	stream.linear.scatter [tilespmem:s3], [sflag:$0x5], $0x4000, $0x38;
	[tilespmem:$0x18200] =	vst v63  }
0x4f2: {  	s0 =	sshll.u32 @!p0 s7, $0x3  }
0x4f3: {  	s0 =	sand.u32 @!p0 $0x3FFFFFF8, s0  }
0x4f4: {  	v2 =	vld.msk @!p0 [tilespmem:s0+$0x0], $0xff;
	_ =	sdelay $0x4  }
0x4f5: {  	v3 =	vshll.u32 @!p0 v2, $0x4  }
0x4f6: {  	v4 =	vlaneseq.u32 @!p0;
	v2 =	vand.u32 @!p0 $0x7, v2;
	v3 =	vand.u32 @!p0 $0xFFFFFF80, v3  }
0x4f7: {  	v2 =	vor.u32 @!p0 v2, v3;
	v3 =	vand.u32 @!p0 $0x7, v4;
	v4 =	vshrl.u32 @!p0 v4, $0x3  }
0x4f8: {  	v2 =	vperm.xlane @!p0 v2, v3;
	v3 =	vmul.u32 @!p0 $0x8, v4;
	_ =	sdelay $0x1  }
0x4f9: {  	v2 =	vadd.s32 @!p0 v3, v2;
	_ =	sdelay $0x3  }
0x4fa: {  	vm1 =	vmmov @!p0 $0xffff;
	s3 =	simm.s32 @!p0 $0x200;
	s0 =	simm.s32 @!p0 $0x0  }
0x4fb: {  	[tilespmem:s3], [sflag:$0x1] =	stream.indirect_vreg.gather @!p0 [hbm4b:s1+s0], $0x80, v2, vm1, $0xb8;
	[tilespmem:$0x18200] =	vst v63  }
0x4fc: {  	s3 =	simm.s32 @!p0 $0xA00  }
0x4fd: {  	[tilespmem:s3], [sflag:$0x1] =	stream.indirect_vreg.gather @!p0 [hbm4b:s17+s0], $0x80, v2, vm1, $0xb8;
	[tilespmem:$0x18200] =	vst v63  }
0x4fe: {  	s3 =	simm.s32 @!p0 $0x1200  }
0x4ff: {  	[tilespmem:s3], [sflag:$0x1] =	stream.indirect_vreg.gather @!p0 [hbm4b:s18+s0], $0x80, v2, vm1, $0xb8;
	[tilespmem:$0x18200] =	vst v63  }
0x500: {  	s3 =	simm.s32 @!p0 $0x1A00  }
0x501: {  	[tilespmem:s3], [sflag:$0x1] =	stream.indirect_vreg.gather @!p0 [hbm4b:s19+s0], $0x80, v2, vm1, $0xb8;
	[tilespmem:$0x18200] =	vst v63  }
0x502: {  	s3 =	simm.s32 @!p0 $0x2200  }
0x503: {  	[tilespmem:s3], [sflag:$0x1] =	stream.indirect_vreg.gather @!p0 [hbm4b:s20+s0], $0x80, v2, vm1, $0xb8;
	[tilespmem:$0x18200] =	vst v63  }
0x504: {  	s3 =	simm.s32 @!p0 $0x2A00  }
0x505: {  	[tilespmem:s3], [sflag:$0x1] =	stream.indirect_vreg.gather @!p0 [hbm4b:s21+s0], $0x80, v2, vm1, $0xb8;
	[tilespmem:$0x18200] =	vst v63  }
0x506: {  	s3 =	simm.s32 @!p0 $0x3200  }
0x507: {  	[tilespmem:s3], [sflag:$0x1] =	stream.indirect_vreg.gather @!p0 [hbm4b:s22+s0], $0x80, v2, vm1, $0xb8;
	[tilespmem:$0x18200] =	vst v63  }
0x508: {  	s3 =	simm.s32 @!p0 $0x3A00  }
0x509: {  	[tilespmem:s3], [sflag:$0x1] =	stream.indirect_vreg.gather @!p0 [hbm4b:s23+s0], $0x80, v2, vm1, $0xb8;
	[tilespmem:$0x18200] =	vst v63  }
0x50a: {  	_ =	swait.ge [sflag:s29], $0x4000  }
0x50b: {  	[sflag:s29] =	ssyncset.done $0x0  }
0x50c: {  	[sflag:s29] =	ssyncadd.s32 $0xFFFFC000  }
0x50d: {  	s24 =	simm.s32 $0x0;
	_ =	swait.ge [sflag:s9], $0x4000  }
0x50e: {  	s25 =	sand.u32 $0x60, s24;
	s26 =	sand.u32 $0x3C00, s24;
	[sflag:s9] =	ssyncset.done $0x0  }
0x50f: {  	s5 =	sor.u32 s25, s26;
	[sflag:s9] =	ssyncadd.s32 $0xFFFFC000  }
0x510: {  	v2 =	vld [tilespmem:s5+$0x4210]  }
0x511: {  	v3 =	vld [tilespmem:s5+$0xC210]  }
0x512: {  	v4 =	vld [tilespmem:s5+$0x4290]  }
0x513: {  	v5 =	vld [tilespmem:s5+$0xC290]  }
0x514: {  	v6 =	vld [tilespmem:s5+$0x4310]  }
0x515: {  	v7 =	vld [tilespmem:s5+$0xC310]  }
0x516: {  	v8 =	vld [tilespmem:s5+$0x4390]  }
0x517: {  	v9 =	vld [tilespmem:s5+$0xC390]  }
0x518: {  	s0 =	sand.u32 $0x3, s24;
	v10 =	vld [tilespmem:s5+$0x4410]  }
0x519: {  	s0 =	sshll.u32 s0, $0x5;
	v11 =	vld [tilespmem:s5+$0xC410]  }
0x51a: {  	s8 =	simm.s32 $0x20;
	s12 =	sadd.s32 $0x0, s0;
	v12 =	vld [tilespmem:s5+$0x4490]  }
0x51b: {  	s31 =	simm.s32 $0x100;
	s3 =	sand.u32 $0x60, s8;
	s0 =	sadd.s32 $0x10, s12;
	v59 =	vld [tilespmem:s5+$0x4400]  }
0x51c: {  	s28 =	sor.u32 $0x300, s0;
	s11 =	sor.u32 $0x380, s0;
	s0 =	sand.u32 $0x3C00, s31;
	v13 =	vld [tilespmem:s5+$0xC400]  }
0x51d: {  	s15 =	sor.u32 s3, s0;
	v14 =	vld [tilespmem:s5+$0xC480]  }
0x51e: {  	v16 =	vld [tilespmem:s15+$0x4210]  }
0x51f: {  	v17 =	vld [tilespmem:s15+$0xC210]  }
0x520: {  	v18 =	vld [tilespmem:s15+$0x4290]  }
0x521: {  	v19 =	vld [tilespmem:s15+$0xC290]  }
0x522: {  	v20 =	vld [tilespmem:s15+$0x4310]  }
0x523: {  	v21 =	vld [tilespmem:s15+$0xC310]  }
0x524: {  	v22 =	vld [tilespmem:s15+$0x4390]  }
0x525: {  	v23 =	vld [tilespmem:s15+$0xC390]  }
0x526: {  	v24 =	vld [tilespmem:s15+$0x4410]  }
0x527: {  	v25 =	vld [tilespmem:s15+$0xC410]  }
0x528: {  	v26 =	vld [tilespmem:s15+$0x4490]  }
0x529: {  	v60 =	vld [tilespmem:s15+$0xC490]  }
0x52a: {  	v27 =	vld [tilespmem:s15+$0x4200]  }
0x52b: {  	v61 =	vld [tilespmem:s15+$0xC200]  }
0x52c: {  	v63 =	vld [tilespmem:s15+$0x4280]  }
0x52d: {  	v33 =	vld [tilespmem:s15+$0xC280];
	v2 =	vadd.f32 v3, v2  }
0x52e: {  	v35 =	vld [tilespmem:s15+$0x4300];
	v4 =	vadd.f32 v5, v4  }
0x52f: {  	v36 =	vld [tilespmem:s15+$0xC300];
	v16 =	vadd.f32 v17, v16;
	[tilespmem:s5+$0x14210] =	vst v2  }
0x530: {  	v3 =	vld [tilespmem:s5+$0xC490];
	v18 =	vadd.f32 v19, v18;
	[tilespmem:s5+$0x14290] =	vst v4  }
0x531: {  	v5 =	vld [tilespmem:s5+$0x4200];
	v62 =	vadd.f32 v21, v20;
	[tilespmem:s15+$0x14210] =	vst v16  }
0x532: {  	v2 =	vadd.f32 v7, v6;
	v6 =	vld [tilespmem:s5+$0xC200];
	[tilespmem:s15+$0x14290] =	vst v18  }
0x533: {  	v4 =	vadd.f32 v9, v8;
	v7 =	vld [tilespmem:s5+$0x4280];
	[tilespmem:s15+$0x14310] =	vst v62  }
0x534: {  	v9 =	vld [tilespmem:s5+$0xC300];
	[tilespmem:s5+$0x14310] =	vst v2;
	v2 =	vadd.f32 v11, v10  }
0x535: {  	s14 =	simm.s32 $0x1;
	[tilespmem:s5+$0x14390] =	vst v4;
	v4 =	vld [tilespmem:s5+$0xC280];
	v3 =	vadd.f32 v3, v12  }
0x536: {  	s0 =	sand.u32 $0x3, s14;
	v32 =	vadd.f32 v23, v22;
	v10 =	vld [tilespmem:s5+$0x4380];
	[tilespmem:s5+$0x14410] =	vst v2  }
0x537: {  	s0 =	sshll.u32 s0, $0x5;
	v34 =	vadd.f32 v25, v24;
	v2 =	vld [tilespmem:s5+$0x4300];
	[tilespmem:s5+$0x14490] =	vst v3  }
0x538: {  	s0 =	sadd.s32 $0x100, s0;
	v17 =	vadd.f32 v60, v26;
	[tilespmem:s15+$0x14390] =	vst v32;
	v3 =	vld [tilespmem:s28+$0x4200]  }
0x539: {  	s16 =	sadd.s32 $0x10, s0;
	[tilespmem:s15+$0x14410] =	vst v34;
	v8 =	vld [tilespmem:s28+$0xC200]  }
0x53a: {  	s14 =	sor.u32 $0x300, s16;
	[tilespmem:s15+$0x14490] =	vst v17;
	v11 =	vld [tilespmem:s5+$0xC380];
	v5 =	vadd.f32 v6, v5  }
0x53b: {  	v4 =	vadd.f32 v4, v7;
	v7 =	vld [tilespmem:s14+$0x4200]  }
0x53c: {  	[tilespmem:s5+$0x14200] =	vst v5;
	v5 =	vld [tilespmem:s14+$0xC200]  }
0x53d: {  	v6 =	vld [tilespmem:s15+$0x4380];
	v2 =	vadd.f32 v9, v2  }
0x53e: {  	[tilespmem:s5+$0x14280] =	vst v4;
	v9 =	vld [tilespmem:s15+$0xC380];
	v3 =	vadd.f32 v8, v3  }
0x53f: {  	v8 =	vld [tilespmem:s5+$0x4480];
	[tilespmem:s5+$0x14300] =	vst v2;
	v2 =	vadd.f32 v13, v59  }
0x540: {  	v4 =	vadd.f32 v11, v10;
	v10 =	vld [tilespmem:s15+$0x4400];
	[tilespmem:s28+$0x14200] =	vst v3  }
0x541: {  	v5 =	vadd.f32 v5, v7;
	[tilespmem:s5+$0x14400] =	vst v2;
	v2 =	vld [tilespmem:s15+$0x4480]  }
0x542: {  	v3 =	vld [tilespmem:s11+$0x4200]  }
0x543: {  	v15 =	vld [tilespmem:s11+$0xC200];
	[tilespmem:s14+$0x14200] =	vst v5;
	s14 =	sor.u32 $0x380, s16  }
0x544: {  	[tilespmem:s5+$0x14380] =	vst v4;
	v11 =	vld [tilespmem:s14+$0x4200];
	v4 =	vadd.f32 v14, v8  }
0x545: {  	s25 =	simm.s32 $0x40;
	s24 =	simm.s32 $0x200;
	v54 =	vld [tilespmem:s14+$0xC200]  }
0x546: {  	s26 =	sand.u32 $0x60, s25;
	v8 =	vld [tilespmem:s15+$0xC400];
	[tilespmem:s5+$0x14480] =	vst v4;
	s5 =	sand.u32 $0x3C00, s24  }
0x547: {  	v4 =	vld [tilespmem:s15+$0xC480];
	s5 =	sor.u32 s26, s5  }
0x548: {  	v37 =	vld [tilespmem:s5+$0x4210]  }
0x549: {  	v38 =	vld [tilespmem:s5+$0xC210]  }
0x54a: {  	v39 =	vld [tilespmem:s5+$0x4290]  }
0x54b: {  	v40 =	vld [tilespmem:s5+$0xC290]  }
0x54c: {  	v41 =	vld [tilespmem:s5+$0x4310]  }
0x54d: {  	v42 =	vld [tilespmem:s5+$0xC310]  }
0x54e: {  	v43 =	vld [tilespmem:s5+$0x4390]  }
0x54f: {  	v44 =	vld [tilespmem:s5+$0xC390]  }
0x550: {  	v45 =	vld [tilespmem:s5+$0x4410]  }
0x551: {  	v28 =	vld [tilespmem:s5+$0xC410]  }
0x552: {  	v3 =	vadd.f32 v15, v3;
	v46 =	vld [tilespmem:s5+$0x4490]  }
0x553: {  	v19 =	vadd.f32 v61, v27;
	v47 =	vld [tilespmem:s5+$0xC490]  }
0x554: {  	v48 =	vld [tilespmem:s5+$0x4200];
	[tilespmem:s11+$0x14200] =	vst v3;
	v3 =	vadd.f32 v38, v37  }
0x555: {  	[tilespmem:s15+$0x14200] =	vst v19;
	v50 =	vld [tilespmem:s5+$0xC200];
	v49 =	vadd.f32 v40, v39  }
0x556: {  	v51 =	vld [tilespmem:s5+$0x4280];
	[tilespmem:s5+$0x14210] =	vst v3;
	v3 =	vadd.f32 v42, v41  }
0x557: {  	s8 =	sor.u32 $0x300, s12;
	v53 =	vld [tilespmem:s5+$0xC280];
	s11 =	simm.s32 $0x2;
	v52 =	vadd.f32 v44, v43;
	[tilespmem:s5+$0x14290] =	vst v49  }
0x558: {  	v7 =	vld [tilespmem:s8+$0x4200];
	s28 =	sand.u32 $0x3, s11;
	[tilespmem:s5+$0x14310] =	vst v3;
	v3 =	vadd.f32 v28, v45  }
0x559: {  	v5 =	vld [tilespmem:s8+$0xC200];
	s3 =	sshll.u32 s28, $0x5;
	v55 =	vadd.f32 v47, v46;
	[tilespmem:s5+$0x14390] =	vst v52  }
0x55a: {  	v56 =	vld [tilespmem:s5+$0x4300];
	s3 =	sadd.s32 $0x200, s3;
	[tilespmem:s5+$0x14410] =	vst v3;
	v3 =	vadd.f32 v50, v48  }
0x55b: {  	v58 =	vadd.f32 v33, v63;
	v57 =	vld [tilespmem:s5+$0xC300];
	s31 =	sadd.s32 $0x10, s3;
	[tilespmem:s5+$0x14490] =	vst v55  }
0x55c: {  	v59 =	vld [tilespmem:s5+$0x4380];
	s25 =	sor.u32 $0x300, s31;
	[tilespmem:s5+$0x14200] =	vst v3;
	v3 =	vadd.f32 v53, v51  }
0x55d: {  	[tilespmem:s15+$0x14280] =	vst v58;
	v6 =	vadd.f32 v9, v6;
	v60 =	vld [tilespmem:s25+$0x4200]  }
0x55e: {  	v61 =	vadd.f32 v36, v35;
	[tilespmem:s5+$0x14280] =	vst v3;
	v3 =	vld [tilespmem:s25+$0xC200]  }
0x55f: {  	[tilespmem:s15+$0x14380] =	vst v6;
	v62 =	vld [tilespmem:s5+$0xC380];
	v6 =	vadd.f32 v8, v10  }
0x560: {  	[tilespmem:s15+$0x14300] =	vst v61;
	v63 =	vld [tilespmem:s5+$0x4400];
	v4 =	vadd.f32 v4, v2  }
0x561: {  	v8 =	vld [tilespmem:s5+$0xC400];
	[tilespmem:s15+$0x14400] =	vst v6;
	v6 =	vadd.f32 v5, v7  }
0x562: {  	v2 =	vld [tilespmem:s5+$0x4480];
	v9 =	vadd.f32 v57, v56;
	[tilespmem:s15+$0x14480] =	vst v4  }
0x563: {  	s16 =	sor.u32 $0x300, s0;
	v5 =	vld [tilespmem:s5+$0xC480];
	[tilespmem:s8+$0x14200] =	vst v6;
	v4 =	vadd.f32 v3, v60  }
0x564: {  	v6 =	vadd.f32 v62, v59;
	v7 =	vld [tilespmem:s16+$0xC200];
	[tilespmem:s5+$0x14300] =	vst v9  }
0x565: {  	s12 =	sor.u32 $0x380, s12;
	s26 =	sor.u32 $0x380, s31;
	v9 =	vadd.f32 v54, v11;
	v3 =	vld [tilespmem:s16+$0x4200];
	[tilespmem:s25+$0x14200] =	vst v4  }
0x566: {  	s15 =	sor.u32 $0x380, s0;
	s24 =	sor.u32 $0x380, s3;
	s0 =	simm.s32 $0x60;
	v8 =	vadd.f32 v8, v63;
	[tilespmem:s5+$0x14380] =	vst v6;
	v4 =	vld [tilespmem:s26+$0x4200]  }
0x567: {  	s8 =	sor.u32 $0x300, s3;
	[tilespmem:s14+$0x14200] =	vst v9;
	s14 =	simm.s32 $0x4;
	s25 =	simm.s32 $0x300;
	v6 =	vld [tilespmem:s26+$0xC200]  }
.LBB2_17:
0x568: {  	s3 =	sand.u32 $0x60, s0;
	s28 =	sand.u32 $0x3C00, s25;
	[tilespmem:s5+$0x14400] =	vst v8;
	v2 =	vadd.f32 v5, v2;
	v5 =	vld [tilespmem:s12+$0x4200]  }
0x569: {  	s3 =	sor.u32 s3, s28;
	v8 =	vld [tilespmem:s12+$0xC200]  }
0x56a: {  	v9 =	vld [tilespmem:s3+$0x4210];
	[tilespmem:s5+$0x14480] =	vst v2;
	v2 =	vadd.f32 v7, v3;
	s5 =	smov.u32 s3  }
0x56b: {  	v3 =	vld [tilespmem:s5+$0xC210]  }
0x56c: {  	v7 =	vld [tilespmem:s5+$0x4290];
	v4 =	vadd.f32 v6, v4;
	[tilespmem:s16+$0x14200] =	vst v2;
	s16 =	smov.u32 s8  }
0x56d: {  	v2 =	vld [tilespmem:s5+$0xC290]  }
0x56e: {  	v6 =	vld [tilespmem:s5+$0x4310];
	[tilespmem:s26+$0x14200] =	vst v4;
	v4 =	vadd.f32 v8, v5  }
0x56f: {  	v5 =	vld [tilespmem:s5+$0xC310]  }
0x570: {  	v8 =	vld [tilespmem:s5+$0x4390];
	[tilespmem:s12+$0x14200] =	vst v4;
	s12 =	smov.u32 s15;
	s15 =	smov.u32 s24  }
0x571: {  	v4 =	vld [tilespmem:s5+$0xC390]  }
0x572: {  	v10 =	vld [tilespmem:s5+$0x4410]  }
0x573: {  	v11 =	vld [tilespmem:s5+$0xC410]  }
0x574: {  	v12 =	vld [tilespmem:s5+$0x4490]  }
0x575: {  	s14 =	sadd.s32 $0x2, s14;
	v3 =	vadd.f32 v3, v9;
	v9 =	vld [tilespmem:s5+$0xC490]  }
0x576: {  	p1 =	slt.u32 s14, $0x7E;
	v2 =	vadd.f32 v2, v7;
	v13 =	vld [tilespmem:s5+$0x4200]  }
0x577: {  	s11 =	sadd.s32 $0x1, s11;
	v7 =	vld [tilespmem:s5+$0xC200];
	[tilespmem:s5+$0x14210] =	vst v3;
	v3 =	vadd.f32 v5, v6  }
0x578: {  	s3 =	sand.u32 $0x3, s11;
	v5 =	vld [tilespmem:s5+$0x4280];
	[tilespmem:s5+$0x14290] =	vst v2;
	v2 =	vadd.f32 v4, v8  }
0x579: {  	s3 =	sshll.u32 s3, $0x5;
	v4 =	vld [tilespmem:s5+$0xC280];
	[tilespmem:s5+$0x14310] =	vst v3;
	v3 =	vadd.f32 v11, v10  }
0x57a: {  	s3 =	sadd.s32 s3, s25;
	v6 =	vld [tilespmem:s5+$0x4300];
	[tilespmem:s5+$0x14390] =	vst v2;
	v2 =	vadd.f32 v9, v12  }
0x57b: {  	s8 =	sor.u32 $0x300, s3;
	s24 =	sor.u32 $0x380, s3;
	s3 =	sadd.s32 $0x10, s3;
	v8 =	vld [tilespmem:s5+$0xC300];
	[tilespmem:s5+$0x14410] =	vst v3  }
0x57c: {  	s26 =	sor.u32 $0x300, s3;
	v3 =	vadd.f32 v7, v13;
	v7 =	vld [tilespmem:s5+$0x4380];
	[tilespmem:s5+$0x14490] =	vst v2  }
0x57d: {  	v9 =	vld [tilespmem:s26+$0x4200]  }
0x57e: {  	[tilespmem:s5+$0x14200] =	vst v3;
	v2 =	vadd.f32 v4, v5;
	v3 =	vld [tilespmem:s26+$0xC200]  }
0x57f: {  	v4 =	vld [tilespmem:s5+$0xC380]  }
0x580: {  	[tilespmem:s5+$0x14280] =	vst v2;
	v2 =	vadd.f32 v8, v6;
	v6 =	vld [tilespmem:s5+$0x4400]  }
0x581: {  	v8 =	vld [tilespmem:s5+$0xC400]  }
0x582: {  	[tilespmem:s5+$0x14300] =	vst v2;
	v2 =	vld [tilespmem:s5+$0x4480]  }
.Ltmp9:
0x583: {  	v5 =	vld [tilespmem:s5+$0xC480];
	v9 =	vadd.f32 v3, v9;
	(pc) =	sbr.rel @p1 .LBB2_17-.Ltmp9, $4  }
0x584: {  	v4 =	vadd.f32 v4, v7;
	v3 =	vld [tilespmem:s16+$0x4200]  }
0x585: {  	[tilespmem:s26+$0x14200] =	vst v9;
	s26 =	sor.u32 $0x380, s3;
	v7 =	vld [tilespmem:s16+$0xC200]  }
0x586: {  	[tilespmem:s5+$0x14380] =	vst v4;
	v8 =	vadd.f32 v8, v6;
	v4 =	vld [tilespmem:s26+$0x4200]  }
0x587: {  	s0 =	sadd.s32 $0x20, s0;
	s25 =	sadd.s32 $0x100, s25;
	v6 =	vld [tilespmem:s26+$0xC200]  }
0x588: {  	v2 =	vadd.f32 v5, v2  }
0x589: {  	[tilespmem:s5+$0x14400] =	vst v8  }
0x58a: {  	[tilespmem:s5+$0x14480] =	vst v2  }
0x58b: {  	v2 =	vld [tilespmem:s8+$0x4200]  }
0x58c: {  	v59 =	vld [tilespmem:s8+$0xC200];
	_ =	sdelay $0x2  }
0x58d: {  	v3 =	vadd.f32 v7, v3  }
0x58e: {  	v60 =	vld [tilespmem:s12+$0x4200]  }
0x58f: {  	v61 =	vld [tilespmem:s12+$0xC200];
	[tilespmem:s16+$0x14200] =	vst v3;
	v2 =	vadd.f32 v59, v2  }
0x590: {  	v3 =	vld [tilespmem:s15+$0x4200]  }
0x591: {  	v62 =	vld [tilespmem:s15+$0xC200];
	[tilespmem:s8+$0x14200] =	vst v2  }
0x592: {  	v2 =	vld [tilespmem:s24+$0x4200]  }
0x593: {  	v4 =	vadd.f32 v6, v4;
	v9 =	vld [tilespmem:s24+$0xC200]  }
0x594: {  	v63 =	vadd.f32 v61, v60  }
0x595: {  	[tilespmem:s26+$0x14200] =	vst v4  }
0x596: {  	[tilespmem:s12+$0x14200] =	vst v63  }
.Ltmp10:
0x597: {  	v3 =	vadd.f32 v62, v3;
	s0 =	rddreg [dreg:$0xb];
	(pc) =	sbr.rel @p0 .LBB2_20-.Ltmp10, $4  }
0x598: {  	s0 =	sadd.s32 s0, s6;
	v2 =	vadd.f32 v9, v2  }
0x599: {  	[tilespmem:s15+$0x14200] =	vst v3;
	s0 =	sshll.u32 s0, $0x8  }
0x59a: {  	s3 =	simm.s32 $0x14200;
	s0 =	sadd.s32 s30, s0;
	[tilespmem:s24+$0x14200] =	vst v2  }
0x59b: {  	[hbm4b:s0+s4] =	stream.linear.scatter [tilespmem:s3], [sflag:$0x6], $0x4000, $0x38;
	[tilespmem:$0x18200] =	vst v63  }
0x59c: {  	s0 =	sshll.u32 s7, $0x3  }
0x59d: {  	s0 =	sand.u32 $0x3FFFFFF8, s0  }
0x59e: {  	v2 =	vld.msk [tilespmem:s0+$0x80], $0xff;
	_ =	sdelay $0x4  }
0x59f: {  	v3 =	vshll.u32 v2, $0x4  }
0x5a0: {  	v2 =	vand.u32 $0x7, v2;
	v3 =	vand.u32 $0xFFFFFF80, v3  }
0x5a1: {  	v2 =	vor.u32 v2, v3  }
0x5a2: {  	v2 =	vperm.xlane v2, v0;
	_ =	sdelay $0x1  }
0x5a3: {  	v2 =	vadd.s32 v1, v2;
	_ =	sdelay $0x4  }
0x5a4: {  	[tilespmem:s13], [sflag:$0x2] =	stream.indirect_vreg.gather [hbm4b:s1+s4], $0x80, v2, vm0, $0xb8;
	[tilespmem:$0x18200] =	vst v63  }
0x5a5: {  	s11 =	simm.s32 $0x4A00  }
0x5a6: {  	[tilespmem:s11], [sflag:$0x2] =	stream.indirect_vreg.gather [hbm4b:s17+s4], $0x80, v2, vm0, $0xb8;
	[tilespmem:$0x18200] =	vst v63  }
0x5a7: {  	s12 =	simm.s32 $0x5200  }
0x5a8: {  	[tilespmem:s12], [sflag:$0x2] =	stream.indirect_vreg.gather [hbm4b:s18+s4], $0x80, v2, vm0, $0xb8;
	[tilespmem:$0x18200] =	vst v63  }
0x5a9: {  	s13 =	simm.s32 $0x5A00  }
0x5aa: {  	[tilespmem:s13], [sflag:$0x2] =	stream.indirect_vreg.gather [hbm4b:s19+s4], $0x80, v2, vm0, $0xb8;
	[tilespmem:$0x18200] =	vst v63  }
0x5ab: {  	s14 =	simm.s32 $0x6200  }
0x5ac: {  	[tilespmem:s14], [sflag:$0x2] =	stream.indirect_vreg.gather [hbm4b:s20+s4], $0x80, v2, vm0, $0xb8;
	[tilespmem:$0x18200] =	vst v63  }
0x5ad: {  	s15 =	simm.s32 $0x6A00;
	s25 =	rddreg [dreg:$0x10]  }
0x5ae: {  	[tilespmem:s15], [sflag:$0x2] =	stream.indirect_vreg.gather [hbm4b:s21+s4], $0x80, v2, vm0, $0xb8;
	[tilespmem:$0x18200] =	vst v63  }
0x5af: {  	s16 =	simm.s32 $0x7200;
	s3 =	rddreg [dreg:$0x13]  }
0x5b0: {  	[tilespmem:s16], [sflag:$0x2] =	stream.indirect_vreg.gather [hbm4b:s22+s4], $0x80, v2, vm0, $0xb8;
	[tilespmem:$0x18200] =	vst v63  }
.Ltmp11:
0x5b1: {  	s31 =	simm.s32 $0x4200;
	s0 =	sadd.s32 s3, s25;
	(pc) =	sbr.rel .LBB2_2-.Ltmp11, $4  }
0x5b2: {  	s24 =	simm.s32 $0x7A00;
	s26 =	rddreg [dreg:$0x5];
	s0 =	sshll.u32 s0, $0xB  }
0x5b3: {  	[tilespmem:s24], [sflag:$0x2] =	stream.indirect_vreg.gather [hbm4b:s23+s4], $0x80, v2, vm0, $0xb8;
	[tilespmem:$0x18200] =	vst v63  }
0x5b4: {  	s28 =	simm.s32 $0xC200;
	s10 =	sadd.s32 $0x1, s10;
	s0 =	sadd.s32 s26, s0  }
0x5b5: {  	[tilespmem:s28], [sflag:$0x4] =	stream.linear.gather [hbm4b:s0+s4], $0x4000, $0x38;
	[tilespmem:$0x18200] =	vst v63  }
.LBB2_21:
0x5b6: {  	_ =	sfence.sel $0x180000  }
0x5b7: {  	[bflag:$0x0] =	sbarrier.arrive $0xFFFF  }
0x5b8: {  	_ =	strace $0x90000047  }
0x5b9: {  	s0 =	stileid.u32;
	[bflag:$0x2] =	sbarrier.arrive $0xFFFF  }
0x5ba: {  	p0 =	sne.s32 s0, $0x0;
	s0 =	rddreg [dreg:$0x3]  }
0x5bb: {  	s0 =	sadd.s32 @!p0 $0x100000, s0  }
0x5bc: {  	[sflag:s0] =	ssyncadd.tile.s32 @!p0 $0x1;
	_ =	shalt  }
.Lfunc_end2:
_tile_overlayer_lowered:
.L_overlay_start_2:
0x5bd: {  	(tag) =	ssettag $0x2  }
0x5be: {  	s0 =	rddreg [dreg:$0x0];
	s2 =	stileid.u32  }
0x5bf: {  	s1 =	rddreg [dreg:$0x1];
	p0 =	sne.s32 s2, $0x0  }
0x5c0: {  	s3 =	rddreg [dreg:$0x2];
	[bflag:$0x3] =	sbarrier.arrive $0xFFFF;
	s2 =	simm.s32 @!p0 $0x1C07  }
0x5c1: {  	[timem:s3], [sflag:s2] =	dma.local @!p0 [hbm:s0], s1  }
0x5c2: {  	s0 =	simm.s32 @!p0 $0x7  }
0x5c3: {  	_ =	swait.ge @!p0 [sflag:s0], s1  }
0x5c4: {  	s1 =	ssub.s32 @!p0 $0x0, s1;
	[sflag:s0] =	ssyncset.done @!p0 $0x0  }
0x5c5: {  	[sflag:s0] =	ssyncadd.s32 @!p0 s1  }
0x5c6: {  	[bflag:$0x3] =	sbarrier.arrive $0xFFFF  }
0x5c7: {  	_ =	shalt  }

</sc_bundles>
